<compile_context>
chip_gen: v7x
topology: tpu7x:2x2x1
jax: 0.10.2.dev20260603
libtpu: 0.0.44.dev20260713+nightly
codegen_flags: <defaults>
</compile_context>

<pallas_src>
import functools

import jax
import jax.numpy as jnp
import numpy as np
from jax import lax
from jax.experimental import pallas as pl
from jax.experimental.pallas import tpu as pltpu
from jax.experimental.pallas import tpu_sc as plsc

D = 512
NMEM = 10000
Q = 4096
KK = 32
NPAD = 10240
INV_SQRT_D = 1.0 / np.sqrt(D).astype(np.float32)
NEG = -1.0e30


QB = 256
MB = 1024
NMB = NPAD // MB


def _scores_body(q_ref, wq_ref, bq_ref, kt_ref, t_ref, c_ref, proj_ref, m_ref, l_ref):
    mb = pl.program_id(1)

    @pl.when(mb == 0)
    def _():
        proj_ref[...] = (
            jnp.dot(q_ref[...], wq_ref[...], preferred_element_type=jnp.float32)
            + bq_ref[...]
        )
        m_ref[...] = jnp.full_like(m_ref, NEG)
        l_ref[...] = jnp.zeros_like(l_ref)

    t = lax.dot_general(proj_ref[...], kt_ref[...], (((1,), (1,)), ((), ())),
                        preferred_element_type=jnp.float32)
    t = t * INV_SQRT_D
    col = mb * MB + lax.broadcasted_iota(jnp.int32, (QB, MB), 1)
    t = jnp.where(col < NMEM, t, NEG)
    t_ref[...] = t

    m_old = m_ref[...]
    m_new = jnp.maximum(m_old, jnp.max(t, axis=1, keepdims=True))
    l_ref[...] = l_ref[...] * jnp.exp(m_old - m_new) + jnp.sum(
        jnp.exp(t - m_new), axis=1, keepdims=True
    )
    m_ref[...] = m_new

    @pl.when(mb == NMB - 1)
    def _():
        c_ref[...] = m_ref[...] + jnp.log(l_ref[...])


def _scores_call(query, kt_pad, Wq, bq2):
    return pl.pallas_call(
        _scores_body,
        grid=(Q // QB, NMB),
        in_specs=[
            pl.BlockSpec((QB, D), lambda i, j: (i, 0)),
            pl.BlockSpec((D, D), lambda i, j: (0, 0)),
            pl.BlockSpec((1, D), lambda i, j: (0, 0)),
            pl.BlockSpec((MB, D), lambda i, j: (j, 0)),
        ],
        out_specs=[
            pl.BlockSpec((QB, MB), lambda i, j: (i, j)),
            pl.BlockSpec((QB, 1), lambda i, j: (i, 0)),
        ],
        out_shape=[
            jax.ShapeDtypeStruct((Q, NPAD), jnp.float32),
            jax.ShapeDtypeStruct((Q, 1), jnp.float32),
        ],
        scratch_shapes=[
            pltpu.VMEM((QB, D), jnp.float32),
            pltpu.VMEM((QB, 1), jnp.float32),
            pltpu.VMEM((QB, 1), jnp.float32),
        ],
        compiler_params=pltpu.CompilerParams(
            dimension_semantics=("parallel", "arbitrary"),
        ),
    )(query, Wq, bq2, kt_pad)



NC = 2
NS = 16
L = 16
NW = NC * NS
QPW = Q // NW
CAP = 64
TRIG = 48


NCH = NPAD // 16
NSTR = 16
PSTR = NCH + 8


def _sc_body(t_hbm, c_hbm, vals_hbm, outv_hbm, outw_hbm,
             srow0, srow1, cm, cv, ci, irow0, irow1, rows0, rows1, wbuf, cvec,
             pre0, pre1, g0, g1, wb0, wb1):
    def popcnt(mask):
        return plsc.all_reduce_population_count(mask)[0]

    srow_b = (srow0, srow1)
    irow_b = (irow0, irow1)
    rows_b = (rows0, rows1)
    pre_s = (pre0, pre1)
    g_s = (g0, g1)
    wb_s = (wb0, wb1)
    wid = lax.axis_index("s") * NC + lax.axis_index("c")
    qbase = wid * QPW
    pltpu.sync_copy(c_hbm.at[pl.ds(qbase, QPW)], cvec)
    iota = lax.iota(jnp.int32, L)
    neg = jnp.full((L,), NEG, jnp.float32)
    zeros_i = jnp.zeros((L,), jnp.int32)

    def _compact(carry):
        cnt, tau, ak, ai, bk, bi = carry
        cnt_v = jnp.full((L,), cnt, jnp.int32)
        for g in range(CAP // L):
            valid = (iota + g * L) < cnt_v
            k_ = jnp.where(valid, cv[pl.ds(g * L, L)], neg)
            i_ = ci[pl.ds(g * L, L)]
            sk, si = plsc.sort_key_val(k_, i_)
            rk = lax.rev(sk, (0,))
            ri = lax.rev(si, (0,))
            hi = ak >= rk
            hk = jnp.where(hi, ak, rk)
            hv = jnp.where(hi, ai, ri)
            lk = jnp.where(hi, rk, ak)
            lv = jnp.where(hi, ri, ai)
            ak, ai = plsc.sort_key_val(hk, hv)
            lk, lv = plsc.sort_key_val(lk, lv)
            rlk = lax.rev(lk, (0,))
            rlv = lax.rev(lv, (0,))
            h2 = bk >= rlk
            h2k = jnp.where(h2, bk, rlk)
            h2v = jnp.where(h2, bi, rlv)
            bk, bi = plsc.sort_key_val(h2k, h2v)
        tau = jnp.full((L,), bk[0])
        return (jnp.int32(0), tau, ak, ai, bk, bi)

    iota640 = iota * NCH
    iotap = iota * PSTR

    def topk_one(ql, srow):
        def cm_body(j, c0):
            vs = [srow[pl.ds(s * PSTR + j * L, L)] for s in range(NSTR)]
            while len(vs) > 1:
                vs = [jnp.maximum(vs[2 * i], vs[2 * i + 1])
                      for i in range(len(vs) // 2)]
            cm[pl.ds(j * L, L)] = vs[0]
            return c0

        lax.fori_loop(0, NCH // L, cm_body, 0)

        def chunk_body_outer(jl, t_, st):
            mcur, cnt, tau, ak, ai, bk, bi = st
            f = plsc.all_reduce_ffs(mcur)
            mcur = jnp.logical_and(mcur, iota != f)
            cid = jl * L + f
            v = plsc.load_gather(srow, [iotap + cid])
            m = v > tau
            n = popcnt(m)
            plsc.store_compressed(cv.at[pl.ds(cnt, L)], v, mask=m)
            plsc.store_compressed(ci.at[pl.ds(cnt, L)], iota640 + cid, mask=m)
            cnt = cnt + n
            cnt, tau, ak, ai, bk, bi = lax.cond(
                cnt >= TRIG, _compact, lambda c: c, (cnt, tau, ak, ai, bk, bi))
            return (mcur, cnt, tau, ak, ai, bk, bi)

        def l1_body(jl, carry):
            cnt, tau, ak, ai, bk, bi = carry
            cmv = cm[pl.ds(jl * L, L)]
            mc = cmv > tau
            nq = popcnt(mc)
            st = (mc, cnt, tau, ak, ai, bk, bi)
            st = lax.fori_loop(0, nq, lambda t_, s: chunk_body_outer(jl, t_, s), st)
            return st[1:]

        init = (jnp.int32(0), neg, neg, zeros_i, neg, zeros_i)
        carry = lax.fori_loop(0, NCH // L, l1_body, init)
        _, _, ak, ai, bk, bi = _compact(carry)
        return ak, ai, bk, bi

    def phase(i, p):
        ql = 2 * i + p
        qg = qbase + ql
        pltpu.make_async_copy(
            t_hbm.at[pl.ds(qg * NPAD, NPAD)],
            srow_b[p].at[pl.ds(0, NPAD)], pre_s[p]).wait()
        @pl.when(ql + 1 < QPW)
        def _():
            for s in range(NSTR):
                pltpu.make_async_copy(
                    t_hbm.at[pl.ds((qg + 1) * NPAD + s * NCH, NCH)],
                    srow_b[1 - p].at[pl.ds(s * PSTR, NCH)],
                    pre_s[1 - p]).start()

        ak, ai, bk, bi = topk_one(ql, srow_b[p])

        dk0 = lax.rev(ak, (0,))
        di0 = lax.rev(ai, (0,))
        dk1 = lax.rev(bk, (0,))
        di1 = lax.rev(bi, (0,))
        cq = plsc.load_gather(cvec, [jnp.full((L,), ql, jnp.int32)])
        wbuf[pl.ds(ql * KK, L)] = jnp.exp(dk0 - cq)
        wbuf[pl.ds(ql * KK + L, L)] = jnp.exp(dk1 - cq)
        irow_b[p][pl.ds(0, L)] = di0
        irow_b[p][pl.ds(L, L)] = di1
        @pl.when(ql >= 2)
        def _():
            pltpu.make_async_copy(rows_b[p], outv_hbm.at[qg - 2], wb_s[p]).wait()
        pltpu.make_async_copy(vals_hbm.at[irow_b[p]], rows_b[p], g_s[p]).start()
        @pl.when(ql >= 1)
        def _():
            pltpu.make_async_copy(
                vals_hbm.at[irow_b[1 - p]], rows_b[1 - p], g_s[1 - p]).wait()
            pltpu.make_async_copy(
                rows_b[1 - p], outv_hbm.at[qg - 1], wb_s[1 - p]).start()

    def body2(i, c0):
        phase(i, 0)
        phase(i, 1)
        return c0

    for s in range(NSTR):
        pltpu.make_async_copy(
            t_hbm.at[pl.ds(qbase * NPAD + s * NCH, NCH)],
            srow_b[0].at[pl.ds(s * PSTR, NCH)], pre_s[0]).start()
    lax.fori_loop(0, QPW // 2, body2, 0)
    qlast = qbase + QPW - 1
    pltpu.make_async_copy(vals_hbm.at[irow_b[1]], rows_b[1], g_s[1]).wait()
    pltpu.make_async_copy(rows_b[1], outv_hbm.at[qlast], wb_s[1]).start()
    pltpu.make_async_copy(rows_b[0], outv_hbm.at[qlast - 1], wb_s[0]).wait()
    pltpu.make_async_copy(rows_b[1], outv_hbm.at[qlast], wb_s[1]).wait()
    pltpu.sync_copy(wbuf, outw_hbm.at[pl.ds(qbase * KK, QPW * KK)])


_sc_call = functools.partial(
    pl.kernel,
    mesh=plsc.VectorSubcoreMesh(core_axis_name="c", subcore_axis_name="s"),
    compiler_params=pltpu.CompilerParams(needs_layout_passes=False),
    out_type=[
        jax.ShapeDtypeStruct((Q, KK, D), jnp.float32),
        jax.ShapeDtypeStruct((Q * KK,), jnp.float32),
    ],
    scratch_types=[
        pltpu.VMEM((NSTR * PSTR,), jnp.float32),
        pltpu.VMEM((NSTR * PSTR,), jnp.float32),
        pltpu.VMEM((NCH,), jnp.float32),
        pltpu.VMEM((CAP,), jnp.float32),
        pltpu.VMEM((CAP,), jnp.int32),
        pltpu.VMEM((KK,), jnp.int32),
        pltpu.VMEM((KK,), jnp.int32),
        pltpu.VMEM((KK, D), jnp.float32),
        pltpu.VMEM((KK, D), jnp.float32),
        pltpu.VMEM((QPW * KK,), jnp.float32),
        pltpu.VMEM((QPW,), jnp.float32),
        pltpu.SemaphoreType.DMA,
        pltpu.SemaphoreType.DMA,
        pltpu.SemaphoreType.DMA,
        pltpu.SemaphoreType.DMA,
        pltpu.SemaphoreType.DMA,
        pltpu.SemaphoreType.DMA,
    ],
)(_sc_body)


def kernel(query, keys, values, Wq, bq, k):
    kt_pad = jnp.pad(keys, ((0, NPAD - NMEM), (0, 0)))
    bq2 = bq.reshape(1, D)
    t, c = _scores_call(query, kt_pad, Wq, bq2)
    outv, outw = _sc_call(t.reshape(Q * NPAD), c.reshape(Q), values)
    return outv, outw.reshape(Q, KK)

# --- scband reference (transcript-rebuilt; emitter-appended) ---
"""Pipeline reference for scband-truth-gptadvanced-8555574854262 (READ-ONLY COPY).

The authoritative reference and input builder live on the scoring server;
editing this copy changes nothing except your own understanding.
"""

import jax, jax.numpy as jnp
import numpy as np

MEM_DIM = 512
N_MEM = 10000
N_QUERY = 4096
K_RETRIEVE = 32


def setup_inputs(seed: int = 0) -> dict:
    key = jax.random.key(seed)
    kq, kk, kv, kw = jax.random.split(key, 4)
    query = jax.random.normal(kq, (N_QUERY, MEM_DIM), dtype=jnp.float32)
    keys = jax.random.normal(kk, (N_MEM, MEM_DIM), dtype=jnp.float32)
    values = jax.random.normal(kv, (N_MEM, MEM_DIM), dtype=jnp.float32)
    # learned params of AdvancedMemorySystem.query_projection (nn.Linear)
    Wq = jax.random.normal(kw, (MEM_DIM, MEM_DIM), dtype=jnp.float32) / np.sqrt(MEM_DIM)
    bq = jnp.zeros((MEM_DIM,), dtype=jnp.float32)
    return {"query": query, "keys": keys, "values": values, "Wq": Wq, "bq": bq, "k": K_RETRIEVE}


def reference(query, keys, values, Wq, bq, k):
    # AdvancedMemorySystem.retrieve:
    # query_proj = self.query_projection(query)
    query_proj = query @ Wq + bq
    # scores = query_proj @ keys.T  (memory attention)
    scores = query_proj @ keys.T
    # weights = softmax(scores / sqrt(memory_dim))
    weights = jax.nn.softmax(scores / np.sqrt(MEM_DIM), axis=-1)
    # top-k retrieval
    top_w, top_idx = jax.lax.top_k(weights, K_RETRIEVE)
    top_idx = top_idx + (k - k)
    retrieved_values = jnp.take(values, top_idx, axis=0)  # [Q, k, d]
    retrieved_weights = top_w  # [Q, k]
    return (retrieved_values, retrieved_weights)

if __name__ == "__main__":
    import jax
    _d = setup_inputs()
    print(jax.jit(kernel)(*tuple(_d.values())))

</pallas_src>

<mosaic_0001>
#map = affine_map<(d0, d1) -> (0)>
#map1 = affine_map<(d0, d1) -> (0, 0)>
#map2 = affine_map<(d0, d1) -> (0, 0, 0)>
module attributes {stable_mosaic.version = 14 : i64} {
  func.func @_sc_body(%arg0: i32, %arg1: i32, %arg2: memref<41943040xf32, #tpu.memory_space<hbm>>, %arg3: memref<4096xf32, #tpu.memory_space<hbm>>, %arg4: memref<10000x512xf32, #tpu.memory_space<hbm>>, %arg5: memref<4096x32x512xf32, #tpu.memory_space<hbm>>, %arg6: memref<131072xf32, #tpu.memory_space<hbm>>, %arg7: memref<10368xf32, #tpu.memory_space<vmem>>, %arg8: memref<10368xf32, #tpu.memory_space<vmem>>, %arg9: memref<640xf32, #tpu.memory_space<vmem>>, %arg10: memref<64xf32, #tpu.memory_space<vmem>>, %arg11: memref<64xi32, #tpu.memory_space<vmem>>, %arg12: memref<32xi32, #tpu.memory_space<vmem>>, %arg13: memref<32xi32, #tpu.memory_space<vmem>>, %arg14: memref<32x512xf32, #tpu.memory_space<vmem>>, %arg15: memref<32x512xf32, #tpu.memory_space<vmem>>, %arg16: memref<4096xf32, #tpu.memory_space<vmem>>, %arg17: memref<128xf32, #tpu.memory_space<vmem>>, %arg18: memref<!tpu.dma_semaphore, #tpu.memory_space<semaphore_mem>>, %arg19: memref<!tpu.dma_semaphore, #tpu.memory_space<semaphore_mem>>, %arg20: memref<!tpu.dma_semaphore, #tpu.memory_space<semaphore_mem>>, %arg21: memref<!tpu.dma_semaphore, #tpu.memory_space<semaphore_mem>>, %arg22: memref<!tpu.dma_semaphore, #tpu.memory_space<semaphore_mem>>, %arg23: memref<!tpu.dma_semaphore, #tpu.memory_space<semaphore_mem>>) attributes {dimension_semantics = [#tpu.dimension_semantics<core_parallel>, #tpu.dimension_semantics<subcore_parallel>], iteration_bounds = array<i64: 2, 16>, scalar_prefetch = 0 : i64, scratch_operands = 17 : i64, tpu.core_type = #tpu.core_type<sc_vector_subcore>, window_params = [{transform_indices = #map}, {transform_indices = #map}, {transform_indices = #map1}, {transform_indices = #map2}, {transform_indices = #map}]} {
    %mul3A = arith.constant 2 : i32
    %mul3A_0 = arith.muli %arg1, %mul3A : i32
    %add3A = arith.addi %mul3A_0, %arg0 : i32
    %mul3A_1 = arith.constant 128 : i32
    %mul3A_2 = arith.muli %add3A, %mul3A_1 : i32
    "tpu.region"() ({
      %run_scoped3A = tpu.sem_alloc : memref<!tpu.dma_semaphore, #tpu.memory_space<semaphore_mem>>
      %dma_start3A_209 = tpu.memref_slice %arg3[%mul3A_2] : memref<4096xf32, #tpu.memory_space<hbm>> -> memref<128xf32, #tpu.memory_space<hbm>>
      %dma_start3A_210 = tpu.memref_slice %arg3[%mul3A_2] : memref<4096xf32, #tpu.memory_space<hbm>> -> memref<128xf32, #tpu.memory_space<hbm>>
      tpu.enqueue_dma source(%dma_start3A_210 : memref<128xf32, #tpu.memory_space<hbm>>) target(%arg17 : memref<128xf32, #tpu.memory_space<vmem>>) target_semaphore(%run_scoped3A : memref<!tpu.dma_semaphore, #tpu.memory_space<semaphore_mem>>)
      %dma_wait3A_211 = tpu.memref_slice %arg3[%mul3A_2] : memref<4096xf32, #tpu.memory_space<hbm>> -> memref<128xf32, #tpu.memory_space<hbm>>
      %dma_wait3A_212 = tpu.memref_slice %arg3[%mul3A_2] : memref<4096xf32, #tpu.memory_space<hbm>> -> memref<128xf32, #tpu.memory_space<hbm>>
      tpu.wait_dma2 semaphore(%run_scoped3A : memref<!tpu.dma_semaphore, #tpu.memory_space<semaphore_mem>>) src(%dma_wait3A_212 : memref<128xf32, #tpu.memory_space<hbm>>) dst(%arg17 : memref<128xf32, #tpu.memory_space<vmem>>)
      tpu.yield
    }) : () -> ()
    %iota3A = tpu.iota {dimensions = array<i32: 0>} : vector<16xi32>
    %broadcast_in_dim3A = arith.constant -1.000000e+30 : f32
    %broadcast_in_dim3A_3 = vector.broadcast %broadcast_in_dim3A : f32 to vector<16xf32>
    %broadcast_in_dim3A_4 = arith.constant 0 : i32
    %broadcast_in_dim3A_5 = vector.broadcast %broadcast_in_dim3A_4 : i32 to vector<16xi32>
    %mul3A_6 = arith.constant 640 : i32
    %mul3A_7 = vector.broadcast %mul3A_6 : i32 to vector<16xi32>
    %mul3A_8 = arith.muli %iota3A, %mul3A_7 : vector<16xi32>
    %mul3A_9 = arith.constant 648 : i32
    %mul3A_10 = vector.broadcast %mul3A_9 : i32 to vector<16xi32>
    %mul3A_11 = arith.muli %iota3A, %mul3A_10 : vector<16xi32>
    %mul3A_12 = arith.constant 10240 : i32
    %mul3A_13 = arith.muli %mul3A_2, %mul3A_12 : i32
    %add3A_14 = arith.constant 0 : i32
    %add3A_15 = arith.addi %mul3A_13, %add3A_14 : i32
    %dma_start3A = arith.constant 0 : i32
    %dma_start3A_16 = tpu.memref_slice %arg7[%dma_start3A] : memref<10368xf32, #tpu.memory_space<vmem>> -> memref<640xf32, #tpu.memory_space<vmem>>
    %dma_start3A_17 = tpu.memref_slice %arg2[%add3A_15] : memref<41943040xf32, #tpu.memory_space<hbm>> -> memref<640xf32, #tpu.memory_space<hbm>>
    %dma_start3A_18 = arith.constant 0 : i32
    %dma_start3A_19 = tpu.memref_slice %arg7[%dma_start3A_18] : memref<10368xf32, #tpu.memory_space<vmem>> -> memref<640xf32, #tpu.memory_space<vmem>>
    %dma_start3A_20 = tpu.memref_slice %arg2[%add3A_15] : memref<41943040xf32, #tpu.memory_space<hbm>> -> memref<640xf32, #tpu.memory_space<hbm>>
    tpu.enqueue_dma source(%dma_start3A_20 : memref<640xf32, #tpu.memory_space<hbm>>) target(%dma_start3A_19 : memref<640xf32, #tpu.memory_space<vmem>>) target_semaphore(%arg18 : memref<!tpu.dma_semaphore, #tpu.memory_space<semaphore_mem>>)
    %mul3A_21 = arith.constant 10240 : i32
    %mul3A_22 = arith.muli %mul3A_2, %mul3A_21 : i32
    %add3A_23 = arith.constant 640 : i32
    %add3A_24 = arith.addi %mul3A_22, %add3A_23 : i32
    %dma_start3A_25 = arith.constant 648 : i32
    %dma_start3A_26 = tpu.memref_slice %arg7[%dma_start3A_25] : memref<10368xf32, #tpu.memory_space<vmem>> -> memref<640xf32, #tpu.memory_space<vmem>>
    %dma_start3A_27 = tpu.memref_slice %arg2[%add3A_24] : memref<41943040xf32, #tpu.memory_space<hbm>> -> memref<640xf32, #tpu.memory_space<hbm>>
    %dma_start3A_28 = arith.constant 648 : i32
    %dma_start3A_29 = tpu.memref_slice %arg7[%dma_start3A_28] : memref<10368xf32, #tpu.memory_space<vmem>> -> memref<640xf32, #tpu.memory_space<vmem>>
    %dma_start3A_30 = tpu.memref_slice %arg2[%add3A_24] : memref<41943040xf32, #tpu.memory_space<hbm>> -> memref<640xf32, #tpu.memory_space<hbm>>
    tpu.enqueue_dma source(%dma_start3A_30 : memref<640xf32, #tpu.memory_space<hbm>>) target(%dma_start3A_29 : memref<640xf32, #tpu.memory_space<vmem>>) target_semaphore(%arg18 : memref<!tpu.dma_semaphore, #tpu.memory_space<semaphore_mem>>)
    %mul3A_31 = arith.constant 10240 : i32
    %mul3A_32 = arith.muli %mul3A_2, %mul3A_31 : i32
    %add3A_33 = arith.constant 1280 : i32
    %add3A_34 = arith.addi %mul3A_32, %add3A_33 : i32
    %dma_start3A_35 = arith.constant 1296 : i32
    %dma_start3A_36 = tpu.memref_slice %arg7[%dma_start3A_35] : memref<10368xf32, #tpu.memory_space<vmem>> -> memref<640xf32, #tpu.memory_space<vmem>>
    %dma_start3A_37 = tpu.memref_slice %arg2[%add3A_34] : memref<41943040xf32, #tpu.memory_space<hbm>> -> memref<640xf32, #tpu.memory_space<hbm>>
    %dma_start3A_38 = arith.constant 1296 : i32
    %dma_start3A_39 = tpu.memref_slice %arg7[%dma_start3A_38] : memref<10368xf32, #tpu.memory_space<vmem>> -> memref<640xf32, #tpu.memory_space<vmem>>
    %dma_start3A_40 = tpu.memref_slice %arg2[%add3A_34] : memref<41943040xf32, #tpu.memory_space<hbm>> -> memref<640xf32, #tpu.memory_space<hbm>>
    tpu.enqueue_dma source(%dma_start3A_40 : memref<640xf32, #tpu.memory_space<hbm>>) target(%dma_start3A_39 : memref<640xf32, #tpu.memory_space<vmem>>) target_semaphore(%arg18 : memref<!tpu.dma_semaphore, #tpu.memory_space<semaphore_mem>>)
    %mul3A_41 = arith.constant 10240 : i32
    %mul3A_42 = arith.muli %mul3A_2, %mul3A_41 : i32
    %add3A_43 = arith.constant 1920 : i32
    %add3A_44 = arith.addi %mul3A_42, %add3A_43 : i32
    %dma_start3A_45 = arith.constant 1944 : i32
    %dma_start3A_46 = tpu.memref_slice %arg7[%dma_start3A_45] : memref<10368xf32, #tpu.memory_space<vmem>> -> memref<640xf32, #tpu.memory_space<vmem>>
    %dma_start3A_47 = tpu.memref_slice %arg2[%add3A_44] : memref<41943040xf32, #tpu.memory_space<hbm>> -> memref<640xf32, #tpu.memory_space<hbm>>
    %dma_start3A_48 = arith.constant 1944 : i32
    %dma_start3A_49 = tpu.memref_slice %arg7[%dma_start3A_48] : memref<10368xf32, #tpu.memory_space<vmem>> -> memref<640xf32, #tpu.memory_space<vmem>>
    %dma_start3A_50 = tpu.memref_slice %arg2[%add3A_44] : memref<41943040xf32, #tpu.memory_space<hbm>> -> memref<640xf32, #tpu.memory_space<hbm>>
    tpu.enqueue_dma source(%dma_start3A_50 : memref<640xf32, #tpu.memory_space<hbm>>) target(%dma_start3A_49 : memref<640xf32, #tpu.memory_space<vmem>>) target_semaphore(%arg18 : memref<!tpu.dma_semaphore, #tpu.memory_space<semaphore_mem>>)
    %mul3A_51 = arith.constant 10240 : i32
    %mul3A_52 = arith.muli %mul3A_2, %mul3A_51 : i32
    %add3A_53 = arith.constant 2560 : i32
    %add3A_54 = arith.addi %mul3A_52, %add3A_53 : i32
    %dma_start3A_55 = arith.constant 2592 : i32
    %dma_start3A_56 = tpu.memref_slice %arg7[%dma_start3A_55] : memref<10368xf32, #tpu.memory_space<vmem>> -> memref<640xf32, #tpu.memory_space<vmem>>
    %dma_start3A_57 = tpu.memref_slice %arg2[%add3A_54] : memref<41943040xf32, #tpu.memory_space<hbm>> -> memref<640xf32, #tpu.memory_space<hbm>>
    %dma_start3A_58 = arith.constant 2592 : i32
    %dma_start3A_59 = tpu.memref_slice %arg7[%dma_start3A_58] : memref<10368xf32, #tpu.memory_space<vmem>> -> memref<640xf32, #tpu.memory_space<vmem>>
    %dma_start3A_60 = tpu.memref_slice %arg2[%add3A_54] : memref<41943040xf32, #tpu.memory_space<hbm>> -> memref<640xf32, #tpu.memory_space<hbm>>
    tpu.enqueue_dma source(%dma_start3A_60 : memref<640xf32, #tpu.memory_space<hbm>>) target(%dma_start3A_59 : memref<640xf32, #tpu.memory_space<vmem>>) target_semaphore(%arg18 : memref<!tpu.dma_semaphore, #tpu.memory_space<semaphore_mem>>)
    %mul3A_61 = arith.constant 10240 : i32
    %mul3A_62 = arith.muli %mul3A_2, %mul3A_61 : i32
    %add3A_63 = arith.constant 3200 : i32
    %add3A_64 = arith.addi %mul3A_62, %add3A_63 : i32
    %dma_start3A_65 = arith.constant 3240 : i32
    %dma_start3A_66 = tpu.memref_slice %arg7[%dma_start3A_65] : memref<10368xf32, #tpu.memory_space<vmem>> -> memref<640xf32, #tpu.memory_space<vmem>>
    %dma_start3A_67 = tpu.memref_slice %arg2[%add3A_64] : memref<41943040xf32, #tpu.memory_space<hbm>> -> memref<640xf32, #tpu.memory_space<hbm>>
    %dma_start3A_68 = arith.constant 3240 : i32
    %dma_start3A_69 = tpu.memref_slice %arg7[%dma_start3A_68] : memref<10368xf32, #tpu.memory_space<vmem>> -> memref<640xf32, #tpu.memory_space<vmem>>
    %dma_start3A_70 = tpu.memref_slice %arg2[%add3A_64] : memref<41943040xf32, #tpu.memory_space<hbm>> -> memref<640xf32, #tpu.memory_space<hbm>>
    tpu.enqueue_dma source(%dma_start3A_70 : memref<640xf32, #tpu.memory_space<hbm>>) target(%dma_start3A_69 : memref<640xf32, #tpu.memory_space<vmem>>) target_semaphore(%arg18 : memref<!tpu.dma_semaphore, #tpu.memory_space<semaphore_mem>>)
    %mul3A_71 = arith.constant 10240 : i32
    %mul3A_72 = arith.muli %mul3A_2, %mul3A_71 : i32
    %add3A_73 = arith.constant 3840 : i32
    %add3A_74 = arith.addi %mul3A_72, %add3A_73 : i32
    %dma_start3A_75 = arith.constant 3888 : i32
    %dma_start3A_76 = tpu.memref_slice %arg7[%dma_start3A_75] : memref<10368xf32, #tpu.memory_space<vmem>> -> memref<640xf32, #tpu.memory_space<vmem>>
    %dma_start3A_77 = tpu.memref_slice %arg2[%add3A_74] : memref<41943040xf32, #tpu.memory_space<hbm>> -> memref<640xf32, #tpu.memory_space<hbm>>
    %dma_start3A_78 = arith.constant 3888 : i32
    %dma_start3A_79 = tpu.memref_slice %arg7[%dma_start3A_78] : memref<10368xf32, #tpu.memory_space<vmem>> -> memref<640xf32, #tpu.memory_space<vmem>>
    %dma_start3A_80 = tpu.memref_slice %arg2[%add3A_74] : memref<41943040xf32, #tpu.memory_space<hbm>> -> memref<640xf32, #tpu.memory_space<hbm>>
    tpu.enqueue_dma source(%dma_start3A_80 : memref<640xf32, #tpu.memory_space<hbm>>) target(%dma_start3A_79 : memref<640xf32, #tpu.memory_space<vmem>>) target_semaphore(%arg18 : memref<!tpu.dma_semaphore, #tpu.memory_space<semaphore_mem>>)
    %mul3A_81 = arith.constant 10240 : i32
    %mul3A_82 = arith.muli %mul3A_2, %mul3A_81 : i32
    %add3A_83 = arith.constant 4480 : i32
    %add3A_84 = arith.addi %mul3A_82, %add3A_83 : i32
    %dma_start3A_85 = arith.constant 4536 : i32
    %dma_start3A_86 = tpu.memref_slice %arg7[%dma_start3A_85] : memref<10368xf32, #tpu.memory_space<vmem>> -> memref<640xf32, #tpu.memory_space<vmem>>
    %dma_start3A_87 = tpu.memref_slice %arg2[%add3A_84] : memref<41943040xf32, #tpu.memory_space<hbm>> -> memref<640xf32, #tpu.memory_space<hbm>>
    %dma_start3A_88 = arith.constant 4536 : i32
    %dma_start3A_89 = tpu.memref_slice %arg7[%dma_start3A_88] : memref<10368xf32, #tpu.memory_space<vmem>> -> memref<640xf32, #tpu.memory_space<vmem>>
    %dma_start3A_90 = tpu.memref_slice %arg2[%add3A_84] : memref<41943040xf32, #tpu.memory_space<hbm>> -> memref<640xf32, #tpu.memory_space<hbm>>
    tpu.enqueue_dma source(%dma_start3A_90 : memref<640xf32, #tpu.memory_space<hbm>>) target(%dma_start3A_89 : memref<640xf32, #tpu.memory_space<vmem>>) target_semaphore(%arg18 : memref<!tpu.dma_semaphore, #tpu.memory_space<semaphore_mem>>)
    %mul3A_91 = arith.constant 10240 : i32
    %mul3A_92 = arith.muli %mul3A_2, %mul3A_91 : i32
    %add3A_93 = arith.constant 5120 : i32
    %add3A_94 = arith.addi %mul3A_92, %add3A_93 : i32
    %dma_start3A_95 = arith.constant 5184 : i32
    %dma_start3A_96 = tpu.memref_slice %arg7[%dma_start3A_95] : memref<10368xf32, #tpu.memory_space<vmem>> -> memref<640xf32, #tpu.memory_space<vmem>>
    %dma_start3A_97 = tpu.memref_slice %arg2[%add3A_94] : memref<41943040xf32, #tpu.memory_space<hbm>> -> memref<640xf32, #tpu.memory_space<hbm>>
    %dma_start3A_98 = arith.constant 5184 : i32
    %dma_start3A_99 = tpu.memref_slice %arg7[%dma_start3A_98] : memref<10368xf32, #tpu.memory_space<vmem>> -> memref<640xf32, #tpu.memory_space<vmem>>
    %dma_start3A_100 = tpu.memref_slice %arg2[%add3A_94] : memref<41943040xf32, #tpu.memory_space<hbm>> -> memref<640xf32, #tpu.memory_space<hbm>>
    tpu.enqueue_dma source(%dma_start3A_100 : memref<640xf32, #tpu.memory_space<hbm>>) target(%dma_start3A_99 : memref<640xf32, #tpu.memory_space<vmem>>) target_semaphore(%arg18 : memref<!tpu.dma_semaphore, #tpu.memory_space<semaphore_mem>>)
    %mul3A_101 = arith.constant 10240 : i32
    %mul3A_102 = arith.muli %mul3A_2, %mul3A_101 : i32
    %add3A_103 = arith.constant 5760 : i32
    %add3A_104 = arith.addi %mul3A_102, %add3A_103 : i32
    %dma_start3A_105 = arith.constant 5832 : i32
    %dma_start3A_106 = tpu.memref_slice %arg7[%dma_start3A_105] : memref<10368xf32, #tpu.memory_space<vmem>> -> memref<640xf32, #tpu.memory_space<vmem>>
    %dma_start3A_107 = tpu.memref_slice %arg2[%add3A_104] : memref<41943040xf32, #tpu.memory_space<hbm>> -> memref<640xf32, #tpu.memory_space<hbm>>
    %dma_start3A_108 = arith.constant 5832 : i32
    %dma_start3A_109 = tpu.memref_slice %arg7[%dma_start3A_108] : memref<10368xf32, #tpu.memory_space<vmem>> -> memref<640xf32, #tpu.memory_space<vmem>>
    %dma_start3A_110 = tpu.memref_slice %arg2[%add3A_104] : memref<41943040xf32, #tpu.memory_space<hbm>> -> memref<640xf32, #tpu.memory_space<hbm>>
    tpu.enqueue_dma source(%dma_start3A_110 : memref<640xf32, #tpu.memory_space<hbm>>) target(%dma_start3A_109 : memref<640xf32, #tpu.memory_space<vmem>>) target_semaphore(%arg18 : memref<!tpu.dma_semaphore, #tpu.memory_space<semaphore_mem>>)
    %mul3A_111 = arith.constant 10240 : i32
    %mul3A_112 = arith.muli %mul3A_2, %mul3A_111 : i32
    %add3A_113 = arith.constant 6400 : i32
    %add3A_114 = arith.addi %mul3A_112, %add3A_113 : i32
    %dma_start3A_115 = arith.constant 6480 : i32
    %dma_start3A_116 = tpu.memref_slice %arg7[%dma_start3A_115] : memref<10368xf32, #tpu.memory_space<vmem>> -> memref<640xf32, #tpu.memory_space<vmem>>
    %dma_start3A_117 = tpu.memref_slice %arg2[%add3A_114] : memref<41943040xf32, #tpu.memory_space<hbm>> -> memref<640xf32, #tpu.memory_space<hbm>>
    %dma_start3A_118 = arith.constant 6480 : i32
    %dma_start3A_119 = tpu.memref_slice %arg7[%dma_start3A_118] : memref<10368xf32, #tpu.memory_space<vmem>> -> memref<640xf32, #tpu.memory_space<vmem>>
    %dma_start3A_120 = tpu.memref_slice %arg2[%add3A_114] : memref<41943040xf32, #tpu.memory_space<hbm>> -> memref<640xf32, #tpu.memory_space<hbm>>
    tpu.enqueue_dma source(%dma_start3A_120 : memref<640xf32, #tpu.memory_space<hbm>>) target(%dma_start3A_119 : memref<640xf32, #tpu.memory_space<vmem>>) target_semaphore(%arg18 : memref<!tpu.dma_semaphore, #tpu.memory_space<semaphore_mem>>)
    %mul3A_121 = arith.constant 10240 : i32
    %mul3A_122 = arith.muli %mul3A_2, %mul3A_121 : i32
    %add3A_123 = arith.constant 7040 : i32
    %add3A_124 = arith.addi %mul3A_122, %add3A_123 : i32
    %dma_start3A_125 = arith.constant 7128 : i32
    %dma_start3A_126 = tpu.memref_slice %arg7[%dma_start3A_125] : memref<10368xf32, #tpu.memory_space<vmem>> -> memref<640xf32, #tpu.memory_space<vmem>>
    %dma_start3A_127 = tpu.memref_slice %arg2[%add3A_124] : memref<41943040xf32, #tpu.memory_space<hbm>> -> memref<640xf32, #tpu.memory_space<hbm>>
    %dma_start3A_128 = arith.constant 7128 : i32
    %dma_start3A_129 = tpu.memref_slice %arg7[%dma_start3A_128] : memref<10368xf32, #tpu.memory_space<vmem>> -> memref<640xf32, #tpu.memory_space<vmem>>
    %dma_start3A_130 = tpu.memref_slice %arg2[%add3A_124] : memref<41943040xf32, #tpu.memory_space<hbm>> -> memref<640xf32, #tpu.memory_space<hbm>>
    tpu.enqueue_dma source(%dma_start3A_130 : memref<640xf32, #tpu.memory_space<hbm>>) target(%dma_start3A_129 : memref<640xf32, #tpu.memory_space<vmem>>) target_semaphore(%arg18 : memref<!tpu.dma_semaphore, #tpu.memory_space<semaphore_mem>>)
    %mul3A_131 = arith.constant 10240 : i32
    %mul3A_132 = arith.muli %mul3A_2, %mul3A_131 : i32
    %add3A_133 = arith.constant 7680 : i32
    %add3A_134 = arith.addi %mul3A_132, %add3A_133 : i32
    %dma_start3A_135 = arith.constant 7776 : i32
    %dma_start3A_136 = tpu.memref_slice %arg7[%dma_start3A_135] : memref<10368xf32, #tpu.memory_space<vmem>> -> memref<640xf32, #tpu.memory_space<vmem>>
    %dma_start3A_137 = tpu.memref_slice %arg2[%add3A_134] : memref<41943040xf32, #tpu.memory_space<hbm>> -> memref<640xf32, #tpu.memory_space<hbm>>
    %dma_start3A_138 = arith.constant 7776 : i32
    %dma_start3A_139 = tpu.memref_slice %arg7[%dma_start3A_138] : memref<10368xf32, #tpu.memory_space<vmem>> -> memref<640xf32, #tpu.memory_space<vmem>>
    %dma_start3A_140 = tpu.memref_slice %arg2[%add3A_134] : memref<41943040xf32, #tpu.memory_space<hbm>> -> memref<640xf32, #tpu.memory_space<hbm>>
    tpu.enqueue_dma source(%dma_start3A_140 : memref<640xf32, #tpu.memory_space<hbm>>) target(%dma_start3A_139 : memref<640xf32, #tpu.memory_space<vmem>>) target_semaphore(%arg18 : memref<!tpu.dma_semaphore, #tpu.memory_space<semaphore_mem>>)
    %mul3A_141 = arith.constant 10240 : i32
    %mul3A_142 = arith.muli %mul3A_2, %mul3A_141 : i32
    %add3A_143 = arith.constant 8320 : i32
    %add3A_144 = arith.addi %mul3A_142, %add3A_143 : i32
    %dma_start3A_145 = arith.constant 8424 : i32
    %dma_start3A_146 = tpu.memref_slice %arg7[%dma_start3A_145] : memref<10368xf32, #tpu.memory_space<vmem>> -> memref<640xf32, #tpu.memory_space<vmem>>
    %dma_start3A_147 = tpu.memref_slice %arg2[%add3A_144] : memref<41943040xf32, #tpu.memory_space<hbm>> -> memref<640xf32, #tpu.memory_space<hbm>>
    %dma_start3A_148 = arith.constant 8424 : i32
    %dma_start3A_149 = tpu.memref_slice %arg7[%dma_start3A_148] : memref<10368xf32, #tpu.memory_space<vmem>> -> memref<640xf32, #tpu.memory_space<vmem>>
    %dma_start3A_150 = tpu.memref_slice %arg2[%add3A_144] : memref<41943040xf32, #tpu.memory_space<hbm>> -> memref<640xf32, #tpu.memory_space<hbm>>
    tpu.enqueue_dma source(%dma_start3A_150 : memref<640xf32, #tpu.memory_space<hbm>>) target(%dma_start3A_149 : memref<640xf32, #tpu.memory_space<vmem>>) target_semaphore(%arg18 : memref<!tpu.dma_semaphore, #tpu.memory_space<semaphore_mem>>)
    %mul3A_151 = arith.constant 10240 : i32
    %mul3A_152 = arith.muli %mul3A_2, %mul3A_151 : i32
    %add3A_153 = arith.constant 8960 : i32
    %add3A_154 = arith.addi %mul3A_152, %add3A_153 : i32
    %dma_start3A_155 = arith.constant 9072 : i32
    %dma_start3A_156 = tpu.memref_slice %arg7[%dma_start3A_155] : memref<10368xf32, #tpu.memory_space<vmem>> -> memref<640xf32, #tpu.memory_space<vmem>>
    %dma_start3A_157 = tpu.memref_slice %arg2[%add3A_154] : memref<41943040xf32, #tpu.memory_space<hbm>> -> memref<640xf32, #tpu.memory_space<hbm>>
    %dma_start3A_158 = arith.constant 9072 : i32
    %dma_start3A_159 = tpu.memref_slice %arg7[%dma_start3A_158] : memref<10368xf32, #tpu.memory_space<vmem>> -> memref<640xf32, #tpu.memory_space<vmem>>
    %dma_start3A_160 = tpu.memref_slice %arg2[%add3A_154] : memref<41943040xf32, #tpu.memory_space<hbm>> -> memref<640xf32, #tpu.memory_space<hbm>>
    tpu.enqueue_dma source(%dma_start3A_160 : memref<640xf32, #tpu.memory_space<hbm>>) target(%dma_start3A_159 : memref<640xf32, #tpu.memory_space<vmem>>) target_semaphore(%arg18 : memref<!tpu.dma_semaphore, #tpu.memory_space<semaphore_mem>>)
    %mul3A_161 = arith.constant 10240 : i32
    %mul3A_162 = arith.muli %mul3A_2, %mul3A_161 : i32
    %add3A_163 = arith.constant 9600 : i32
    %add3A_164 = arith.addi %mul3A_162, %add3A_163 : i32
    %dma_start3A_165 = arith.constant 9720 : i32
    %dma_start3A_166 = tpu.memref_slice %arg7[%dma_start3A_165] : memref<10368xf32, #tpu.memory_space<vmem>> -> memref<640xf32, #tpu.memory_space<vmem>>
    %dma_start3A_167 = tpu.memref_slice %arg2[%add3A_164] : memref<41943040xf32, #tpu.memory_space<hbm>> -> memref<640xf32, #tpu.memory_space<hbm>>
    %dma_start3A_168 = arith.constant 9720 : i32
    %dma_start3A_169 = tpu.memref_slice %arg7[%dma_start3A_168] : memref<10368xf32, #tpu.memory_space<vmem>> -> memref<640xf32, #tpu.memory_space<vmem>>
    %dma_start3A_170 = tpu.memref_slice %arg2[%add3A_164] : memref<41943040xf32, #tpu.memory_space<hbm>> -> memref<640xf32, #tpu.memory_space<hbm>>
    tpu.enqueue_dma source(%dma_start3A_170 : memref<640xf32, #tpu.memory_space<hbm>>) target(%dma_start3A_169 : memref<640xf32, #tpu.memory_space<vmem>>) target_semaphore(%arg18 : memref<!tpu.dma_semaphore, #tpu.memory_space<semaphore_mem>>)
    %scan3A = arith.constant 0 : i32
    %scan3A_171 = arith.constant 0 : i32
    %scan3A_172 = arith.constant 64 : i32
    %scan3A_173 = arith.addi %scan3A_171, %scan3A_172 : i32
    %scan3A_174 = arith.constant 1 : i32
    scf.for %scan3A_209 = %scan3A_171 to %scan3A_173 step %scan3A_174  : i32 {
      %mul3A_210 = arith.constant 2 : i32
      %mul3A_211 = arith.muli %mul3A_210, %scan3A_209 : i32
      %add3A_212 = arith.constant 0 : i32
      %add3A_213 = arith.addi %mul3A_211, %add3A_212 : i32
      %add3A_214 = arith.addi %mul3A_2, %add3A_213 : i32
      %mul3A_215 = arith.constant 10240 : i32
      %mul3A_216 = arith.muli %add3A_214, %mul3A_215 : i32
      %dma_wait3A_217 = arith.constant 0 : i32
      %dma_wait3A_218 = tpu.memref_slice %arg7[%dma_wait3A_217] : memref<10368xf32, #tpu.memory_space<vmem>> -> memref<10240xf32, #tpu.memory_space<vmem>>
      %dma_wait3A_219 = tpu.memref_slice %arg2[%mul3A_216] : memref<41943040xf32, #tpu.memory_space<hbm>> -> memref<10240xf32, #tpu.memory_space<hbm>>
      %dma_wait3A_220 = arith.constant 0 : i32
      %dma_wait3A_221 = tpu.memref_slice %arg7[%dma_wait3A_220] : memref<10368xf32, #tpu.memory_space<vmem>> -> memref<10240xf32, #tpu.memory_space<vmem>>
      %dma_wait3A_222 = tpu.memref_slice %arg2[%mul3A_216] : memref<41943040xf32, #tpu.memory_space<hbm>> -> memref<10240xf32, #tpu.memory_space<hbm>>
      tpu.wait_dma2 semaphore(%arg18 : memref<!tpu.dma_semaphore, #tpu.memory_space<semaphore_mem>>) src(%dma_wait3A_222 : memref<10240xf32, #tpu.memory_space<hbm>>) dst(%dma_wait3A_221 : memref<10240xf32, #tpu.memory_space<vmem>>)
      %add3A_223 = arith.constant 1 : i32
      %add3A_224 = arith.addi %add3A_213, %add3A_223 : i32
      %lt3A = arith.constant 128 : i32
      %lt3A_225 = arith.cmpi slt, %add3A_224, %lt3A : i32
      %convert_element_type3A = arith.extui %lt3A_225 : i1 to i32
      %cond3A = arith.constant 0 : i32
      %cond3A_226 = arith.cmpi ne, %convert_element_type3A, %cond3A : i32
      scf.if %cond3A_226 {
        %add3A_801 = arith.constant 1 : i32
        %add3A_802 = arith.addi %add3A_214, %add3A_801 : i32
        %mul3A_803 = arith.constant 10240 : i32
        %mul3A_804 = arith.muli %add3A_802, %mul3A_803 : i32
        %add3A_805 = arith.constant 0 : i32
        %add3A_806 = arith.addi %mul3A_804, %add3A_805 : i32
        %dma_start3A_807 = arith.constant 0 : i32
        %dma_start3A_808 = tpu.memref_slice %arg8[%dma_start3A_807] : memref<10368xf32, #tpu.memory_space<vmem>> -> memref<640xf32, #tpu.memory_space<vmem>>
        %dma_start3A_809 = tpu.memref_slice %arg2[%add3A_806] : memref<41943040xf32, #tpu.memory_space<hbm>> -> memref<640xf32, #tpu.memory_space<hbm>>
        %dma_start3A_810 = arith.constant 0 : i32
        %dma_start3A_811 = tpu.memref_slice %arg8[%dma_start3A_810] : memref<10368xf32, #tpu.memory_space<vmem>> -> memref<640xf32, #tpu.memory_space<vmem>>
        %dma_start3A_812 = tpu.memref_slice %arg2[%add3A_806] : memref<41943040xf32, #tpu.memory_space<hbm>> -> memref<640xf32, #tpu.memory_space<hbm>>
        tpu.enqueue_dma source(%dma_start3A_812 : memref<640xf32, #tpu.memory_space<hbm>>) target(%dma_start3A_811 : memref<640xf32, #tpu.memory_space<vmem>>) target_semaphore(%arg19 : memref<!tpu.dma_semaphore, #tpu.memory_space<semaphore_mem>>)
        %add3A_813 = arith.constant 1 : i32
        %add3A_814 = arith.addi %add3A_214, %add3A_813 : i32
        %mul3A_815 = arith.constant 10240 : i32
        %mul3A_816 = arith.muli %add3A_814, %mul3A_815 : i32
        %add3A_817 = arith.constant 640 : i32
        %add3A_818 = arith.addi %mul3A_816, %add3A_817 : i32
        %dma_start3A_819 = arith.constant 648 : i32
        %dma_start3A_820 = tpu.memref_slice %arg8[%dma_start3A_819] : memref<10368xf32, #tpu.memory_space<vmem>> -> memref<640xf32, #tpu.memory_space<vmem>>
        %dma_start3A_821 = tpu.memref_slice %arg2[%add3A_818] : memref<41943040xf32, #tpu.memory_space<hbm>> -> memref<640xf32, #tpu.memory_space<hbm>>
        %dma_start3A_822 = arith.constant 648 : i32
        %dma_start3A_823 = tpu.memref_slice %arg8[%dma_start3A_822] : memref<10368xf32, #tpu.memory_space<vmem>> -> memref<640xf32, #tpu.memory_space<vmem>>
        %dma_start3A_824 = tpu.memref_slice %arg2[%add3A_818] : memref<41943040xf32, #tpu.memory_space<hbm>> -> memref<640xf32, #tpu.memory_space<hbm>>
        tpu.enqueue_dma source(%dma_start3A_824 : memref<640xf32, #tpu.memory_space<hbm>>) target(%dma_start3A_823 : memref<640xf32, #tpu.memory_space<vmem>>) target_semaphore(%arg19 : memref<!tpu.dma_semaphore, #tpu.memory_space<semaphore_mem>>)
        %add3A_825 = arith.constant 1 : i32
        %add3A_826 = arith.addi %add3A_214, %add3A_825 : i32
        %mul3A_827 = arith.constant 10240 : i32
        %mul3A_828 = arith.muli %add3A_826, %mul3A_827 : i32
        %add3A_829 = arith.constant 1280 : i32
        %add3A_830 = arith.addi %mul3A_828, %add3A_829 : i32
        %dma_start3A_831 = arith.constant 1296 : i32
        %dma_start3A_832 = tpu.memref_slice %arg8[%dma_start3A_831] : memref<10368xf32, #tpu.memory_space<vmem>> -> memref<640xf32, #tpu.memory_space<vmem>>
        %dma_start3A_833 = tpu.memref_slice %arg2[%add3A_830] : memref<41943040xf32, #tpu.memory_space<hbm>> -> memref<640xf32, #tpu.memory_space<hbm>>
        %dma_start3A_834 = arith.constant 1296 : i32
        %dma_start3A_835 = tpu.memref_slice %arg8[%dma_start3A_834] : memref<10368xf32, #tpu.memory_space<vmem>> -> memref<640xf32, #tpu.memory_space<vmem>>
        %dma_start3A_836 = tpu.memref_slice %arg2[%add3A_830] : memref<41943040xf32, #tpu.memory_space<hbm>> -> memref<640xf32, #tpu.memory_space<hbm>>
        tpu.enqueue_dma source(%dma_start3A_836 : memref<640xf32, #tpu.memory_space<hbm>>) target(%dma_start3A_835 : memref<640xf32, #tpu.memory_space<vmem>>) target_semaphore(%arg19 : memref<!tpu.dma_semaphore, #tpu.memory_space<semaphore_mem>>)
        %add3A_837 = arith.constant 1 : i32
        %add3A_838 = arith.addi %add3A_214, %add3A_837 : i32
        %mul3A_839 = arith.constant 10240 : i32
        %mul3A_840 = arith.muli %add3A_838, %mul3A_839 : i32
        %add3A_841 = arith.constant 1920 : i32
        %add3A_842 = arith.addi %mul3A_840, %add3A_841 : i32
        %dma_start3A_843 = arith.constant 1944 : i32
        %dma_start3A_844 = tpu.memref_slice %arg8[%dma_start3A_843] : memref<10368xf32, #tpu.memory_space<vmem>> -> memref<640xf32, #tpu.memory_space<vmem>>
        %dma_start3A_845 = tpu.memref_slice %arg2[%add3A_842] : memref<41943040xf32, #tpu.memory_space<hbm>> -> memref<640xf32, #tpu.memory_space<hbm>>
        %dma_start3A_846 = arith.constant 1944 : i32
        %dma_start3A_847 = tpu.memref_slice %arg8[%dma_start3A_846] : memref<10368xf32, #tpu.memory_space<vmem>> -> memref<640xf32, #tpu.memory_space<vmem>>
        %dma_start3A_848 = tpu.memref_slice %arg2[%add3A_842] : memref<41943040xf32, #tpu.memory_space<hbm>> -> memref<640xf32, #tpu.memory_space<hbm>>
        tpu.enqueue_dma source(%dma_start3A_848 : memref<640xf32, #tpu.memory_space<hbm>>) target(%dma_start3A_847 : memref<640xf32, #tpu.memory_space<vmem>>) target_semaphore(%arg19 : memref<!tpu.dma_semaphore, #tpu.memory_space<semaphore_mem>>)
        %add3A_849 = arith.constant 1 : i32
        %add3A_850 = arith.addi %add3A_214, %add3A_849 : i32
        %mul3A_851 = arith.constant 10240 : i32
        %mul3A_852 = arith.muli %add3A_850, %mul3A_851 : i32
        %add3A_853 = arith.constant 2560 : i32
        %add3A_854 = arith.addi %mul3A_852, %add3A_853 : i32
        %dma_start3A_855 = arith.constant 2592 : i32
        %dma_start3A_856 = tpu.memref_slice %arg8[%dma_start3A_855] : memref<10368xf32, #tpu.memory_space<vmem>> -> memref<640xf32, #tpu.memory_space<vmem>>
        %dma_start3A_857 = tpu.memref_slice %arg2[%add3A_854] : memref<41943040xf32, #tpu.memory_space<hbm>> -> memref<640xf32, #tpu.memory_space<hbm>>
        %dma_start3A_858 = arith.constant 2592 : i32
        %dma_start3A_859 = tpu.memref_slice %arg8[%dma_start3A_858] : memref<10368xf32, #tpu.memory_space<vmem>> -> memref<640xf32, #tpu.memory_space<vmem>>
        %dma_start3A_860 = tpu.memref_slice %arg2[%add3A_854] : memref<41943040xf32, #tpu.memory_space<hbm>> -> memref<640xf32, #tpu.memory_space<hbm>>
        tpu.enqueue_dma source(%dma_start3A_860 : memref<640xf32, #tpu.memory_space<hbm>>) target(%dma_start3A_859 : memref<640xf32, #tpu.memory_space<vmem>>) target_semaphore(%arg19 : memref<!tpu.dma_semaphore, #tpu.memory_space<semaphore_mem>>)
        %add3A_861 = arith.constant 1 : i32
        %add3A_862 = arith.addi %add3A_214, %add3A_861 : i32
        %mul3A_863 = arith.constant 10240 : i32
        %mul3A_864 = arith.muli %add3A_862, %mul3A_863 : i32
        %add3A_865 = arith.constant 3200 : i32
        %add3A_866 = arith.addi %mul3A_864, %add3A_865 : i32
        %dma_start3A_867 = arith.constant 3240 : i32
        %dma_start3A_868 = tpu.memref_slice %arg8[%dma_start3A_867] : memref<10368xf32, #tpu.memory_space<vmem>> -> memref<640xf32, #tpu.memory_space<vmem>>
        %dma_start3A_869 = tpu.memref_slice %arg2[%add3A_866] : memref<41943040xf32, #tpu.memory_space<hbm>> -> memref<640xf32, #tpu.memory_space<hbm>>
        %dma_start3A_870 = arith.constant 3240 : i32
        %dma_start3A_871 = tpu.memref_slice %arg8[%dma_start3A_870] : memref<10368xf32, #tpu.memory_space<vmem>> -> memref<640xf32, #tpu.memory_space<vmem>>
        %dma_start3A_872 = tpu.memref_slice %arg2[%add3A_866] : memref<41943040xf32, #tpu.memory_space<hbm>> -> memref<640xf32, #tpu.memory_space<hbm>>
        tpu.enqueue_dma source(%dma_start3A_872 : memref<640xf32, #tpu.memory_space<hbm>>) target(%dma_start3A_871 : memref<640xf32, #tpu.memory_space<vmem>>) target_semaphore(%arg19 : memref<!tpu.dma_semaphore, #tpu.memory_space<semaphore_mem>>)
        %add3A_873 = arith.constant 1 : i32
        %add3A_874 = arith.addi %add3A_214, %add3A_873 : i32
        %mul3A_875 = arith.constant 10240 : i32
        %mul3A_876 = arith.muli %add3A_874, %mul3A_875 : i32
        %add3A_877 = arith.constant 3840 : i32
        %add3A_878 = arith.addi %mul3A_876, %add3A_877 : i32
        %dma_start3A_879 = arith.constant 3888 : i32
        %dma_start3A_880 = tpu.memref_slice %arg8[%dma_start3A_879] : memref<10368xf32, #tpu.memory_space<vmem>> -> memref<640xf32, #tpu.memory_space<vmem>>
        %dma_start3A_881 = tpu.memref_slice %arg2[%add3A_878] : memref<41943040xf32, #tpu.memory_space<hbm>> -> memref<640xf32, #tpu.memory_space<hbm>>
        %dma_start3A_882 = arith.constant 3888 : i32
        %dma_start3A_883 = tpu.memref_slice %arg8[%dma_start3A_882] : memref<10368xf32, #tpu.memory_space<vmem>> -> memref<640xf32, #tpu.memory_space<vmem>>
        %dma_start3A_884 = tpu.memref_slice %arg2[%add3A_878] : memref<41943040xf32, #tpu.memory_space<hbm>> -> memref<640xf32, #tpu.memory_space<hbm>>
        tpu.enqueue_dma source(%dma_start3A_884 : memref<640xf32, #tpu.memory_space<hbm>>) target(%dma_start3A_883 : memref<640xf32, #tpu.memory_space<vmem>>) target_semaphore(%arg19 : memref<!tpu.dma_semaphore, #tpu.memory_space<semaphore_mem>>)
        %add3A_885 = arith.constant 1 : i32
        %add3A_886 = arith.addi %add3A_214, %add3A_885 : i32
        %mul3A_887 = arith.constant 10240 : i32
        %mul3A_888 = arith.muli %add3A_886, %mul3A_887 : i32
        %add3A_889 = arith.constant 4480 : i32
        %add3A_890 = arith.addi %mul3A_888, %add3A_889 : i32
        %dma_start3A_891 = arith.constant 4536 : i32
        %dma_start3A_892 = tpu.memref_slice %arg8[%dma_start3A_891] : memref<10368xf32, #tpu.memory_space<vmem>> -> memref<640xf32, #tpu.memory_space<vmem>>
        %dma_start3A_893 = tpu.memref_slice %arg2[%add3A_890] : memref<41943040xf32, #tpu.memory_space<hbm>> -> memref<640xf32, #tpu.memory_space<hbm>>
        %dma_start3A_894 = arith.constant 4536 : i32
        %dma_start3A_895 = tpu.memref_slice %arg8[%dma_start3A_894] : memref<10368xf32, #tpu.memory_space<vmem>> -> memref<640xf32, #tpu.memory_space<vmem>>
        %dma_start3A_896 = tpu.memref_slice %arg2[%add3A_890] : memref<41943040xf32, #tpu.memory_space<hbm>> -> memref<640xf32, #tpu.memory_space<hbm>>
        tpu.enqueue_dma source(%dma_start3A_896 : memref<640xf32, #tpu.memory_space<hbm>>) target(%dma_start3A_895 : memref<640xf32, #tpu.memory_space<vmem>>) target_semaphore(%arg19 : memref<!tpu.dma_semaphore, #tpu.memory_space<semaphore_mem>>)
        %add3A_897 = arith.constant 1 : i32
        %add3A_898 = arith.addi %add3A_214, %add3A_897 : i32
        %mul3A_899 = arith.constant 10240 : i32
        %mul3A_900 = arith.muli %add3A_898, %mul3A_899 : i32
        %add3A_901 = arith.constant 5120 : i32
        %add3A_902 = arith.addi %mul3A_900, %add3A_901 : i32
        %dma_start3A_903 = arith.constant 5184 : i32
        %dma_start3A_904 = tpu.memref_slice %arg8[%dma_start3A_903] : memref<10368xf32, #tpu.memory_space<vmem>> -> memref<640xf32, #tpu.memory_space<vmem>>
        %dma_start3A_905 = tpu.memref_slice %arg2[%add3A_902] : memref<41943040xf32, #tpu.memory_space<hbm>> -> memref<640xf32, #tpu.memory_space<hbm>>
        %dma_start3A_906 = arith.constant 5184 : i32
        %dma_start3A_907 = tpu.memref_slice %arg8[%dma_start3A_906] : memref<10368xf32, #tpu.memory_space<vmem>> -> memref<640xf32, #tpu.memory_space<vmem>>
        %dma_start3A_908 = tpu.memref_slice %arg2[%add3A_902] : memref<41943040xf32, #tpu.memory_space<hbm>> -> memref<640xf32, #tpu.memory_space<hbm>>
        tpu.enqueue_dma source(%dma_start3A_908 : memref<640xf32, #tpu.memory_space<hbm>>) target(%dma_start3A_907 : memref<640xf32, #tpu.memory_space<vmem>>) target_semaphore(%arg19 : memref<!tpu.dma_semaphore, #tpu.memory_space<semaphore_mem>>)
        %add3A_909 = arith.constant 1 : i32
        %add3A_910 = arith.addi %add3A_214, %add3A_909 : i32
        %mul3A_911 = arith.constant 10240 : i32
        %mul3A_912 = arith.muli %add3A_910, %mul3A_911 : i32
        %add3A_913 = arith.constant 5760 : i32
        %add3A_914 = arith.addi %mul3A_912, %add3A_913 : i32
        %dma_start3A_915 = arith.constant 5832 : i32
        %dma_start3A_916 = tpu.memref_slice %arg8[%dma_start3A_915] : memref<10368xf32, #tpu.memory_space<vmem>> -> memref<640xf32, #tpu.memory_space<vmem>>
        %dma_start3A_917 = tpu.memref_slice %arg2[%add3A_914] : memref<41943040xf32, #tpu.memory_space<hbm>> -> memref<640xf32, #tpu.memory_space<hbm>>
        %dma_start3A_918 = arith.constant 5832 : i32
        %dma_start3A_919 = tpu.memref_slice %arg8[%dma_start3A_918] : memref<10368xf32, #tpu.memory_space<vmem>> -> memref<640xf32, #tpu.memory_space<vmem>>
        %dma_start3A_920 = tpu.memref_slice %arg2[%add3A_914] : memref<41943040xf32, #tpu.memory_space<hbm>> -> memref<640xf32, #tpu.memory_space<hbm>>
        tpu.enqueue_dma source(%dma_start3A_920 : memref<640xf32, #tpu.memory_space<hbm>>) target(%dma_start3A_919 : memref<640xf32, #tpu.memory_space<vmem>>) target_semaphore(%arg19 : memref<!tpu.dma_semaphore, #tpu.memory_space<semaphore_mem>>)
        %add3A_921 = arith.constant 1 : i32
        %add3A_922 = arith.addi %add3A_214, %add3A_921 : i32
        %mul3A_923 = arith.constant 10240 : i32
        %mul3A_924 = arith.muli %add3A_922, %mul3A_923 : i32
        %add3A_925 = arith.constant 6400 : i32
        %add3A_926 = arith.addi %mul3A_924, %add3A_925 : i32
        %dma_start3A_927 = arith.constant 6480 : i32
        %dma_start3A_928 = tpu.memref_slice %arg8[%dma_start3A_927] : memref<10368xf32, #tpu.memory_space<vmem>> -> memref<640xf32, #tpu.memory_space<vmem>>
        %dma_start3A_929 = tpu.memref_slice %arg2[%add3A_926] : memref<41943040xf32, #tpu.memory_space<hbm>> -> memref<640xf32, #tpu.memory_space<hbm>>
        %dma_start3A_930 = arith.constant 6480 : i32
        %dma_start3A_931 = tpu.memref_slice %arg8[%dma_start3A_930] : memref<10368xf32, #tpu.memory_space<vmem>> -> memref<640xf32, #tpu.memory_space<vmem>>
        %dma_start3A_932 = tpu.memref_slice %arg2[%add3A_926] : memref<41943040xf32, #tpu.memory_space<hbm>> -> memref<640xf32, #tpu.memory_space<hbm>>
        tpu.enqueue_dma source(%dma_start3A_932 : memref<640xf32, #tpu.memory_space<hbm>>) target(%dma_start3A_931 : memref<640xf32, #tpu.memory_space<vmem>>) target_semaphore(%arg19 : memref<!tpu.dma_semaphore, #tpu.memory_space<semaphore_mem>>)
        %add3A_933 = arith.constant 1 : i32
        %add3A_934 = arith.addi %add3A_214, %add3A_933 : i32
        %mul3A_935 = arith.constant 10240 : i32
        %mul3A_936 = arith.muli %add3A_934, %mul3A_935 : i32
        %add3A_937 = arith.constant 7040 : i32
        %add3A_938 = arith.addi %mul3A_936, %add3A_937 : i32
        %dma_start3A_939 = arith.constant 7128 : i32
        %dma_start3A_940 = tpu.memref_slice %arg8[%dma_start3A_939] : memref<10368xf32, #tpu.memory_space<vmem>> -> memref<640xf32, #tpu.memory_space<vmem>>
        %dma_start3A_941 = tpu.memref_slice %arg2[%add3A_938] : memref<41943040xf32, #tpu.memory_space<hbm>> -> memref<640xf32, #tpu.memory_space<hbm>>
        %dma_start3A_942 = arith.constant 7128 : i32
        %dma_start3A_943 = tpu.memref_slice %arg8[%dma_start3A_942] : memref<10368xf32, #tpu.memory_space<vmem>> -> memref<640xf32, #tpu.memory_space<vmem>>
        %dma_start3A_944 = tpu.memref_slice %arg2[%add3A_938] : memref<41943040xf32, #tpu.memory_space<hbm>> -> memref<640xf32, #tpu.memory_space<hbm>>
        tpu.enqueue_dma source(%dma_start3A_944 : memref<640xf32, #tpu.memory_space<hbm>>) target(%dma_start3A_943 : memref<640xf32, #tpu.memory_space<vmem>>) target_semaphore(%arg19 : memref<!tpu.dma_semaphore, #tpu.memory_space<semaphore_mem>>)
        %add3A_945 = arith.constant 1 : i32
        %add3A_946 = arith.addi %add3A_214, %add3A_945 : i32
        %mul3A_947 = arith.constant 10240 : i32
        %mul3A_948 = arith.muli %add3A_946, %mul3A_947 : i32
        %add3A_949 = arith.constant 7680 : i32
        %add3A_950 = arith.addi %mul3A_948, %add3A_949 : i32
        %dma_start3A_951 = arith.constant 7776 : i32
        %dma_start3A_952 = tpu.memref_slice %arg8[%dma_start3A_951] : memref<10368xf32, #tpu.memory_space<vmem>> -> memref<640xf32, #tpu.memory_space<vmem>>
        %dma_start3A_953 = tpu.memref_slice %arg2[%add3A_950] : memref<41943040xf32, #tpu.memory_space<hbm>> -> memref<640xf32, #tpu.memory_space<hbm>>
        %dma_start3A_954 = arith.constant 7776 : i32
        %dma_start3A_955 = tpu.memref_slice %arg8[%dma_start3A_954] : memref<10368xf32, #tpu.memory_space<vmem>> -> memref<640xf32, #tpu.memory_space<vmem>>
        %dma_start3A_956 = tpu.memref_slice %arg2[%add3A_950] : memref<41943040xf32, #tpu.memory_space<hbm>> -> memref<640xf32, #tpu.memory_space<hbm>>
        tpu.enqueue_dma source(%dma_start3A_956 : memref<640xf32, #tpu.memory_space<hbm>>) target(%dma_start3A_955 : memref<640xf32, #tpu.memory_space<vmem>>) target_semaphore(%arg19 : memref<!tpu.dma_semaphore, #tpu.memory_space<semaphore_mem>>)
        %add3A_957 = arith.constant 1 : i32
        %add3A_958 = arith.addi %add3A_214, %add3A_957 : i32
        %mul3A_959 = arith.constant 10240 : i32
        %mul3A_960 = arith.muli %add3A_958, %mul3A_959 : i32
        %add3A_961 = arith.constant 8320 : i32
        %add3A_962 = arith.addi %mul3A_960, %add3A_961 : i32
        %dma_start3A_963 = arith.constant 8424 : i32
        %dma_start3A_964 = tpu.memref_slice %arg8[%dma_start3A_963] : memref<10368xf32, #tpu.memory_space<vmem>> -> memref<640xf32, #tpu.memory_space<vmem>>
        %dma_start3A_965 = tpu.memref_slice %arg2[%add3A_962] : memref<41943040xf32, #tpu.memory_space<hbm>> -> memref<640xf32, #tpu.memory_space<hbm>>
        %dma_start3A_966 = arith.constant 8424 : i32
        %dma_start3A_967 = tpu.memref_slice %arg8[%dma_start3A_966] : memref<10368xf32, #tpu.memory_space<vmem>> -> memref<640xf32, #tpu.memory_space<vmem>>
        %dma_start3A_968 = tpu.memref_slice %arg2[%add3A_962] : memref<41943040xf32, #tpu.memory_space<hbm>> -> memref<640xf32, #tpu.memory_space<hbm>>
        tpu.enqueue_dma source(%dma_start3A_968 : memref<640xf32, #tpu.memory_space<hbm>>) target(%dma_start3A_967 : memref<640xf32, #tpu.memory_space<vmem>>) target_semaphore(%arg19 : memref<!tpu.dma_semaphore, #tpu.memory_space<semaphore_mem>>)
        %add3A_969 = arith.constant 1 : i32
        %add3A_970 = arith.addi %add3A_214, %add3A_969 : i32
        %mul3A_971 = arith.constant 10240 : i32
        %mul3A_972 = arith.muli %add3A_970, %mul3A_971 : i32
        %add3A_973 = arith.constant 8960 : i32
        %add3A_974 = arith.addi %mul3A_972, %add3A_973 : i32
        %dma_start3A_975 = arith.constant 9072 : i32
        %dma_start3A_976 = tpu.memref_slice %arg8[%dma_start3A_975] : memref<10368xf32, #tpu.memory_space<vmem>> -> memref<640xf32, #tpu.memory_space<vmem>>
        %dma_start3A_977 = tpu.memref_slice %arg2[%add3A_974] : memref<41943040xf32, #tpu.memory_space<hbm>> -> memref<640xf32, #tpu.memory_space<hbm>>
        %dma_start3A_978 = arith.constant 9072 : i32
        %dma_start3A_979 = tpu.memref_slice %arg8[%dma_start3A_978] : memref<10368xf32, #tpu.memory_space<vmem>> -> memref<640xf32, #tpu.memory_space<vmem>>
        %dma_start3A_980 = tpu.memref_slice %arg2[%add3A_974] : memref<41943040xf32, #tpu.memory_space<hbm>> -> memref<640xf32, #tpu.memory_space<hbm>>
        tpu.enqueue_dma source(%dma_start3A_980 : memref<640xf32, #tpu.memory_space<hbm>>) target(%dma_start3A_979 : memref<640xf32, #tpu.memory_space<vmem>>) target_semaphore(%arg19 : memref<!tpu.dma_semaphore, #tpu.memory_space<semaphore_mem>>)
        %add3A_981 = arith.constant 1 : i32
        %add3A_982 = arith.addi %add3A_214, %add3A_981 : i32
        %mul3A_983 = arith.constant 10240 : i32
        %mul3A_984 = arith.muli %add3A_982, %mul3A_983 : i32
        %add3A_985 = arith.constant 9600 : i32
        %add3A_986 = arith.addi %mul3A_984, %add3A_985 : i32
        %dma_start3A_987 = arith.constant 9720 : i32
        %dma_start3A_988 = tpu.memref_slice %arg8[%dma_start3A_987] : memref<10368xf32, #tpu.memory_space<vmem>> -> memref<640xf32, #tpu.memory_space<vmem>>
        %dma_start3A_989 = tpu.memref_slice %arg2[%add3A_986] : memref<41943040xf32, #tpu.memory_space<hbm>> -> memref<640xf32, #tpu.memory_space<hbm>>
        %dma_start3A_990 = arith.constant 9720 : i32
        %dma_start3A_991 = tpu.memref_slice %arg8[%dma_start3A_990] : memref<10368xf32, #tpu.memory_space<vmem>> -> memref<640xf32, #tpu.memory_space<vmem>>
        %dma_start3A_992 = tpu.memref_slice %arg2[%add3A_986] : memref<41943040xf32, #tpu.memory_space<hbm>> -> memref<640xf32, #tpu.memory_space<hbm>>
        tpu.enqueue_dma source(%dma_start3A_992 : memref<640xf32, #tpu.memory_space<hbm>>) target(%dma_start3A_991 : memref<640xf32, #tpu.memory_space<vmem>>) target_semaphore(%arg19 : memref<!tpu.dma_semaphore, #tpu.memory_space<semaphore_mem>>)
      } else {
      }
      %scan3A_227 = arith.constant 0 : i32
      %scan3A_228 = arith.constant 0 : i32
      %scan3A_229 = arith.constant 40 : i32
      %scan3A_230 = arith.addi %scan3A_228, %scan3A_229 : i32
      %scan3A_231 = arith.constant 1 : i32
      scf.for %scan3A_801 = %scan3A_228 to %scan3A_230 step %scan3A_231  : i32 {
        %mul3A_802 = arith.constant 16 : i32
        %mul3A_803 = arith.muli %scan3A_801, %mul3A_802 : i32
        %add3A_804 = arith.constant 0 : i32
        %add3A_805 = arith.addi %add3A_804, %mul3A_803 : i32
        %get3A_806 = arith.index_cast %add3A_805 : i32 to index
        %get3A_807 = tpu.vector_load %arg7[%get3A_806] {strides = array<i32>} : memref<10368xf32, #tpu.memory_space<vmem>>, vector<16xf32>,
        %mul3A_808 = arith.constant 16 : i32
        %mul3A_809 = arith.muli %scan3A_801, %mul3A_808 : i32
        %add3A_810 = arith.constant 648 : i32
        %add3A_811 = arith.addi %add3A_810, %mul3A_809 : i32
        %get3A_812 = arith.index_cast %add3A_811 : i32 to index
        %get3A_813 = tpu.vector_load %arg7[%get3A_812] {strides = array<i32>} : memref<10368xf32, #tpu.memory_space<vmem>>, vector<16xf32>,
        %mul3A_814 = arith.constant 16 : i32
        %mul3A_815 = arith.muli %scan3A_801, %mul3A_814 : i32
        %add3A_816 = arith.constant 1296 : i32
        %add3A_817 = arith.addi %add3A_816, %mul3A_815 : i32
        %get3A_818 = arith.index_cast %add3A_817 : i32 to index
        %get3A_819 = tpu.vector_load %arg7[%get3A_818] {strides = array<i32>} : memref<10368xf32, #tpu.memory_space<vmem>>, vector<16xf32>,
        %mul3A_820 = arith.constant 16 : i32
        %mul3A_821 = arith.muli %scan3A_801, %mul3A_820 : i32
        %add3A_822 = arith.constant 1944 : i32
        %add3A_823 = arith.addi %add3A_822, %mul3A_821 : i32
        %get3A_824 = arith.index_cast %add3A_823 : i32 to index
        %get3A_825 = tpu.vector_load %arg7[%get3A_824] {strides = array<i32>} : memref<10368xf32, #tpu.memory_space<vmem>>, vector<16xf32>,
        %mul3A_826 = arith.constant 16 : i32
        %mul3A_827 = arith.muli %scan3A_801, %mul3A_826 : i32
        %add3A_828 = arith.constant 2592 : i32
        %add3A_829 = arith.addi %add3A_828, %mul3A_827 : i32
        %get3A_830 = arith.index_cast %add3A_829 : i32 to index
        %get3A_831 = tpu.vector_load %arg7[%get3A_830] {strides = array<i32>} : memref<10368xf32, #tpu.memory_space<vmem>>, vector<16xf32>,
        %mul3A_832 = arith.constant 16 : i32
        %mul3A_833 = arith.muli %scan3A_801, %mul3A_832 : i32
        %add3A_834 = arith.constant 3240 : i32
        %add3A_835 = arith.addi %add3A_834, %mul3A_833 : i32
        %get3A_836 = arith.index_cast %add3A_835 : i32 to index
        %get3A_837 = tpu.vector_load %arg7[%get3A_836] {strides = array<i32>} : memref<10368xf32, #tpu.memory_space<vmem>>, vector<16xf32>,
        %mul3A_838 = arith.constant 16 : i32
        %mul3A_839 = arith.muli %scan3A_801, %mul3A_838 : i32
        %add3A_840 = arith.constant 3888 : i32
        %add3A_841 = arith.addi %add3A_840, %mul3A_839 : i32
        %get3A_842 = arith.index_cast %add3A_841 : i32 to index
        %get3A_843 = tpu.vector_load %arg7[%get3A_842] {strides = array<i32>} : memref<10368xf32, #tpu.memory_space<vmem>>, vector<16xf32>,
        %mul3A_844 = arith.constant 16 : i32
        %mul3A_845 = arith.muli %scan3A_801, %mul3A_844 : i32
        %add3A_846 = arith.constant 4536 : i32
        %add3A_847 = arith.addi %add3A_846, %mul3A_845 : i32
        %get3A_848 = arith.index_cast %add3A_847 : i32 to index
        %get3A_849 = tpu.vector_load %arg7[%get3A_848] {strides = array<i32>} : memref<10368xf32, #tpu.memory_space<vmem>>, vector<16xf32>,
        %mul3A_850 = arith.constant 16 : i32
        %mul3A_851 = arith.muli %scan3A_801, %mul3A_850 : i32
        %add3A_852 = arith.constant 5184 : i32
        %add3A_853 = arith.addi %add3A_852, %mul3A_851 : i32
        %get3A_854 = arith.index_cast %add3A_853 : i32 to index
        %get3A_855 = tpu.vector_load %arg7[%get3A_854] {strides = array<i32>} : memref<10368xf32, #tpu.memory_space<vmem>>, vector<16xf32>,
        %mul3A_856 = arith.constant 16 : i32
        %mul3A_857 = arith.muli %scan3A_801, %mul3A_856 : i32
        %add3A_858 = arith.constant 5832 : i32
        %add3A_859 = arith.addi %add3A_858, %mul3A_857 : i32
        %get3A_860 = arith.index_cast %add3A_859 : i32 to index
        %get3A_861 = tpu.vector_load %arg7[%get3A_860] {strides = array<i32>} : memref<10368xf32, #tpu.memory_space<vmem>>, vector<16xf32>,
        %mul3A_862 = arith.constant 16 : i32
        %mul3A_863 = arith.muli %scan3A_801, %mul3A_862 : i32
        %add3A_864 = arith.constant 6480 : i32
        %add3A_865 = arith.addi %add3A_864, %mul3A_863 : i32
        %get3A_866 = arith.index_cast %add3A_865 : i32 to index
        %get3A_867 = tpu.vector_load %arg7[%get3A_866] {strides = array<i32>} : memref<10368xf32, #tpu.memory_space<vmem>>, vector<16xf32>,
        %mul3A_868 = arith.constant 16 : i32
        %mul3A_869 = arith.muli %scan3A_801, %mul3A_868 : i32
        %add3A_870 = arith.constant 7128 : i32
        %add3A_871 = arith.addi %add3A_870, %mul3A_869 : i32
        %get3A_872 = arith.index_cast %add3A_871 : i32 to index
        %get3A_873 = tpu.vector_load %arg7[%get3A_872] {strides = array<i32>} : memref<10368xf32, #tpu.memory_space<vmem>>, vector<16xf32>,
        %mul3A_874 = arith.constant 16 : i32
        %mul3A_875 = arith.muli %scan3A_801, %mul3A_874 : i32
        %add3A_876 = arith.constant 7776 : i32
        %add3A_877 = arith.addi %add3A_876, %mul3A_875 : i32
        %get3A_878 = arith.index_cast %add3A_877 : i32 to index
        %get3A_879 = tpu.vector_load %arg7[%get3A_878] {strides = array<i32>} : memref<10368xf32, #tpu.memory_space<vmem>>, vector<16xf32>,
        %mul3A_880 = arith.constant 16 : i32
        %mul3A_881 = arith.muli %scan3A_801, %mul3A_880 : i32
        %add3A_882 = arith.constant 8424 : i32
        %add3A_883 = arith.addi %add3A_882, %mul3A_881 : i32
        %get3A_884 = arith.index_cast %add3A_883 : i32 to index
        %get3A_885 = tpu.vector_load %arg7[%get3A_884] {strides = array<i32>} : memref<10368xf32, #tpu.memory_space<vmem>>, vector<16xf32>,
        %mul3A_886 = arith.constant 16 : i32
        %mul3A_887 = arith.muli %scan3A_801, %mul3A_886 : i32
        %add3A_888 = arith.constant 9072 : i32
        %add3A_889 = arith.addi %add3A_888, %mul3A_887 : i32
        %get3A_890 = arith.index_cast %add3A_889 : i32 to index
        %get3A_891 = tpu.vector_load %arg7[%get3A_890] {strides = array<i32>} : memref<10368xf32, #tpu.memory_space<vmem>>, vector<16xf32>,
        %mul3A_892 = arith.constant 16 : i32
        %mul3A_893 = arith.muli %scan3A_801, %mul3A_892 : i32
        %add3A_894 = arith.constant 9720 : i32
        %add3A_895 = arith.addi %add3A_894, %mul3A_893 : i32
        %get3A_896 = arith.index_cast %add3A_895 : i32 to index
        %get3A_897 = tpu.vector_load %arg7[%get3A_896] {strides = array<i32>} : memref<10368xf32, #tpu.memory_space<vmem>>, vector<16xf32>,
        %max3A = arith.maximumf %get3A_807, %get3A_813 : vector<16xf32>
        %max3A_898 = arith.maximumf %get3A_819, %get3A_825 : vector<16xf32>
        %max3A_899 = arith.maximumf %get3A_831, %get3A_837 : vector<16xf32>
        %max3A_900 = arith.maximumf %get3A_843, %get3A_849 : vector<16xf32>
        %max3A_901 = arith.maximumf %get3A_855, %get3A_861 : vector<16xf32>
        %max3A_902 = arith.maximumf %get3A_867, %get3A_873 : vector<16xf32>
        %max3A_903 = arith.maximumf %get3A_879, %get3A_885 : vector<16xf32>
        %max3A_904 = arith.maximumf %get3A_891, %get3A_897 : vector<16xf32>
        %max3A_905 = arith.maximumf %max3A, %max3A_898 : vector<16xf32>
        %max3A_906 = arith.maximumf %max3A_899, %max3A_900 : vector<16xf32>
        %max3A_907 = arith.maximumf %max3A_901, %max3A_902 : vector<16xf32>
        %max3A_908 = arith.maximumf %max3A_903, %max3A_904 : vector<16xf32>
        %max3A_909 = arith.maximumf %max3A_905, %max3A_906 : vector<16xf32>
        %max3A_910 = arith.maximumf %max3A_907, %max3A_908 : vector<16xf32>
        %max3A_911 = arith.maximumf %max3A_909, %max3A_910 : vector<16xf32>
        %mul3A_912 = arith.constant 16 : i32
        %mul3A_913 = arith.muli %scan3A_801, %mul3A_912 : i32
        %swap3A_914 = arith.index_cast %mul3A_913 : i32 to index
        %swap3A_915 = tpu.vector_load %arg9[%swap3A_914] {strides = array<i32>} : memref<640xf32, #tpu.memory_space<vmem>>, vector<16xf32>,
        tpu.vector_store %arg9[%swap3A_914], %max3A_911 {strides = array<i32>} : memref<640xf32, #tpu.memory_space<vmem>>, vector<16xf32>,
      }
      %scan3A_232 = arith.constant 40 : i32
      %scan3A_233 = arith.constant 0 : i32
      %scan3A_234 = arith.constant 0 : i32
      %scan3A_235 = arith.constant 40 : i32
      %scan3A_236 = arith.addi %scan3A_234, %scan3A_235 : i32
      %scan3A_237 = arith.constant 1 : i32
      %scan3A_238:6 = scf.for %scan3A_801 = %scan3A_234 to %scan3A_236 step %scan3A_237 iter_args(%scan3A_802 = %scan3A_233, %scan3A_803 = %broadcast_in_dim3A_3, %scan3A_804 = %broadcast_in_dim3A_3, %scan3A_805 = %broadcast_in_dim3A_5, %scan3A_806 = %broadcast_in_dim3A_3, %scan3A_807 = %broadcast_in_dim3A_5) -> (i32, vector<16xf32>, vector<16xf32>, vector<16xi32>, vector<16xf32>, vector<16xi32>)  : i32 {
        %mul3A_808 = arith.constant 16 : i32
        %mul3A_809 = arith.muli %scan3A_801, %mul3A_808 : i32
        %get3A_810 = arith.index_cast %mul3A_809 : i32 to index
        %get3A_811 = tpu.vector_load %arg9[%get3A_810] {strides = array<i32>} : memref<640xf32, #tpu.memory_space<vmem>>, vector<16xf32>,
        %gt3A = arith.cmpf ogt, %get3A_811, %scan3A_803 : vector<16xf32>
        %all_reduce_population_count3A = tpu.all_reduce %gt3A {dim = 0 : i64, kind = #tpu.reduction_kind<sum>} : vector<16xi1> -> vector<16xi32>
        %slice3A_812 = vector.extract_strided_slice %all_reduce_population_count3A {offsets = [0], sizes = [1], strides = [1]} : vector<16xi32> to vector<1xi32>
        %squeeze3A_813 = vector.extract %slice3A_812[0] : i32 from vector<1xi32>
        %while3A = arith.constant 0 : i32
        %while3A_814 = arith.subi %squeeze3A_813, %while3A : i32
        %while3A_815 = arith.addi %while3A, %while3A_814 : i32
        %while3A_816 = arith.constant 1 : i32
        %while3A_817 = arith.divsi %while3A_814, %while3A_816 : i32
        %while3A_818 = arith.muli %while3A_817, %while3A_816 : i32
        %while3A_819 = arith.addi %while3A, %while3A_818 : i32
        %while3A_820 = arith.constant 1 : i32
        %while3A_821:7 = scf.for %while3A_824 = %while3A to %while3A_819 step %while3A_820 iter_args(%while3A_825 = %gt3A, %while3A_826 = %scan3A_802, %while3A_827 = %scan3A_803, %while3A_828 = %scan3A_804, %while3A_829 = %scan3A_805, %while3A_830 = %scan3A_806, %while3A_831 = %scan3A_807) -> (vector<16xi1>, i32, vector<16xf32>, vector<16xf32>, vector<16xi32>, vector<16xf32>, vector<16xi32>)  : i32 {
          %all_reduce_ffs3A = tpu.all_reduce %while3A_825 {dim = 0 : i64, kind = #tpu.reduction_kind<find_first_set>} : vector<16xi1> -> vector<16xi32>
          %ne3A = arith.cmpi ne, %iota3A, %all_reduce_ffs3A : vector<16xi32>
          %and3A = arith.andi %while3A_825, %ne3A : vector<16xi1>
          %mul3A_832 = arith.constant 16 : i32
          %mul3A_833 = arith.muli %scan3A_801, %mul3A_832 : i32
          %add3A_834 = vector.broadcast %mul3A_833 : i32 to vector<16xi32>
          %add3A_835 = arith.addi %add3A_834, %all_reduce_ffs3A : vector<16xi32>
          %add3A_836 = arith.addi %mul3A_11, %add3A_835 : vector<16xi32>
          %gather3A_837 = tpu.vector_load_idx %arg7[%add3A_836] : memref<10368xf32, #tpu.memory_space<vmem>>[vector<16xi32>], vector<16xf32>,
          %gt3A_838 = arith.cmpf ogt, %gather3A_837, %while3A_827 : vector<16xf32>
          %all_reduce_population_count3A_839 = tpu.all_reduce %gt3A_838 {dim = 0 : i64, kind = #tpu.reduction_kind<sum>} : vector<16xi1> -> vector<16xi32>
          %slice3A_840 = vector.extract_strided_slice %all_reduce_population_count3A_839 {offsets = [0], sizes = [1], strides = [1]} : vector<16xi32> to vector<1xi32>
          %squeeze3A_841 = vector.extract %slice3A_840[0] : i32 from vector<1xi32>
          %swap3A_842 = arith.index_cast %while3A_826 : i32 to index
          %swap3A_843 = tpu.vector_load %arg10[%swap3A_842] masked %gt3A_838 {strides = array<i32>} : memref<64xf32, #tpu.memory_space<vmem>>, vector<16xf32>, vector<16xi1>
          tpu.vector_store %arg10[%swap3A_842], %gather3A_837 masked %gt3A_838 {strides = array<i32>} : memref<64xf32, #tpu.memory_space<vmem>>, vector<16xf32>, vector<16xi1>
          %add3A_844 = arith.addi %mul3A_8, %add3A_835 : vector<16xi32>
          %swap3A_845 = arith.index_cast %while3A_826 : i32 to index
          %swap3A_846 = tpu.vector_load %arg11[%swap3A_845] masked %gt3A_838 {strides = array<i32>} : memref<64xi32, #tpu.memory_space<vmem>>, vector<16xi32>, vector<16xi1>
          tpu.vector_store %arg11[%swap3A_845], %add3A_844 masked %gt3A_838 {strides = array<i32>} : memref<64xi32, #tpu.memory_space<vmem>>, vector<16xi32>, vector<16xi1>
          %add3A_847 = arith.addi %while3A_826, %squeeze3A_841 : i32
          %ge3A_848 = arith.constant 48 : i32
          %ge3A_849 = arith.cmpi sge, %add3A_847, %ge3A_848 : i32
          %convert_element_type3A_850 = arith.extui %ge3A_849 : i1 to i32
          %cond3A_851 = arith.constant 0 : i32
          %cond3A_852 = arith.cmpi ne, %convert_element_type3A_850, %cond3A_851 : i32
          %cond3A_853:6 = scf.if %cond3A_852 -> (i32, vector<16xf32>, vector<16xf32>, vector<16xi32>, vector<16xf32>, vector<16xi32>) {
            %broadcast_in_dim3A_854 = vector.broadcast %add3A_847 : i32 to vector<16xi32>
            %add3A_855 = arith.constant 0 : i32
            %add3A_856 = vector.broadcast %add3A_855 : i32 to vector<16xi32>
            %add3A_857 = arith.addi %iota3A, %add3A_856 : vector<16xi32>
            %lt3A_858 = arith.cmpi slt, %add3A_857, %broadcast_in_dim3A_854 : vector<16xi32>
            %get3A_859 = arith.constant 0 : index
            %get3A_860 = tpu.vector_load %arg10[%get3A_859] {strides = array<i32>} : memref<64xf32, #tpu.memory_space<vmem>>, vector<16xf32>,
            %select_n3A_861 = arith.select %lt3A_858, %get3A_860, %broadcast_in_dim3A_3 : vector<16xi1>, vector<16xf32>
            %get3A_862 = arith.constant 0 : index
            %get3A_863 = tpu.vector_load %arg11[%get3A_862] {strides = array<i32>} : memref<64xi32, #tpu.memory_space<vmem>>, vector<16xi32>,
            %masked_sort3A_864 = arith.constant dense<true> : vector<16xi1>
            %masked_sort3A_865, %masked_sort3A_866, %masked_sort3A_867 = tpu.sort %select_n3A_861, %get3A_863 masked %masked_sort3A_864 : (vector<16xf32>, vector<16xi32>, vector<16xi1>) -> (vector<16xi1>, vector<16xf32>, vector<16xi32>)
            %rev3A_868 = arith.constant 15 : i32
            %rev3A_869 = vector.broadcast %rev3A_868 : i32 to vector<16xi32>
            %rev3A_870 = tpu.iota {dimensions = array<i32: 0>} : vector<16xi32>
            %rev3A_871 = arith.subi %rev3A_869, %rev3A_870 : vector<16xi32>
            %rev3A_872 = tpu.dynamic_gather %masked_sort3A_866[%rev3A_871] in [0] : vector<16xf32>, vector<16xi32> -> vector<16xf32>
            %rev3A_873 = arith.constant 15 : i32
            %rev3A_874 = vector.broadcast %rev3A_873 : i32 to vector<16xi32>
            %rev3A_875 = tpu.iota {dimensions = array<i32: 0>} : vector<16xi32>
            %rev3A_876 = arith.subi %rev3A_874, %rev3A_875 : vector<16xi32>
            %rev3A_877 = tpu.dynamic_gather %masked_sort3A_867[%rev3A_876] in [0] : vector<16xi32>, vector<16xi32> -> vector<16xi32>
            %ge3A_878 = arith.cmpf oge, %while3A_828, %rev3A_872 : vector<16xf32>
            %select_n3A_879 = arith.select %ge3A_878, %while3A_828, %rev3A_872 : vector<16xi1>, vector<16xf32>
            %select_n3A_880 = arith.select %ge3A_878, %while3A_829, %rev3A_877 : vector<16xi1>, vector<16xi32>
            %select_n3A_881 = arith.select %ge3A_878, %rev3A_872, %while3A_828 : vector<16xi1>, vector<16xf32>
            %select_n3A_882 = arith.select %ge3A_878, %rev3A_877, %while3A_829 : vector<16xi1>, vector<16xi32>
            %masked_sort3A_883 = arith.constant dense<true> : vector<16xi1>
            %masked_sort3A_884, %masked_sort3A_885, %masked_sort3A_886 = tpu.sort %select_n3A_879, %select_n3A_880 masked %masked_sort3A_883 : (vector<16xf32>, vector<16xi32>, vector<16xi1>) -> (vector<16xi1>, vector<16xf32>, vector<16xi32>)
            %masked_sort3A_887 = arith.constant dense<true> : vector<16xi1>
            %masked_sort3A_888, %masked_sort3A_889, %masked_sort3A_890 = tpu.sort %select_n3A_881, %select_n3A_882 masked %masked_sort3A_887 : (vector<16xf32>, vector<16xi32>, vector<16xi1>) -> (vector<16xi1>, vector<16xf32>, vector<16xi32>)
            %rev3A_891 = arith.constant 15 : i32
            %rev3A_892 = vector.broadcast %rev3A_891 : i32 to vector<16xi32>
            %rev3A_893 = tpu.iota {dimensions = array<i32: 0>} : vector<16xi32>
            %rev3A_894 = arith.subi %rev3A_892, %rev3A_893 : vector<16xi32>
            %rev3A_895 = tpu.dynamic_gather %masked_sort3A_889[%rev3A_894] in [0] : vector<16xf32>, vector<16xi32> -> vector<16xf32>
            %rev3A_896 = arith.constant 15 : i32
            %rev3A_897 = vector.broadcast %rev3A_896 : i32 to vector<16xi32>
            %rev3A_898 = tpu.iota {dimensions = array<i32: 0>} : vector<16xi32>
            %rev3A_899 = arith.subi %rev3A_897, %rev3A_898 : vector<16xi32>
            %rev3A_900 = tpu.dynamic_gather %masked_sort3A_890[%rev3A_899] in [0] : vector<16xi32>, vector<16xi32> -> vector<16xi32>
            %ge3A_901 = arith.cmpf oge, %while3A_830, %rev3A_895 : vector<16xf32>
            %select_n3A_902 = arith.select %ge3A_901, %while3A_830, %rev3A_895 : vector<16xi1>, vector<16xf32>
            %select_n3A_903 = arith.select %ge3A_901, %while3A_831, %rev3A_900 : vector<16xi1>, vector<16xi32>
            %masked_sort3A_904 = arith.constant dense<true> : vector<16xi1>
            %masked_sort3A_905, %masked_sort3A_906, %masked_sort3A_907 = tpu.sort %select_n3A_902, %select_n3A_903 masked %masked_sort3A_904 : (vector<16xf32>, vector<16xi32>, vector<16xi1>) -> (vector<16xi1>, vector<16xf32>, vector<16xi32>)
            %add3A_908 = arith.constant 16 : i32
            %add3A_909 = vector.broadcast %add3A_908 : i32 to vector<16xi32>
            %add3A_910 = arith.addi %iota3A, %add3A_909 : vector<16xi32>
            %lt3A_911 = arith.cmpi slt, %add3A_910, %broadcast_in_dim3A_854 : vector<16xi32>
            %get3A_912 = arith.constant 16 : index
            %get3A_913 = tpu.vector_load %arg10[%get3A_912] {strides = array<i32>} : memref<64xf32, #tpu.memory_space<vmem>>, vector<16xf32>,
            %select_n3A_914 = arith.select %lt3A_911, %get3A_913, %broadcast_in_dim3A_3 : vector<16xi1>, vector<16xf32>
            %get3A_915 = arith.constant 16 : index
            %get3A_916 = tpu.vector_load %arg11[%get3A_915] {strides = array<i32>} : memref<64xi32, #tpu.memory_space<vmem>>, vector<16xi32>,
            %masked_sort3A_917 = arith.constant dense<true> : vector<16xi1>
            %masked_sort3A_918, %masked_sort3A_919, %masked_sort3A_920 = tpu.sort %select_n3A_914, %get3A_916 masked %masked_sort3A_917 : (vector<16xf32>, vector<16xi32>, vector<16xi1>) -> (vector<16xi1>, vector<16xf32>, vector<16xi32>)
            %rev3A_921 = arith.constant 15 : i32
            %rev3A_922 = vector.broadcast %rev3A_921 : i32 to vector<16xi32>
            %rev3A_923 = tpu.iota {dimensions = array<i32: 0>} : vector<16xi32>
            %rev3A_924 = arith.subi %rev3A_922, %rev3A_923 : vector<16xi32>
            %rev3A_925 = tpu.dynamic_gather %masked_sort3A_919[%rev3A_924] in [0] : vector<16xf32>, vector<16xi32> -> vector<16xf32>
            %rev3A_926 = arith.constant 15 : i32
            %rev3A_927 = vector.broadcast %rev3A_926 : i32 to vector<16xi32>
            %rev3A_928 = tpu.iota {dimensions = array<i32: 0>} : vector<16xi32>
            %rev3A_929 = arith.subi %rev3A_927, %rev3A_928 : vector<16xi32>
            %rev3A_930 = tpu.dynamic_gather %masked_sort3A_920[%rev3A_929] in [0] : vector<16xi32>, vector<16xi32> -> vector<16xi32>
            %ge3A_931 = arith.cmpf oge, %masked_sort3A_885, %rev3A_925 : vector<16xf32>
            %select_n3A_932 = arith.select %ge3A_931, %masked_sort3A_885, %rev3A_925 : vector<16xi1>, vector<16xf32>
            %select_n3A_933 = arith.select %ge3A_931, %masked_sort3A_886, %rev3A_930 : vector<16xi1>, vector<16xi32>
            %select_n3A_934 = arith.select %ge3A_931, %rev3A_925, %masked_sort3A_885 : vector<16xi1>, vector<16xf32>
            %select_n3A_935 = arith.select %ge3A_931, %rev3A_930, %masked_sort3A_886 : vector<16xi1>, vector<16xi32>
            %masked_sort3A_936 = arith.constant dense<true> : vector<16xi1>
            %masked_sort3A_937, %masked_sort3A_938, %masked_sort3A_939 = tpu.sort %select_n3A_932, %select_n3A_933 masked %masked_sort3A_936 : (vector<16xf32>, vector<16xi32>, vector<16xi1>) -> (vector<16xi1>, vector<16xf32>, vector<16xi32>)
            %masked_sort3A_940 = arith.constant dense<true> : vector<16xi1>
            %masked_sort3A_941, %masked_sort3A_942, %masked_sort3A_943 = tpu.sort %select_n3A_934, %select_n3A_935 masked %masked_sort3A_940 : (vector<16xf32>, vector<16xi32>, vector<16xi1>) -> (vector<16xi1>, vector<16xf32>, vector<16xi32>)
            %rev3A_944 = arith.constant 15 : i32
            %rev3A_945 = vector.broadcast %rev3A_944 : i32 to vector<16xi32>
            %rev3A_946 = tpu.iota {dimensions = array<i32: 0>} : vector<16xi32>
            %rev3A_947 = arith.subi %rev3A_945, %rev3A_946 : vector<16xi32>
            %rev3A_948 = tpu.dynamic_gather %masked_sort3A_942[%rev3A_947] in [0] : vector<16xf32>, vector<16xi32> -> vector<16xf32>
            %rev3A_949 = arith.constant 15 : i32
            %rev3A_950 = vector.broadcast %rev3A_949 : i32 to vector<16xi32>
            %rev3A_951 = tpu.iota {dimensions = array<i32: 0>} : vector<16xi32>
            %rev3A_952 = arith.subi %rev3A_950, %rev3A_951 : vector<16xi32>
            %rev3A_953 = tpu.dynamic_gather %masked_sort3A_943[%rev3A_952] in [0] : vector<16xi32>, vector<16xi32> -> vector<16xi32>
            %ge3A_954 = arith.cmpf oge, %masked_sort3A_906, %rev3A_948 : vector<16xf32>
            %select_n3A_955 = arith.select %ge3A_954, %masked_sort3A_906, %rev3A_948 : vector<16xi1>, vector<16xf32>
            %select_n3A_956 = arith.select %ge3A_954, %masked_sort3A_907, %rev3A_953 : vector<16xi1>, vector<16xi32>
            %masked_sort3A_957 = arith.constant dense<true> : vector<16xi1>
            %masked_sort3A_958, %masked_sort3A_959, %masked_sort3A_960 = tpu.sort %select_n3A_955, %select_n3A_956 masked %masked_sort3A_957 : (vector<16xf32>, vector<16xi32>, vector<16xi1>) -> (vector<16xi1>, vector<16xf32>, vector<16xi32>)
            %add3A_961 = arith.constant 32 : i32
            %add3A_962 = vector.broadcast %add3A_961 : i32 to vector<16xi32>
            %add3A_963 = arith.addi %iota3A, %add3A_962 : vector<16xi32>
            %lt3A_964 = arith.cmpi slt, %add3A_963, %broadcast_in_dim3A_854 : vector<16xi32>
            %get3A_965 = arith.constant 32 : index
            %get3A_966 = tpu.vector_load %arg10[%get3A_965] {strides = array<i32>} : memref<64xf32, #tpu.memory_space<vmem>>, vector<16xf32>,
            %select_n3A_967 = arith.select %lt3A_964, %get3A_966, %broadcast_in_dim3A_3 : vector<16xi1>, vector<16xf32>
            %get3A_968 = arith.constant 32 : index
            %get3A_969 = tpu.vector_load %arg11[%get3A_968] {strides = array<i32>} : memref<64xi32, #tpu.memory_space<vmem>>, vector<16xi32>,
            %masked_sort3A_970 = arith.constant dense<true> : vector<16xi1>
            %masked_sort3A_971, %masked_sort3A_972, %masked_sort3A_973 = tpu.sort %select_n3A_967, %get3A_969 masked %masked_sort3A_970 : (vector<16xf32>, vector<16xi32>, vector<16xi1>) -> (vector<16xi1>, vector<16xf32>, vector<16xi32>)
            %rev3A_974 = arith.constant 15 : i32
            %rev3A_975 = vector.broadcast %rev3A_974 : i32 to vector<16xi32>
            %rev3A_976 = tpu.iota {dimensions = array<i32: 0>} : vector<16xi32>
            %rev3A_977 = arith.subi %rev3A_975, %rev3A_976 : vector<16xi32>
            %rev3A_978 = tpu.dynamic_gather %masked_sort3A_972[%rev3A_977] in [0] : vector<16xf32>, vector<16xi32> -> vector<16xf32>
            %rev3A_979 = arith.constant 15 : i32
            %rev3A_980 = vector.broadcast %rev3A_979 : i32 to vector<16xi32>
            %rev3A_981 = tpu.iota {dimensions = array<i32: 0>} : vector<16xi32>
            %rev3A_982 = arith.subi %rev3A_980, %rev3A_981 : vector<16xi32>
            %rev3A_983 = tpu.dynamic_gather %masked_sort3A_973[%rev3A_982] in [0] : vector<16xi32>, vector<16xi32> -> vector<16xi32>
            %ge3A_984 = arith.cmpf oge, %masked_sort3A_938, %rev3A_978 : vector<16xf32>
            %select_n3A_985 = arith.select %ge3A_984, %masked_sort3A_938, %rev3A_978 : vector<16xi1>, vector<16xf32>
            %select_n3A_986 = arith.select %ge3A_984, %masked_sort3A_939, %rev3A_983 : vector<16xi1>, vector<16xi32>
            %select_n3A_987 = arith.select %ge3A_984, %rev3A_978, %masked_sort3A_938 : vector<16xi1>, vector<16xf32>
            %select_n3A_988 = arith.select %ge3A_984, %rev3A_983, %masked_sort3A_939 : vector<16xi1>, vector<16xi32>
            %masked_sort3A_989 = arith.constant dense<true> : vector<16xi1>
            %masked_sort3A_990, %masked_sort3A_991, %masked_sort3A_992 = tpu.sort %select_n3A_985, %select_n3A_986 masked %masked_sort3A_989 : (vector<16xf32>, vector<16xi32>, vector<16xi1>) -> (vector<16xi1>, vector<16xf32>, vector<16xi32>)
            %masked_sort3A_993 = arith.constant dense<true> : vector<16xi1>
            %masked_sort3A_994, %masked_sort3A_995, %masked_sort3A_996 = tpu.sort %select_n3A_987, %select_n3A_988 masked %masked_sort3A_993 : (vector<16xf32>, vector<16xi32>, vector<16xi1>) -> (vector<16xi1>, vector<16xf32>, vector<16xi32>)
            %rev3A_997 = arith.constant 15 : i32
            %rev3A_998 = vector.broadcast %rev3A_997 : i32 to vector<16xi32>
            %rev3A_999 = tpu.iota {dimensions = array<i32: 0>} : vector<16xi32>
            %rev3A_1000 = arith.subi %rev3A_998, %rev3A_999 : vector<16xi32>
            %rev3A_1001 = tpu.dynamic_gather %masked_sort3A_995[%rev3A_1000] in [0] : vector<16xf32>, vector<16xi32> -> vector<16xf32>
            %rev3A_1002 = arith.constant 15 : i32
            %rev3A_1003 = vector.broadcast %rev3A_1002 : i32 to vector<16xi32>
            %rev3A_1004 = tpu.iota {dimensions = array<i32: 0>} : vector<16xi32>
            %rev3A_1005 = arith.subi %rev3A_1003, %rev3A_1004 : vector<16xi32>
            %rev3A_1006 = tpu.dynamic_gather %masked_sort3A_996[%rev3A_1005] in [0] : vector<16xi32>, vector<16xi32> -> vector<16xi32>
            %ge3A_1007 = arith.cmpf oge, %masked_sort3A_959, %rev3A_1001 : vector<16xf32>
            %select_n3A_1008 = arith.select %ge3A_1007, %masked_sort3A_959, %rev3A_1001 : vector<16xi1>, vector<16xf32>
            %select_n3A_1009 = arith.select %ge3A_1007, %masked_sort3A_960, %rev3A_1006 : vector<16xi1>, vector<16xi32>
            %masked_sort3A_1010 = arith.constant dense<true> : vector<16xi1>
            %masked_sort3A_1011, %masked_sort3A_1012, %masked_sort3A_1013 = tpu.sort %select_n3A_1008, %select_n3A_1009 masked %masked_sort3A_1010 : (vector<16xf32>, vector<16xi32>, vector<16xi1>) -> (vector<16xi1>, vector<16xf32>, vector<16xi32>)
            %add3A_1014 = arith.constant 48 : i32
            %add3A_1015 = vector.broadcast %add3A_1014 : i32 to vector<16xi32>
            %add3A_1016 = arith.addi %iota3A, %add3A_1015 : vector<16xi32>
            %lt3A_1017 = arith.cmpi slt, %add3A_1016, %broadcast_in_dim3A_854 : vector<16xi32>
            %get3A_1018 = arith.constant 48 : index
            %get3A_1019 = tpu.vector_load %arg10[%get3A_1018] {strides = array<i32>} : memref<64xf32, #tpu.memory_space<vmem>>, vector<16xf32>,
            %select_n3A_1020 = arith.select %lt3A_1017, %get3A_1019, %broadcast_in_dim3A_3 : vector<16xi1>, vector<16xf32>
            %get3A_1021 = arith.constant 48 : index
            %get3A_1022 = tpu.vector_load %arg11[%get3A_1021] {strides = array<i32>} : memref<64xi32, #tpu.memory_space<vmem>>, vector<16xi32>,
            %masked_sort3A_1023 = arith.constant dense<true> : vector<16xi1>
            %masked_sort3A_1024, %masked_sort3A_1025, %masked_sort3A_1026 = tpu.sort %select_n3A_1020, %get3A_1022 masked %masked_sort3A_1023 : (vector<16xf32>, vector<16xi32>, vector<16xi1>) -> (vector<16xi1>, vector<16xf32>, vector<16xi32>)
            %rev3A_1027 = arith.constant 15 : i32
            %rev3A_1028 = vector.broadcast %rev3A_1027 : i32 to vector<16xi32>
            %rev3A_1029 = tpu.iota {dimensions = array<i32: 0>} : vector<16xi32>
            %rev3A_1030 = arith.subi %rev3A_1028, %rev3A_1029 : vector<16xi32>
            %rev3A_1031 = tpu.dynamic_gather %masked_sort3A_1025[%rev3A_1030] in [0] : vector<16xf32>, vector<16xi32> -> vector<16xf32>
            %rev3A_1032 = arith.constant 15 : i32
            %rev3A_1033 = vector.broadcast %rev3A_1032 : i32 to vector<16xi32>
            %rev3A_1034 = tpu.iota {dimensions = array<i32: 0>} : vector<16xi32>
            %rev3A_1035 = arith.subi %rev3A_1033, %rev3A_1034 : vector<16xi32>
            %rev3A_1036 = tpu.dynamic_gather %masked_sort3A_1026[%rev3A_1035] in [0] : vector<16xi32>, vector<16xi32> -> vector<16xi32>
            %ge3A_1037 = arith.cmpf oge, %masked_sort3A_991, %rev3A_1031 : vector<16xf32>
            %select_n3A_1038 = arith.select %ge3A_1037, %masked_sort3A_991, %rev3A_1031 : vector<16xi1>, vector<16xf32>
            %select_n3A_1039 = arith.select %ge3A_1037, %masked_sort3A_992, %rev3A_1036 : vector<16xi1>, vector<16xi32>
            %select_n3A_1040 = arith.select %ge3A_1037, %rev3A_1031, %masked_sort3A_991 : vector<16xi1>, vector<16xf32>
            %select_n3A_1041 = arith.select %ge3A_1037, %rev3A_1036, %masked_sort3A_992 : vector<16xi1>, vector<16xi32>
            %masked_sort3A_1042 = arith.constant dense<true> : vector<16xi1>
            %masked_sort3A_1043, %masked_sort3A_1044, %masked_sort3A_1045 = tpu.sort %select_n3A_1038, %select_n3A_1039 masked %masked_sort3A_1042 : (vector<16xf32>, vector<16xi32>, vector<16xi1>) -> (vector<16xi1>, vector<16xf32>, vector<16xi32>)
            %masked_sort3A_1046 = arith.constant dense<true> : vector<16xi1>
            %masked_sort3A_1047, %masked_sort3A_1048, %masked_sort3A_1049 = tpu.sort %select_n3A_1040, %select_n3A_1041 masked %masked_sort3A_1046 : (vector<16xf32>, vector<16xi32>, vector<16xi1>) -> (vector<16xi1>, vector<16xf32>, vector<16xi32>)
            %rev3A_1050 = arith.constant 15 : i32
            %rev3A_1051 = vector.broadcast %rev3A_1050 : i32 to vector<16xi32>
            %rev3A_1052 = tpu.iota {dimensions = array<i32: 0>} : vector<16xi32>
            %rev3A_1053 = arith.subi %rev3A_1051, %rev3A_1052 : vector<16xi32>
            %rev3A_1054 = tpu.dynamic_gather %masked_sort3A_1048[%rev3A_1053] in [0] : vector<16xf32>, vector<16xi32> -> vector<16xf32>
            %rev3A_1055 = arith.constant 15 : i32
            %rev3A_1056 = vector.broadcast %rev3A_1055 : i32 to vector<16xi32>
            %rev3A_1057 = tpu.iota {dimensions = array<i32: 0>} : vector<16xi32>
            %rev3A_1058 = arith.subi %rev3A_1056, %rev3A_1057 : vector<16xi32>
            %rev3A_1059 = tpu.dynamic_gather %masked_sort3A_1049[%rev3A_1058] in [0] : vector<16xi32>, vector<16xi32> -> vector<16xi32>
            %ge3A_1060 = arith.cmpf oge, %masked_sort3A_1012, %rev3A_1054 : vector<16xf32>
            %select_n3A_1061 = arith.select %ge3A_1060, %masked_sort3A_1012, %rev3A_1054 : vector<16xi1>, vector<16xf32>
            %select_n3A_1062 = arith.select %ge3A_1060, %masked_sort3A_1013, %rev3A_1059 : vector<16xi1>, vector<16xi32>
            %masked_sort3A_1063 = arith.constant dense<true> : vector<16xi1>
            %masked_sort3A_1064, %masked_sort3A_1065, %masked_sort3A_1066 = tpu.sort %select_n3A_1061, %select_n3A_1062 masked %masked_sort3A_1063 : (vector<16xf32>, vector<16xi32>, vector<16xi1>) -> (vector<16xi1>, vector<16xf32>, vector<16xi32>)
            %slice3A_1067 = vector.extract_strided_slice %masked_sort3A_1065 {offsets = [0], sizes = [1], strides = [1]} : vector<16xf32> to vector<1xf32>
            %squeeze3A_1068 = vector.extract %slice3A_1067[0] : f32 from vector<1xf32>
            %broadcast_in_dim3A_1069 = vector.broadcast %squeeze3A_1068 : f32 to vector<16xf32>
            %cond3A_1070 = arith.constant 0 : i32
            scf.yield %cond3A_1070, %broadcast_in_dim3A_1069, %masked_sort3A_1044, %masked_sort3A_1045, %masked_sort3A_1065, %masked_sort3A_1066 : i32, vector<16xf32>, vector<16xf32>, vector<16xi32>, vector<16xf32>, vector<16xi32>
          } else {
            scf.yield %add3A_847, %while3A_827, %while3A_828, %while3A_829, %while3A_830, %while3A_831 : i32, vector<16xf32>, vector<16xf32>, vector<16xi32>, vector<16xf32>, vector<16xi32>
          }
          scf.yield %and3A, %cond3A_853#0, %cond3A_853#1, %cond3A_853#2, %cond3A_853#3, %cond3A_853#4, %cond3A_853#5 : vector<16xi1>, i32, vector<16xf32>, vector<16xf32>, vector<16xi32>, vector<16xf32>, vector<16xi32>
        }
        %while3A_822 = arith.constant 1 : i32
        %while3A_823:7 = scf.for %while3A_824 = %while3A_819 to %while3A_815 step %while3A_822 iter_args(%while3A_825 = %while3A_821#0, %while3A_826 = %while3A_821#1, %while3A_827 = %while3A_821#2, %while3A_828 = %while3A_821#3, %while3A_829 = %while3A_821#4, %while3A_830 = %while3A_821#5, %while3A_831 = %while3A_821#6) -> (vector<16xi1>, i32, vector<16xf32>, vector<16xf32>, vector<16xi32>, vector<16xf32>, vector<16xi32>)  : i32 {
          %all_reduce_ffs3A = tpu.all_reduce %while3A_825 {dim = 0 : i64, kind = #tpu.reduction_kind<find_first_set>} : vector<16xi1> -> vector<16xi32>
          %ne3A = arith.cmpi ne, %iota3A, %all_reduce_ffs3A : vector<16xi32>
          %and3A = arith.andi %while3A_825, %ne3A : vector<16xi1>
          %mul3A_832 = arith.constant 16 : i32
          %mul3A_833 = arith.muli %scan3A_801, %mul3A_832 : i32
          %add3A_834 = vector.broadcast %mul3A_833 : i32 to vector<16xi32>
          %add3A_835 = arith.addi %add3A_834, %all_reduce_ffs3A : vector<16xi32>
          %add3A_836 = arith.addi %mul3A_11, %add3A_835 : vector<16xi32>
          %gather3A_837 = tpu.vector_load_idx %arg7[%add3A_836] : memref<10368xf32, #tpu.memory_space<vmem>>[vector<16xi32>], vector<16xf32>,
          %gt3A_838 = arith.cmpf ogt, %gather3A_837, %while3A_827 : vector<16xf32>
          %all_reduce_population_count3A_839 = tpu.all_reduce %gt3A_838 {dim = 0 : i64, kind = #tpu.reduction_kind<sum>} : vector<16xi1> -> vector<16xi32>
          %slice3A_840 = vector.extract_strided_slice %all_reduce_population_count3A_839 {offsets = [0], sizes = [1], strides = [1]} : vector<16xi32> to vector<1xi32>
          %squeeze3A_841 = vector.extract %slice3A_840[0] : i32 from vector<1xi32>
          %swap3A_842 = arith.index_cast %while3A_826 : i32 to index
          %swap3A_843 = tpu.vector_load %arg10[%swap3A_842] masked %gt3A_838 {strides = array<i32>} : memref<64xf32, #tpu.memory_space<vmem>>, vector<16xf32>, vector<16xi1>
          tpu.vector_store %arg10[%swap3A_842], %gather3A_837 masked %gt3A_838 {strides = array<i32>} : memref<64xf32, #tpu.memory_space<vmem>>, vector<16xf32>, vector<16xi1>
          %add3A_844 = arith.addi %mul3A_8, %add3A_835 : vector<16xi32>
          %swap3A_845 = arith.index_cast %while3A_826 : i32 to index
          %swap3A_846 = tpu.vector_load %arg11[%swap3A_845] masked %gt3A_838 {strides = array<i32>} : memref<64xi32, #tpu.memory_space<vmem>>, vector<16xi32>, vector<16xi1>
          tpu.vector_store %arg11[%swap3A_845], %add3A_844 masked %gt3A_838 {strides = array<i32>} : memref<64xi32, #tpu.memory_space<vmem>>, vector<16xi32>, vector<16xi1>
          %add3A_847 = arith.addi %while3A_826, %squeeze3A_841 : i32
          %ge3A_848 = arith.constant 48 : i32
          %ge3A_849 = arith.cmpi sge, %add3A_847, %ge3A_848 : i32
          %convert_element_type3A_850 = arith.extui %ge3A_849 : i1 to i32
          %cond3A_851 = arith.constant 0 : i32
          %cond3A_852 = arith.cmpi ne, %convert_element_type3A_850, %cond3A_851 : i32
          %cond3A_853:6 = scf.if %cond3A_852 -> (i32, vector<16xf32>, vector<16xf32>, vector<16xi32>, vector<16xf32>, vector<16xi32>) {
            %broadcast_in_dim3A_854 = vector.broadcast %add3A_847 : i32 to vector<16xi32>
            %add3A_855 = arith.constant 0 : i32
            %add3A_856 = vector.broadcast %add3A_855 : i32 to vector<16xi32>
            %add3A_857 = arith.addi %iota3A, %add3A_856 : vector<16xi32>
            %lt3A_858 = arith.cmpi slt, %add3A_857, %broadcast_in_dim3A_854 : vector<16xi32>
            %get3A_859 = arith.constant 0 : index
            %get3A_860 = tpu.vector_load %arg10[%get3A_859] {strides = array<i32>} : memref<64xf32, #tpu.memory_space<vmem>>, vector<16xf32>,
            %select_n3A_861 = arith.select %lt3A_858, %get3A_860, %broadcast_in_dim3A_3 : vector<16xi1>, vector<16xf32>
            %get3A_862 = arith.constant 0 : index
            %get3A_863 = tpu.vector_load %arg11[%get3A_862] {strides = array<i32>} : memref<64xi32, #tpu.memory_space<vmem>>, vector<16xi32>,
            %masked_sort3A_864 = arith.constant dense<true> : vector<16xi1>
            %masked_sort3A_865, %masked_sort3A_866, %masked_sort3A_867 = tpu.sort %select_n3A_861, %get3A_863 masked %masked_sort3A_864 : (vector<16xf32>, vector<16xi32>, vector<16xi1>) -> (vector<16xi1>, vector<16xf32>, vector<16xi32>)
            %rev3A_868 = arith.constant 15 : i32
            %rev3A_869 = vector.broadcast %rev3A_868 : i32 to vector<16xi32>
            %rev3A_870 = tpu.iota {dimensions = array<i32: 0>} : vector<16xi32>
            %rev3A_871 = arith.subi %rev3A_869, %rev3A_870 : vector<16xi32>
            %rev3A_872 = tpu.dynamic_gather %masked_sort3A_866[%rev3A_871] in [0] : vector<16xf32>, vector<16xi32> -> vector<16xf32>
            %rev3A_873 = arith.constant 15 : i32
            %rev3A_874 = vector.broadcast %rev3A_873 : i32 to vector<16xi32>
            %rev3A_875 = tpu.iota {dimensions = array<i32: 0>} : vector<16xi32>
            %rev3A_876 = arith.subi %rev3A_874, %rev3A_875 : vector<16xi32>
            %rev3A_877 = tpu.dynamic_gather %masked_sort3A_867[%rev3A_876] in [0] : vector<16xi32>, vector<16xi32> -> vector<16xi32>
            %ge3A_878 = arith.cmpf oge, %while3A_828, %rev3A_872 : vector<16xf32>
            %select_n3A_879 = arith.select %ge3A_878, %while3A_828, %rev3A_872 : vector<16xi1>, vector<16xf32>
            %select_n3A_880 = arith.select %ge3A_878, %while3A_829, %rev3A_877 : vector<16xi1>, vector<16xi32>
            %select_n3A_881 = arith.select %ge3A_878, %rev3A_872, %while3A_828 : vector<16xi1>, vector<16xf32>
            %select_n3A_882 = arith.select %ge3A_878, %rev3A_877, %while3A_829 : vector<16xi1>, vector<16xi32>
            %masked_sort3A_883 = arith.constant dense<true> : vector<16xi1>
            %masked_sort3A_884, %masked_sort3A_885, %masked_sort3A_886 = tpu.sort %select_n3A_879, %select_n3A_880 masked %masked_sort3A_883 : (vector<16xf32>, vector<16xi32>, vector<16xi1>) -> (vector<16xi1>, vector<16xf32>, vector<16xi32>)
            %masked_sort3A_887 = arith.constant dense<true> : vector<16xi1>
            %masked_sort3A_888, %masked_sort3A_889, %masked_sort3A_890 = tpu.sort %select_n3A_881, %select_n3A_882 masked %masked_sort3A_887 : (vector<16xf32>, vector<16xi32>, vector<16xi1>) -> (vector<16xi1>, vector<16xf32>, vector<16xi32>)
            %rev3A_891 = arith.constant 15 : i32
            %rev3A_892 = vector.broadcast %rev3A_891 : i32 to vector<16xi32>
            %rev3A_893 = tpu.iota {dimensions = array<i32: 0>} : vector<16xi32>
            %rev3A_894 = arith.subi %rev3A_892, %rev3A_893 : vector<16xi32>
            %rev3A_895 = tpu.dynamic_gather %masked_sort3A_889[%rev3A_894] in [0] : vector<16xf32>, vector<16xi32> -> vector<16xf32>
            %rev3A_896 = arith.constant 15 : i32
            %rev3A_897 = vector.broadcast %rev3A_896 : i32 to vector<16xi32>
            %rev3A_898 = tpu.iota {dimensions = array<i32: 0>} : vector<16xi32>
            %rev3A_899 = arith.subi %rev3A_897, %rev3A_898 : vector<16xi32>
            %rev3A_900 = tpu.dynamic_gather %masked_sort3A_890[%rev3A_899] in [0] : vector<16xi32>, vector<16xi32> -> vector<16xi32>
            %ge3A_901 = arith.cmpf oge, %while3A_830, %rev3A_895 : vector<16xf32>
            %select_n3A_902 = arith.select %ge3A_901, %while3A_830, %rev3A_895 : vector<16xi1>, vector<16xf32>
            %select_n3A_903 = arith.select %ge3A_901, %while3A_831, %rev3A_900 : vector<16xi1>, vector<16xi32>
            %masked_sort3A_904 = arith.constant dense<true> : vector<16xi1>
            %masked_sort3A_905, %masked_sort3A_906, %masked_sort3A_907 = tpu.sort %select_n3A_902, %select_n3A_903 masked %masked_sort3A_904 : (vector<16xf32>, vector<16xi32>, vector<16xi1>) -> (vector<16xi1>, vector<16xf32>, vector<16xi32>)
            %add3A_908 = arith.constant 16 : i32
            %add3A_909 = vector.broadcast %add3A_908 : i32 to vector<16xi32>
            %add3A_910 = arith.addi %iota3A, %add3A_909 : vector<16xi32>
            %lt3A_911 = arith.cmpi slt, %add3A_910, %broadcast_in_dim3A_854 : vector<16xi32>
            %get3A_912 = arith.constant 16 : index
            %get3A_913 = tpu.vector_load %arg10[%get3A_912] {strides = array<i32>} : memref<64xf32, #tpu.memory_space<vmem>>, vector<16xf32>,
            %select_n3A_914 = arith.select %lt3A_911, %get3A_913, %broadcast_in_dim3A_3 : vector<16xi1>, vector<16xf32>
            %get3A_915 = arith.constant 16 : index
            %get3A_916 = tpu.vector_load %arg11[%get3A_915] {strides = array<i32>} : memref<64xi32, #tpu.memory_space<vmem>>, vector<16xi32>,
            %masked_sort3A_917 = arith.constant dense<true> : vector<16xi1>
            %masked_sort3A_918, %masked_sort3A_919, %masked_sort3A_920 = tpu.sort %select_n3A_914, %get3A_916 masked %masked_sort3A_917 : (vector<16xf32>, vector<16xi32>, vector<16xi1>) -> (vector<16xi1>, vector<16xf32>, vector<16xi32>)
            %rev3A_921 = arith.constant 15 : i32
            %rev3A_922 = vector.broadcast %rev3A_921 : i32 to vector<16xi32>
            %rev3A_923 = tpu.iota {dimensions = array<i32: 0>} : vector<16xi32>
            %rev3A_924 = arith.subi %rev3A_922, %rev3A_923 : vector<16xi32>
            %rev3A_925 = tpu.dynamic_gather %masked_sort3A_919[%rev3A_924] in [0] : vector<16xf32>, vector<16xi32> -> vector<16xf32>
            %rev3A_926 = arith.constant 15 : i32
            %rev3A_927 = vector.broadcast %rev3A_926 : i32 to vector<16xi32>
            %rev3A_928 = tpu.iota {dimensions = array<i32: 0>} : vector<16xi32>
            %rev3A_929 = arith.subi %rev3A_927, %rev3A_928 : vector<16xi32>
            %rev3A_930 = tpu.dynamic_gather %masked_sort3A_920[%rev3A_929] in [0] : vector<16xi32>, vector<16xi32> -> vector<16xi32>
            %ge3A_931 = arith.cmpf oge, %masked_sort3A_885, %rev3A_925 : vector<16xf32>
            %select_n3A_932 = arith.select %ge3A_931, %masked_sort3A_885, %rev3A_925 : vector<16xi1>, vector<16xf32>
            %select_n3A_933 = arith.select %ge3A_931, %masked_sort3A_886, %rev3A_930 : vector<16xi1>, vector<16xi32>
            %select_n3A_934 = arith.select %ge3A_931, %rev3A_925, %masked_sort3A_885 : vector<16xi1>, vector<16xf32>
            %select_n3A_935 = arith.select %ge3A_931, %rev3A_930, %masked_sort3A_886 : vector<16xi1>, vector<16xi32>
            %masked_sort3A_936 = arith.constant dense<true> : vector<16xi1>
            %masked_sort3A_937, %masked_sort3A_938, %masked_sort3A_939 = tpu.sort %select_n3A_932, %select_n3A_933 masked %masked_sort3A_936 : (vector<16xf32>, vector<16xi32>, vector<16xi1>) -> (vector<16xi1>, vector<16xf32>, vector<16xi32>)
            %masked_sort3A_940 = arith.constant dense<true> : vector<16xi1>
            %masked_sort3A_941, %masked_sort3A_942, %masked_sort3A_943 = tpu.sort %select_n3A_934, %select_n3A_935 masked %masked_sort3A_940 : (vector<16xf32>, vector<16xi32>, vector<16xi1>) -> (vector<16xi1>, vector<16xf32>, vector<16xi32>)
            %rev3A_944 = arith.constant 15 : i32
            %rev3A_945 = vector.broadcast %rev3A_944 : i32 to vector<16xi32>
            %rev3A_946 = tpu.iota {dimensions = array<i32: 0>} : vector<16xi32>
            %rev3A_947 = arith.subi %rev3A_945, %rev3A_946 : vector<16xi32>
            %rev3A_948 = tpu.dynamic_gather %masked_sort3A_942[%rev3A_947] in [0] : vector<16xf32>, vector<16xi32> -> vector<16xf32>
            %rev3A_949 = arith.constant 15 : i32
            %rev3A_950 = vector.broadcast %rev3A_949 : i32 to vector<16xi32>
            %rev3A_951 = tpu.iota {dimensions = array<i32: 0>} : vector<16xi32>
            %rev3A_952 = arith.subi %rev3A_950, %rev3A_951 : vector<16xi32>
            %rev3A_953 = tpu.dynamic_gather %masked_sort3A_943[%rev3A_952] in [0] : vector<16xi32>, vector<16xi32> -> vector<16xi32>
            %ge3A_954 = arith.cmpf oge, %masked_sort3A_906, %rev3A_948 : vector<16xf32>
            %select_n3A_955 = arith.select %ge3A_954, %masked_sort3A_906, %rev3A_948 : vector<16xi1>, vector<16xf32>
            %select_n3A_956 = arith.select %ge3A_954, %masked_sort3A_907, %rev3A_953 : vector<16xi1>, vector<16xi32>
            %masked_sort3A_957 = arith.constant dense<true> : vector<16xi1>
            %masked_sort3A_958, %masked_sort3A_959, %masked_sort3A_960 = tpu.sort %select_n3A_955, %select_n3A_956 masked %masked_sort3A_957 : (vector<16xf32>, vector<16xi32>, vector<16xi1>) -> (vector<16xi1>, vector<16xf32>, vector<16xi32>)
            %add3A_961 = arith.constant 32 : i32
            %add3A_962 = vector.broadcast %add3A_961 : i32 to vector<16xi32>
            %add3A_963 = arith.addi %iota3A, %add3A_962 : vector<16xi32>
            %lt3A_964 = arith.cmpi slt, %add3A_963, %broadcast_in_dim3A_854 : vector<16xi32>
            %get3A_965 = arith.constant 32 : index
            %get3A_966 = tpu.vector_load %arg10[%get3A_965] {strides = array<i32>} : memref<64xf32, #tpu.memory_space<vmem>>, vector<16xf32>,
            %select_n3A_967 = arith.select %lt3A_964, %get3A_966, %broadcast_in_dim3A_3 : vector<16xi1>, vector<16xf32>
            %get3A_968 = arith.constant 32 : index
            %get3A_969 = tpu.vector_load %arg11[%get3A_968] {strides = array<i32>} : memref<64xi32, #tpu.memory_space<vmem>>, vector<16xi32>,
            %masked_sort3A_970 = arith.constant dense<true> : vector<16xi1>
            %masked_sort3A_971, %masked_sort3A_972, %masked_sort3A_973 = tpu.sort %select_n3A_967, %get3A_969 masked %masked_sort3A_970 : (vector<16xf32>, vector<16xi32>, vector<16xi1>) -> (vector<16xi1>, vector<16xf32>, vector<16xi32>)
            %rev3A_974 = arith.constant 15 : i32
            %rev3A_975 = vector.broadcast %rev3A_974 : i32 to vector<16xi32>
            %rev3A_976 = tpu.iota {dimensions = array<i32: 0>} : vector<16xi32>
            %rev3A_977 = arith.subi %rev3A_975, %rev3A_976 : vector<16xi32>
            %rev3A_978 = tpu.dynamic_gather %masked_sort3A_972[%rev3A_977] in [0] : vector<16xf32>, vector<16xi32> -> vector<16xf32>
            %rev3A_979 = arith.constant 15 : i32
            %rev3A_980 = vector.broadcast %rev3A_979 : i32 to vector<16xi32>
            %rev3A_981 = tpu.iota {dimensions = array<i32: 0>} : vector<16xi32>
            %rev3A_982 = arith.subi %rev3A_980, %rev3A_981 : vector<16xi32>
            %rev3A_983 = tpu.dynamic_gather %masked_sort3A_973[%rev3A_982] in [0] : vector<16xi32>, vector<16xi32> -> vector<16xi32>
            %ge3A_984 = arith.cmpf oge, %masked_sort3A_938, %rev3A_978 : vector<16xf32>
            %select_n3A_985 = arith.select %ge3A_984, %masked_sort3A_938, %rev3A_978 : vector<16xi1>, vector<16xf32>
            %select_n3A_986 = arith.select %ge3A_984, %masked_sort3A_939, %rev3A_983 : vector<16xi1>, vector<16xi32>
            %select_n3A_987 = arith.select %ge3A_984, %rev3A_978, %masked_sort3A_938 : vector<16xi1>, vector<16xf32>
            %select_n3A_988 = arith.select %ge3A_984, %rev3A_983, %masked_sort3A_939 : vector<16xi1>, vector<16xi32>
            %masked_sort3A_989 = arith.constant dense<true> : vector<16xi1>
            %masked_sort3A_990, %masked_sort3A_991, %masked_sort3A_992 = tpu.sort %select_n3A_985, %select_n3A_986 masked %masked_sort3A_989 : (vector<16xf32>, vector<16xi32>, vector<16xi1>) -> (vector<16xi1>, vector<16xf32>, vector<16xi32>)
            %masked_sort3A_993 = arith.constant dense<true> : vector<16xi1>
            %masked_sort3A_994, %masked_sort3A_995, %masked_sort3A_996 = tpu.sort %select_n3A_987, %select_n3A_988 masked %masked_sort3A_993 : (vector<16xf32>, vector<16xi32>, vector<16xi1>) -> (vector<16xi1>, vector<16xf32>, vector<16xi32>)
            %rev3A_997 = arith.constant 15 : i32
            %rev3A_998 = vector.broadcast %rev3A_997 : i32 to vector<16xi32>
            %rev3A_999 = tpu.iota {dimensions = array<i32: 0>} : vector<16xi32>
            %rev3A_1000 = arith.subi %rev3A_998, %rev3A_999 : vector<16xi32>
            %rev3A_1001 = tpu.dynamic_gather %masked_sort3A_995[%rev3A_1000] in [0] : vector<16xf32>, vector<16xi32> -> vector<16xf32>
            %rev3A_1002 = arith.constant 15 : i32
            %rev3A_1003 = vector.broadcast %rev3A_1002 : i32 to vector<16xi32>
            %rev3A_1004 = tpu.iota {dimensions = array<i32: 0>} : vector<16xi32>
            %rev3A_1005 = arith.subi %rev3A_1003, %rev3A_1004 : vector<16xi32>
            %rev3A_1006 = tpu.dynamic_gather %masked_sort3A_996[%rev3A_1005] in [0] : vector<16xi32>, vector<16xi32> -> vector<16xi32>
            %ge3A_1007 = arith.cmpf oge, %masked_sort3A_959, %rev3A_1001 : vector<16xf32>
            %select_n3A_1008 = arith.select %ge3A_1007, %masked_sort3A_959, %rev3A_1001 : vector<16xi1>, vector<16xf32>
            %select_n3A_1009 = arith.select %ge3A_1007, %masked_sort3A_960, %rev3A_1006 : vector<16xi1>, vector<16xi32>
            %masked_sort3A_1010 = arith.constant dense<true> : vector<16xi1>
            %masked_sort3A_1011, %masked_sort3A_1012, %masked_sort3A_1013 = tpu.sort %select_n3A_1008, %select_n3A_1009 masked %masked_sort3A_1010 : (vector<16xf32>, vector<16xi32>, vector<16xi1>) -> (vector<16xi1>, vector<16xf32>, vector<16xi32>)
            %add3A_1014 = arith.constant 48 : i32
            %add3A_1015 = vector.broadcast %add3A_1014 : i32 to vector<16xi32>
            %add3A_1016 = arith.addi %iota3A, %add3A_1015 : vector<16xi32>
            %lt3A_1017 = arith.cmpi slt, %add3A_1016, %broadcast_in_dim3A_854 : vector<16xi32>
            %get3A_1018 = arith.constant 48 : index
            %get3A_1019 = tpu.vector_load %arg10[%get3A_1018] {strides = array<i32>} : memref<64xf32, #tpu.memory_space<vmem>>, vector<16xf32>,
            %select_n3A_1020 = arith.select %lt3A_1017, %get3A_1019, %broadcast_in_dim3A_3 : vector<16xi1>, vector<16xf32>
            %get3A_1021 = arith.constant 48 : index
            %get3A_1022 = tpu.vector_load %arg11[%get3A_1021] {strides = array<i32>} : memref<64xi32, #tpu.memory_space<vmem>>, vector<16xi32>,
            %masked_sort3A_1023 = arith.constant dense<true> : vector<16xi1>
            %masked_sort3A_1024, %masked_sort3A_1025, %masked_sort3A_1026 = tpu.sort %select_n3A_1020, %get3A_1022 masked %masked_sort3A_1023 : (vector<16xf32>, vector<16xi32>, vector<16xi1>) -> (vector<16xi1>, vector<16xf32>, vector<16xi32>)
            %rev3A_1027 = arith.constant 15 : i32
            %rev3A_1028 = vector.broadcast %rev3A_1027 : i32 to vector<16xi32>
            %rev3A_1029 = tpu.iota {dimensions = array<i32: 0>} : vector<16xi32>
            %rev3A_1030 = arith.subi %rev3A_1028, %rev3A_1029 : vector<16xi32>
            %rev3A_1031 = tpu.dynamic_gather %masked_sort3A_1025[%rev3A_1030] in [0] : vector<16xf32>, vector<16xi32> -> vector<16xf32>
            %rev3A_1032 = arith.constant 15 : i32
            %rev3A_1033 = vector.broadcast %rev3A_1032 : i32 to vector<16xi32>
            %rev3A_1034 = tpu.iota {dimensions = array<i32: 0>} : vector<16xi32>
            %rev3A_1035 = arith.subi %rev3A_1033, %rev3A_1034 : vector<16xi32>
            %rev3A_1036 = tpu.dynamic_gather %masked_sort3A_1026[%rev3A_1035] in [0] : vector<16xi32>, vector<16xi32> -> vector<16xi32>
            %ge3A_1037 = arith.cmpf oge, %masked_sort3A_991, %rev3A_1031 : vector<16xf32>
            %select_n3A_1038 = arith.select %ge3A_1037, %masked_sort3A_991, %rev3A_1031 : vector<16xi1>, vector<16xf32>
            %select_n3A_1039 = arith.select %ge3A_1037, %masked_sort3A_992, %rev3A_1036 : vector<16xi1>, vector<16xi32>
            %select_n3A_1040 = arith.select %ge3A_1037, %rev3A_1031, %masked_sort3A_991 : vector<16xi1>, vector<16xf32>
            %select_n3A_1041 = arith.select %ge3A_1037, %rev3A_1036, %masked_sort3A_992 : vector<16xi1>, vector<16xi32>
            %masked_sort3A_1042 = arith.constant dense<true> : vector<16xi1>
            %masked_sort3A_1043, %masked_sort3A_1044, %masked_sort3A_1045 = tpu.sort %select_n3A_1038, %select_n3A_1039 masked %masked_sort3A_1042 : (vector<16xf32>, vector<16xi32>, vector<16xi1>) -> (vector<16xi1>, vector<16xf32>, vector<16xi32>)
            %masked_sort3A_1046 = arith.constant dense<true> : vector<16xi1>
            %masked_sort3A_1047, %masked_sort3A_1048, %masked_sort3A_1049 = tpu.sort %select_n3A_1040, %select_n3A_1041 masked %masked_sort3A_1046 : (vector<16xf32>, vector<16xi32>, vector<16xi1>) -> (vector<16xi1>, vector<16xf32>, vector<16xi32>)
            %rev3A_1050 = arith.constant 15 : i32
            %rev3A_1051 = vector.broadcast %rev3A_1050 : i32 to vector<16xi32>
            %rev3A_1052 = tpu.iota {dimensions = array<i32: 0>} : vector<16xi32>
            %rev3A_1053 = arith.subi %rev3A_1051, %rev3A_1052 : vector<16xi32>
            %rev3A_1054 = tpu.dynamic_gather %masked_sort3A_1048[%rev3A_1053] in [0] : vector<16xf32>, vector<16xi32> -> vector<16xf32>
            %rev3A_1055 = arith.constant 15 : i32
            %rev3A_1056 = vector.broadcast %rev3A_1055 : i32 to vector<16xi32>
            %rev3A_1057 = tpu.iota {dimensions = array<i32: 0>} : vector<16xi32>
            %rev3A_1058 = arith.subi %rev3A_1056, %rev3A_1057 : vector<16xi32>
            %rev3A_1059 = tpu.dynamic_gather %masked_sort3A_1049[%rev3A_1058] in [0] : vector<16xi32>, vector<16xi32> -> vector<16xi32>
            %ge3A_1060 = arith.cmpf oge, %masked_sort3A_1012, %rev3A_1054 : vector<16xf32>
            %select_n3A_1061 = arith.select %ge3A_1060, %masked_sort3A_1012, %rev3A_1054 : vector<16xi1>, vector<16xf32>
            %select_n3A_1062 = arith.select %ge3A_1060, %masked_sort3A_1013, %rev3A_1059 : vector<16xi1>, vector<16xi32>
            %masked_sort3A_1063 = arith.constant dense<true> : vector<16xi1>
            %masked_sort3A_1064, %masked_sort3A_1065, %masked_sort3A_1066 = tpu.sort %select_n3A_1061, %select_n3A_1062 masked %masked_sort3A_1063 : (vector<16xf32>, vector<16xi32>, vector<16xi1>) -> (vector<16xi1>, vector<16xf32>, vector<16xi32>)
            %slice3A_1067 = vector.extract_strided_slice %masked_sort3A_1065 {offsets = [0], sizes = [1], strides = [1]} : vector<16xf32> to vector<1xf32>
            %squeeze3A_1068 = vector.extract %slice3A_1067[0] : f32 from vector<1xf32>
            %broadcast_in_dim3A_1069 = vector.broadcast %squeeze3A_1068 : f32 to vector<16xf32>
            %cond3A_1070 = arith.constant 0 : i32
            scf.yield %cond3A_1070, %broadcast_in_dim3A_1069, %masked_sort3A_1044, %masked_sort3A_1045, %masked_sort3A_1065, %masked_sort3A_1066 : i32, vector<16xf32>, vector<16xf32>, vector<16xi32>, vector<16xf32>, vector<16xi32>
          } else {
            scf.yield %add3A_847, %while3A_827, %while3A_828, %while3A_829, %while3A_830, %while3A_831 : i32, vector<16xf32>, vector<16xf32>, vector<16xi32>, vector<16xf32>, vector<16xi32>
          }
          scf.yield %and3A, %cond3A_853#0, %cond3A_853#1, %cond3A_853#2, %cond3A_853#3, %cond3A_853#4, %cond3A_853#5 : vector<16xi1>, i32, vector<16xf32>, vector<16xf32>, vector<16xi32>, vector<16xf32>, vector<16xi32>
        }
        scf.yield %while3A_823#1, %while3A_823#2, %while3A_823#3, %while3A_823#4, %while3A_823#5, %while3A_823#6 : i32, vector<16xf32>, vector<16xf32>, vector<16xi32>, vector<16xf32>, vector<16xi32>
      }
      %scan3A_239 = arith.constant 40 : i32
      %broadcast_in_dim3A_240 = vector.broadcast %scan3A_238#0 : i32 to vector<16xi32>
      %add3A_241 = arith.constant 0 : i32
      %add3A_242 = vector.broadcast %add3A_241 : i32 to vector<16xi32>
      %add3A_243 = arith.addi %iota3A, %add3A_242 : vector<16xi32>
      %lt3A_244 = arith.cmpi slt, %add3A_243, %broadcast_in_dim3A_240 : vector<16xi32>
      %get3A = arith.constant 0 : index
      %get3A_245 = tpu.vector_load %arg10[%get3A] {strides = array<i32>} : memref<64xf32, #tpu.memory_space<vmem>>, vector<16xf32>,
      %select_n3A = arith.select %lt3A_244, %get3A_245, %broadcast_in_dim3A_3 : vector<16xi1>, vector<16xf32>
      %get3A_246 = arith.constant 0 : index
      %get3A_247 = tpu.vector_load %arg11[%get3A_246] {strides = array<i32>} : memref<64xi32, #tpu.memory_space<vmem>>, vector<16xi32>,
      %masked_sort3A = arith.constant dense<true> : vector<16xi1>
      %masked_sort3A_248, %masked_sort3A_249, %masked_sort3A_250 = tpu.sort %select_n3A, %get3A_247 masked %masked_sort3A : (vector<16xf32>, vector<16xi32>, vector<16xi1>) -> (vector<16xi1>, vector<16xf32>, vector<16xi32>)
      %rev3A = arith.constant 15 : i32
      %rev3A_251 = vector.broadcast %rev3A : i32 to vector<16xi32>
      %rev3A_252 = tpu.iota {dimensions = array<i32: 0>} : vector<16xi32>
      %rev3A_253 = arith.subi %rev3A_251, %rev3A_252 : vector<16xi32>
      %rev3A_254 = tpu.dynamic_gather %masked_sort3A_249[%rev3A_253] in [0] : vector<16xf32>, vector<16xi32> -> vector<16xf32>
      %rev3A_255 = arith.constant 15 : i32
      %rev3A_256 = vector.broadcast %rev3A_255 : i32 to vector<16xi32>
      %rev3A_257 = tpu.iota {dimensions = array<i32: 0>} : vector<16xi32>
      %rev3A_258 = arith.subi %rev3A_256, %rev3A_257 : vector<16xi32>
      %rev3A_259 = tpu.dynamic_gather %masked_sort3A_250[%rev3A_258] in [0] : vector<16xi32>, vector<16xi32> -> vector<16xi32>
      %ge3A = arith.cmpf oge, %scan3A_238#2, %rev3A_254 : vector<16xf32>
      %select_n3A_260 = arith.select %ge3A, %scan3A_238#2, %rev3A_254 : vector<16xi1>, vector<16xf32>
      %select_n3A_261 = arith.select %ge3A, %scan3A_238#3, %rev3A_259 : vector<16xi1>, vector<16xi32>
      %select_n3A_262 = arith.select %ge3A, %rev3A_254, %scan3A_238#2 : vector<16xi1>, vector<16xf32>
      %select_n3A_263 = arith.select %ge3A, %rev3A_259, %scan3A_238#3 : vector<16xi1>, vector<16xi32>
      %masked_sort3A_264 = arith.constant dense<true> : vector<16xi1>
      %masked_sort3A_265, %masked_sort3A_266, %masked_sort3A_267 = tpu.sort %select_n3A_260, %select_n3A_261 masked %masked_sort3A_264 : (vector<16xf32>, vector<16xi32>, vector<16xi1>) -> (vector<16xi1>, vector<16xf32>, vector<16xi32>)
      %masked_sort3A_268 = arith.constant dense<true> : vector<16xi1>
      %masked_sort3A_269, %masked_sort3A_270, %masked_sort3A_271 = tpu.sort %select_n3A_262, %select_n3A_263 masked %masked_sort3A_268 : (vector<16xf32>, vector<16xi32>, vector<16xi1>) -> (vector<16xi1>, vector<16xf32>, vector<16xi32>)
      %rev3A_272 = arith.constant 15 : i32
      %rev3A_273 = vector.broadcast %rev3A_272 : i32 to vector<16xi32>
      %rev3A_274 = tpu.iota {dimensions = array<i32: 0>} : vector<16xi32>
      %rev3A_275 = arith.subi %rev3A_273, %rev3A_274 : vector<16xi32>
      %rev3A_276 = tpu.dynamic_gather %masked_sort3A_270[%rev3A_275] in [0] : vector<16xf32>, vector<16xi32> -> vector<16xf32>
      %rev3A_277 = arith.constant 15 : i32
      %rev3A_278 = vector.broadcast %rev3A_277 : i32 to vector<16xi32>
      %rev3A_279 = tpu.iota {dimensions = array<i32: 0>} : vector<16xi32>
      %rev3A_280 = arith.subi %rev3A_278, %rev3A_279 : vector<16xi32>
      %rev3A_281 = tpu.dynamic_gather %masked_sort3A_271[%rev3A_280] in [0] : vector<16xi32>, vector<16xi32> -> vector<16xi32>
      %ge3A_282 = arith.cmpf oge, %scan3A_238#4, %rev3A_276 : vector<16xf32>
      %select_n3A_283 = arith.select %ge3A_282, %scan3A_238#4, %rev3A_276 : vector<16xi1>, vector<16xf32>
      %select_n3A_284 = arith.select %ge3A_282, %scan3A_238#5, %rev3A_281 : vector<16xi1>, vector<16xi32>
      %masked_sort3A_285 = arith.constant dense<true> : vector<16xi1>
      %masked_sort3A_286, %masked_sort3A_287, %masked_sort3A_288 = tpu.sort %select_n3A_283, %select_n3A_284 masked %masked_sort3A_285 : (vector<16xf32>, vector<16xi32>, vector<16xi1>) -> (vector<16xi1>, vector<16xf32>, vector<16xi32>)
      %add3A_289 = arith.constant 16 : i32
      %add3A_290 = vector.broadcast %add3A_289 : i32 to vector<16xi32>
      %add3A_291 = arith.addi %iota3A, %add3A_290 : vector<16xi32>
      %lt3A_292 = arith.cmpi slt, %add3A_291, %broadcast_in_dim3A_240 : vector<16xi32>
      %get3A_293 = arith.constant 16 : index
      %get3A_294 = tpu.vector_load %arg10[%get3A_293] {strides = array<i32>} : memref<64xf32, #tpu.memory_space<vmem>>, vector<16xf32>,
      %select_n3A_295 = arith.select %lt3A_292, %get3A_294, %broadcast_in_dim3A_3 : vector<16xi1>, vector<16xf32>
      %get3A_296 = arith.constant 16 : index
      %get3A_297 = tpu.vector_load %arg11[%get3A_296] {strides = array<i32>} : memref<64xi32, #tpu.memory_space<vmem>>, vector<16xi32>,
      %masked_sort3A_298 = arith.constant dense<true> : vector<16xi1>
      %masked_sort3A_299, %masked_sort3A_300, %masked_sort3A_301 = tpu.sort %select_n3A_295, %get3A_297 masked %masked_sort3A_298 : (vector<16xf32>, vector<16xi32>, vector<16xi1>) -> (vector<16xi1>, vector<16xf32>, vector<16xi32>)
      %rev3A_302 = arith.constant 15 : i32
      %rev3A_303 = vector.broadcast %rev3A_302 : i32 to vector<16xi32>
      %rev3A_304 = tpu.iota {dimensions = array<i32: 0>} : vector<16xi32>
      %rev3A_305 = arith.subi %rev3A_303, %rev3A_304 : vector<16xi32>
      %rev3A_306 = tpu.dynamic_gather %masked_sort3A_300[%rev3A_305] in [0] : vector<16xf32>, vector<16xi32> -> vector<16xf32>
      %rev3A_307 = arith.constant 15 : i32
      %rev3A_308 = vector.broadcast %rev3A_307 : i32 to vector<16xi32>
      %rev3A_309 = tpu.iota {dimensions = array<i32: 0>} : vector<16xi32>
      %rev3A_310 = arith.subi %rev3A_308, %rev3A_309 : vector<16xi32>
      %rev3A_311 = tpu.dynamic_gather %masked_sort3A_301[%rev3A_310] in [0] : vector<16xi32>, vector<16xi32> -> vector<16xi32>
      %ge3A_312 = arith.cmpf oge, %masked_sort3A_266, %rev3A_306 : vector<16xf32>
      %select_n3A_313 = arith.select %ge3A_312, %masked_sort3A_266, %rev3A_306 : vector<16xi1>, vector<16xf32>
      %select_n3A_314 = arith.select %ge3A_312, %masked_sort3A_267, %rev3A_311 : vector<16xi1>, vector<16xi32>
      %select_n3A_315 = arith.select %ge3A_312, %rev3A_306, %masked_sort3A_266 : vector<16xi1>, vector<16xf32>
      %select_n3A_316 = arith.select %ge3A_312, %rev3A_311, %masked_sort3A_267 : vector<16xi1>, vector<16xi32>
      %masked_sort3A_317 = arith.constant dense<true> : vector<16xi1>
      %masked_sort3A_318, %masked_sort3A_319, %masked_sort3A_320 = tpu.sort %select_n3A_313, %select_n3A_314 masked %masked_sort3A_317 : (vector<16xf32>, vector<16xi32>, vector<16xi1>) -> (vector<16xi1>, vector<16xf32>, vector<16xi32>)
      %masked_sort3A_321 = arith.constant dense<true> : vector<16xi1>
      %masked_sort3A_322, %masked_sort3A_323, %masked_sort3A_324 = tpu.sort %select_n3A_315, %select_n3A_316 masked %masked_sort3A_321 : (vector<16xf32>, vector<16xi32>, vector<16xi1>) -> (vector<16xi1>, vector<16xf32>, vector<16xi32>)
      %rev3A_325 = arith.constant 15 : i32
      %rev3A_326 = vector.broadcast %rev3A_325 : i32 to vector<16xi32>
      %rev3A_327 = tpu.iota {dimensions = array<i32: 0>} : vector<16xi32>
      %rev3A_328 = arith.subi %rev3A_326, %rev3A_327 : vector<16xi32>
      %rev3A_329 = tpu.dynamic_gather %masked_sort3A_323[%rev3A_328] in [0] : vector<16xf32>, vector<16xi32> -> vector<16xf32>
      %rev3A_330 = arith.constant 15 : i32
      %rev3A_331 = vector.broadcast %rev3A_330 : i32 to vector<16xi32>
      %rev3A_332 = tpu.iota {dimensions = array<i32: 0>} : vector<16xi32>
      %rev3A_333 = arith.subi %rev3A_331, %rev3A_332 : vector<16xi32>
      %rev3A_334 = tpu.dynamic_gather %masked_sort3A_324[%rev3A_333] in [0] : vector<16xi32>, vector<16xi32> -> vector<16xi32>
      %ge3A_335 = arith.cmpf oge, %masked_sort3A_287, %rev3A_329 : vector<16xf32>
      %select_n3A_336 = arith.select %ge3A_335, %masked_sort3A_287, %rev3A_329 : vector<16xi1>, vector<16xf32>
      %select_n3A_337 = arith.select %ge3A_335, %masked_sort3A_288, %rev3A_334 : vector<16xi1>, vector<16xi32>
      %masked_sort3A_338 = arith.constant dense<true> : vector<16xi1>
      %masked_sort3A_339, %masked_sort3A_340, %masked_sort3A_341 = tpu.sort %select_n3A_336, %select_n3A_337 masked %masked_sort3A_338 : (vector<16xf32>, vector<16xi32>, vector<16xi1>) -> (vector<16xi1>, vector<16xf32>, vector<16xi32>)
      %add3A_342 = arith.constant 32 : i32
      %add3A_343 = vector.broadcast %add3A_342 : i32 to vector<16xi32>
      %add3A_344 = arith.addi %iota3A, %add3A_343 : vector<16xi32>
      %lt3A_345 = arith.cmpi slt, %add3A_344, %broadcast_in_dim3A_240 : vector<16xi32>
      %get3A_346 = arith.constant 32 : index
      %get3A_347 = tpu.vector_load %arg10[%get3A_346] {strides = array<i32>} : memref<64xf32, #tpu.memory_space<vmem>>, vector<16xf32>,
      %select_n3A_348 = arith.select %lt3A_345, %get3A_347, %broadcast_in_dim3A_3 : vector<16xi1>, vector<16xf32>
      %get3A_349 = arith.constant 32 : index
      %get3A_350 = tpu.vector_load %arg11[%get3A_349] {strides = array<i32>} : memref<64xi32, #tpu.memory_space<vmem>>, vector<16xi32>,
      %masked_sort3A_351 = arith.constant dense<true> : vector<16xi1>
      %masked_sort3A_352, %masked_sort3A_353, %masked_sort3A_354 = tpu.sort %select_n3A_348, %get3A_350 masked %masked_sort3A_351 : (vector<16xf32>, vector<16xi32>, vector<16xi1>) -> (vector<16xi1>, vector<16xf32>, vector<16xi32>)
      %rev3A_355 = arith.constant 15 : i32
      %rev3A_356 = vector.broadcast %rev3A_355 : i32 to vector<16xi32>
      %rev3A_357 = tpu.iota {dimensions = array<i32: 0>} : vector<16xi32>
      %rev3A_358 = arith.subi %rev3A_356, %rev3A_357 : vector<16xi32>
      %rev3A_359 = tpu.dynamic_gather %masked_sort3A_353[%rev3A_358] in [0] : vector<16xf32>, vector<16xi32> -> vector<16xf32>
      %rev3A_360 = arith.constant 15 : i32
      %rev3A_361 = vector.broadcast %rev3A_360 : i32 to vector<16xi32>
      %rev3A_362 = tpu.iota {dimensions = array<i32: 0>} : vector<16xi32>
      %rev3A_363 = arith.subi %rev3A_361, %rev3A_362 : vector<16xi32>
      %rev3A_364 = tpu.dynamic_gather %masked_sort3A_354[%rev3A_363] in [0] : vector<16xi32>, vector<16xi32> -> vector<16xi32>
      %ge3A_365 = arith.cmpf oge, %masked_sort3A_319, %rev3A_359 : vector<16xf32>
      %select_n3A_366 = arith.select %ge3A_365, %masked_sort3A_319, %rev3A_359 : vector<16xi1>, vector<16xf32>
      %select_n3A_367 = arith.select %ge3A_365, %masked_sort3A_320, %rev3A_364 : vector<16xi1>, vector<16xi32>
      %select_n3A_368 = arith.select %ge3A_365, %rev3A_359, %masked_sort3A_319 : vector<16xi1>, vector<16xf32>
      %select_n3A_369 = arith.select %ge3A_365, %rev3A_364, %masked_sort3A_320 : vector<16xi1>, vector<16xi32>
      %masked_sort3A_370 = arith.constant dense<true> : vector<16xi1>
      %masked_sort3A_371, %masked_sort3A_372, %masked_sort3A_373 = tpu.sort %select_n3A_366, %select_n3A_367 masked %masked_sort3A_370 : (vector<16xf32>, vector<16xi32>, vector<16xi1>) -> (vector<16xi1>, vector<16xf32>, vector<16xi32>)
      %masked_sort3A_374 = arith.constant dense<true> : vector<16xi1>
      %masked_sort3A_375, %masked_sort3A_376, %masked_sort3A_377 = tpu.sort %select_n3A_368, %select_n3A_369 masked %masked_sort3A_374 : (vector<16xf32>, vector<16xi32>, vector<16xi1>) -> (vector<16xi1>, vector<16xf32>, vector<16xi32>)
      %rev3A_378 = arith.constant 15 : i32
      %rev3A_379 = vector.broadcast %rev3A_378 : i32 to vector<16xi32>
      %rev3A_380 = tpu.iota {dimensions = array<i32: 0>} : vector<16xi32>
      %rev3A_381 = arith.subi %rev3A_379, %rev3A_380 : vector<16xi32>
      %rev3A_382 = tpu.dynamic_gather %masked_sort3A_376[%rev3A_381] in [0] : vector<16xf32>, vector<16xi32> -> vector<16xf32>
      %rev3A_383 = arith.constant 15 : i32
      %rev3A_384 = vector.broadcast %rev3A_383 : i32 to vector<16xi32>
      %rev3A_385 = tpu.iota {dimensions = array<i32: 0>} : vector<16xi32>
      %rev3A_386 = arith.subi %rev3A_384, %rev3A_385 : vector<16xi32>
      %rev3A_387 = tpu.dynamic_gather %masked_sort3A_377[%rev3A_386] in [0] : vector<16xi32>, vector<16xi32> -> vector<16xi32>
      %ge3A_388 = arith.cmpf oge, %masked_sort3A_340, %rev3A_382 : vector<16xf32>
      %select_n3A_389 = arith.select %ge3A_388, %masked_sort3A_340, %rev3A_382 : vector<16xi1>, vector<16xf32>
      %select_n3A_390 = arith.select %ge3A_388, %masked_sort3A_341, %rev3A_387 : vector<16xi1>, vector<16xi32>
      %masked_sort3A_391 = arith.constant dense<true> : vector<16xi1>
      %masked_sort3A_392, %masked_sort3A_393, %masked_sort3A_394 = tpu.sort %select_n3A_389, %select_n3A_390 masked %masked_sort3A_391 : (vector<16xf32>, vector<16xi32>, vector<16xi1>) -> (vector<16xi1>, vector<16xf32>, vector<16xi32>)
      %add3A_395 = arith.constant 48 : i32
      %add3A_396 = vector.broadcast %add3A_395 : i32 to vector<16xi32>
      %add3A_397 = arith.addi %iota3A, %add3A_396 : vector<16xi32>
      %lt3A_398 = arith.cmpi slt, %add3A_397, %broadcast_in_dim3A_240 : vector<16xi32>
      %get3A_399 = arith.constant 48 : index
      %get3A_400 = tpu.vector_load %arg10[%get3A_399] {strides = array<i32>} : memref<64xf32, #tpu.memory_space<vmem>>, vector<16xf32>,
      %select_n3A_401 = arith.select %lt3A_398, %get3A_400, %broadcast_in_dim3A_3 : vector<16xi1>, vector<16xf32>
      %get3A_402 = arith.constant 48 : index
      %get3A_403 = tpu.vector_load %arg11[%get3A_402] {strides = array<i32>} : memref<64xi32, #tpu.memory_space<vmem>>, vector<16xi32>,
      %masked_sort3A_404 = arith.constant dense<true> : vector<16xi1>
      %masked_sort3A_405, %masked_sort3A_406, %masked_sort3A_407 = tpu.sort %select_n3A_401, %get3A_403 masked %masked_sort3A_404 : (vector<16xf32>, vector<16xi32>, vector<16xi1>) -> (vector<16xi1>, vector<16xf32>, vector<16xi32>)
      %rev3A_408 = arith.constant 15 : i32
      %rev3A_409 = vector.broadcast %rev3A_408 : i32 to vector<16xi32>
      %rev3A_410 = tpu.iota {dimensions = array<i32: 0>} : vector<16xi32>
      %rev3A_411 = arith.subi %rev3A_409, %rev3A_410 : vector<16xi32>
      %rev3A_412 = tpu.dynamic_gather %masked_sort3A_406[%rev3A_411] in [0] : vector<16xf32>, vector<16xi32> -> vector<16xf32>
      %rev3A_413 = arith.constant 15 : i32
      %rev3A_414 = vector.broadcast %rev3A_413 : i32 to vector<16xi32>
      %rev3A_415 = tpu.iota {dimensions = array<i32: 0>} : vector<16xi32>
      %rev3A_416 = arith.subi %rev3A_414, %rev3A_415 : vector<16xi32>
      %rev3A_417 = tpu.dynamic_gather %masked_sort3A_407[%rev3A_416] in [0] : vector<16xi32>, vector<16xi32> -> vector<16xi32>
      %ge3A_418 = arith.cmpf oge, %masked_sort3A_372, %rev3A_412 : vector<16xf32>
      %select_n3A_419 = arith.select %ge3A_418, %masked_sort3A_372, %rev3A_412 : vector<16xi1>, vector<16xf32>
      %select_n3A_420 = arith.select %ge3A_418, %masked_sort3A_373, %rev3A_417 : vector<16xi1>, vector<16xi32>
      %select_n3A_421 = arith.select %ge3A_418, %rev3A_412, %masked_sort3A_372 : vector<16xi1>, vector<16xf32>
      %select_n3A_422 = arith.select %ge3A_418, %rev3A_417, %masked_sort3A_373 : vector<16xi1>, vector<16xi32>
      %masked_sort3A_423 = arith.constant dense<true> : vector<16xi1>
      %masked_sort3A_424, %masked_sort3A_425, %masked_sort3A_426 = tpu.sort %select_n3A_419, %select_n3A_420 masked %masked_sort3A_423 : (vector<16xf32>, vector<16xi32>, vector<16xi1>) -> (vector<16xi1>, vector<16xf32>, vector<16xi32>)
      %masked_sort3A_427 = arith.constant dense<true> : vector<16xi1>
      %masked_sort3A_428, %masked_sort3A_429, %masked_sort3A_430 = tpu.sort %select_n3A_421, %select_n3A_422 masked %masked_sort3A_427 : (vector<16xf32>, vector<16xi32>, vector<16xi1>) -> (vector<16xi1>, vector<16xf32>, vector<16xi32>)
      %rev3A_431 = arith.constant 15 : i32
      %rev3A_432 = vector.broadcast %rev3A_431 : i32 to vector<16xi32>
      %rev3A_433 = tpu.iota {dimensions = array<i32: 0>} : vector<16xi32>
      %rev3A_434 = arith.subi %rev3A_432, %rev3A_433 : vector<16xi32>
      %rev3A_435 = tpu.dynamic_gather %masked_sort3A_429[%rev3A_434] in [0] : vector<16xf32>, vector<16xi32> -> vector<16xf32>
      %rev3A_436 = arith.constant 15 : i32
      %rev3A_437 = vector.broadcast %rev3A_436 : i32 to vector<16xi32>
      %rev3A_438 = tpu.iota {dimensions = array<i32: 0>} : vector<16xi32>
      %rev3A_439 = arith.subi %rev3A_437, %rev3A_438 : vector<16xi32>
      %rev3A_440 = tpu.dynamic_gather %masked_sort3A_430[%rev3A_439] in [0] : vector<16xi32>, vector<16xi32> -> vector<16xi32>
      %ge3A_441 = arith.cmpf oge, %masked_sort3A_393, %rev3A_435 : vector<16xf32>
      %select_n3A_442 = arith.select %ge3A_441, %masked_sort3A_393, %rev3A_435 : vector<16xi1>, vector<16xf32>
      %select_n3A_443 = arith.select %ge3A_441, %masked_sort3A_394, %rev3A_440 : vector<16xi1>, vector<16xi32>
      %masked_sort3A_444 = arith.constant dense<true> : vector<16xi1>
      %masked_sort3A_445, %masked_sort3A_446, %masked_sort3A_447 = tpu.sort %select_n3A_442, %select_n3A_443 masked %masked_sort3A_444 : (vector<16xf32>, vector<16xi32>, vector<16xi1>) -> (vector<16xi1>, vector<16xf32>, vector<16xi32>)
      %slice3A = vector.extract_strided_slice %masked_sort3A_446 {offsets = [0], sizes = [1], strides = [1]} : vector<16xf32> to vector<1xf32>
      %squeeze3A = vector.extract %slice3A[0] : f32 from vector<1xf32>
      %broadcast_in_dim3A_448 = vector.broadcast %squeeze3A : f32 to vector<16xf32>
      %rev3A_449 = arith.constant 15 : i32
      %rev3A_450 = vector.broadcast %rev3A_449 : i32 to vector<16xi32>
      %rev3A_451 = tpu.iota {dimensions = array<i32: 0>} : vector<16xi32>
      %rev3A_452 = arith.subi %rev3A_450, %rev3A_451 : vector<16xi32>
      %rev3A_453 = tpu.dynamic_gather %masked_sort3A_425[%rev3A_452] in [0] : vector<16xf32>, vector<16xi32> -> vector<16xf32>
      %rev3A_454 = arith.constant 15 : i32
      %rev3A_455 = vector.broadcast %rev3A_454 : i32 to vector<16xi32>
      %rev3A_456 = tpu.iota {dimensions = array<i32: 0>} : vector<16xi32>
      %rev3A_457 = arith.subi %rev3A_455, %rev3A_456 : vector<16xi32>
      %rev3A_458 = tpu.dynamic_gather %masked_sort3A_426[%rev3A_457] in [0] : vector<16xi32>, vector<16xi32> -> vector<16xi32>
      %rev3A_459 = arith.constant 15 : i32
      %rev3A_460 = vector.broadcast %rev3A_459 : i32 to vector<16xi32>
      %rev3A_461 = tpu.iota {dimensions = array<i32: 0>} : vector<16xi32>
      %rev3A_462 = arith.subi %rev3A_460, %rev3A_461 : vector<16xi32>
      %rev3A_463 = tpu.dynamic_gather %masked_sort3A_446[%rev3A_462] in [0] : vector<16xf32>, vector<16xi32> -> vector<16xf32>
      %rev3A_464 = arith.constant 15 : i32
      %rev3A_465 = vector.broadcast %rev3A_464 : i32 to vector<16xi32>
      %rev3A_466 = tpu.iota {dimensions = array<i32: 0>} : vector<16xi32>
      %rev3A_467 = arith.subi %rev3A_465, %rev3A_466 : vector<16xi32>
      %rev3A_468 = tpu.dynamic_gather %masked_sort3A_447[%rev3A_467] in [0] : vector<16xi32>, vector<16xi32> -> vector<16xi32>
      %broadcast_in_dim3A_469 = vector.broadcast %add3A_213 : i32 to vector<16xi32>
      %gather3A = tpu.vector_load_idx %arg17[%broadcast_in_dim3A_469] : memref<128xf32, #tpu.memory_space<vmem>>[vector<16xi32>], vector<16xf32>,
      %sub3A_470 = arith.subf %rev3A_453, %gather3A : vector<16xf32>
      %exp3A = math.exp %sub3A_470 : vector<16xf32>
      %mul3A_471 = arith.constant 32 : i32
      %mul3A_472 = arith.muli %add3A_213, %mul3A_471 : i32
      %swap3A = arith.index_cast %mul3A_472 : i32 to index
      %swap3A_473 = tpu.vector_load %arg16[%swap3A] {strides = array<i32>} : memref<4096xf32, #tpu.memory_space<vmem>>, vector<16xf32>,
      tpu.vector_store %arg16[%swap3A], %exp3A {strides = array<i32>} : memref<4096xf32, #tpu.memory_space<vmem>>, vector<16xf32>,
      %sub3A_474 = arith.subf %rev3A_463, %gather3A : vector<16xf32>
      %exp3A_475 = math.exp %sub3A_474 : vector<16xf32>
      %mul3A_476 = arith.constant 32 : i32
      %mul3A_477 = arith.muli %add3A_213, %mul3A_476 : i32
      %add3A_478 = arith.constant 16 : i32
      %add3A_479 = arith.addi %mul3A_477, %add3A_478 : i32
      %swap3A_480 = arith.index_cast %add3A_479 : i32 to index
      %swap3A_481 = tpu.vector_load %arg16[%swap3A_480] {strides = array<i32>} : memref<4096xf32, #tpu.memory_space<vmem>>, vector<16xf32>,
      tpu.vector_store %arg16[%swap3A_480], %exp3A_475 {strides = array<i32>} : memref<4096xf32, #tpu.memory_space<vmem>>, vector<16xf32>,
      %swap3A_482 = arith.constant 0 : index
      %swap3A_483 = tpu.vector_load %arg12[%swap3A_482] {strides = array<i32>} : memref<32xi32, #tpu.memory_space<vmem>>, vector<16xi32>,
      tpu.vector_store %arg12[%swap3A_482], %rev3A_458 {strides = array<i32>} : memref<32xi32, #tpu.memory_space<vmem>>, vector<16xi32>,
      %swap3A_484 = arith.constant 16 : index
      %swap3A_485 = tpu.vector_load %arg12[%swap3A_484] {strides = array<i32>} : memref<32xi32, #tpu.memory_space<vmem>>, vector<16xi32>,
      tpu.vector_store %arg12[%swap3A_484], %rev3A_468 {strides = array<i32>} : memref<32xi32, #tpu.memory_space<vmem>>, vector<16xi32>,
      %ge3A_486 = arith.constant 2 : i32
      %ge3A_487 = arith.cmpi sge, %add3A_213, %ge3A_486 : i32
      %convert_element_type3A_488 = arith.extui %ge3A_487 : i1 to i32
      %cond3A_489 = arith.constant 0 : i32
      %cond3A_490 = arith.cmpi ne, %convert_element_type3A_488, %cond3A_489 : i32
      scf.if %cond3A_490 {
        %sub3A_801 = arith.constant 2 : i32
        %sub3A_802 = arith.subi %add3A_214, %sub3A_801 : i32
        %dma_wait3A_803 = arith.constant 0 : i32
        %dma_wait3A_804 = arith.constant 0 : i32
        %dma_wait3A_805 = tpu.memref_slice %arg5[%sub3A_802, %dma_wait3A_803, %dma_wait3A_804] : memref<4096x32x512xf32, #tpu.memory_space<hbm>> -> memref<1x32x512xf32, #tpu.memory_space<hbm>>
        %dma_wait3A_806 = tpu.memref_squeeze %dma_wait3A_805 : memref<1x32x512xf32, #tpu.memory_space<hbm>> -> memref<32x512xf32, #tpu.memory_space<hbm>>
        %dma_wait3A_807 = arith.constant 0 : i32
        %dma_wait3A_808 = arith.constant 0 : i32
        %dma_wait3A_809 = tpu.memref_slice %arg5[%sub3A_802, %dma_wait3A_807, %dma_wait3A_808] : memref<4096x32x512xf32, #tpu.memory_space<hbm>> -> memref<1x32x512xf32, #tpu.memory_space<hbm>>
        %dma_wait3A_810 = tpu.memref_squeeze %dma_wait3A_809 : memref<1x32x512xf32, #tpu.memory_space<hbm>> -> memref<32x512xf32, #tpu.memory_space<hbm>>
        tpu.wait_dma2 semaphore(%arg22 : memref<!tpu.dma_semaphore, #tpu.memory_space<semaphore_mem>>) src(%arg14 : memref<32x512xf32, #tpu.memory_space<vmem>>) dst(%dma_wait3A_810 : memref<32x512xf32, #tpu.memory_space<hbm>>)
      } else {
      }
      %dma_start3A_491 = arith.constant 0 : i32
      %dma_start3A_492 = arith.constant 0 : i32
      %dma_start3A_493 = tpu.memref_slice %arg4[%dma_start3A_491, %dma_start3A_492] : memref<10000x512xf32, #tpu.memory_space<hbm>> -> memref<10000x512xf32, #tpu.memory_space<hbm>>
      tpu.enqueue_indirect_dma source(%dma_start3A_493 : memref<10000x512xf32, #tpu.memory_space<hbm>>) target(%arg14 : memref<32x512xf32, #tpu.memory_space<vmem>>) offsets(%arg12 : memref<32xi32, #tpu.memory_space<vmem>>) semaphore(%arg20 : memref<!tpu.dma_semaphore, #tpu.memory_space<semaphore_mem>>)
      %ge3A_494 = arith.constant 1 : i32
      %ge3A_495 = arith.cmpi sge, %add3A_213, %ge3A_494 : i32
      %convert_element_type3A_496 = arith.extui %ge3A_495 : i1 to i32
      %cond3A_497 = arith.constant 0 : i32
      %cond3A_498 = arith.cmpi ne, %convert_element_type3A_496, %cond3A_497 : i32
      scf.if %cond3A_498 {
        %dma_wait3A_801 = arith.constant 0 : i32
        %dma_wait3A_802 = arith.constant 0 : i32
        %dma_wait3A_803 = tpu.memref_slice %arg4[%dma_wait3A_801, %dma_wait3A_802] : memref<10000x512xf32, #tpu.memory_space<hbm>> -> memref<10000x512xf32, #tpu.memory_space<hbm>>
        tpu.wait_indirect_dma semaphore(%arg21 : memref<!tpu.dma_semaphore, #tpu.memory_space<semaphore_mem>>) src(%dma_wait3A_803 : memref<10000x512xf32, #tpu.memory_space<hbm>>) dst(%arg15 : memref<32x512xf32, #tpu.memory_space<vmem>>)
        %sub3A_804 = arith.constant 1 : i32
        %sub3A_805 = arith.subi %add3A_214, %sub3A_804 : i32
        %dma_start3A_806 = arith.constant 0 : i32
        %dma_start3A_807 = arith.constant 0 : i32
        %dma_start3A_808 = tpu.memref_slice %arg5[%sub3A_805, %dma_start3A_806, %dma_start3A_807] : memref<4096x32x512xf32, #tpu.memory_space<hbm>> -> memref<1x32x512xf32, #tpu.memory_space<hbm>>
        %dma_start3A_809 = tpu.memref_squeeze %dma_start3A_808 : memref<1x32x512xf32, #tpu.memory_space<hbm>> -> memref<32x512xf32, #tpu.memory_space<hbm>>
        %dma_start3A_810 = arith.constant 0 : i32
        %dma_start3A_811 = arith.constant 0 : i32
        %dma_start3A_812 = tpu.memref_slice %arg5[%sub3A_805, %dma_start3A_810, %dma_start3A_811] : memref<4096x32x512xf32, #tpu.memory_space<hbm>> -> memref<1x32x512xf32, #tpu.memory_space<hbm>>
        %dma_start3A_813 = tpu.memref_squeeze %dma_start3A_812 : memref<1x32x512xf32, #tpu.memory_space<hbm>> -> memref<32x512xf32, #tpu.memory_space<hbm>>
        tpu.enqueue_dma source(%arg15 : memref<32x512xf32, #tpu.memory_space<vmem>>) target(%dma_start3A_813 : memref<32x512xf32, #tpu.memory_space<hbm>>) target_semaphore(%arg23 : memref<!tpu.dma_semaphore, #tpu.memory_space<semaphore_mem>>)
      } else {
      }
      %mul3A_499 = arith.constant 2 : i32
      %mul3A_500 = arith.muli %mul3A_499, %scan3A_209 : i32
      %add3A_501 = arith.constant 1 : i32
      %add3A_502 = arith.addi %mul3A_500, %add3A_501 : i32
      %add3A_503 = arith.addi %mul3A_2, %add3A_502 : i32
      %mul3A_504 = arith.constant 10240 : i32
      %mul3A_505 = arith.muli %add3A_503, %mul3A_504 : i32
      %dma_wait3A_506 = arith.constant 0 : i32
      %dma_wait3A_507 = tpu.memref_slice %arg8[%dma_wait3A_506] : memref<10368xf32, #tpu.memory_space<vmem>> -> memref<10240xf32, #tpu.memory_space<vmem>>
      %dma_wait3A_508 = tpu.memref_slice %arg2[%mul3A_505] : memref<41943040xf32, #tpu.memory_space<hbm>> -> memref<10240xf32, #tpu.memory_space<hbm>>
      %dma_wait3A_509 = arith.constant 0 : i32
      %dma_wait3A_510 = tpu.memref_slice %arg8[%dma_wait3A_509] : memref<10368xf32, #tpu.memory_space<vmem>> -> memref<10240xf32, #tpu.memory_space<vmem>>
      %dma_wait3A_511 = tpu.memref_slice %arg2[%mul3A_505] : memref<41943040xf32, #tpu.memory_space<hbm>> -> memref<10240xf32, #tpu.memory_space<hbm>>
      tpu.wait_dma2 semaphore(%arg19 : memref<!tpu.dma_semaphore, #tpu.memory_space<semaphore_mem>>) src(%dma_wait3A_511 : memref<10240xf32, #tpu.memory_space<hbm>>) dst(%dma_wait3A_510 : memref<10240xf32, #tpu.memory_space<vmem>>)
      %add3A_512 = arith.constant 1 : i32
      %add3A_513 = arith.addi %add3A_502, %add3A_512 : i32
      %lt3A_514 = arith.constant 128 : i32
      %lt3A_515 = arith.cmpi slt, %add3A_513, %lt3A_514 : i32
      %convert_element_type3A_516 = arith.extui %lt3A_515 : i1 to i32
      %cond3A_517 = arith.constant 0 : i32
      %cond3A_518 = arith.cmpi ne, %convert_element_type3A_516, %cond3A_517 : i32
      scf.if %cond3A_518 {
        %add3A_801 = arith.constant 1 : i32
        %add3A_802 = arith.addi %add3A_503, %add3A_801 : i32
        %mul3A_803 = arith.constant 10240 : i32
        %mul3A_804 = arith.muli %add3A_802, %mul3A_803 : i32
        %add3A_805 = arith.constant 0 : i32
        %add3A_806 = arith.addi %mul3A_804, %add3A_805 : i32
        %dma_start3A_807 = arith.constant 0 : i32
        %dma_start3A_808 = tpu.memref_slice %arg7[%dma_start3A_807] : memref<10368xf32, #tpu.memory_space<vmem>> -> memref<640xf32, #tpu.memory_space<vmem>>
        %dma_start3A_809 = tpu.memref_slice %arg2[%add3A_806] : memref<41943040xf32, #tpu.memory_space<hbm>> -> memref<640xf32, #tpu.memory_space<hbm>>
        %dma_start3A_810 = arith.constant 0 : i32
        %dma_start3A_811 = tpu.memref_slice %arg7[%dma_start3A_810] : memref<10368xf32, #tpu.memory_space<vmem>> -> memref<640xf32, #tpu.memory_space<vmem>>
        %dma_start3A_812 = tpu.memref_slice %arg2[%add3A_806] : memref<41943040xf32, #tpu.memory_space<hbm>> -> memref<640xf32, #tpu.memory_space<hbm>>
        tpu.enqueue_dma source(%dma_start3A_812 : memref<640xf32, #tpu.memory_space<hbm>>) target(%dma_start3A_811 : memref<640xf32, #tpu.memory_space<vmem>>) target_semaphore(%arg18 : memref<!tpu.dma_semaphore, #tpu.memory_space<semaphore_mem>>)
        %add3A_813 = arith.constant 1 : i32
        %add3A_814 = arith.addi %add3A_503, %add3A_813 : i32
        %mul3A_815 = arith.constant 10240 : i32
        %mul3A_816 = arith.muli %add3A_814, %mul3A_815 : i32
        %add3A_817 = arith.constant 640 : i32
        %add3A_818 = arith.addi %mul3A_816, %add3A_817 : i32
        %dma_start3A_819 = arith.constant 648 : i32
        %dma_start3A_820 = tpu.memref_slice %arg7[%dma_start3A_819] : memref<10368xf32, #tpu.memory_space<vmem>> -> memref<640xf32, #tpu.memory_space<vmem>>
        %dma_start3A_821 = tpu.memref_slice %arg2[%add3A_818] : memref<41943040xf32, #tpu.memory_space<hbm>> -> memref<640xf32, #tpu.memory_space<hbm>>
        %dma_start3A_822 = arith.constant 648 : i32
        %dma_start3A_823 = tpu.memref_slice %arg7[%dma_start3A_822] : memref<10368xf32, #tpu.memory_space<vmem>> -> memref<640xf32, #tpu.memory_space<vmem>>
        %dma_start3A_824 = tpu.memref_slice %arg2[%add3A_818] : memref<41943040xf32, #tpu.memory_space<hbm>> -> memref<640xf32, #tpu.memory_space<hbm>>
        tpu.enqueue_dma source(%dma_start3A_824 : memref<640xf32, #tpu.memory_space<hbm>>) target(%dma_start3A_823 : memref<640xf32, #tpu.memory_space<vmem>>) target_semaphore(%arg18 : memref<!tpu.dma_semaphore, #tpu.memory_space<semaphore_mem>>)
        %add3A_825 = arith.constant 1 : i32
        %add3A_826 = arith.addi %add3A_503, %add3A_825 : i32
        %mul3A_827 = arith.constant 10240 : i32
        %mul3A_828 = arith.muli %add3A_826, %mul3A_827 : i32
        %add3A_829 = arith.constant 1280 : i32
        %add3A_830 = arith.addi %mul3A_828, %add3A_829 : i32
        %dma_start3A_831 = arith.constant 1296 : i32
        %dma_start3A_832 = tpu.memref_slice %arg7[%dma_start3A_831] : memref<10368xf32, #tpu.memory_space<vmem>> -> memref<640xf32, #tpu.memory_space<vmem>>
        %dma_start3A_833 = tpu.memref_slice %arg2[%add3A_830] : memref<41943040xf32, #tpu.memory_space<hbm>> -> memref<640xf32, #tpu.memory_space<hbm>>
        %dma_start3A_834 = arith.constant 1296 : i32
        %dma_start3A_835 = tpu.memref_slice %arg7[%dma_start3A_834] : memref<10368xf32, #tpu.memory_space<vmem>> -> memref<640xf32, #tpu.memory_space<vmem>>
        %dma_start3A_836 = tpu.memref_slice %arg2[%add3A_830] : memref<41943040xf32, #tpu.memory_space<hbm>> -> memref<640xf32, #tpu.memory_space<hbm>>
        tpu.enqueue_dma source(%dma_start3A_836 : memref<640xf32, #tpu.memory_space<hbm>>) target(%dma_start3A_835 : memref<640xf32, #tpu.memory_space<vmem>>) target_semaphore(%arg18 : memref<!tpu.dma_semaphore, #tpu.memory_space<semaphore_mem>>)
        %add3A_837 = arith.constant 1 : i32
        %add3A_838 = arith.addi %add3A_503, %add3A_837 : i32
        %mul3A_839 = arith.constant 10240 : i32
        %mul3A_840 = arith.muli %add3A_838, %mul3A_839 : i32
        %add3A_841 = arith.constant 1920 : i32
        %add3A_842 = arith.addi %mul3A_840, %add3A_841 : i32
        %dma_start3A_843 = arith.constant 1944 : i32
        %dma_start3A_844 = tpu.memref_slice %arg7[%dma_start3A_843] : memref<10368xf32, #tpu.memory_space<vmem>> -> memref<640xf32, #tpu.memory_space<vmem>>
        %dma_start3A_845 = tpu.memref_slice %arg2[%add3A_842] : memref<41943040xf32, #tpu.memory_space<hbm>> -> memref<640xf32, #tpu.memory_space<hbm>>
        %dma_start3A_846 = arith.constant 1944 : i32
        %dma_start3A_847 = tpu.memref_slice %arg7[%dma_start3A_846] : memref<10368xf32, #tpu.memory_space<vmem>> -> memref<640xf32, #tpu.memory_space<vmem>>
        %dma_start3A_848 = tpu.memref_slice %arg2[%add3A_842] : memref<41943040xf32, #tpu.memory_space<hbm>> -> memref<640xf32, #tpu.memory_space<hbm>>
        tpu.enqueue_dma source(%dma_start3A_848 : memref<640xf32, #tpu.memory_space<hbm>>) target(%dma_start3A_847 : memref<640xf32, #tpu.memory_space<vmem>>) target_semaphore(%arg18 : memref<!tpu.dma_semaphore, #tpu.memory_space<semaphore_mem>>)
        %add3A_849 = arith.constant 1 : i32
        %add3A_850 = arith.addi %add3A_503, %add3A_849 : i32
        %mul3A_851 = arith.constant 10240 : i32
        %mul3A_852 = arith.muli %add3A_850, %mul3A_851 : i32
        %add3A_853 = arith.constant 2560 : i32
        %add3A_854 = arith.addi %mul3A_852, %add3A_853 : i32
        %dma_start3A_855 = arith.constant 2592 : i32
        %dma_start3A_856 = tpu.memref_slice %arg7[%dma_start3A_855] : memref<10368xf32, #tpu.memory_space<vmem>> -> memref<640xf32, #tpu.memory_space<vmem>>
        %dma_start3A_857 = tpu.memref_slice %arg2[%add3A_854] : memref<41943040xf32, #tpu.memory_space<hbm>> -> memref<640xf32, #tpu.memory_space<hbm>>
        %dma_start3A_858 = arith.constant 2592 : i32
        %dma_start3A_859 = tpu.memref_slice %arg7[%dma_start3A_858] : memref<10368xf32, #tpu.memory_space<vmem>> -> memref<640xf32, #tpu.memory_space<vmem>>
        %dma_start3A_860 = tpu.memref_slice %arg2[%add3A_854] : memref<41943040xf32, #tpu.memory_space<hbm>> -> memref<640xf32, #tpu.memory_space<hbm>>
        tpu.enqueue_dma source(%dma_start3A_860 : memref<640xf32, #tpu.memory_space<hbm>>) target(%dma_start3A_859 : memref<640xf32, #tpu.memory_space<vmem>>) target_semaphore(%arg18 : memref<!tpu.dma_semaphore, #tpu.memory_space<semaphore_mem>>)
        %add3A_861 = arith.constant 1 : i32
        %add3A_862 = arith.addi %add3A_503, %add3A_861 : i32
        %mul3A_863 = arith.constant 10240 : i32
        %mul3A_864 = arith.muli %add3A_862, %mul3A_863 : i32
        %add3A_865 = arith.constant 3200 : i32
        %add3A_866 = arith.addi %mul3A_864, %add3A_865 : i32
        %dma_start3A_867 = arith.constant 3240 : i32
        %dma_start3A_868 = tpu.memref_slice %arg7[%dma_start3A_867] : memref<10368xf32, #tpu.memory_space<vmem>> -> memref<640xf32, #tpu.memory_space<vmem>>
        %dma_start3A_869 = tpu.memref_slice %arg2[%add3A_866] : memref<41943040xf32, #tpu.memory_space<hbm>> -> memref<640xf32, #tpu.memory_space<hbm>>
        %dma_start3A_870 = arith.constant 3240 : i32
        %dma_start3A_871 = tpu.memref_slice %arg7[%dma_start3A_870] : memref<10368xf32, #tpu.memory_space<vmem>> -> memref<640xf32, #tpu.memory_space<vmem>>
        %dma_start3A_872 = tpu.memref_slice %arg2[%add3A_866] : memref<41943040xf32, #tpu.memory_space<hbm>> -> memref<640xf32, #tpu.memory_space<hbm>>
        tpu.enqueue_dma source(%dma_start3A_872 : memref<640xf32, #tpu.memory_space<hbm>>) target(%dma_start3A_871 : memref<640xf32, #tpu.memory_space<vmem>>) target_semaphore(%arg18 : memref<!tpu.dma_semaphore, #tpu.memory_space<semaphore_mem>>)
        %add3A_873 = arith.constant 1 : i32
        %add3A_874 = arith.addi %add3A_503, %add3A_873 : i32
        %mul3A_875 = arith.constant 10240 : i32
        %mul3A_876 = arith.muli %add3A_874, %mul3A_875 : i32
        %add3A_877 = arith.constant 3840 : i32
        %add3A_878 = arith.addi %mul3A_876, %add3A_877 : i32
        %dma_start3A_879 = arith.constant 3888 : i32
        %dma_start3A_880 = tpu.memref_slice %arg7[%dma_start3A_879] : memref<10368xf32, #tpu.memory_space<vmem>> -> memref<640xf32, #tpu.memory_space<vmem>>
        %dma_start3A_881 = tpu.memref_slice %arg2[%add3A_878] : memref<41943040xf32, #tpu.memory_space<hbm>> -> memref<640xf32, #tpu.memory_space<hbm>>
        %dma_start3A_882 = arith.constant 3888 : i32
        %dma_start3A_883 = tpu.memref_slice %arg7[%dma_start3A_882] : memref<10368xf32, #tpu.memory_space<vmem>> -> memref<640xf32, #tpu.memory_space<vmem>>
        %dma_start3A_884 = tpu.memref_slice %arg2[%add3A_878] : memref<41943040xf32, #tpu.memory_space<hbm>> -> memref<640xf32, #tpu.memory_space<hbm>>
        tpu.enqueue_dma source(%dma_start3A_884 : memref<640xf32, #tpu.memory_space<hbm>>) target(%dma_start3A_883 : memref<640xf32, #tpu.memory_space<vmem>>) target_semaphore(%arg18 : memref<!tpu.dma_semaphore, #tpu.memory_space<semaphore_mem>>)
        %add3A_885 = arith.constant 1 : i32
        %add3A_886 = arith.addi %add3A_503, %add3A_885 : i32
        %mul3A_887 = arith.constant 10240 : i32
        %mul3A_888 = arith.muli %add3A_886, %mul3A_887 : i32
        %add3A_889 = arith.constant 4480 : i32
        %add3A_890 = arith.addi %mul3A_888, %add3A_889 : i32
        %dma_start3A_891 = arith.constant 4536 : i32
        %dma_start3A_892 = tpu.memref_slice %arg7[%dma_start3A_891] : memref<10368xf32, #tpu.memory_space<vmem>> -> memref<640xf32, #tpu.memory_space<vmem>>
        %dma_start3A_893 = tpu.memref_slice %arg2[%add3A_890] : memref<41943040xf32, #tpu.memory_space<hbm>> -> memref<640xf32, #tpu.memory_space<hbm>>
        %dma_start3A_894 = arith.constant 4536 : i32
        %dma_start3A_895 = tpu.memref_slice %arg7[%dma_start3A_894] : memref<10368xf32, #tpu.memory_space<vmem>> -> memref<640xf32, #tpu.memory_space<vmem>>
        %dma_start3A_896 = tpu.memref_slice %arg2[%add3A_890] : memref<41943040xf32, #tpu.memory_space<hbm>> -> memref<640xf32, #tpu.memory_space<hbm>>
        tpu.enqueue_dma source(%dma_start3A_896 : memref<640xf32, #tpu.memory_space<hbm>>) target(%dma_start3A_895 : memref<640xf32, #tpu.memory_space<vmem>>) target_semaphore(%arg18 : memref<!tpu.dma_semaphore, #tpu.memory_space<semaphore_mem>>)
        %add3A_897 = arith.constant 1 : i32
        %add3A_898 = arith.addi %add3A_503, %add3A_897 : i32
        %mul3A_899 = arith.constant 10240 : i32
        %mul3A_900 = arith.muli %add3A_898, %mul3A_899 : i32
        %add3A_901 = arith.constant 5120 : i32
        %add3A_902 = arith.addi %mul3A_900, %add3A_901 : i32
        %dma_start3A_903 = arith.constant 5184 : i32
        %dma_start3A_904 = tpu.memref_slice %arg7[%dma_start3A_903] : memref<10368xf32, #tpu.memory_space<vmem>> -> memref<640xf32, #tpu.memory_space<vmem>>
        %dma_start3A_905 = tpu.memref_slice %arg2[%add3A_902] : memref<41943040xf32, #tpu.memory_space<hbm>> -> memref<640xf32, #tpu.memory_space<hbm>>
        %dma_start3A_906 = arith.constant 5184 : i32
        %dma_start3A_907 = tpu.memref_slice %arg7[%dma_start3A_906] : memref<10368xf32, #tpu.memory_space<vmem>> -> memref<640xf32, #tpu.memory_space<vmem>>
        %dma_start3A_908 = tpu.memref_slice %arg2[%add3A_902] : memref<41943040xf32, #tpu.memory_space<hbm>> -> memref<640xf32, #tpu.memory_space<hbm>>
        tpu.enqueue_dma source(%dma_start3A_908 : memref<640xf32, #tpu.memory_space<hbm>>) target(%dma_start3A_907 : memref<640xf32, #tpu.memory_space<vmem>>) target_semaphore(%arg18 : memref<!tpu.dma_semaphore, #tpu.memory_space<semaphore_mem>>)
        %add3A_909 = arith.constant 1 : i32
        %add3A_910 = arith.addi %add3A_503, %add3A_909 : i32
        %mul3A_911 = arith.constant 10240 : i32
        %mul3A_912 = arith.muli %add3A_910, %mul3A_911 : i32
        %add3A_913 = arith.constant 5760 : i32
        %add3A_914 = arith.addi %mul3A_912, %add3A_913 : i32
        %dma_start3A_915 = arith.constant 5832 : i32
        %dma_start3A_916 = tpu.memref_slice %arg7[%dma_start3A_915] : memref<10368xf32, #tpu.memory_space<vmem>> -> memref<640xf32, #tpu.memory_space<vmem>>
        %dma_start3A_917 = tpu.memref_slice %arg2[%add3A_914] : memref<41943040xf32, #tpu.memory_space<hbm>> -> memref<640xf32, #tpu.memory_space<hbm>>
        %dma_start3A_918 = arith.constant 5832 : i32
        %dma_start3A_919 = tpu.memref_slice %arg7[%dma_start3A_918] : memref<10368xf32, #tpu.memory_space<vmem>> -> memref<640xf32, #tpu.memory_space<vmem>>
        %dma_start3A_920 = tpu.memref_slice %arg2[%add3A_914] : memref<41943040xf32, #tpu.memory_space<hbm>> -> memref<640xf32, #tpu.memory_space<hbm>>
        tpu.enqueue_dma source(%dma_start3A_920 : memref<640xf32, #tpu.memory_space<hbm>>) target(%dma_start3A_919 : memref<640xf32, #tpu.memory_space<vmem>>) target_semaphore(%arg18 : memref<!tpu.dma_semaphore, #tpu.memory_space<semaphore_mem>>)
        %add3A_921 = arith.constant 1 : i32
        %add3A_922 = arith.addi %add3A_503, %add3A_921 : i32
        %mul3A_923 = arith.constant 10240 : i32
        %mul3A_924 = arith.muli %add3A_922, %mul3A_923 : i32
        %add3A_925 = arith.constant 6400 : i32
        %add3A_926 = arith.addi %mul3A_924, %add3A_925 : i32
        %dma_start3A_927 = arith.constant 6480 : i32
        %dma_start3A_928 = tpu.memref_slice %arg7[%dma_start3A_927] : memref<10368xf32, #tpu.memory_space<vmem>> -> memref<640xf32, #tpu.memory_space<vmem>>
        %dma_start3A_929 = tpu.memref_slice %arg2[%add3A_926] : memref<41943040xf32, #tpu.memory_space<hbm>> -> memref<640xf32, #tpu.memory_space<hbm>>
        %dma_start3A_930 = arith.constant 6480 : i32
        %dma_start3A_931 = tpu.memref_slice %arg7[%dma_start3A_930] : memref<10368xf32, #tpu.memory_space<vmem>> -> memref<640xf32, #tpu.memory_space<vmem>>
        %dma_start3A_932 = tpu.memref_slice %arg2[%add3A_926] : memref<41943040xf32, #tpu.memory_space<hbm>> -> memref<640xf32, #tpu.memory_space<hbm>>
        tpu.enqueue_dma source(%dma_start3A_932 : memref<640xf32, #tpu.memory_space<hbm>>) target(%dma_start3A_931 : memref<640xf32, #tpu.memory_space<vmem>>) target_semaphore(%arg18 : memref<!tpu.dma_semaphore, #tpu.memory_space<semaphore_mem>>)
        %add3A_933 = arith.constant 1 : i32
        %add3A_934 = arith.addi %add3A_503, %add3A_933 : i32
        %mul3A_935 = arith.constant 10240 : i32
        %mul3A_936 = arith.muli %add3A_934, %mul3A_935 : i32
        %add3A_937 = arith.constant 7040 : i32
        %add3A_938 = arith.addi %mul3A_936, %add3A_937 : i32
        %dma_start3A_939 = arith.constant 7128 : i32
        %dma_start3A_940 = tpu.memref_slice %arg7[%dma_start3A_939] : memref<10368xf32, #tpu.memory_space<vmem>> -> memref<640xf32, #tpu.memory_space<vmem>>
        %dma_start3A_941 = tpu.memref_slice %arg2[%add3A_938] : memref<41943040xf32, #tpu.memory_space<hbm>> -> memref<640xf32, #tpu.memory_space<hbm>>
        %dma_start3A_942 = arith.constant 7128 : i32
        %dma_start3A_943 = tpu.memref_slice %arg7[%dma_start3A_942] : memref<10368xf32, #tpu.memory_space<vmem>> -> memref<640xf32, #tpu.memory_space<vmem>>
        %dma_start3A_944 = tpu.memref_slice %arg2[%add3A_938] : memref<41943040xf32, #tpu.memory_space<hbm>> -> memref<640xf32, #tpu.memory_space<hbm>>
        tpu.enqueue_dma source(%dma_start3A_944 : memref<640xf32, #tpu.memory_space<hbm>>) target(%dma_start3A_943 : memref<640xf32, #tpu.memory_space<vmem>>) target_semaphore(%arg18 : memref<!tpu.dma_semaphore, #tpu.memory_space<semaphore_mem>>)
        %add3A_945 = arith.constant 1 : i32
        %add3A_946 = arith.addi %add3A_503, %add3A_945 : i32
        %mul3A_947 = arith.constant 10240 : i32
        %mul3A_948 = arith.muli %add3A_946, %mul3A_947 : i32
        %add3A_949 = arith.constant 7680 : i32
        %add3A_950 = arith.addi %mul3A_948, %add3A_949 : i32
        %dma_start3A_951 = arith.constant 7776 : i32
        %dma_start3A_952 = tpu.memref_slice %arg7[%dma_start3A_951] : memref<10368xf32, #tpu.memory_space<vmem>> -> memref<640xf32, #tpu.memory_space<vmem>>
        %dma_start3A_953 = tpu.memref_slice %arg2[%add3A_950] : memref<41943040xf32, #tpu.memory_space<hbm>> -> memref<640xf32, #tpu.memory_space<hbm>>
        %dma_start3A_954 = arith.constant 7776 : i32
        %dma_start3A_955 = tpu.memref_slice %arg7[%dma_start3A_954] : memref<10368xf32, #tpu.memory_space<vmem>> -> memref<640xf32, #tpu.memory_space<vmem>>
        %dma_start3A_956 = tpu.memref_slice %arg2[%add3A_950] : memref<41943040xf32, #tpu.memory_space<hbm>> -> memref<640xf32, #tpu.memory_space<hbm>>
        tpu.enqueue_dma source(%dma_start3A_956 : memref<640xf32, #tpu.memory_space<hbm>>) target(%dma_start3A_955 : memref<640xf32, #tpu.memory_space<vmem>>) target_semaphore(%arg18 : memref<!tpu.dma_semaphore, #tpu.memory_space<semaphore_mem>>)
        %add3A_957 = arith.constant 1 : i32
        %add3A_958 = arith.addi %add3A_503, %add3A_957 : i32
        %mul3A_959 = arith.constant 10240 : i32
        %mul3A_960 = arith.muli %add3A_958, %mul3A_959 : i32
        %add3A_961 = arith.constant 8320 : i32
        %add3A_962 = arith.addi %mul3A_960, %add3A_961 : i32
        %dma_start3A_963 = arith.constant 8424 : i32
        %dma_start3A_964 = tpu.memref_slice %arg7[%dma_start3A_963] : memref<10368xf32, #tpu.memory_space<vmem>> -> memref<640xf32, #tpu.memory_space<vmem>>
        %dma_start3A_965 = tpu.memref_slice %arg2[%add3A_962] : memref<41943040xf32, #tpu.memory_space<hbm>> -> memref<640xf32, #tpu.memory_space<hbm>>
        %dma_start3A_966 = arith.constant 8424 : i32
        %dma_start3A_967 = tpu.memref_slice %arg7[%dma_start3A_966] : memref<10368xf32, #tpu.memory_space<vmem>> -> memref<640xf32, #tpu.memory_space<vmem>>
        %dma_start3A_968 = tpu.memref_slice %arg2[%add3A_962] : memref<41943040xf32, #tpu.memory_space<hbm>> -> memref<640xf32, #tpu.memory_space<hbm>>
        tpu.enqueue_dma source(%dma_start3A_968 : memref<640xf32, #tpu.memory_space<hbm>>) target(%dma_start3A_967 : memref<640xf32, #tpu.memory_space<vmem>>) target_semaphore(%arg18 : memref<!tpu.dma_semaphore, #tpu.memory_space<semaphore_mem>>)
        %add3A_969 = arith.constant 1 : i32
        %add3A_970 = arith.addi %add3A_503, %add3A_969 : i32
        %mul3A_971 = arith.constant 10240 : i32
        %mul3A_972 = arith.muli %add3A_970, %mul3A_971 : i32
        %add3A_973 = arith.constant 8960 : i32
        %add3A_974 = arith.addi %mul3A_972, %add3A_973 : i32
        %dma_start3A_975 = arith.constant 9072 : i32
        %dma_start3A_976 = tpu.memref_slice %arg7[%dma_start3A_975] : memref<10368xf32, #tpu.memory_space<vmem>> -> memref<640xf32, #tpu.memory_space<vmem>>
        %dma_start3A_977 = tpu.memref_slice %arg2[%add3A_974] : memref<41943040xf32, #tpu.memory_space<hbm>> -> memref<640xf32, #tpu.memory_space<hbm>>
        %dma_start3A_978 = arith.constant 9072 : i32
        %dma_start3A_979 = tpu.memref_slice %arg7[%dma_start3A_978] : memref<10368xf32, #tpu.memory_space<vmem>> -> memref<640xf32, #tpu.memory_space<vmem>>
        %dma_start3A_980 = tpu.memref_slice %arg2[%add3A_974] : memref<41943040xf32, #tpu.memory_space<hbm>> -> memref<640xf32, #tpu.memory_space<hbm>>
        tpu.enqueue_dma source(%dma_start3A_980 : memref<640xf32, #tpu.memory_space<hbm>>) target(%dma_start3A_979 : memref<640xf32, #tpu.memory_space<vmem>>) target_semaphore(%arg18 : memref<!tpu.dma_semaphore, #tpu.memory_space<semaphore_mem>>)
        %add3A_981 = arith.constant 1 : i32
        %add3A_982 = arith.addi %add3A_503, %add3A_981 : i32
        %mul3A_983 = arith.constant 10240 : i32
        %mul3A_984 = arith.muli %add3A_982, %mul3A_983 : i32
        %add3A_985 = arith.constant 9600 : i32
        %add3A_986 = arith.addi %mul3A_984, %add3A_985 : i32
        %dma_start3A_987 = arith.constant 9720 : i32
        %dma_start3A_988 = tpu.memref_slice %arg7[%dma_start3A_987] : memref<10368xf32, #tpu.memory_space<vmem>> -> memref<640xf32, #tpu.memory_space<vmem>>
        %dma_start3A_989 = tpu.memref_slice %arg2[%add3A_986] : memref<41943040xf32, #tpu.memory_space<hbm>> -> memref<640xf32, #tpu.memory_space<hbm>>
        %dma_start3A_990 = arith.constant 9720 : i32
        %dma_start3A_991 = tpu.memref_slice %arg7[%dma_start3A_990] : memref<10368xf32, #tpu.memory_space<vmem>> -> memref<640xf32, #tpu.memory_space<vmem>>
        %dma_start3A_992 = tpu.memref_slice %arg2[%add3A_986] : memref<41943040xf32, #tpu.memory_space<hbm>> -> memref<640xf32, #tpu.memory_space<hbm>>
        tpu.enqueue_dma source(%dma_start3A_992 : memref<640xf32, #tpu.memory_space<hbm>>) target(%dma_start3A_991 : memref<640xf32, #tpu.memory_space<vmem>>) target_semaphore(%arg18 : memref<!tpu.dma_semaphore, #tpu.memory_space<semaphore_mem>>)
      } else {
      }
      %scan3A_519 = arith.constant 0 : i32
      %scan3A_520 = arith.constant 0 : i32
      %scan3A_521 = arith.constant 40 : i32
      %scan3A_522 = arith.addi %scan3A_520, %scan3A_521 : i32
      %scan3A_523 = arith.constant 1 : i32
      scf.for %scan3A_801 = %scan3A_520 to %scan3A_522 step %scan3A_523  : i32 {
        %mul3A_802 = arith.constant 16 : i32
        %mul3A_803 = arith.muli %scan3A_801, %mul3A_802 : i32
        %add3A_804 = arith.constant 0 : i32
        %add3A_805 = arith.addi %add3A_804, %mul3A_803 : i32
        %get3A_806 = arith.index_cast %add3A_805 : i32 to index
        %get3A_807 = tpu.vector_load %arg8[%get3A_806] {strides = array<i32>} : memref<10368xf32, #tpu.memory_space<vmem>>, vector<16xf32>,
        %mul3A_808 = arith.constant 16 : i32
        %mul3A_809 = arith.muli %scan3A_801, %mul3A_808 : i32
        %add3A_810 = arith.constant 648 : i32
        %add3A_811 = arith.addi %add3A_810, %mul3A_809 : i32
        %get3A_812 = arith.index_cast %add3A_811 : i32 to index
        %get3A_813 = tpu.vector_load %arg8[%get3A_812] {strides = array<i32>} : memref<10368xf32, #tpu.memory_space<vmem>>, vector<16xf32>,
        %mul3A_814 = arith.constant 16 : i32
        %mul3A_815 = arith.muli %scan3A_801, %mul3A_814 : i32
        %add3A_816 = arith.constant 1296 : i32
        %add3A_817 = arith.addi %add3A_816, %mul3A_815 : i32
        %get3A_818 = arith.index_cast %add3A_817 : i32 to index
        %get3A_819 = tpu.vector_load %arg8[%get3A_818] {strides = array<i32>} : memref<10368xf32, #tpu.memory_space<vmem>>, vector<16xf32>,
        %mul3A_820 = arith.constant 16 : i32
        %mul3A_821 = arith.muli %scan3A_801, %mul3A_820 : i32
        %add3A_822 = arith.constant 1944 : i32
        %add3A_823 = arith.addi %add3A_822, %mul3A_821 : i32
        %get3A_824 = arith.index_cast %add3A_823 : i32 to index
        %get3A_825 = tpu.vector_load %arg8[%get3A_824] {strides = array<i32>} : memref<10368xf32, #tpu.memory_space<vmem>>, vector<16xf32>,
        %mul3A_826 = arith.constant 16 : i32
        %mul3A_827 = arith.muli %scan3A_801, %mul3A_826 : i32
        %add3A_828 = arith.constant 2592 : i32
        %add3A_829 = arith.addi %add3A_828, %mul3A_827 : i32
        %get3A_830 = arith.index_cast %add3A_829 : i32 to index
        %get3A_831 = tpu.vector_load %arg8[%get3A_830] {strides = array<i32>} : memref<10368xf32, #tpu.memory_space<vmem>>, vector<16xf32>,
        %mul3A_832 = arith.constant 16 : i32
        %mul3A_833 = arith.muli %scan3A_801, %mul3A_832 : i32
        %add3A_834 = arith.constant 3240 : i32
        %add3A_835 = arith.addi %add3A_834, %mul3A_833 : i32
        %get3A_836 = arith.index_cast %add3A_835 : i32 to index
        %get3A_837 = tpu.vector_load %arg8[%get3A_836] {strides = array<i32>} : memref<10368xf32, #tpu.memory_space<vmem>>, vector<16xf32>,
        %mul3A_838 = arith.constant 16 : i32
        %mul3A_839 = arith.muli %scan3A_801, %mul3A_838 : i32
        %add3A_840 = arith.constant 3888 : i32
        %add3A_841 = arith.addi %add3A_840, %mul3A_839 : i32
        %get3A_842 = arith.index_cast %add3A_841 : i32 to index
        %get3A_843 = tpu.vector_load %arg8[%get3A_842] {strides = array<i32>} : memref<10368xf32, #tpu.memory_space<vmem>>, vector<16xf32>,
        %mul3A_844 = arith.constant 16 : i32
        %mul3A_845 = arith.muli %scan3A_801, %mul3A_844 : i32
        %add3A_846 = arith.constant 4536 : i32
        %add3A_847 = arith.addi %add3A_846, %mul3A_845 : i32
        %get3A_848 = arith.index_cast %add3A_847 : i32 to index
        %get3A_849 = tpu.vector_load %arg8[%get3A_848] {strides = array<i32>} : memref<10368xf32, #tpu.memory_space<vmem>>, vector<16xf32>,
        %mul3A_850 = arith.constant 16 : i32
        %mul3A_851 = arith.muli %scan3A_801, %mul3A_850 : i32
        %add3A_852 = arith.constant 5184 : i32
        %add3A_853 = arith.addi %add3A_852, %mul3A_851 : i32
        %get3A_854 = arith.index_cast %add3A_853 : i32 to index
        %get3A_855 = tpu.vector_load %arg8[%get3A_854] {strides = array<i32>} : memref<10368xf32, #tpu.memory_space<vmem>>, vector<16xf32>,
        %mul3A_856 = arith.constant 16 : i32
        %mul3A_857 = arith.muli %scan3A_801, %mul3A_856 : i32
        %add3A_858 = arith.constant 5832 : i32
        %add3A_859 = arith.addi %add3A_858, %mul3A_857 : i32
        %get3A_860 = arith.index_cast %add3A_859 : i32 to index
        %get3A_861 = tpu.vector_load %arg8[%get3A_860] {strides = array<i32>} : memref<10368xf32, #tpu.memory_space<vmem>>, vector<16xf32>,
        %mul3A_862 = arith.constant 16 : i32
        %mul3A_863 = arith.muli %scan3A_801, %mul3A_862 : i32
        %add3A_864 = arith.constant 6480 : i32
        %add3A_865 = arith.addi %add3A_864, %mul3A_863 : i32
        %get3A_866 = arith.index_cast %add3A_865 : i32 to index
        %get3A_867 = tpu.vector_load %arg8[%get3A_866] {strides = array<i32>} : memref<10368xf32, #tpu.memory_space<vmem>>, vector<16xf32>,
        %mul3A_868 = arith.constant 16 : i32
        %mul3A_869 = arith.muli %scan3A_801, %mul3A_868 : i32
        %add3A_870 = arith.constant 7128 : i32
        %add3A_871 = arith.addi %add3A_870, %mul3A_869 : i32
        %get3A_872 = arith.index_cast %add3A_871 : i32 to index
        %get3A_873 = tpu.vector_load %arg8[%get3A_872] {strides = array<i32>} : memref<10368xf32, #tpu.memory_space<vmem>>, vector<16xf32>,
        %mul3A_874 = arith.constant 16 : i32
        %mul3A_875 = arith.muli %scan3A_801, %mul3A_874 : i32
        %add3A_876 = arith.constant 7776 : i32
        %add3A_877 = arith.addi %add3A_876, %mul3A_875 : i32
        %get3A_878 = arith.index_cast %add3A_877 : i32 to index
        %get3A_879 = tpu.vector_load %arg8[%get3A_878] {strides = array<i32>} : memref<10368xf32, #tpu.memory_space<vmem>>, vector<16xf32>,
        %mul3A_880 = arith.constant 16 : i32
        %mul3A_881 = arith.muli %scan3A_801, %mul3A_880 : i32
        %add3A_882 = arith.constant 8424 : i32
        %add3A_883 = arith.addi %add3A_882, %mul3A_881 : i32
        %get3A_884 = arith.index_cast %add3A_883 : i32 to index
        %get3A_885 = tpu.vector_load %arg8[%get3A_884] {strides = array<i32>} : memref<10368xf32, #tpu.memory_space<vmem>>, vector<16xf32>,
        %mul3A_886 = arith.constant 16 : i32
        %mul3A_887 = arith.muli %scan3A_801, %mul3A_886 : i32
        %add3A_888 = arith.constant 9072 : i32
        %add3A_889 = arith.addi %add3A_888, %mul3A_887 : i32
        %get3A_890 = arith.index_cast %add3A_889 : i32 to index
        %get3A_891 = tpu.vector_load %arg8[%get3A_890] {strides = array<i32>} : memref<10368xf32, #tpu.memory_space<vmem>>, vector<16xf32>,
        %mul3A_892 = arith.constant 16 : i32
        %mul3A_893 = arith.muli %scan3A_801, %mul3A_892 : i32
        %add3A_894 = arith.constant 9720 : i32
        %add3A_895 = arith.addi %add3A_894, %mul3A_893 : i32
        %get3A_896 = arith.index_cast %add3A_895 : i32 to index
        %get3A_897 = tpu.vector_load %arg8[%get3A_896] {strides = array<i32>} : memref<10368xf32, #tpu.memory_space<vmem>>, vector<16xf32>,
        %max3A = arith.maximumf %get3A_807, %get3A_813 : vector<16xf32>
        %max3A_898 = arith.maximumf %get3A_819, %get3A_825 : vector<16xf32>
        %max3A_899 = arith.maximumf %get3A_831, %get3A_837 : vector<16xf32>
        %max3A_900 = arith.maximumf %get3A_843, %get3A_849 : vector<16xf32>
        %max3A_901 = arith.maximumf %get3A_855, %get3A_861 : vector<16xf32>
        %max3A_902 = arith.maximumf %get3A_867, %get3A_873 : vector<16xf32>
        %max3A_903 = arith.maximumf %get3A_879, %get3A_885 : vector<16xf32>
        %max3A_904 = arith.maximumf %get3A_891, %get3A_897 : vector<16xf32>
        %max3A_905 = arith.maximumf %max3A, %max3A_898 : vector<16xf32>
        %max3A_906 = arith.maximumf %max3A_899, %max3A_900 : vector<16xf32>
        %max3A_907 = arith.maximumf %max3A_901, %max3A_902 : vector<16xf32>
        %max3A_908 = arith.maximumf %max3A_903, %max3A_904 : vector<16xf32>
        %max3A_909 = arith.maximumf %max3A_905, %max3A_906 : vector<16xf32>
        %max3A_910 = arith.maximumf %max3A_907, %max3A_908 : vector<16xf32>
        %max3A_911 = arith.maximumf %max3A_909, %max3A_910 : vector<16xf32>
        %mul3A_912 = arith.constant 16 : i32
        %mul3A_913 = arith.muli %scan3A_801, %mul3A_912 : i32
        %swap3A_914 = arith.index_cast %mul3A_913 : i32 to index
        %swap3A_915 = tpu.vector_load %arg9[%swap3A_914] {strides = array<i32>} : memref<640xf32, #tpu.memory_space<vmem>>, vector<16xf32>,
        tpu.vector_store %arg9[%swap3A_914], %max3A_911 {strides = array<i32>} : memref<640xf32, #tpu.memory_space<vmem>>, vector<16xf32>,
      }
      %scan3A_524 = arith.constant 40 : i32
      %scan3A_525 = arith.constant 0 : i32
      %scan3A_526 = arith.constant 0 : i32
      %scan3A_527 = arith.constant 40 : i32
      %scan3A_528 = arith.addi %scan3A_526, %scan3A_527 : i32
      %scan3A_529 = arith.constant 1 : i32
      %scan3A_530:6 = scf.for %scan3A_801 = %scan3A_526 to %scan3A_528 step %scan3A_529 iter_args(%scan3A_802 = %scan3A_525, %scan3A_803 = %broadcast_in_dim3A_3, %scan3A_804 = %broadcast_in_dim3A_3, %scan3A_805 = %broadcast_in_dim3A_5, %scan3A_806 = %broadcast_in_dim3A_3, %scan3A_807 = %broadcast_in_dim3A_5) -> (i32, vector<16xf32>, vector<16xf32>, vector<16xi32>, vector<16xf32>, vector<16xi32>)  : i32 {
        %mul3A_808 = arith.constant 16 : i32
        %mul3A_809 = arith.muli %scan3A_801, %mul3A_808 : i32
        %get3A_810 = arith.index_cast %mul3A_809 : i32 to index
        %get3A_811 = tpu.vector_load %arg9[%get3A_810] {strides = array<i32>} : memref<640xf32, #tpu.memory_space<vmem>>, vector<16xf32>,
        %gt3A = arith.cmpf ogt, %get3A_811, %scan3A_803 : vector<16xf32>
        %all_reduce_population_count3A = tpu.all_reduce %gt3A {dim = 0 : i64, kind = #tpu.reduction_kind<sum>} : vector<16xi1> -> vector<16xi32>
        %slice3A_812 = vector.extract_strided_slice %all_reduce_population_count3A {offsets = [0], sizes = [1], strides = [1]} : vector<16xi32> to vector<1xi32>
        %squeeze3A_813 = vector.extract %slice3A_812[0] : i32 from vector<1xi32>
        %while3A = arith.constant 0 : i32
        %while3A_814 = arith.subi %squeeze3A_813, %while3A : i32
        %while3A_815 = arith.addi %while3A, %while3A_814 : i32
        %while3A_816 = arith.constant 1 : i32
        %while3A_817 = arith.divsi %while3A_814, %while3A_816 : i32
        %while3A_818 = arith.muli %while3A_817, %while3A_816 : i32
        %while3A_819 = arith.addi %while3A, %while3A_818 : i32
        %while3A_820 = arith.constant 1 : i32
        %while3A_821:7 = scf.for %while3A_824 = %while3A to %while3A_819 step %while3A_820 iter_args(%while3A_825 = %gt3A, %while3A_826 = %scan3A_802, %while3A_827 = %scan3A_803, %while3A_828 = %scan3A_804, %while3A_829 = %scan3A_805, %while3A_830 = %scan3A_806, %while3A_831 = %scan3A_807) -> (vector<16xi1>, i32, vector<16xf32>, vector<16xf32>, vector<16xi32>, vector<16xf32>, vector<16xi32>)  : i32 {
          %all_reduce_ffs3A = tpu.all_reduce %while3A_825 {dim = 0 : i64, kind = #tpu.reduction_kind<find_first_set>} : vector<16xi1> -> vector<16xi32>
          %ne3A = arith.cmpi ne, %iota3A, %all_reduce_ffs3A : vector<16xi32>
          %and3A = arith.andi %while3A_825, %ne3A : vector<16xi1>
          %mul3A_832 = arith.constant 16 : i32
          %mul3A_833 = arith.muli %scan3A_801, %mul3A_832 : i32
          %add3A_834 = vector.broadcast %mul3A_833 : i32 to vector<16xi32>
          %add3A_835 = arith.addi %add3A_834, %all_reduce_ffs3A : vector<16xi32>
          %add3A_836 = arith.addi %mul3A_11, %add3A_835 : vector<16xi32>
          %gather3A_837 = tpu.vector_load_idx %arg8[%add3A_836] : memref<10368xf32, #tpu.memory_space<vmem>>[vector<16xi32>], vector<16xf32>,
          %gt3A_838 = arith.cmpf ogt, %gather3A_837, %while3A_827 : vector<16xf32>
          %all_reduce_population_count3A_839 = tpu.all_reduce %gt3A_838 {dim = 0 : i64, kind = #tpu.reduction_kind<sum>} : vector<16xi1> -> vector<16xi32>
          %slice3A_840 = vector.extract_strided_slice %all_reduce_population_count3A_839 {offsets = [0], sizes = [1], strides = [1]} : vector<16xi32> to vector<1xi32>
          %squeeze3A_841 = vector.extract %slice3A_840[0] : i32 from vector<1xi32>
          %swap3A_842 = arith.index_cast %while3A_826 : i32 to index
          %swap3A_843 = tpu.vector_load %arg10[%swap3A_842] masked %gt3A_838 {strides = array<i32>} : memref<64xf32, #tpu.memory_space<vmem>>, vector<16xf32>, vector<16xi1>
          tpu.vector_store %arg10[%swap3A_842], %gather3A_837 masked %gt3A_838 {strides = array<i32>} : memref<64xf32, #tpu.memory_space<vmem>>, vector<16xf32>, vector<16xi1>
          %add3A_844 = arith.addi %mul3A_8, %add3A_835 : vector<16xi32>
          %swap3A_845 = arith.index_cast %while3A_826 : i32 to index
          %swap3A_846 = tpu.vector_load %arg11[%swap3A_845] masked %gt3A_838 {strides = array<i32>} : memref<64xi32, #tpu.memory_space<vmem>>, vector<16xi32>, vector<16xi1>
          tpu.vector_store %arg11[%swap3A_845], %add3A_844 masked %gt3A_838 {strides = array<i32>} : memref<64xi32, #tpu.memory_space<vmem>>, vector<16xi32>, vector<16xi1>
          %add3A_847 = arith.addi %while3A_826, %squeeze3A_841 : i32
          %ge3A_848 = arith.constant 48 : i32
          %ge3A_849 = arith.cmpi sge, %add3A_847, %ge3A_848 : i32
          %convert_element_type3A_850 = arith.extui %ge3A_849 : i1 to i32
          %cond3A_851 = arith.constant 0 : i32
          %cond3A_852 = arith.cmpi ne, %convert_element_type3A_850, %cond3A_851 : i32
          %cond3A_853:6 = scf.if %cond3A_852 -> (i32, vector<16xf32>, vector<16xf32>, vector<16xi32>, vector<16xf32>, vector<16xi32>) {
            %broadcast_in_dim3A_854 = vector.broadcast %add3A_847 : i32 to vector<16xi32>
            %add3A_855 = arith.constant 0 : i32
            %add3A_856 = vector.broadcast %add3A_855 : i32 to vector<16xi32>
            %add3A_857 = arith.addi %iota3A, %add3A_856 : vector<16xi32>
            %lt3A_858 = arith.cmpi slt, %add3A_857, %broadcast_in_dim3A_854 : vector<16xi32>
            %get3A_859 = arith.constant 0 : index
            %get3A_860 = tpu.vector_load %arg10[%get3A_859] {strides = array<i32>} : memref<64xf32, #tpu.memory_space<vmem>>, vector<16xf32>,
            %select_n3A_861 = arith.select %lt3A_858, %get3A_860, %broadcast_in_dim3A_3 : vector<16xi1>, vector<16xf32>
            %get3A_862 = arith.constant 0 : index
            %get3A_863 = tpu.vector_load %arg11[%get3A_862] {strides = array<i32>} : memref<64xi32, #tpu.memory_space<vmem>>, vector<16xi32>,
            %masked_sort3A_864 = arith.constant dense<true> : vector<16xi1>
            %masked_sort3A_865, %masked_sort3A_866, %masked_sort3A_867 = tpu.sort %select_n3A_861, %get3A_863 masked %masked_sort3A_864 : (vector<16xf32>, vector<16xi32>, vector<16xi1>) -> (vector<16xi1>, vector<16xf32>, vector<16xi32>)
            %rev3A_868 = arith.constant 15 : i32
            %rev3A_869 = vector.broadcast %rev3A_868 : i32 to vector<16xi32>
            %rev3A_870 = tpu.iota {dimensions = array<i32: 0>} : vector<16xi32>
            %rev3A_871 = arith.subi %rev3A_869, %rev3A_870 : vector<16xi32>
            %rev3A_872 = tpu.dynamic_gather %masked_sort3A_866[%rev3A_871] in [0] : vector<16xf32>, vector<16xi32> -> vector<16xf32>
            %rev3A_873 = arith.constant 15 : i32
            %rev3A_874 = vector.broadcast %rev3A_873 : i32 to vector<16xi32>
            %rev3A_875 = tpu.iota {dimensions = array<i32: 0>} : vector<16xi32>
            %rev3A_876 = arith.subi %rev3A_874, %rev3A_875 : vector<16xi32>
            %rev3A_877 = tpu.dynamic_gather %masked_sort3A_867[%rev3A_876] in [0] : vector<16xi32>, vector<16xi32> -> vector<16xi32>
            %ge3A_878 = arith.cmpf oge, %while3A_828, %rev3A_872 : vector<16xf32>
            %select_n3A_879 = arith.select %ge3A_878, %while3A_828, %rev3A_872 : vector<16xi1>, vector<16xf32>
            %select_n3A_880 = arith.select %ge3A_878, %while3A_829, %rev3A_877 : vector<16xi1>, vector<16xi32>
            %select_n3A_881 = arith.select %ge3A_878, %rev3A_872, %while3A_828 : vector<16xi1>, vector<16xf32>
            %select_n3A_882 = arith.select %ge3A_878, %rev3A_877, %while3A_829 : vector<16xi1>, vector<16xi32>
            %masked_sort3A_883 = arith.constant dense<true> : vector<16xi1>
            %masked_sort3A_884, %masked_sort3A_885, %masked_sort3A_886 = tpu.sort %select_n3A_879, %select_n3A_880 masked %masked_sort3A_883 : (vector<16xf32>, vector<16xi32>, vector<16xi1>) -> (vector<16xi1>, vector<16xf32>, vector<16xi32>)
            %masked_sort3A_887 = arith.constant dense<true> : vector<16xi1>
            %masked_sort3A_888, %masked_sort3A_889, %masked_sort3A_890 = tpu.sort %select_n3A_881, %select_n3A_882 masked %masked_sort3A_887 : (vector<16xf32>, vector<16xi32>, vector<16xi1>) -> (vector<16xi1>, vector<16xf32>, vector<16xi32>)
            %rev3A_891 = arith.constant 15 : i32
            %rev3A_892 = vector.broadcast %rev3A_891 : i32 to vector<16xi32>
            %rev3A_893 = tpu.iota {dimensions = array<i32: 0>} : vector<16xi32>
            %rev3A_894 = arith.subi %rev3A_892, %rev3A_893 : vector<16xi32>
            %rev3A_895 = tpu.dynamic_gather %masked_sort3A_889[%rev3A_894] in [0] : vector<16xf32>, vector<16xi32> -> vector<16xf32>
            %rev3A_896 = arith.constant 15 : i32
            %rev3A_897 = vector.broadcast %rev3A_896 : i32 to vector<16xi32>
            %rev3A_898 = tpu.iota {dimensions = array<i32: 0>} : vector<16xi32>
            %rev3A_899 = arith.subi %rev3A_897, %rev3A_898 : vector<16xi32>
            %rev3A_900 = tpu.dynamic_gather %masked_sort3A_890[%rev3A_899] in [0] : vector<16xi32>, vector<16xi32> -> vector<16xi32>
            %ge3A_901 = arith.cmpf oge, %while3A_830, %rev3A_895 : vector<16xf32>
            %select_n3A_902 = arith.select %ge3A_901, %while3A_830, %rev3A_895 : vector<16xi1>, vector<16xf32>
            %select_n3A_903 = arith.select %ge3A_901, %while3A_831, %rev3A_900 : vector<16xi1>, vector<16xi32>
            %masked_sort3A_904 = arith.constant dense<true> : vector<16xi1>
            %masked_sort3A_905, %masked_sort3A_906, %masked_sort3A_907 = tpu.sort %select_n3A_902, %select_n3A_903 masked %masked_sort3A_904 : (vector<16xf32>, vector<16xi32>, vector<16xi1>) -> (vector<16xi1>, vector<16xf32>, vector<16xi32>)
            %add3A_908 = arith.constant 16 : i32
            %add3A_909 = vector.broadcast %add3A_908 : i32 to vector<16xi32>
            %add3A_910 = arith.addi %iota3A, %add3A_909 : vector<16xi32>
            %lt3A_911 = arith.cmpi slt, %add3A_910, %broadcast_in_dim3A_854 : vector<16xi32>
            %get3A_912 = arith.constant 16 : index
            %get3A_913 = tpu.vector_load %arg10[%get3A_912] {strides = array<i32>} : memref<64xf32, #tpu.memory_space<vmem>>, vector<16xf32>,
            %select_n3A_914 = arith.select %lt3A_911, %get3A_913, %broadcast_in_dim3A_3 : vector<16xi1>, vector<16xf32>
            %get3A_915 = arith.constant 16 : index
            %get3A_916 = tpu.vector_load %arg11[%get3A_915] {strides = array<i32>} : memref<64xi32, #tpu.memory_space<vmem>>, vector<16xi32>,
            %masked_sort3A_917 = arith.constant dense<true> : vector<16xi1>
            %masked_sort3A_918, %masked_sort3A_919, %masked_sort3A_920 = tpu.sort %select_n3A_914, %get3A_916 masked %masked_sort3A_917 : (vector<16xf32>, vector<16xi32>, vector<16xi1>) -> (vector<16xi1>, vector<16xf32>, vector<16xi32>)
            %rev3A_921 = arith.constant 15 : i32
            %rev3A_922 = vector.broadcast %rev3A_921 : i32 to vector<16xi32>
            %rev3A_923 = tpu.iota {dimensions = array<i32: 0>} : vector<16xi32>
            %rev3A_924 = arith.subi %rev3A_922, %rev3A_923 : vector<16xi32>
            %rev3A_925 = tpu.dynamic_gather %masked_sort3A_919[%rev3A_924] in [0] : vector<16xf32>, vector<16xi32> -> vector<16xf32>
            %rev3A_926 = arith.constant 15 : i32
            %rev3A_927 = vector.broadcast %rev3A_926 : i32 to vector<16xi32>
            %rev3A_928 = tpu.iota {dimensions = array<i32: 0>} : vector<16xi32>
            %rev3A_929 = arith.subi %rev3A_927, %rev3A_928 : vector<16xi32>
            %rev3A_930 = tpu.dynamic_gather %masked_sort3A_920[%rev3A_929] in [0] : vector<16xi32>, vector<16xi32> -> vector<16xi32>
            %ge3A_931 = arith.cmpf oge, %masked_sort3A_885, %rev3A_925 : vector<16xf32>
            %select_n3A_932 = arith.select %ge3A_931, %masked_sort3A_885, %rev3A_925 : vector<16xi1>, vector<16xf32>
            %select_n3A_933 = arith.select %ge3A_931, %masked_sort3A_886, %rev3A_930 : vector<16xi1>, vector<16xi32>
            %select_n3A_934 = arith.select %ge3A_931, %rev3A_925, %masked_sort3A_885 : vector<16xi1>, vector<16xf32>
            %select_n3A_935 = arith.select %ge3A_931, %rev3A_930, %masked_sort3A_886 : vector<16xi1>, vector<16xi32>
            %masked_sort3A_936 = arith.constant dense<true> : vector<16xi1>
            %masked_sort3A_937, %masked_sort3A_938, %masked_sort3A_939 = tpu.sort %select_n3A_932, %select_n3A_933 masked %masked_sort3A_936 : (vector<16xf32>, vector<16xi32>, vector<16xi1>) -> (vector<16xi1>, vector<16xf32>, vector<16xi32>)
            %masked_sort3A_940 = arith.constant dense<true> : vector<16xi1>
            %masked_sort3A_941, %masked_sort3A_942, %masked_sort3A_943 = tpu.sort %select_n3A_934, %select_n3A_935 masked %masked_sort3A_940 : (vector<16xf32>, vector<16xi32>, vector<16xi1>) -> (vector<16xi1>, vector<16xf32>, vector<16xi32>)
            %rev3A_944 = arith.constant 15 : i32
            %rev3A_945 = vector.broadcast %rev3A_944 : i32 to vector<16xi32>
            %rev3A_946 = tpu.iota {dimensions = array<i32: 0>} : vector<16xi32>
            %rev3A_947 = arith.subi %rev3A_945, %rev3A_946 : vector<16xi32>
            %rev3A_948 = tpu.dynamic_gather %masked_sort3A_942[%rev3A_947] in [0] : vector<16xf32>, vector<16xi32> -> vector<16xf32>
            %rev3A_949 = arith.constant 15 : i32
            %rev3A_950 = vector.broadcast %rev3A_949 : i32 to vector<16xi32>
            %rev3A_951 = tpu.iota {dimensions = array<i32: 0>} : vector<16xi32>
            %rev3A_952 = arith.subi %rev3A_950, %rev3A_951 : vector<16xi32>
            %rev3A_953 = tpu.dynamic_gather %masked_sort3A_943[%rev3A_952] in [0] : vector<16xi32>, vector<16xi32> -> vector<16xi32>
            %ge3A_954 = arith.cmpf oge, %masked_sort3A_906, %rev3A_948 : vector<16xf32>
            %select_n3A_955 = arith.select %ge3A_954, %masked_sort3A_906, %rev3A_948 : vector<16xi1>, vector<16xf32>
            %select_n3A_956 = arith.select %ge3A_954, %masked_sort3A_907, %rev3A_953 : vector<16xi1>, vector<16xi32>
            %masked_sort3A_957 = arith.constant dense<true> : vector<16xi1>
            %masked_sort3A_958, %masked_sort3A_959, %masked_sort3A_960 = tpu.sort %select_n3A_955, %select_n3A_956 masked %masked_sort3A_957 : (vector<16xf32>, vector<16xi32>, vector<16xi1>) -> (vector<16xi1>, vector<16xf32>, vector<16xi32>)
            %add3A_961 = arith.constant 32 : i32
            %add3A_962 = vector.broadcast %add3A_961 : i32 to vector<16xi32>
            %add3A_963 = arith.addi %iota3A, %add3A_962 : vector<16xi32>
            %lt3A_964 = arith.cmpi slt, %add3A_963, %broadcast_in_dim3A_854 : vector<16xi32>
            %get3A_965 = arith.constant 32 : index
            %get3A_966 = tpu.vector_load %arg10[%get3A_965] {strides = array<i32>} : memref<64xf32, #tpu.memory_space<vmem>>, vector<16xf32>,
            %select_n3A_967 = arith.select %lt3A_964, %get3A_966, %broadcast_in_dim3A_3 : vector<16xi1>, vector<16xf32>
            %get3A_968 = arith.constant 32 : index
            %get3A_969 = tpu.vector_load %arg11[%get3A_968] {strides = array<i32>} : memref<64xi32, #tpu.memory_space<vmem>>, vector<16xi32>,
            %masked_sort3A_970 = arith.constant dense<true> : vector<16xi1>
            %masked_sort3A_971, %masked_sort3A_972, %masked_sort3A_973 = tpu.sort %select_n3A_967, %get3A_969 masked %masked_sort3A_970 : (vector<16xf32>, vector<16xi32>, vector<16xi1>) -> (vector<16xi1>, vector<16xf32>, vector<16xi32>)
            %rev3A_974 = arith.constant 15 : i32
            %rev3A_975 = vector.broadcast %rev3A_974 : i32 to vector<16xi32>
            %rev3A_976 = tpu.iota {dimensions = array<i32: 0>} : vector<16xi32>
            %rev3A_977 = arith.subi %rev3A_975, %rev3A_976 : vector<16xi32>
            %rev3A_978 = tpu.dynamic_gather %masked_sort3A_972[%rev3A_977] in [0] : vector<16xf32>, vector<16xi32> -> vector<16xf32>
            %rev3A_979 = arith.constant 15 : i32
            %rev3A_980 = vector.broadcast %rev3A_979 : i32 to vector<16xi32>
            %rev3A_981 = tpu.iota {dimensions = array<i32: 0>} : vector<16xi32>
            %rev3A_982 = arith.subi %rev3A_980, %rev3A_981 : vector<16xi32>
            %rev3A_983 = tpu.dynamic_gather %masked_sort3A_973[%rev3A_982] in [0] : vector<16xi32>, vector<16xi32> -> vector<16xi32>
            %ge3A_984 = arith.cmpf oge, %masked_sort3A_938, %rev3A_978 : vector<16xf32>
            %select_n3A_985 = arith.select %ge3A_984, %masked_sort3A_938, %rev3A_978 : vector<16xi1>, vector<16xf32>
            %select_n3A_986 = arith.select %ge3A_984, %masked_sort3A_939, %rev3A_983 : vector<16xi1>, vector<16xi32>
            %select_n3A_987 = arith.select %ge3A_984, %rev3A_978, %masked_sort3A_938 : vector<16xi1>, vector<16xf32>
            %select_n3A_988 = arith.select %ge3A_984, %rev3A_983, %masked_sort3A_939 : vector<16xi1>, vector<16xi32>
            %masked_sort3A_989 = arith.constant dense<true> : vector<16xi1>
            %masked_sort3A_990, %masked_sort3A_991, %masked_sort3A_992 = tpu.sort %select_n3A_985, %select_n3A_986 masked %masked_sort3A_989 : (vector<16xf32>, vector<16xi32>, vector<16xi1>) -> (vector<16xi1>, vector<16xf32>, vector<16xi32>)
            %masked_sort3A_993 = arith.constant dense<true> : vector<16xi1>
            %masked_sort3A_994, %masked_sort3A_995, %masked_sort3A_996 = tpu.sort %select_n3A_987, %select_n3A_988 masked %masked_sort3A_993 : (vector<16xf32>, vector<16xi32>, vector<16xi1>) -> (vector<16xi1>, vector<16xf32>, vector<16xi32>)
            %rev3A_997 = arith.constant 15 : i32
            %rev3A_998 = vector.broadcast %rev3A_997 : i32 to vector<16xi32>
            %rev3A_999 = tpu.iota {dimensions = array<i32: 0>} : vector<16xi32>
            %rev3A_1000 = arith.subi %rev3A_998, %rev3A_999 : vector<16xi32>
            %rev3A_1001 = tpu.dynamic_gather %masked_sort3A_995[%rev3A_1000] in [0] : vector<16xf32>, vector<16xi32> -> vector<16xf32>
            %rev3A_1002 = arith.constant 15 : i32
            %rev3A_1003 = vector.broadcast %rev3A_1002 : i32 to vector<16xi32>
            %rev3A_1004 = tpu.iota {dimensions = array<i32: 0>} : vector<16xi32>
            %rev3A_1005 = arith.subi %rev3A_1003, %rev3A_1004 : vector<16xi32>
            %rev3A_1006 = tpu.dynamic_gather %masked_sort3A_996[%rev3A_1005] in [0] : vector<16xi32>, vector<16xi32> -> vector<16xi32>
            %ge3A_1007 = arith.cmpf oge, %masked_sort3A_959, %rev3A_1001 : vector<16xf32>
            %select_n3A_1008 = arith.select %ge3A_1007, %masked_sort3A_959, %rev3A_1001 : vector<16xi1>, vector<16xf32>
            %select_n3A_1009 = arith.select %ge3A_1007, %masked_sort3A_960, %rev3A_1006 : vector<16xi1>, vector<16xi32>
            %masked_sort3A_1010 = arith.constant dense<true> : vector<16xi1>
            %masked_sort3A_1011, %masked_sort3A_1012, %masked_sort3A_1013 = tpu.sort %select_n3A_1008, %select_n3A_1009 masked %masked_sort3A_1010 : (vector<16xf32>, vector<16xi32>, vector<16xi1>) -> (vector<16xi1>, vector<16xf32>, vector<16xi32>)
            %add3A_1014 = arith.constant 48 : i32
            %add3A_1015 = vector.broadcast %add3A_1014 : i32 to vector<16xi32>
            %add3A_1016 = arith.addi %iota3A, %add3A_1015 : vector<16xi32>
            %lt3A_1017 = arith.cmpi slt, %add3A_1016, %broadcast_in_dim3A_854 : vector<16xi32>
            %get3A_1018 = arith.constant 48 : index
            %get3A_1019 = tpu.vector_load %arg10[%get3A_1018] {strides = array<i32>} : memref<64xf32, #tpu.memory_space<vmem>>, vector<16xf32>,
            %select_n3A_1020 = arith.select %lt3A_1017, %get3A_1019, %broadcast_in_dim3A_3 : vector<16xi1>, vector<16xf32>
            %get3A_1021 = arith.constant 48 : index
            %get3A_1022 = tpu.vector_load %arg11[%get3A_1021] {strides = array<i32>} : memref<64xi32, #tpu.memory_space<vmem>>, vector<16xi32>,
            %masked_sort3A_1023 = arith.constant dense<true> : vector<16xi1>
            %masked_sort3A_1024, %masked_sort3A_1025, %masked_sort3A_1026 = tpu.sort %select_n3A_1020, %get3A_1022 masked %masked_sort3A_1023 : (vector<16xf32>, vector<16xi32>, vector<16xi1>) -> (vector<16xi1>, vector<16xf32>, vector<16xi32>)
            %rev3A_1027 = arith.constant 15 : i32
            %rev3A_1028 = vector.broadcast %rev3A_1027 : i32 to vector<16xi32>
            %rev3A_1029 = tpu.iota {dimensions = array<i32: 0>} : vector<16xi32>
            %rev3A_1030 = arith.subi %rev3A_1028, %rev3A_1029 : vector<16xi32>
            %rev3A_1031 = tpu.dynamic_gather %masked_sort3A_1025[%rev3A_1030] in [0] : vector<16xf32>, vector<16xi32> -> vector<16xf32>
            %rev3A_1032 = arith.constant 15 : i32
            %rev3A_1033 = vector.broadcast %rev3A_1032 : i32 to vector<16xi32>
            %rev3A_1034 = tpu.iota {dimensions = array<i32: 0>} : vector<16xi32>
            %rev3A_1035 = arith.subi %rev3A_1033, %rev3A_1034 : vector<16xi32>
            %rev3A_1036 = tpu.dynamic_gather %masked_sort3A_1026[%rev3A_1035] in [0] : vector<16xi32>, vector<16xi32> -> vector<16xi32>
            %ge3A_1037 = arith.cmpf oge, %masked_sort3A_991, %rev3A_1031 : vector<16xf32>
            %select_n3A_1038 = arith.select %ge3A_1037, %masked_sort3A_991, %rev3A_1031 : vector<16xi1>, vector<16xf32>
            %select_n3A_1039 = arith.select %ge3A_1037, %masked_sort3A_992, %rev3A_1036 : vector<16xi1>, vector<16xi32>
            %select_n3A_1040 = arith.select %ge3A_1037, %rev3A_1031, %masked_sort3A_991 : vector<16xi1>, vector<16xf32>
            %select_n3A_1041 = arith.select %ge3A_1037, %rev3A_1036, %masked_sort3A_992 : vector<16xi1>, vector<16xi32>
            %masked_sort3A_1042 = arith.constant dense<true> : vector<16xi1>
            %masked_sort3A_1043, %masked_sort3A_1044, %masked_sort3A_1045 = tpu.sort %select_n3A_1038, %select_n3A_1039 masked %masked_sort3A_1042 : (vector<16xf32>, vector<16xi32>, vector<16xi1>) -> (vector<16xi1>, vector<16xf32>, vector<16xi32>)
            %masked_sort3A_1046 = arith.constant dense<true> : vector<16xi1>
            %masked_sort3A_1047, %masked_sort3A_1048, %masked_sort3A_1049 = tpu.sort %select_n3A_1040, %select_n3A_1041 masked %masked_sort3A_1046 : (vector<16xf32>, vector<16xi32>, vector<16xi1>) -> (vector<16xi1>, vector<16xf32>, vector<16xi32>)
            %rev3A_1050 = arith.constant 15 : i32
            %rev3A_1051 = vector.broadcast %rev3A_1050 : i32 to vector<16xi32>
            %rev3A_1052 = tpu.iota {dimensions = array<i32: 0>} : vector<16xi32>
            %rev3A_1053 = arith.subi %rev3A_1051, %rev3A_1052 : vector<16xi32>
            %rev3A_1054 = tpu.dynamic_gather %masked_sort3A_1048[%rev3A_1053] in [0] : vector<16xf32>, vector<16xi32> -> vector<16xf32>
            %rev3A_1055 = arith.constant 15 : i32
            %rev3A_1056 = vector.broadcast %rev3A_1055 : i32 to vector<16xi32>
            %rev3A_1057 = tpu.iota {dimensions = array<i32: 0>} : vector<16xi32>
            %rev3A_1058 = arith.subi %rev3A_1056, %rev3A_1057 : vector<16xi32>
            %rev3A_1059 = tpu.dynamic_gather %masked_sort3A_1049[%rev3A_1058] in [0] : vector<16xi32>, vector<16xi32> -> vector<16xi32>
            %ge3A_1060 = arith.cmpf oge, %masked_sort3A_1012, %rev3A_1054 : vector<16xf32>
            %select_n3A_1061 = arith.select %ge3A_1060, %masked_sort3A_1012, %rev3A_1054 : vector<16xi1>, vector<16xf32>
            %select_n3A_1062 = arith.select %ge3A_1060, %masked_sort3A_1013, %rev3A_1059 : vector<16xi1>, vector<16xi32>
            %masked_sort3A_1063 = arith.constant dense<true> : vector<16xi1>
            %masked_sort3A_1064, %masked_sort3A_1065, %masked_sort3A_1066 = tpu.sort %select_n3A_1061, %select_n3A_1062 masked %masked_sort3A_1063 : (vector<16xf32>, vector<16xi32>, vector<16xi1>) -> (vector<16xi1>, vector<16xf32>, vector<16xi32>)
            %slice3A_1067 = vector.extract_strided_slice %masked_sort3A_1065 {offsets = [0], sizes = [1], strides = [1]} : vector<16xf32> to vector<1xf32>
            %squeeze3A_1068 = vector.extract %slice3A_1067[0] : f32 from vector<1xf32>
            %broadcast_in_dim3A_1069 = vector.broadcast %squeeze3A_1068 : f32 to vector<16xf32>
            %cond3A_1070 = arith.constant 0 : i32
            scf.yield %cond3A_1070, %broadcast_in_dim3A_1069, %masked_sort3A_1044, %masked_sort3A_1045, %masked_sort3A_1065, %masked_sort3A_1066 : i32, vector<16xf32>, vector<16xf32>, vector<16xi32>, vector<16xf32>, vector<16xi32>
          } else {
            scf.yield %add3A_847, %while3A_827, %while3A_828, %while3A_829, %while3A_830, %while3A_831 : i32, vector<16xf32>, vector<16xf32>, vector<16xi32>, vector<16xf32>, vector<16xi32>
          }
          scf.yield %and3A, %cond3A_853#0, %cond3A_853#1, %cond3A_853#2, %cond3A_853#3, %cond3A_853#4, %cond3A_853#5 : vector<16xi1>, i32, vector<16xf32>, vector<16xf32>, vector<16xi32>, vector<16xf32>, vector<16xi32>
        }
        %while3A_822 = arith.constant 1 : i32
        %while3A_823:7 = scf.for %while3A_824 = %while3A_819 to %while3A_815 step %while3A_822 iter_args(%while3A_825 = %while3A_821#0, %while3A_826 = %while3A_821#1, %while3A_827 = %while3A_821#2, %while3A_828 = %while3A_821#3, %while3A_829 = %while3A_821#4, %while3A_830 = %while3A_821#5, %while3A_831 = %while3A_821#6) -> (vector<16xi1>, i32, vector<16xf32>, vector<16xf32>, vector<16xi32>, vector<16xf32>, vector<16xi32>)  : i32 {
          %all_reduce_ffs3A = tpu.all_reduce %while3A_825 {dim = 0 : i64, kind = #tpu.reduction_kind<find_first_set>} : vector<16xi1> -> vector<16xi32>
          %ne3A = arith.cmpi ne, %iota3A, %all_reduce_ffs3A : vector<16xi32>
          %and3A = arith.andi %while3A_825, %ne3A : vector<16xi1>
          %mul3A_832 = arith.constant 16 : i32
          %mul3A_833 = arith.muli %scan3A_801, %mul3A_832 : i32
          %add3A_834 = vector.broadcast %mul3A_833 : i32 to vector<16xi32>
          %add3A_835 = arith.addi %add3A_834, %all_reduce_ffs3A : vector<16xi32>
          %add3A_836 = arith.addi %mul3A_11, %add3A_835 : vector<16xi32>
          %gather3A_837 = tpu.vector_load_idx %arg8[%add3A_836] : memref<10368xf32, #tpu.memory_space<vmem>>[vector<16xi32>], vector<16xf32>,
          %gt3A_838 = arith.cmpf ogt, %gather3A_837, %while3A_827 : vector<16xf32>
          %all_reduce_population_count3A_839 = tpu.all_reduce %gt3A_838 {dim = 0 : i64, kind = #tpu.reduction_kind<sum>} : vector<16xi1> -> vector<16xi32>
          %slice3A_840 = vector.extract_strided_slice %all_reduce_population_count3A_839 {offsets = [0], sizes = [1], strides = [1]} : vector<16xi32> to vector<1xi32>
          %squeeze3A_841 = vector.extract %slice3A_840[0] : i32 from vector<1xi32>
          %swap3A_842 = arith.index_cast %while3A_826 : i32 to index
          %swap3A_843 = tpu.vector_load %arg10[%swap3A_842] masked %gt3A_838 {strides = array<i32>} : memref<64xf32, #tpu.memory_space<vmem>>, vector<16xf32>, vector<16xi1>
          tpu.vector_store %arg10[%swap3A_842], %gather3A_837 masked %gt3A_838 {strides = array<i32>} : memref<64xf32, #tpu.memory_space<vmem>>, vector<16xf32>, vector<16xi1>
          %add3A_844 = arith.addi %mul3A_8, %add3A_835 : vector<16xi32>
          %swap3A_845 = arith.index_cast %while3A_826 : i32 to index
          %swap3A_846 = tpu.vector_load %arg11[%swap3A_845] masked %gt3A_838 {strides = array<i32>} : memref<64xi32, #tpu.memory_space<vmem>>, vector<16xi32>, vector<16xi1>
          tpu.vector_store %arg11[%swap3A_845], %add3A_844 masked %gt3A_838 {strides = array<i32>} : memref<64xi32, #tpu.memory_space<vmem>>, vector<16xi32>, vector<16xi1>
          %add3A_847 = arith.addi %while3A_826, %squeeze3A_841 : i32
          %ge3A_848 = arith.constant 48 : i32
          %ge3A_849 = arith.cmpi sge, %add3A_847, %ge3A_848 : i32
          %convert_element_type3A_850 = arith.extui %ge3A_849 : i1 to i32
          %cond3A_851 = arith.constant 0 : i32
          %cond3A_852 = arith.cmpi ne, %convert_element_type3A_850, %cond3A_851 : i32
          %cond3A_853:6 = scf.if %cond3A_852 -> (i32, vector<16xf32>, vector<16xf32>, vector<16xi32>, vector<16xf32>, vector<16xi32>) {
            %broadcast_in_dim3A_854 = vector.broadcast %add3A_847 : i32 to vector<16xi32>
            %add3A_855 = arith.constant 0 : i32
            %add3A_856 = vector.broadcast %add3A_855 : i32 to vector<16xi32>
            %add3A_857 = arith.addi %iota3A, %add3A_856 : vector<16xi32>
            %lt3A_858 = arith.cmpi slt, %add3A_857, %broadcast_in_dim3A_854 : vector<16xi32>
            %get3A_859 = arith.constant 0 : index
            %get3A_860 = tpu.vector_load %arg10[%get3A_859] {strides = array<i32>} : memref<64xf32, #tpu.memory_space<vmem>>, vector<16xf32>,
            %select_n3A_861 = arith.select %lt3A_858, %get3A_860, %broadcast_in_dim3A_3 : vector<16xi1>, vector<16xf32>
            %get3A_862 = arith.constant 0 : index
            %get3A_863 = tpu.vector_load %arg11[%get3A_862] {strides = array<i32>} : memref<64xi32, #tpu.memory_space<vmem>>, vector<16xi32>,
            %masked_sort3A_864 = arith.constant dense<true> : vector<16xi1>
            %masked_sort3A_865, %masked_sort3A_866, %masked_sort3A_867 = tpu.sort %select_n3A_861, %get3A_863 masked %masked_sort3A_864 : (vector<16xf32>, vector<16xi32>, vector<16xi1>) -> (vector<16xi1>, vector<16xf32>, vector<16xi32>)
            %rev3A_868 = arith.constant 15 : i32
            %rev3A_869 = vector.broadcast %rev3A_868 : i32 to vector<16xi32>
            %rev3A_870 = tpu.iota {dimensions = array<i32: 0>} : vector<16xi32>
            %rev3A_871 = arith.subi %rev3A_869, %rev3A_870 : vector<16xi32>
            %rev3A_872 = tpu.dynamic_gather %masked_sort3A_866[%rev3A_871] in [0] : vector<16xf32>, vector<16xi32> -> vector<16xf32>
            %rev3A_873 = arith.constant 15 : i32
            %rev3A_874 = vector.broadcast %rev3A_873 : i32 to vector<16xi32>
            %rev3A_875 = tpu.iota {dimensions = array<i32: 0>} : vector<16xi32>
            %rev3A_876 = arith.subi %rev3A_874, %rev3A_875 : vector<16xi32>
            %rev3A_877 = tpu.dynamic_gather %masked_sort3A_867[%rev3A_876] in [0] : vector<16xi32>, vector<16xi32> -> vector<16xi32>
            %ge3A_878 = arith.cmpf oge, %while3A_828, %rev3A_872 : vector<16xf32>
            %select_n3A_879 = arith.select %ge3A_878, %while3A_828, %rev3A_872 : vector<16xi1>, vector<16xf32>
            %select_n3A_880 = arith.select %ge3A_878, %while3A_829, %rev3A_877 : vector<16xi1>, vector<16xi32>
            %select_n3A_881 = arith.select %ge3A_878, %rev3A_872, %while3A_828 : vector<16xi1>, vector<16xf32>
            %select_n3A_882 = arith.select %ge3A_878, %rev3A_877, %while3A_829 : vector<16xi1>, vector<16xi32>
            %masked_sort3A_883 = arith.constant dense<true> : vector<16xi1>
            %masked_sort3A_884, %masked_sort3A_885, %masked_sort3A_886 = tpu.sort %select_n3A_879, %select_n3A_880 masked %masked_sort3A_883 : (vector<16xf32>, vector<16xi32>, vector<16xi1>) -> (vector<16xi1>, vector<16xf32>, vector<16xi32>)
            %masked_sort3A_887 = arith.constant dense<true> : vector<16xi1>
            %masked_sort3A_888, %masked_sort3A_889, %masked_sort3A_890 = tpu.sort %select_n3A_881, %select_n3A_882 masked %masked_sort3A_887 : (vector<16xf32>, vector<16xi32>, vector<16xi1>) -> (vector<16xi1>, vector<16xf32>, vector<16xi32>)
            %rev3A_891 = arith.constant 15 : i32
            %rev3A_892 = vector.broadcast %rev3A_891 : i32 to vector<16xi32>
            %rev3A_893 = tpu.iota {dimensions = array<i32: 0>} : vector<16xi32>
            %rev3A_894 = arith.subi %rev3A_892, %rev3A_893 : vector<16xi32>
            %rev3A_895 = tpu.dynamic_gather %masked_sort3A_889[%rev3A_894] in [0] : vector<16xf32>, vector<16xi32> -> vector<16xf32>
            %rev3A_896 = arith.constant 15 : i32
            %rev3A_897 = vector.broadcast %rev3A_896 : i32 to vector<16xi32>
            %rev3A_898 = tpu.iota {dimensions = array<i32: 0>} : vector<16xi32>
            %rev3A_899 = arith.subi %rev3A_897, %rev3A_898 : vector<16xi32>
            %rev3A_900 = tpu.dynamic_gather %masked_sort3A_890[%rev3A_899] in [0] : vector<16xi32>, vector<16xi32> -> vector<16xi32>
            %ge3A_901 = arith.cmpf oge, %while3A_830, %rev3A_895 : vector<16xf32>
            %select_n3A_902 = arith.select %ge3A_901, %while3A_830, %rev3A_895 : vector<16xi1>, vector<16xf32>
            %select_n3A_903 = arith.select %ge3A_901, %while3A_831, %rev3A_900 : vector<16xi1>, vector<16xi32>
            %masked_sort3A_904 = arith.constant dense<true> : vector<16xi1>
            %masked_sort3A_905, %masked_sort3A_906, %masked_sort3A_907 = tpu.sort %select_n3A_902, %select_n3A_903 masked %masked_sort3A_904 : (vector<16xf32>, vector<16xi32>, vector<16xi1>) -> (vector<16xi1>, vector<16xf32>, vector<16xi32>)
            %add3A_908 = arith.constant 16 : i32
            %add3A_909 = vector.broadcast %add3A_908 : i32 to vector<16xi32>
            %add3A_910 = arith.addi %iota3A, %add3A_909 : vector<16xi32>
            %lt3A_911 = arith.cmpi slt, %add3A_910, %broadcast_in_dim3A_854 : vector<16xi32>
            %get3A_912 = arith.constant 16 : index
            %get3A_913 = tpu.vector_load %arg10[%get3A_912] {strides = array<i32>} : memref<64xf32, #tpu.memory_space<vmem>>, vector<16xf32>,
            %select_n3A_914 = arith.select %lt3A_911, %get3A_913, %broadcast_in_dim3A_3 : vector<16xi1>, vector<16xf32>
            %get3A_915 = arith.constant 16 : index
            %get3A_916 = tpu.vector_load %arg11[%get3A_915] {strides = array<i32>} : memref<64xi32, #tpu.memory_space<vmem>>, vector<16xi32>,
            %masked_sort3A_917 = arith.constant dense<true> : vector<16xi1>
            %masked_sort3A_918, %masked_sort3A_919, %masked_sort3A_920 = tpu.sort %select_n3A_914, %get3A_916 masked %masked_sort3A_917 : (vector<16xf32>, vector<16xi32>, vector<16xi1>) -> (vector<16xi1>, vector<16xf32>, vector<16xi32>)
            %rev3A_921 = arith.constant 15 : i32
            %rev3A_922 = vector.broadcast %rev3A_921 : i32 to vector<16xi32>
            %rev3A_923 = tpu.iota {dimensions = array<i32: 0>} : vector<16xi32>
            %rev3A_924 = arith.subi %rev3A_922, %rev3A_923 : vector<16xi32>
            %rev3A_925 = tpu.dynamic_gather %masked_sort3A_919[%rev3A_924] in [0] : vector<16xf32>, vector<16xi32> -> vector<16xf32>
            %rev3A_926 = arith.constant 15 : i32
            %rev3A_927 = vector.broadcast %rev3A_926 : i32 to vector<16xi32>
            %rev3A_928 = tpu.iota {dimensions = array<i32: 0>} : vector<16xi32>
            %rev3A_929 = arith.subi %rev3A_927, %rev3A_928 : vector<16xi32>
            %rev3A_930 = tpu.dynamic_gather %masked_sort3A_920[%rev3A_929] in [0] : vector<16xi32>, vector<16xi32> -> vector<16xi32>
            %ge3A_931 = arith.cmpf oge, %masked_sort3A_885, %rev3A_925 : vector<16xf32>
            %select_n3A_932 = arith.select %ge3A_931, %masked_sort3A_885, %rev3A_925 : vector<16xi1>, vector<16xf32>
            %select_n3A_933 = arith.select %ge3A_931, %masked_sort3A_886, %rev3A_930 : vector<16xi1>, vector<16xi32>
            %select_n3A_934 = arith.select %ge3A_931, %rev3A_925, %masked_sort3A_885 : vector<16xi1>, vector<16xf32>
            %select_n3A_935 = arith.select %ge3A_931, %rev3A_930, %masked_sort3A_886 : vector<16xi1>, vector<16xi32>
            %masked_sort3A_936 = arith.constant dense<true> : vector<16xi1>
            %masked_sort3A_937, %masked_sort3A_938, %masked_sort3A_939 = tpu.sort %select_n3A_932, %select_n3A_933 masked %masked_sort3A_936 : (vector<16xf32>, vector<16xi32>, vector<16xi1>) -> (vector<16xi1>, vector<16xf32>, vector<16xi32>)
            %masked_sort3A_940 = arith.constant dense<true> : vector<16xi1>
            %masked_sort3A_941, %masked_sort3A_942, %masked_sort3A_943 = tpu.sort %select_n3A_934, %select_n3A_935 masked %masked_sort3A_940 : (vector<16xf32>, vector<16xi32>, vector<16xi1>) -> (vector<16xi1>, vector<16xf32>, vector<16xi32>)
            %rev3A_944 = arith.constant 15 : i32
            %rev3A_945 = vector.broadcast %rev3A_944 : i32 to vector<16xi32>
            %rev3A_946 = tpu.iota {dimensions = array<i32: 0>} : vector<16xi32>
            %rev3A_947 = arith.subi %rev3A_945, %rev3A_946 : vector<16xi32>
            %rev3A_948 = tpu.dynamic_gather %masked_sort3A_942[%rev3A_947] in [0] : vector<16xf32>, vector<16xi32> -> vector<16xf32>
            %rev3A_949 = arith.constant 15 : i32
            %rev3A_950 = vector.broadcast %rev3A_949 : i32 to vector<16xi32>
            %rev3A_951 = tpu.iota {dimensions = array<i32: 0>} : vector<16xi32>
            %rev3A_952 = arith.subi %rev3A_950, %rev3A_951 : vector<16xi32>
            %rev3A_953 = tpu.dynamic_gather %masked_sort3A_943[%rev3A_952] in [0] : vector<16xi32>, vector<16xi32> -> vector<16xi32>
            %ge3A_954 = arith.cmpf oge, %masked_sort3A_906, %rev3A_948 : vector<16xf32>
            %select_n3A_955 = arith.select %ge3A_954, %masked_sort3A_906, %rev3A_948 : vector<16xi1>, vector<16xf32>
            %select_n3A_956 = arith.select %ge3A_954, %masked_sort3A_907, %rev3A_953 : vector<16xi1>, vector<16xi32>
            %masked_sort3A_957 = arith.constant dense<true> : vector<16xi1>
            %masked_sort3A_958, %masked_sort3A_959, %masked_sort3A_960 = tpu.sort %select_n3A_955, %select_n3A_956 masked %masked_sort3A_957 : (vector<16xf32>, vector<16xi32>, vector<16xi1>) -> (vector<16xi1>, vector<16xf32>, vector<16xi32>)
            %add3A_961 = arith.constant 32 : i32
            %add3A_962 = vector.broadcast %add3A_961 : i32 to vector<16xi32>
            %add3A_963 = arith.addi %iota3A, %add3A_962 : vector<16xi32>
            %lt3A_964 = arith.cmpi slt, %add3A_963, %broadcast_in_dim3A_854 : vector<16xi32>
            %get3A_965 = arith.constant 32 : index
            %get3A_966 = tpu.vector_load %arg10[%get3A_965] {strides = array<i32>} : memref<64xf32, #tpu.memory_space<vmem>>, vector<16xf32>,
            %select_n3A_967 = arith.select %lt3A_964, %get3A_966, %broadcast_in_dim3A_3 : vector<16xi1>, vector<16xf32>
            %get3A_968 = arith.constant 32 : index
            %get3A_969 = tpu.vector_load %arg11[%get3A_968] {strides = array<i32>} : memref<64xi32, #tpu.memory_space<vmem>>, vector<16xi32>,
            %masked_sort3A_970 = arith.constant dense<true> : vector<16xi1>
            %masked_sort3A_971, %masked_sort3A_972, %masked_sort3A_973 = tpu.sort %select_n3A_967, %get3A_969 masked %masked_sort3A_970 : (vector<16xf32>, vector<16xi32>, vector<16xi1>) -> (vector<16xi1>, vector<16xf32>, vector<16xi32>)
            %rev3A_974 = arith.constant 15 : i32
            %rev3A_975 = vector.broadcast %rev3A_974 : i32 to vector<16xi32>
            %rev3A_976 = tpu.iota {dimensions = array<i32: 0>} : vector<16xi32>
            %rev3A_977 = arith.subi %rev3A_975, %rev3A_976 : vector<16xi32>
            %rev3A_978 = tpu.dynamic_gather %masked_sort3A_972[%rev3A_977] in [0] : vector<16xf32>, vector<16xi32> -> vector<16xf32>
            %rev3A_979 = arith.constant 15 : i32
            %rev3A_980 = vector.broadcast %rev3A_979 : i32 to vector<16xi32>
            %rev3A_981 = tpu.iota {dimensions = array<i32: 0>} : vector<16xi32>
            %rev3A_982 = arith.subi %rev3A_980, %rev3A_981 : vector<16xi32>
            %rev3A_983 = tpu.dynamic_gather %masked_sort3A_973[%rev3A_982] in [0] : vector<16xi32>, vector<16xi32> -> vector<16xi32>
            %ge3A_984 = arith.cmpf oge, %masked_sort3A_938, %rev3A_978 : vector<16xf32>
            %select_n3A_985 = arith.select %ge3A_984, %masked_sort3A_938, %rev3A_978 : vector<16xi1>, vector<16xf32>
            %select_n3A_986 = arith.select %ge3A_984, %masked_sort3A_939, %rev3A_983 : vector<16xi1>, vector<16xi32>
            %select_n3A_987 = arith.select %ge3A_984, %rev3A_978, %masked_sort3A_938 : vector<16xi1>, vector<16xf32>
            %select_n3A_988 = arith.select %ge3A_984, %rev3A_983, %masked_sort3A_939 : vector<16xi1>, vector<16xi32>
            %masked_sort3A_989 = arith.constant dense<true> : vector<16xi1>
            %masked_sort3A_990, %masked_sort3A_991, %masked_sort3A_992 = tpu.sort %select_n3A_985, %select_n3A_986 masked %masked_sort3A_989 : (vector<16xf32>, vector<16xi32>, vector<16xi1>) -> (vector<16xi1>, vector<16xf32>, vector<16xi32>)
            %masked_sort3A_993 = arith.constant dense<true> : vector<16xi1>
            %masked_sort3A_994, %masked_sort3A_995, %masked_sort3A_996 = tpu.sort %select_n3A_987, %select_n3A_988 masked %masked_sort3A_993 : (vector<16xf32>, vector<16xi32>, vector<16xi1>) -> (vector<16xi1>, vector<16xf32>, vector<16xi32>)
            %rev3A_997 = arith.constant 15 : i32
            %rev3A_998 = vector.broadcast %rev3A_997 : i32 to vector<16xi32>
            %rev3A_999 = tpu.iota {dimensions = array<i32: 0>} : vector<16xi32>
            %rev3A_1000 = arith.subi %rev3A_998, %rev3A_999 : vector<16xi32>
            %rev3A_1001 = tpu.dynamic_gather %masked_sort3A_995[%rev3A_1000] in [0] : vector<16xf32>, vector<16xi32> -> vector<16xf32>
            %rev3A_1002 = arith.constant 15 : i32
            %rev3A_1003 = vector.broadcast %rev3A_1002 : i32 to vector<16xi32>
            %rev3A_1004 = tpu.iota {dimensions = array<i32: 0>} : vector<16xi32>
            %rev3A_1005 = arith.subi %rev3A_1003, %rev3A_1004 : vector<16xi32>
            %rev3A_1006 = tpu.dynamic_gather %masked_sort3A_996[%rev3A_1005] in [0] : vector<16xi32>, vector<16xi32> -> vector<16xi32>
            %ge3A_1007 = arith.cmpf oge, %masked_sort3A_959, %rev3A_1001 : vector<16xf32>
            %select_n3A_1008 = arith.select %ge3A_1007, %masked_sort3A_959, %rev3A_1001 : vector<16xi1>, vector<16xf32>
            %select_n3A_1009 = arith.select %ge3A_1007, %masked_sort3A_960, %rev3A_1006 : vector<16xi1>, vector<16xi32>
            %masked_sort3A_1010 = arith.constant dense<true> : vector<16xi1>
            %masked_sort3A_1011, %masked_sort3A_1012, %masked_sort3A_1013 = tpu.sort %select_n3A_1008, %select_n3A_1009 masked %masked_sort3A_1010 : (vector<16xf32>, vector<16xi32>, vector<16xi1>) -> (vector<16xi1>, vector<16xf32>, vector<16xi32>)
            %add3A_1014 = arith.constant 48 : i32
            %add3A_1015 = vector.broadcast %add3A_1014 : i32 to vector<16xi32>
            %add3A_1016 = arith.addi %iota3A, %add3A_1015 : vector<16xi32>
            %lt3A_1017 = arith.cmpi slt, %add3A_1016, %broadcast_in_dim3A_854 : vector<16xi32>
            %get3A_1018 = arith.constant 48 : index
            %get3A_1019 = tpu.vector_load %arg10[%get3A_1018] {strides = array<i32>} : memref<64xf32, #tpu.memory_space<vmem>>, vector<16xf32>,
            %select_n3A_1020 = arith.select %lt3A_1017, %get3A_1019, %broadcast_in_dim3A_3 : vector<16xi1>, vector<16xf32>
            %get3A_1021 = arith.constant 48 : index
            %get3A_1022 = tpu.vector_load %arg11[%get3A_1021] {strides = array<i32>} : memref<64xi32, #tpu.memory_space<vmem>>, vector<16xi32>,
            %masked_sort3A_1023 = arith.constant dense<true> : vector<16xi1>
            %masked_sort3A_1024, %masked_sort3A_1025, %masked_sort3A_1026 = tpu.sort %select_n3A_1020, %get3A_1022 masked %masked_sort3A_1023 : (vector<16xf32>, vector<16xi32>, vector<16xi1>) -> (vector<16xi1>, vector<16xf32>, vector<16xi32>)
            %rev3A_1027 = arith.constant 15 : i32
            %rev3A_1028 = vector.broadcast %rev3A_1027 : i32 to vector<16xi32>
            %rev3A_1029 = tpu.iota {dimensions = array<i32: 0>} : vector<16xi32>
            %rev3A_1030 = arith.subi %rev3A_1028, %rev3A_1029 : vector<16xi32>
            %rev3A_1031 = tpu.dynamic_gather %masked_sort3A_1025[%rev3A_1030] in [0] : vector<16xf32>, vector<16xi32> -> vector<16xf32>
            %rev3A_1032 = arith.constant 15 : i32
            %rev3A_1033 = vector.broadcast %rev3A_1032 : i32 to vector<16xi32>
            %rev3A_1034 = tpu.iota {dimensions = array<i32: 0>} : vector<16xi32>
            %rev3A_1035 = arith.subi %rev3A_1033, %rev3A_1034 : vector<16xi32>
            %rev3A_1036 = tpu.dynamic_gather %masked_sort3A_1026[%rev3A_1035] in [0] : vector<16xi32>, vector<16xi32> -> vector<16xi32>
            %ge3A_1037 = arith.cmpf oge, %masked_sort3A_991, %rev3A_1031 : vector<16xf32>
            %select_n3A_1038 = arith.select %ge3A_1037, %masked_sort3A_991, %rev3A_1031 : vector<16xi1>, vector<16xf32>
            %select_n3A_1039 = arith.select %ge3A_1037, %masked_sort3A_992, %rev3A_1036 : vector<16xi1>, vector<16xi32>
            %select_n3A_1040 = arith.select %ge3A_1037, %rev3A_1031, %masked_sort3A_991 : vector<16xi1>, vector<16xf32>
            %select_n3A_1041 = arith.select %ge3A_1037, %rev3A_1036, %masked_sort3A_992 : vector<16xi1>, vector<16xi32>
            %masked_sort3A_1042 = arith.constant dense<true> : vector<16xi1>
            %masked_sort3A_1043, %masked_sort3A_1044, %masked_sort3A_1045 = tpu.sort %select_n3A_1038, %select_n3A_1039 masked %masked_sort3A_1042 : (vector<16xf32>, vector<16xi32>, vector<16xi1>) -> (vector<16xi1>, vector<16xf32>, vector<16xi32>)
            %masked_sort3A_1046 = arith.constant dense<true> : vector<16xi1>
            %masked_sort3A_1047, %masked_sort3A_1048, %masked_sort3A_1049 = tpu.sort %select_n3A_1040, %select_n3A_1041 masked %masked_sort3A_1046 : (vector<16xf32>, vector<16xi32>, vector<16xi1>) -> (vector<16xi1>, vector<16xf32>, vector<16xi32>)
            %rev3A_1050 = arith.constant 15 : i32
            %rev3A_1051 = vector.broadcast %rev3A_1050 : i32 to vector<16xi32>
            %rev3A_1052 = tpu.iota {dimensions = array<i32: 0>} : vector<16xi32>
            %rev3A_1053 = arith.subi %rev3A_1051, %rev3A_1052 : vector<16xi32>
            %rev3A_1054 = tpu.dynamic_gather %masked_sort3A_1048[%rev3A_1053] in [0] : vector<16xf32>, vector<16xi32> -> vector<16xf32>
            %rev3A_1055 = arith.constant 15 : i32
            %rev3A_1056 = vector.broadcast %rev3A_1055 : i32 to vector<16xi32>
            %rev3A_1057 = tpu.iota {dimensions = array<i32: 0>} : vector<16xi32>
            %rev3A_1058 = arith.subi %rev3A_1056, %rev3A_1057 : vector<16xi32>
            %rev3A_1059 = tpu.dynamic_gather %masked_sort3A_1049[%rev3A_1058] in [0] : vector<16xi32>, vector<16xi32> -> vector<16xi32>
            %ge3A_1060 = arith.cmpf oge, %masked_sort3A_1012, %rev3A_1054 : vector<16xf32>
            %select_n3A_1061 = arith.select %ge3A_1060, %masked_sort3A_1012, %rev3A_1054 : vector<16xi1>, vector<16xf32>
            %select_n3A_1062 = arith.select %ge3A_1060, %masked_sort3A_1013, %rev3A_1059 : vector<16xi1>, vector<16xi32>
            %masked_sort3A_1063 = arith.constant dense<true> : vector<16xi1>
            %masked_sort3A_1064, %masked_sort3A_1065, %masked_sort3A_1066 = tpu.sort %select_n3A_1061, %select_n3A_1062 masked %masked_sort3A_1063 : (vector<16xf32>, vector<16xi32>, vector<16xi1>) -> (vector<16xi1>, vector<16xf32>, vector<16xi32>)
            %slice3A_1067 = vector.extract_strided_slice %masked_sort3A_1065 {offsets = [0], sizes = [1], strides = [1]} : vector<16xf32> to vector<1xf32>
            %squeeze3A_1068 = vector.extract %slice3A_1067[0] : f32 from vector<1xf32>
            %broadcast_in_dim3A_1069 = vector.broadcast %squeeze3A_1068 : f32 to vector<16xf32>
            %cond3A_1070 = arith.constant 0 : i32
            scf.yield %cond3A_1070, %broadcast_in_dim3A_1069, %masked_sort3A_1044, %masked_sort3A_1045, %masked_sort3A_1065, %masked_sort3A_1066 : i32, vector<16xf32>, vector<16xf32>, vector<16xi32>, vector<16xf32>, vector<16xi32>
          } else {
            scf.yield %add3A_847, %while3A_827, %while3A_828, %while3A_829, %while3A_830, %while3A_831 : i32, vector<16xf32>, vector<16xf32>, vector<16xi32>, vector<16xf32>, vector<16xi32>
          }
          scf.yield %and3A, %cond3A_853#0, %cond3A_853#1, %cond3A_853#2, %cond3A_853#3, %cond3A_853#4, %cond3A_853#5 : vector<16xi1>, i32, vector<16xf32>, vector<16xf32>, vector<16xi32>, vector<16xf32>, vector<16xi32>
        }
        scf.yield %while3A_823#1, %while3A_823#2, %while3A_823#3, %while3A_823#4, %while3A_823#5, %while3A_823#6 : i32, vector<16xf32>, vector<16xf32>, vector<16xi32>, vector<16xf32>, vector<16xi32>
      }
      %scan3A_531 = arith.constant 40 : i32
      %broadcast_in_dim3A_532 = vector.broadcast %scan3A_530#0 : i32 to vector<16xi32>
      %add3A_533 = arith.constant 0 : i32
      %add3A_534 = vector.broadcast %add3A_533 : i32 to vector<16xi32>
      %add3A_535 = arith.addi %iota3A, %add3A_534 : vector<16xi32>
      %lt3A_536 = arith.cmpi slt, %add3A_535, %broadcast_in_dim3A_532 : vector<16xi32>
      %get3A_537 = arith.constant 0 : index
      %get3A_538 = tpu.vector_load %arg10[%get3A_537] {strides = array<i32>} : memref<64xf32, #tpu.memory_space<vmem>>, vector<16xf32>,
      %select_n3A_539 = arith.select %lt3A_536, %get3A_538, %broadcast_in_dim3A_3 : vector<16xi1>, vector<16xf32>
      %get3A_540 = arith.constant 0 : index
      %get3A_541 = tpu.vector_load %arg11[%get3A_540] {strides = array<i32>} : memref<64xi32, #tpu.memory_space<vmem>>, vector<16xi32>,
      %masked_sort3A_542 = arith.constant dense<true> : vector<16xi1>
      %masked_sort3A_543, %masked_sort3A_544, %masked_sort3A_545 = tpu.sort %select_n3A_539, %get3A_541 masked %masked_sort3A_542 : (vector<16xf32>, vector<16xi32>, vector<16xi1>) -> (vector<16xi1>, vector<16xf32>, vector<16xi32>)
      %rev3A_546 = arith.constant 15 : i32
      %rev3A_547 = vector.broadcast %rev3A_546 : i32 to vector<16xi32>
      %rev3A_548 = tpu.iota {dimensions = array<i32: 0>} : vector<16xi32>
      %rev3A_549 = arith.subi %rev3A_547, %rev3A_548 : vector<16xi32>
      %rev3A_550 = tpu.dynamic_gather %masked_sort3A_544[%rev3A_549] in [0] : vector<16xf32>, vector<16xi32> -> vector<16xf32>
      %rev3A_551 = arith.constant 15 : i32
      %rev3A_552 = vector.broadcast %rev3A_551 : i32 to vector<16xi32>
      %rev3A_553 = tpu.iota {dimensions = array<i32: 0>} : vector<16xi32>
      %rev3A_554 = arith.subi %rev3A_552, %rev3A_553 : vector<16xi32>
      %rev3A_555 = tpu.dynamic_gather %masked_sort3A_545[%rev3A_554] in [0] : vector<16xi32>, vector<16xi32> -> vector<16xi32>
      %ge3A_556 = arith.cmpf oge, %scan3A_530#2, %rev3A_550 : vector<16xf32>
      %select_n3A_557 = arith.select %ge3A_556, %scan3A_530#2, %rev3A_550 : vector<16xi1>, vector<16xf32>
      %select_n3A_558 = arith.select %ge3A_556, %scan3A_530#3, %rev3A_555 : vector<16xi1>, vector<16xi32>
      %select_n3A_559 = arith.select %ge3A_556, %rev3A_550, %scan3A_530#2 : vector<16xi1>, vector<16xf32>
      %select_n3A_560 = arith.select %ge3A_556, %rev3A_555, %scan3A_530#3 : vector<16xi1>, vector<16xi32>
      %masked_sort3A_561 = arith.constant dense<true> : vector<16xi1>
      %masked_sort3A_562, %masked_sort3A_563, %masked_sort3A_564 = tpu.sort %select_n3A_557, %select_n3A_558 masked %masked_sort3A_561 : (vector<16xf32>, vector<16xi32>, vector<16xi1>) -> (vector<16xi1>, vector<16xf32>, vector<16xi32>)
      %masked_sort3A_565 = arith.constant dense<true> : vector<16xi1>
      %masked_sort3A_566, %masked_sort3A_567, %masked_sort3A_568 = tpu.sort %select_n3A_559, %select_n3A_560 masked %masked_sort3A_565 : (vector<16xf32>, vector<16xi32>, vector<16xi1>) -> (vector<16xi1>, vector<16xf32>, vector<16xi32>)
      %rev3A_569 = arith.constant 15 : i32
      %rev3A_570 = vector.broadcast %rev3A_569 : i32 to vector<16xi32>
      %rev3A_571 = tpu.iota {dimensions = array<i32: 0>} : vector<16xi32>
      %rev3A_572 = arith.subi %rev3A_570, %rev3A_571 : vector<16xi32>
      %rev3A_573 = tpu.dynamic_gather %masked_sort3A_567[%rev3A_572] in [0] : vector<16xf32>, vector<16xi32> -> vector<16xf32>
      %rev3A_574 = arith.constant 15 : i32
      %rev3A_575 = vector.broadcast %rev3A_574 : i32 to vector<16xi32>
      %rev3A_576 = tpu.iota {dimensions = array<i32: 0>} : vector<16xi32>
      %rev3A_577 = arith.subi %rev3A_575, %rev3A_576 : vector<16xi32>
      %rev3A_578 = tpu.dynamic_gather %masked_sort3A_568[%rev3A_577] in [0] : vector<16xi32>, vector<16xi32> -> vector<16xi32>
      %ge3A_579 = arith.cmpf oge, %scan3A_530#4, %rev3A_573 : vector<16xf32>
      %select_n3A_580 = arith.select %ge3A_579, %scan3A_530#4, %rev3A_573 : vector<16xi1>, vector<16xf32>
      %select_n3A_581 = arith.select %ge3A_579, %scan3A_530#5, %rev3A_578 : vector<16xi1>, vector<16xi32>
      %masked_sort3A_582 = arith.constant dense<true> : vector<16xi1>
      %masked_sort3A_583, %masked_sort3A_584, %masked_sort3A_585 = tpu.sort %select_n3A_580, %select_n3A_581 masked %masked_sort3A_582 : (vector<16xf32>, vector<16xi32>, vector<16xi1>) -> (vector<16xi1>, vector<16xf32>, vector<16xi32>)
      %add3A_586 = arith.constant 16 : i32
      %add3A_587 = vector.broadcast %add3A_586 : i32 to vector<16xi32>
      %add3A_588 = arith.addi %iota3A, %add3A_587 : vector<16xi32>
      %lt3A_589 = arith.cmpi slt, %add3A_588, %broadcast_in_dim3A_532 : vector<16xi32>
      %get3A_590 = arith.constant 16 : index
      %get3A_591 = tpu.vector_load %arg10[%get3A_590] {strides = array<i32>} : memref<64xf32, #tpu.memory_space<vmem>>, vector<16xf32>,
      %select_n3A_592 = arith.select %lt3A_589, %get3A_591, %broadcast_in_dim3A_3 : vector<16xi1>, vector<16xf32>
      %get3A_593 = arith.constant 16 : index
      %get3A_594 = tpu.vector_load %arg11[%get3A_593] {strides = array<i32>} : memref<64xi32, #tpu.memory_space<vmem>>, vector<16xi32>,
      %masked_sort3A_595 = arith.constant dense<true> : vector<16xi1>
      %masked_sort3A_596, %masked_sort3A_597, %masked_sort3A_598 = tpu.sort %select_n3A_592, %get3A_594 masked %masked_sort3A_595 : (vector<16xf32>, vector<16xi32>, vector<16xi1>) -> (vector<16xi1>, vector<16xf32>, vector<16xi32>)
      %rev3A_599 = arith.constant 15 : i32
      %rev3A_600 = vector.broadcast %rev3A_599 : i32 to vector<16xi32>
      %rev3A_601 = tpu.iota {dimensions = array<i32: 0>} : vector<16xi32>
      %rev3A_602 = arith.subi %rev3A_600, %rev3A_601 : vector<16xi32>
      %rev3A_603 = tpu.dynamic_gather %masked_sort3A_597[%rev3A_602] in [0] : vector<16xf32>, vector<16xi32> -> vector<16xf32>
      %rev3A_604 = arith.constant 15 : i32
      %rev3A_605 = vector.broadcast %rev3A_604 : i32 to vector<16xi32>
      %rev3A_606 = tpu.iota {dimensions = array<i32: 0>} : vector<16xi32>
      %rev3A_607 = arith.subi %rev3A_605, %rev3A_606 : vector<16xi32>
      %rev3A_608 = tpu.dynamic_gather %masked_sort3A_598[%rev3A_607] in [0] : vector<16xi32>, vector<16xi32> -> vector<16xi32>
      %ge3A_609 = arith.cmpf oge, %masked_sort3A_563, %rev3A_603 : vector<16xf32>
      %select_n3A_610 = arith.select %ge3A_609, %masked_sort3A_563, %rev3A_603 : vector<16xi1>, vector<16xf32>
      %select_n3A_611 = arith.select %ge3A_609, %masked_sort3A_564, %rev3A_608 : vector<16xi1>, vector<16xi32>
      %select_n3A_612 = arith.select %ge3A_609, %rev3A_603, %masked_sort3A_563 : vector<16xi1>, vector<16xf32>
      %select_n3A_613 = arith.select %ge3A_609, %rev3A_608, %masked_sort3A_564 : vector<16xi1>, vector<16xi32>
      %masked_sort3A_614 = arith.constant dense<true> : vector<16xi1>
      %masked_sort3A_615, %masked_sort3A_616, %masked_sort3A_617 = tpu.sort %select_n3A_610, %select_n3A_611 masked %masked_sort3A_614 : (vector<16xf32>, vector<16xi32>, vector<16xi1>) -> (vector<16xi1>, vector<16xf32>, vector<16xi32>)
      %masked_sort3A_618 = arith.constant dense<true> : vector<16xi1>
      %masked_sort3A_619, %masked_sort3A_620, %masked_sort3A_621 = tpu.sort %select_n3A_612, %select_n3A_613 masked %masked_sort3A_618 : (vector<16xf32>, vector<16xi32>, vector<16xi1>) -> (vector<16xi1>, vector<16xf32>, vector<16xi32>)
      %rev3A_622 = arith.constant 15 : i32
      %rev3A_623 = vector.broadcast %rev3A_622 : i32 to vector<16xi32>
      %rev3A_624 = tpu.iota {dimensions = array<i32: 0>} : vector<16xi32>
      %rev3A_625 = arith.subi %rev3A_623, %rev3A_624 : vector<16xi32>
      %rev3A_626 = tpu.dynamic_gather %masked_sort3A_620[%rev3A_625] in [0] : vector<16xf32>, vector<16xi32> -> vector<16xf32>
      %rev3A_627 = arith.constant 15 : i32
      %rev3A_628 = vector.broadcast %rev3A_627 : i32 to vector<16xi32>
      %rev3A_629 = tpu.iota {dimensions = array<i32: 0>} : vector<16xi32>
      %rev3A_630 = arith.subi %rev3A_628, %rev3A_629 : vector<16xi32>
      %rev3A_631 = tpu.dynamic_gather %masked_sort3A_621[%rev3A_630] in [0] : vector<16xi32>, vector<16xi32> -> vector<16xi32>
      %ge3A_632 = arith.cmpf oge, %masked_sort3A_584, %rev3A_626 : vector<16xf32>
      %select_n3A_633 = arith.select %ge3A_632, %masked_sort3A_584, %rev3A_626 : vector<16xi1>, vector<16xf32>
      %select_n3A_634 = arith.select %ge3A_632, %masked_sort3A_585, %rev3A_631 : vector<16xi1>, vector<16xi32>
      %masked_sort3A_635 = arith.constant dense<true> : vector<16xi1>
      %masked_sort3A_636, %masked_sort3A_637, %masked_sort3A_638 = tpu.sort %select_n3A_633, %select_n3A_634 masked %masked_sort3A_635 : (vector<16xf32>, vector<16xi32>, vector<16xi1>) -> (vector<16xi1>, vector<16xf32>, vector<16xi32>)
      %add3A_639 = arith.constant 32 : i32
      %add3A_640 = vector.broadcast %add3A_639 : i32 to vector<16xi32>
      %add3A_641 = arith.addi %iota3A, %add3A_640 : vector<16xi32>
      %lt3A_642 = arith.cmpi slt, %add3A_641, %broadcast_in_dim3A_532 : vector<16xi32>
      %get3A_643 = arith.constant 32 : index
      %get3A_644 = tpu.vector_load %arg10[%get3A_643] {strides = array<i32>} : memref<64xf32, #tpu.memory_space<vmem>>, vector<16xf32>,
      %select_n3A_645 = arith.select %lt3A_642, %get3A_644, %broadcast_in_dim3A_3 : vector<16xi1>, vector<16xf32>
      %get3A_646 = arith.constant 32 : index
      %get3A_647 = tpu.vector_load %arg11[%get3A_646] {strides = array<i32>} : memref<64xi32, #tpu.memory_space<vmem>>, vector<16xi32>,
      %masked_sort3A_648 = arith.constant dense<true> : vector<16xi1>
      %masked_sort3A_649, %masked_sort3A_650, %masked_sort3A_651 = tpu.sort %select_n3A_645, %get3A_647 masked %masked_sort3A_648 : (vector<16xf32>, vector<16xi32>, vector<16xi1>) -> (vector<16xi1>, vector<16xf32>, vector<16xi32>)
      %rev3A_652 = arith.constant 15 : i32
      %rev3A_653 = vector.broadcast %rev3A_652 : i32 to vector<16xi32>
      %rev3A_654 = tpu.iota {dimensions = array<i32: 0>} : vector<16xi32>
      %rev3A_655 = arith.subi %rev3A_653, %rev3A_654 : vector<16xi32>
      %rev3A_656 = tpu.dynamic_gather %masked_sort3A_650[%rev3A_655] in [0] : vector<16xf32>, vector<16xi32> -> vector<16xf32>
      %rev3A_657 = arith.constant 15 : i32
      %rev3A_658 = vector.broadcast %rev3A_657 : i32 to vector<16xi32>
      %rev3A_659 = tpu.iota {dimensions = array<i32: 0>} : vector<16xi32>
      %rev3A_660 = arith.subi %rev3A_658, %rev3A_659 : vector<16xi32>
      %rev3A_661 = tpu.dynamic_gather %masked_sort3A_651[%rev3A_660] in [0] : vector<16xi32>, vector<16xi32> -> vector<16xi32>
      %ge3A_662 = arith.cmpf oge, %masked_sort3A_616, %rev3A_656 : vector<16xf32>
      %select_n3A_663 = arith.select %ge3A_662, %masked_sort3A_616, %rev3A_656 : vector<16xi1>, vector<16xf32>
      %select_n3A_664 = arith.select %ge3A_662, %masked_sort3A_617, %rev3A_661 : vector<16xi1>, vector<16xi32>
      %select_n3A_665 = arith.select %ge3A_662, %rev3A_656, %masked_sort3A_616 : vector<16xi1>, vector<16xf32>
      %select_n3A_666 = arith.select %ge3A_662, %rev3A_661, %masked_sort3A_617 : vector<16xi1>, vector<16xi32>
      %masked_sort3A_667 = arith.constant dense<true> : vector<16xi1>
      %masked_sort3A_668, %masked_sort3A_669, %masked_sort3A_670 = tpu.sort %select_n3A_663, %select_n3A_664 masked %masked_sort3A_667 : (vector<16xf32>, vector<16xi32>, vector<16xi1>) -> (vector<16xi1>, vector<16xf32>, vector<16xi32>)
      %masked_sort3A_671 = arith.constant dense<true> : vector<16xi1>
      %masked_sort3A_672, %masked_sort3A_673, %masked_sort3A_674 = tpu.sort %select_n3A_665, %select_n3A_666 masked %masked_sort3A_671 : (vector<16xf32>, vector<16xi32>, vector<16xi1>) -> (vector<16xi1>, vector<16xf32>, vector<16xi32>)
      %rev3A_675 = arith.constant 15 : i32
      %rev3A_676 = vector.broadcast %rev3A_675 : i32 to vector<16xi32>
      %rev3A_677 = tpu.iota {dimensions = array<i32: 0>} : vector<16xi32>
      %rev3A_678 = arith.subi %rev3A_676, %rev3A_677 : vector<16xi32>
      %rev3A_679 = tpu.dynamic_gather %masked_sort3A_673[%rev3A_678] in [0] : vector<16xf32>, vector<16xi32> -> vector<16xf32>
      %rev3A_680 = arith.constant 15 : i32
      %rev3A_681 = vector.broadcast %rev3A_680 : i32 to vector<16xi32>
      %rev3A_682 = tpu.iota {dimensions = array<i32: 0>} : vector<16xi32>
      %rev3A_683 = arith.subi %rev3A_681, %rev3A_682 : vector<16xi32>
      %rev3A_684 = tpu.dynamic_gather %masked_sort3A_674[%rev3A_683] in [0] : vector<16xi32>, vector<16xi32> -> vector<16xi32>
      %ge3A_685 = arith.cmpf oge, %masked_sort3A_637, %rev3A_679 : vector<16xf32>
      %select_n3A_686 = arith.select %ge3A_685, %masked_sort3A_637, %rev3A_679 : vector<16xi1>, vector<16xf32>
      %select_n3A_687 = arith.select %ge3A_685, %masked_sort3A_638, %rev3A_684 : vector<16xi1>, vector<16xi32>
      %masked_sort3A_688 = arith.constant dense<true> : vector<16xi1>
      %masked_sort3A_689, %masked_sort3A_690, %masked_sort3A_691 = tpu.sort %select_n3A_686, %select_n3A_687 masked %masked_sort3A_688 : (vector<16xf32>, vector<16xi32>, vector<16xi1>) -> (vector<16xi1>, vector<16xf32>, vector<16xi32>)
      %add3A_692 = arith.constant 48 : i32
      %add3A_693 = vector.broadcast %add3A_692 : i32 to vector<16xi32>
      %add3A_694 = arith.addi %iota3A, %add3A_693 : vector<16xi32>
      %lt3A_695 = arith.cmpi slt, %add3A_694, %broadcast_in_dim3A_532 : vector<16xi32>
      %get3A_696 = arith.constant 48 : index
      %get3A_697 = tpu.vector_load %arg10[%get3A_696] {strides = array<i32>} : memref<64xf32, #tpu.memory_space<vmem>>, vector<16xf32>,
      %select_n3A_698 = arith.select %lt3A_695, %get3A_697, %broadcast_in_dim3A_3 : vector<16xi1>, vector<16xf32>
      %get3A_699 = arith.constant 48 : index
      %get3A_700 = tpu.vector_load %arg11[%get3A_699] {strides = array<i32>} : memref<64xi32, #tpu.memory_space<vmem>>, vector<16xi32>,
      %masked_sort3A_701 = arith.constant dense<true> : vector<16xi1>
      %masked_sort3A_702, %masked_sort3A_703, %masked_sort3A_704 = tpu.sort %select_n3A_698, %get3A_700 masked %masked_sort3A_701 : (vector<16xf32>, vector<16xi32>, vector<16xi1>) -> (vector<16xi1>, vector<16xf32>, vector<16xi32>)
      %rev3A_705 = arith.constant 15 : i32
      %rev3A_706 = vector.broadcast %rev3A_705 : i32 to vector<16xi32>
      %rev3A_707 = tpu.iota {dimensions = array<i32: 0>} : vector<16xi32>
      %rev3A_708 = arith.subi %rev3A_706, %rev3A_707 : vector<16xi32>
      %rev3A_709 = tpu.dynamic_gather %masked_sort3A_703[%rev3A_708] in [0] : vector<16xf32>, vector<16xi32> -> vector<16xf32>
      %rev3A_710 = arith.constant 15 : i32
      %rev3A_711 = vector.broadcast %rev3A_710 : i32 to vector<16xi32>
      %rev3A_712 = tpu.iota {dimensions = array<i32: 0>} : vector<16xi32>
      %rev3A_713 = arith.subi %rev3A_711, %rev3A_712 : vector<16xi32>
      %rev3A_714 = tpu.dynamic_gather %masked_sort3A_704[%rev3A_713] in [0] : vector<16xi32>, vector<16xi32> -> vector<16xi32>
      %ge3A_715 = arith.cmpf oge, %masked_sort3A_669, %rev3A_709 : vector<16xf32>
      %select_n3A_716 = arith.select %ge3A_715, %masked_sort3A_669, %rev3A_709 : vector<16xi1>, vector<16xf32>
      %select_n3A_717 = arith.select %ge3A_715, %masked_sort3A_670, %rev3A_714 : vector<16xi1>, vector<16xi32>
      %select_n3A_718 = arith.select %ge3A_715, %rev3A_709, %masked_sort3A_669 : vector<16xi1>, vector<16xf32>
      %select_n3A_719 = arith.select %ge3A_715, %rev3A_714, %masked_sort3A_670 : vector<16xi1>, vector<16xi32>
      %masked_sort3A_720 = arith.constant dense<true> : vector<16xi1>
      %masked_sort3A_721, %masked_sort3A_722, %masked_sort3A_723 = tpu.sort %select_n3A_716, %select_n3A_717 masked %masked_sort3A_720 : (vector<16xf32>, vector<16xi32>, vector<16xi1>) -> (vector<16xi1>, vector<16xf32>, vector<16xi32>)
      %masked_sort3A_724 = arith.constant dense<true> : vector<16xi1>
      %masked_sort3A_725, %masked_sort3A_726, %masked_sort3A_727 = tpu.sort %select_n3A_718, %select_n3A_719 masked %masked_sort3A_724 : (vector<16xf32>, vector<16xi32>, vector<16xi1>) -> (vector<16xi1>, vector<16xf32>, vector<16xi32>)
      %rev3A_728 = arith.constant 15 : i32
      %rev3A_729 = vector.broadcast %rev3A_728 : i32 to vector<16xi32>
      %rev3A_730 = tpu.iota {dimensions = array<i32: 0>} : vector<16xi32>
      %rev3A_731 = arith.subi %rev3A_729, %rev3A_730 : vector<16xi32>
      %rev3A_732 = tpu.dynamic_gather %masked_sort3A_726[%rev3A_731] in [0] : vector<16xf32>, vector<16xi32> -> vector<16xf32>
      %rev3A_733 = arith.constant 15 : i32
      %rev3A_734 = vector.broadcast %rev3A_733 : i32 to vector<16xi32>
      %rev3A_735 = tpu.iota {dimensions = array<i32: 0>} : vector<16xi32>
      %rev3A_736 = arith.subi %rev3A_734, %rev3A_735 : vector<16xi32>
      %rev3A_737 = tpu.dynamic_gather %masked_sort3A_727[%rev3A_736] in [0] : vector<16xi32>, vector<16xi32> -> vector<16xi32>
      %ge3A_738 = arith.cmpf oge, %masked_sort3A_690, %rev3A_732 : vector<16xf32>
      %select_n3A_739 = arith.select %ge3A_738, %masked_sort3A_690, %rev3A_732 : vector<16xi1>, vector<16xf32>
      %select_n3A_740 = arith.select %ge3A_738, %masked_sort3A_691, %rev3A_737 : vector<16xi1>, vector<16xi32>
      %masked_sort3A_741 = arith.constant dense<true> : vector<16xi1>
      %masked_sort3A_742, %masked_sort3A_743, %masked_sort3A_744 = tpu.sort %select_n3A_739, %select_n3A_740 masked %masked_sort3A_741 : (vector<16xf32>, vector<16xi32>, vector<16xi1>) -> (vector<16xi1>, vector<16xf32>, vector<16xi32>)
      %slice3A_745 = vector.extract_strided_slice %masked_sort3A_743 {offsets = [0], sizes = [1], strides = [1]} : vector<16xf32> to vector<1xf32>
      %squeeze3A_746 = vector.extract %slice3A_745[0] : f32 from vector<1xf32>
      %broadcast_in_dim3A_747 = vector.broadcast %squeeze3A_746 : f32 to vector<16xf32>
      %rev3A_748 = arith.constant 15 : i32
      %rev3A_749 = vector.broadcast %rev3A_748 : i32 to vector<16xi32>
      %rev3A_750 = tpu.iota {dimensions = array<i32: 0>} : vector<16xi32>
      %rev3A_751 = arith.subi %rev3A_749, %rev3A_750 : vector<16xi32>
      %rev3A_752 = tpu.dynamic_gather %masked_sort3A_722[%rev3A_751] in [0] : vector<16xf32>, vector<16xi32> -> vector<16xf32>
      %rev3A_753 = arith.constant 15 : i32
      %rev3A_754 = vector.broadcast %rev3A_753 : i32 to vector<16xi32>
      %rev3A_755 = tpu.iota {dimensions = array<i32: 0>} : vector<16xi32>
      %rev3A_756 = arith.subi %rev3A_754, %rev3A_755 : vector<16xi32>
      %rev3A_757 = tpu.dynamic_gather %masked_sort3A_723[%rev3A_756] in [0] : vector<16xi32>, vector<16xi32> -> vector<16xi32>
      %rev3A_758 = arith.constant 15 : i32
      %rev3A_759 = vector.broadcast %rev3A_758 : i32 to vector<16xi32>
      %rev3A_760 = tpu.iota {dimensions = array<i32: 0>} : vector<16xi32>
      %rev3A_761 = arith.subi %rev3A_759, %rev3A_760 : vector<16xi32>
      %rev3A_762 = tpu.dynamic_gather %masked_sort3A_743[%rev3A_761] in [0] : vector<16xf32>, vector<16xi32> -> vector<16xf32>
      %rev3A_763 = arith.constant 15 : i32
      %rev3A_764 = vector.broadcast %rev3A_763 : i32 to vector<16xi32>
      %rev3A_765 = tpu.iota {dimensions = array<i32: 0>} : vector<16xi32>
      %rev3A_766 = arith.subi %rev3A_764, %rev3A_765 : vector<16xi32>
      %rev3A_767 = tpu.dynamic_gather %masked_sort3A_744[%rev3A_766] in [0] : vector<16xi32>, vector<16xi32> -> vector<16xi32>
      %broadcast_in_dim3A_768 = vector.broadcast %add3A_502 : i32 to vector<16xi32>
      %gather3A_769 = tpu.vector_load_idx %arg17[%broadcast_in_dim3A_768] : memref<128xf32, #tpu.memory_space<vmem>>[vector<16xi32>], vector<16xf32>,
      %sub3A_770 = arith.subf %rev3A_752, %gather3A_769 : vector<16xf32>
      %exp3A_771 = math.exp %sub3A_770 : vector<16xf32>
      %mul3A_772 = arith.constant 32 : i32
      %mul3A_773 = arith.muli %add3A_502, %mul3A_772 : i32
      %swap3A_774 = arith.index_cast %mul3A_773 : i32 to index
      %swap3A_775 = tpu.vector_load %arg16[%swap3A_774] {strides = array<i32>} : memref<4096xf32, #tpu.memory_space<vmem>>, vector<16xf32>,
      tpu.vector_store %arg16[%swap3A_774], %exp3A_771 {strides = array<i32>} : memref<4096xf32, #tpu.memory_space<vmem>>, vector<16xf32>,
      %sub3A_776 = arith.subf %rev3A_762, %gather3A_769 : vector<16xf32>
      %exp3A_777 = math.exp %sub3A_776 : vector<16xf32>
      %mul3A_778 = arith.constant 32 : i32
      %mul3A_779 = arith.muli %add3A_502, %mul3A_778 : i32
      %add3A_780 = arith.constant 16 : i32
      %add3A_781 = arith.addi %mul3A_779, %add3A_780 : i32
      %swap3A_782 = arith.index_cast %add3A_781 : i32 to index
      %swap3A_783 = tpu.vector_load %arg16[%swap3A_782] {strides = array<i32>} : memref<4096xf32, #tpu.memory_space<vmem>>, vector<16xf32>,
      tpu.vector_store %arg16[%swap3A_782], %exp3A_777 {strides = array<i32>} : memref<4096xf32, #tpu.memory_space<vmem>>, vector<16xf32>,
      %swap3A_784 = arith.constant 0 : index
      %swap3A_785 = tpu.vector_load %arg13[%swap3A_784] {strides = array<i32>} : memref<32xi32, #tpu.memory_space<vmem>>, vector<16xi32>,
      tpu.vector_store %arg13[%swap3A_784], %rev3A_757 {strides = array<i32>} : memref<32xi32, #tpu.memory_space<vmem>>, vector<16xi32>,
      %swap3A_786 = arith.constant 16 : index
      %swap3A_787 = tpu.vector_load %arg13[%swap3A_786] {strides = array<i32>} : memref<32xi32, #tpu.memory_space<vmem>>, vector<16xi32>,
      tpu.vector_store %arg13[%swap3A_786], %rev3A_767 {strides = array<i32>} : memref<32xi32, #tpu.memory_space<vmem>>, vector<16xi32>,
      %ge3A_788 = arith.constant 2 : i32
      %ge3A_789 = arith.cmpi sge, %add3A_502, %ge3A_788 : i32
      %convert_element_type3A_790 = arith.extui %ge3A_789 : i1 to i32
      %cond3A_791 = arith.constant 0 : i32
      %cond3A_792 = arith.cmpi ne, %convert_element_type3A_790, %cond3A_791 : i32
      scf.if %cond3A_792 {
        %sub3A_801 = arith.constant 2 : i32
        %sub3A_802 = arith.subi %add3A_503, %sub3A_801 : i32
        %dma_wait3A_803 = arith.constant 0 : i32
        %dma_wait3A_804 = arith.constant 0 : i32
        %dma_wait3A_805 = tpu.memref_slice %arg5[%sub3A_802, %dma_wait3A_803, %dma_wait3A_804] : memref<4096x32x512xf32, #tpu.memory_space<hbm>> -> memref<1x32x512xf32, #tpu.memory_space<hbm>>
        %dma_wait3A_806 = tpu.memref_squeeze %dma_wait3A_805 : memref<1x32x512xf32, #tpu.memory_space<hbm>> -> memref<32x512xf32, #tpu.memory_space<hbm>>
        %dma_wait3A_807 = arith.constant 0 : i32
        %dma_wait3A_808 = arith.constant 0 : i32
        %dma_wait3A_809 = tpu.memref_slice %arg5[%sub3A_802, %dma_wait3A_807, %dma_wait3A_808] : memref<4096x32x512xf32, #tpu.memory_space<hbm>> -> memref<1x32x512xf32, #tpu.memory_space<hbm>>
        %dma_wait3A_810 = tpu.memref_squeeze %dma_wait3A_809 : memref<1x32x512xf32, #tpu.memory_space<hbm>> -> memref<32x512xf32, #tpu.memory_space<hbm>>
        tpu.wait_dma2 semaphore(%arg23 : memref<!tpu.dma_semaphore, #tpu.memory_space<semaphore_mem>>) src(%arg15 : memref<32x512xf32, #tpu.memory_space<vmem>>) dst(%dma_wait3A_810 : memref<32x512xf32, #tpu.memory_space<hbm>>)
      } else {
      }
      %dma_start3A_793 = arith.constant 0 : i32
      %dma_start3A_794 = arith.constant 0 : i32
      %dma_start3A_795 = tpu.memref_slice %arg4[%dma_start3A_793, %dma_start3A_794] : memref<10000x512xf32, #tpu.memory_space<hbm>> -> memref<10000x512xf32, #tpu.memory_space<hbm>>
      tpu.enqueue_indirect_dma source(%dma_start3A_795 : memref<10000x512xf32, #tpu.memory_space<hbm>>) target(%arg15 : memref<32x512xf32, #tpu.memory_space<vmem>>) offsets(%arg13 : memref<32xi32, #tpu.memory_space<vmem>>) semaphore(%arg21 : memref<!tpu.dma_semaphore, #tpu.memory_space<semaphore_mem>>)
      %ge3A_796 = arith.constant 1 : i32
      %ge3A_797 = arith.cmpi sge, %add3A_502, %ge3A_796 : i32
      %convert_element_type3A_798 = arith.extui %ge3A_797 : i1 to i32
      %cond3A_799 = arith.constant 0 : i32
      %cond3A_800 = arith.cmpi ne, %convert_element_type3A_798, %cond3A_799 : i32
      scf.if %cond3A_800 {
        %dma_wait3A_801 = arith.constant 0 : i32
        %dma_wait3A_802 = arith.constant 0 : i32
        %dma_wait3A_803 = tpu.memref_slice %arg4[%dma_wait3A_801, %dma_wait3A_802] : memref<10000x512xf32, #tpu.memory_space<hbm>> -> memref<10000x512xf32, #tpu.memory_space<hbm>>
        tpu.wait_indirect_dma semaphore(%arg20 : memref<!tpu.dma_semaphore, #tpu.memory_space<semaphore_mem>>) src(%dma_wait3A_803 : memref<10000x512xf32, #tpu.memory_space<hbm>>) dst(%arg14 : memref<32x512xf32, #tpu.memory_space<vmem>>)
        %sub3A_804 = arith.constant 1 : i32
        %sub3A_805 = arith.subi %add3A_503, %sub3A_804 : i32
        %dma_start3A_806 = arith.constant 0 : i32
        %dma_start3A_807 = arith.constant 0 : i32
        %dma_start3A_808 = tpu.memref_slice %arg5[%sub3A_805, %dma_start3A_806, %dma_start3A_807] : memref<4096x32x512xf32, #tpu.memory_space<hbm>> -> memref<1x32x512xf32, #tpu.memory_space<hbm>>
        %dma_start3A_809 = tpu.memref_squeeze %dma_start3A_808 : memref<1x32x512xf32, #tpu.memory_space<hbm>> -> memref<32x512xf32, #tpu.memory_space<hbm>>
        %dma_start3A_810 = arith.constant 0 : i32
        %dma_start3A_811 = arith.constant 0 : i32
        %dma_start3A_812 = tpu.memref_slice %arg5[%sub3A_805, %dma_start3A_810, %dma_start3A_811] : memref<4096x32x512xf32, #tpu.memory_space<hbm>> -> memref<1x32x512xf32, #tpu.memory_space<hbm>>
        %dma_start3A_813 = tpu.memref_squeeze %dma_start3A_812 : memref<1x32x512xf32, #tpu.memory_space<hbm>> -> memref<32x512xf32, #tpu.memory_space<hbm>>
        tpu.enqueue_dma source(%arg14 : memref<32x512xf32, #tpu.memory_space<vmem>>) target(%dma_start3A_813 : memref<32x512xf32, #tpu.memory_space<hbm>>) target_semaphore(%arg22 : memref<!tpu.dma_semaphore, #tpu.memory_space<semaphore_mem>>)
      } else {
      }
    }
    %scan3A_175 = arith.constant 64 : i32
    %add3A_176 = arith.constant 128 : i32
    %add3A_177 = arith.addi %mul3A_2, %add3A_176 : i32
    %sub3A = arith.constant 1 : i32
    %sub3A_178 = arith.subi %add3A_177, %sub3A : i32
    %dma_wait3A = arith.constant 0 : i32
    %dma_wait3A_179 = arith.constant 0 : i32
    %dma_wait3A_180 = tpu.memref_slice %arg4[%dma_wait3A, %dma_wait3A_179] : memref<10000x512xf32, #tpu.memory_space<hbm>> -> memref<10000x512xf32, #tpu.memory_space<hbm>>
    tpu.wait_indirect_dma semaphore(%arg21 : memref<!tpu.dma_semaphore, #tpu.memory_space<semaphore_mem>>) src(%dma_wait3A_180 : memref<10000x512xf32, #tpu.memory_space<hbm>>) dst(%arg15 : memref<32x512xf32, #tpu.memory_space<vmem>>)
    %dma_start3A_181 = arith.constant 0 : i32
    %dma_start3A_182 = arith.constant 0 : i32
    %dma_start3A_183 = tpu.memref_slice %arg5[%sub3A_178, %dma_start3A_181, %dma_start3A_182] : memref<4096x32x512xf32, #tpu.memory_space<hbm>> -> memref<1x32x512xf32, #tpu.memory_space<hbm>>
    %dma_start3A_184 = tpu.memref_squeeze %dma_start3A_183 : memref<1x32x512xf32, #tpu.memory_space<hbm>> -> memref<32x512xf32, #tpu.memory_space<hbm>>
    %dma_start3A_185 = arith.constant 0 : i32
    %dma_start3A_186 = arith.constant 0 : i32
    %dma_start3A_187 = tpu.memref_slice %arg5[%sub3A_178, %dma_start3A_185, %dma_start3A_186] : memref<4096x32x512xf32, #tpu.memory_space<hbm>> -> memref<1x32x512xf32, #tpu.memory_space<hbm>>
    %dma_start3A_188 = tpu.memref_squeeze %dma_start3A_187 : memref<1x32x512xf32, #tpu.memory_space<hbm>> -> memref<32x512xf32, #tpu.memory_space<hbm>>
    tpu.enqueue_dma source(%arg15 : memref<32x512xf32, #tpu.memory_space<vmem>>) target(%dma_start3A_188 : memref<32x512xf32, #tpu.memory_space<hbm>>) target_semaphore(%arg23 : memref<!tpu.dma_semaphore, #tpu.memory_space<semaphore_mem>>)
    %sub3A_189 = arith.constant 1 : i32
    %sub3A_190 = arith.subi %sub3A_178, %sub3A_189 : i32
    %dma_wait3A_191 = arith.constant 0 : i32
    %dma_wait3A_192 = arith.constant 0 : i32
    %dma_wait3A_193 = tpu.memref_slice %arg5[%sub3A_190, %dma_wait3A_191, %dma_wait3A_192] : memref<4096x32x512xf32, #tpu.memory_space<hbm>> -> memref<1x32x512xf32, #tpu.memory_space<hbm>>
    %dma_wait3A_194 = tpu.memref_squeeze %dma_wait3A_193 : memref<1x32x512xf32, #tpu.memory_space<hbm>> -> memref<32x512xf32, #tpu.memory_space<hbm>>
    %dma_wait3A_195 = arith.constant 0 : i32
    %dma_wait3A_196 = arith.constant 0 : i32
    %dma_wait3A_197 = tpu.memref_slice %arg5[%sub3A_190, %dma_wait3A_195, %dma_wait3A_196] : memref<4096x32x512xf32, #tpu.memory_space<hbm>> -> memref<1x32x512xf32, #tpu.memory_space<hbm>>
    %dma_wait3A_198 = tpu.memref_squeeze %dma_wait3A_197 : memref<1x32x512xf32, #tpu.memory_space<hbm>> -> memref<32x512xf32, #tpu.memory_space<hbm>>
    tpu.wait_dma2 semaphore(%arg22 : memref<!tpu.dma_semaphore, #tpu.memory_space<semaphore_mem>>) src(%arg14 : memref<32x512xf32, #tpu.memory_space<vmem>>) dst(%dma_wait3A_198 : memref<32x512xf32, #tpu.memory_space<hbm>>)
    %dma_wait3A_199 = arith.constant 0 : i32
    %dma_wait3A_200 = arith.constant 0 : i32
    %dma_wait3A_201 = tpu.memref_slice %arg5[%sub3A_178, %dma_wait3A_199, %dma_wait3A_200] : memref<4096x32x512xf32, #tpu.memory_space<hbm>> -> memref<1x32x512xf32, #tpu.memory_space<hbm>>
    %dma_wait3A_202 = tpu.memref_squeeze %dma_wait3A_201 : memref<1x32x512xf32, #tpu.memory_space<hbm>> -> memref<32x512xf32, #tpu.memory_space<hbm>>
    %dma_wait3A_203 = arith.constant 0 : i32
    %dma_wait3A_204 = arith.constant 0 : i32
    %dma_wait3A_205 = tpu.memref_slice %arg5[%sub3A_178, %dma_wait3A_203, %dma_wait3A_204] : memref<4096x32x512xf32, #tpu.memory_space<hbm>> -> memref<1x32x512xf32, #tpu.memory_space<hbm>>
    %dma_wait3A_206 = tpu.memref_squeeze %dma_wait3A_205 : memref<1x32x512xf32, #tpu.memory_space<hbm>> -> memref<32x512xf32, #tpu.memory_space<hbm>>
    tpu.wait_dma2 semaphore(%arg23 : memref<!tpu.dma_semaphore, #tpu.memory_space<semaphore_mem>>) src(%arg15 : memref<32x512xf32, #tpu.memory_space<vmem>>) dst(%dma_wait3A_206 : memref<32x512xf32, #tpu.memory_space<hbm>>)
    %mul3A_207 = arith.constant 32 : i32
    %mul3A_208 = arith.muli %mul3A_2, %mul3A_207 : i32
    "tpu.region"() ({
      %run_scoped3A = tpu.sem_alloc : memref<!tpu.dma_semaphore, #tpu.memory_space<semaphore_mem>>
      %dma_start3A_209 = tpu.memref_slice %arg6[%mul3A_208] : memref<131072xf32, #tpu.memory_space<hbm>> -> memref<4096xf32, #tpu.memory_space<hbm>>
      %dma_start3A_210 = tpu.memref_slice %arg6[%mul3A_208] : memref<131072xf32, #tpu.memory_space<hbm>> -> memref<4096xf32, #tpu.memory_space<hbm>>
      tpu.enqueue_dma source(%arg16 : memref<4096xf32, #tpu.memory_space<vmem>>) target(%dma_start3A_210 : memref<4096xf32, #tpu.memory_space<hbm>>) target_semaphore(%run_scoped3A : memref<!tpu.dma_semaphore, #tpu.memory_space<semaphore_mem>>)
      %dma_wait3A_211 = tpu.memref_slice %arg6[%mul3A_208] : memref<131072xf32, #tpu.memory_space<hbm>> -> memref<4096xf32, #tpu.memory_space<hbm>>
      %dma_wait3A_212 = tpu.memref_slice %arg6[%mul3A_208] : memref<131072xf32, #tpu.memory_space<hbm>> -> memref<4096xf32, #tpu.memory_space<hbm>>
      tpu.wait_dma2 semaphore(%run_scoped3A : memref<!tpu.dma_semaphore, #tpu.memory_space<semaphore_mem>>) src(%arg16 : memref<4096xf32, #tpu.memory_space<vmem>>) dst(%dma_wait3A_212 : memref<4096xf32, #tpu.memory_space<hbm>>)
      tpu.yield
    }) : () -> ()
    return
  }
}

module attributes {stable_mosaic.version = 14 : i64} {
  func.func @_scores_body(%arg0: i32, %arg1: i32, %arg2: memref<256x512xf32, #tpu.memory_space<vmem>>, %arg3: memref<512x512xf32, #tpu.memory_space<vmem>>, %arg4: memref<1x512xf32, #tpu.memory_space<vmem>>, %arg5: memref<1024x512xf32, #tpu.memory_space<vmem>>, %arg6: memref<256x1024xf32, #tpu.memory_space<vmem>>, %arg7: memref<256x1xf32, #tpu.memory_space<vmem>>, %arg8: memref<256x512xf32, #tpu.memory_space<vmem>>, %arg9: memref<256x1xf32, #tpu.memory_space<vmem>>, %arg10: memref<256x1xf32, #tpu.memory_space<vmem>>) attributes {dimension_semantics = [#tpu.dimension_semantics<parallel>, #tpu.dimension_semantics<arbitrary>], iteration_bounds = array<i64: 16, 10>, scalar_prefetch = 0 : i64, scratch_operands = 3 : i64, tpu.core_type = #tpu.core_type<tc>, window_params = [{transform_indices = @transform_0, window_bounds = array<i64: 256, 512>}, {pipeline_mode = #tpu.pipeline_mode<synchronous>, transform_indices = @transform_1, window_bounds = array<i64: 512, 512>}, {pipeline_mode = #tpu.pipeline_mode<synchronous>, transform_indices = @transform_2, window_bounds = array<i64: 1, 512>}, {transform_indices = @transform_3, window_bounds = array<i64: 1024, 512>}, {transform_indices = @transform_4, window_bounds = array<i64: 256, 1024>}, {transform_indices = @transform_5, window_bounds = array<i64: 256, 1>}]} {
    %eq3A = arith.constant 0 : i32
    %eq3A_0 = arith.cmpi eq, %arg1, %eq3A : i32
    %convert_element_type3A = arith.extui %eq3A_0 : i1 to i32
    %cond3A = arith.constant 0 : i32
    %cond3A_1 = arith.cmpi ne, %convert_element_type3A, %cond3A : i32
    scf.if %cond3A_1 {
      %get3A_43 = arith.constant 0 : index
      %get3A_44 = arith.constant 0 : index
      %get3A_45 = vector.load %arg2[%get3A_43, %get3A_44] : memref<256x512xf32, #tpu.memory_space<vmem>>, vector<256x512xf32>
      %get3A_46 = arith.constant 0 : index
      %get3A_47 = arith.constant 0 : index
      %get3A_48 = vector.load %arg3[%get3A_46, %get3A_47] : memref<512x512xf32, #tpu.memory_space<vmem>>, vector<512x512xf32>
      %dot_general3A_49 = arith.constant dense<0.000000e+00> : vector<256x512xf32>
      %dot_general3A_50 = tpu.matmul %get3A_45, %get3A_48, %dot_general3A_49 {dimension_numbers = #tpu.dot_dimension_numbers<[1], [0], [0], [1], [0, 0, 1, 1], [], []>, transpose_lhs_hint = false} : vector<256x512xf32>, vector<512x512xf32>, vector<256x512xf32> -> vector<256x512xf32>
      %get3A_51 = arith.constant 0 : index
      %get3A_52 = arith.constant 0 : index
      %get3A_53 = vector.load %arg4[%get3A_51, %get3A_52] : memref<1x512xf32, #tpu.memory_space<vmem>>, vector<1x512xf32>
      %add3A_54 = vector.broadcast %get3A_53 : vector<1x512xf32> to vector<256x512xf32>
      %add3A_55 = arith.addf %dot_general3A_50, %add3A_54 : vector<256x512xf32>
      %swap3A_56 = arith.constant 0 : index
      %swap3A_57 = arith.constant 0 : index
      %swap3A_58 = vector.load %arg8[%swap3A_56, %swap3A_57] : memref<256x512xf32, #tpu.memory_space<vmem>>, vector<256x512xf32>
      tpu.vector_store %arg8[%swap3A_56, %swap3A_57], %add3A_55 {strides = array<i32>} : memref<256x512xf32, #tpu.memory_space<vmem>>, vector<256x512xf32>,
      %broadcast_in_dim3A_59 = arith.constant -1.000000e+30 : f32
      %broadcast_in_dim3A_60 = vector.broadcast %broadcast_in_dim3A_59 : f32 to vector<256x1xf32>
      %swap3A_61 = arith.constant 0 : index
      %swap3A_62 = arith.constant 0 : index
      %swap3A_63 = vector.load %arg9[%swap3A_61, %swap3A_62] : memref<256x1xf32, #tpu.memory_space<vmem>>, vector<256x1xf32>
      tpu.vector_store %arg9[%swap3A_61, %swap3A_62], %broadcast_in_dim3A_60 {strides = array<i32>} : memref<256x1xf32, #tpu.memory_space<vmem>>, vector<256x1xf32>,
      %broadcast_in_dim3A_64 = arith.constant 0.000000e+00 : f32
      %broadcast_in_dim3A_65 = vector.broadcast %broadcast_in_dim3A_64 : f32 to vector<256x1xf32>
      %swap3A_66 = arith.constant 0 : index
      %swap3A_67 = arith.constant 0 : index
      %swap3A_68 = vector.load %arg10[%swap3A_66, %swap3A_67] : memref<256x1xf32, #tpu.memory_space<vmem>>, vector<256x1xf32>
      tpu.vector_store %arg10[%swap3A_66, %swap3A_67], %broadcast_in_dim3A_65 {strides = array<i32>} : memref<256x1xf32, #tpu.memory_space<vmem>>, vector<256x1xf32>,
    } else {
    }
    %get3A = arith.constant 0 : index
    %get3A_2 = arith.constant 0 : index
    %get3A_3 = vector.load %arg8[%get3A, %get3A_2] : memref<256x512xf32, #tpu.memory_space<vmem>>, vector<256x512xf32>
    %get3A_4 = arith.constant 0 : index
    %get3A_5 = arith.constant 0 : index
    %get3A_6 = vector.load %arg5[%get3A_4, %get3A_5] : memref<1024x512xf32, #tpu.memory_space<vmem>>, vector<1024x512xf32>
    %dot_general3A = arith.constant dense<0.000000e+00> : vector<256x1024xf32>
    %dot_general3A_7 = tpu.matmul %get3A_3, %get3A_6, %dot_general3A {dimension_numbers = #tpu.dot_dimension_numbers<[1], [1], [0], [0], [0, 0, 1, 0], [], []>, transpose_lhs_hint = false} : vector<256x512xf32>, vector<1024x512xf32>, vector<256x1024xf32> -> vector<256x1024xf32>
    %mul3A = arith.constant 0.0441941731 : f32
    %mul3A_8 = vector.broadcast %mul3A : f32 to vector<256x1024xf32>
    %mul3A_9 = arith.mulf %dot_general3A_7, %mul3A_8 : vector<256x1024xf32>
    %mul3A_10 = arith.constant 1024 : i32
    %mul3A_11 = arith.muli %arg1, %mul3A_10 : i32
    %iota3A = tpu.iota {dimensions = array<i32: 1>} : vector<256x1024xi32>
    %add3A = vector.broadcast %mul3A_11 : i32 to vector<256x1024xi32>
    %add3A_12 = arith.addi %add3A, %iota3A : vector<256x1024xi32>
    %lt3A = arith.constant 10000 : i32
    %lt3A_13 = vector.broadcast %lt3A : i32 to vector<256x1024xi32>
    %lt3A_14 = arith.cmpi slt, %add3A_12, %lt3A_13 : vector<256x1024xi32>
    %jit3A = arith.constant -1.000000e+30 : f32
    %broadcast_in_dim3A = vector.broadcast %jit3A : f32 to vector<256x1024xf32>
    %select_n3A = arith.select %lt3A_14, %mul3A_9, %broadcast_in_dim3A : vector<256x1024xi1>, vector<256x1024xf32>
    %swap3A = arith.constant 0 : index
    %swap3A_15 = arith.constant 0 : index
    %swap3A_16 = vector.load %arg6[%swap3A, %swap3A_15] : memref<256x1024xf32, #tpu.memory_space<vmem>>, vector<256x1024xf32>
    tpu.vector_store %arg6[%swap3A, %swap3A_15], %select_n3A {strides = array<i32>} : memref<256x1024xf32, #tpu.memory_space<vmem>>, vector<256x1024xf32>,
    %get3A_17 = arith.constant 0 : index
    %get3A_18 = arith.constant 0 : index
    %get3A_19 = vector.load %arg9[%get3A_17, %get3A_18] : memref<256x1xf32, #tpu.memory_space<vmem>>, vector<256x1xf32>
    %reduce_max3A = arith.constant dense<0xFF800000> : vector<256xf32>
    %reduce_max3A_20 = vector.multi_reduction <maximumf>, %select_n3A, %reduce_max3A [1] : vector<256x1024xf32> to vector<256xf32>
    %broadcast_in_dim3A_21 = vector.shape_cast %reduce_max3A_20 : vector<256xf32> to vector<256x1xf32>
    %max3A = arith.maximumf %get3A_19, %broadcast_in_dim3A_21 : vector<256x1xf32>
    %get3A_22 = arith.constant 0 : index
    %get3A_23 = arith.constant 0 : index
    %get3A_24 = vector.load %arg10[%get3A_22, %get3A_23] : memref<256x1xf32, #tpu.memory_space<vmem>>, vector<256x1xf32>
    %sub3A = arith.subf %get3A_19, %max3A : vector<256x1xf32>
    %exp3A = math.exp %sub3A : vector<256x1xf32>
    %mul3A_25 = arith.mulf %get3A_24, %exp3A : vector<256x1xf32>
    %sub3A_26 = vector.broadcast %max3A : vector<256x1xf32> to vector<256x1024xf32>
    %sub3A_27 = arith.subf %select_n3A, %sub3A_26 : vector<256x1024xf32>
    %exp3A_28 = math.exp %sub3A_27 : vector<256x1024xf32>
    %reduce_sum3A = arith.constant dense<0.000000e+00> : vector<256xf32>
    %reduce_sum3A_29 = vector.multi_reduction <add>, %exp3A_28, %reduce_sum3A [1] : vector<256x1024xf32> to vector<256xf32>
    %broadcast_in_dim3A_30 = vector.shape_cast %reduce_sum3A_29 : vector<256xf32> to vector<256x1xf32>
    %add3A_31 = arith.addf %mul3A_25, %broadcast_in_dim3A_30 : vector<256x1xf32>
    %swap3A_32 = arith.constant 0 : index
    %swap3A_33 = arith.constant 0 : index
    %swap3A_34 = vector.load %arg10[%swap3A_32, %swap3A_33] : memref<256x1xf32, #tpu.memory_space<vmem>>, vector<256x1xf32>
    tpu.vector_store %arg10[%swap3A_32, %swap3A_33], %add3A_31 {strides = array<i32>} : memref<256x1xf32, #tpu.memory_space<vmem>>, vector<256x1xf32>,
    %swap3A_35 = arith.constant 0 : index
    %swap3A_36 = arith.constant 0 : index
    %swap3A_37 = vector.load %arg9[%swap3A_35, %swap3A_36] : memref<256x1xf32, #tpu.memory_space<vmem>>, vector<256x1xf32>
    tpu.vector_store %arg9[%swap3A_35, %swap3A_36], %max3A {strides = array<i32>} : memref<256x1xf32, #tpu.memory_space<vmem>>, vector<256x1xf32>,
    %eq3A_38 = arith.constant 9 : i32
    %eq3A_39 = arith.cmpi eq, %arg1, %eq3A_38 : i32
    %convert_element_type3A_40 = arith.extui %eq3A_39 : i1 to i32
    %cond3A_41 = arith.constant 0 : i32
    %cond3A_42 = arith.cmpi ne, %convert_element_type3A_40, %cond3A_41 : i32
    scf.if %cond3A_42 {
      %get3A_43 = arith.constant 0 : index
      %get3A_44 = arith.constant 0 : index
      %get3A_45 = vector.load %arg9[%get3A_43, %get3A_44] : memref<256x1xf32, #tpu.memory_space<vmem>>, vector<256x1xf32>
      %get3A_46 = arith.constant 0 : index
      %get3A_47 = arith.constant 0 : index
      %get3A_48 = vector.load %arg10[%get3A_46, %get3A_47] : memref<256x1xf32, #tpu.memory_space<vmem>>, vector<256x1xf32>
      %log3A = math.log %get3A_48 : vector<256x1xf32>
      %add3A_49 = arith.addf %get3A_45, %log3A : vector<256x1xf32>
      %swap3A_50 = arith.constant 0 : index
      %swap3A_51 = arith.constant 0 : index
      %swap3A_52 = vector.load %arg7[%swap3A_50, %swap3A_51] : memref<256x1xf32, #tpu.memory_space<vmem>>, vector<256x1xf32>
      tpu.vector_store %arg7[%swap3A_50, %swap3A_51], %add3A_49 {strides = array<i32>} : memref<256x1xf32, #tpu.memory_space<vmem>>, vector<256x1xf32>,
    } else {
    }
    return
  }
  func.func @transform_0(%arg0: i32, %arg1: i32) -> (i32, i32) {
    %c0_i32 = arith.constant 0 : i32
    %c0_i32_0 = arith.constant 0 : i32
    return %arg0, %c0_i32 : i32, i32
  }
  func.func @transform_1(%arg0: i32, %arg1: i32) -> (i32, i32) {
    %c0_i32 = arith.constant 0 : i32
    %c0_i32_0 = arith.constant 0 : i32
    %c0_i32_1 = arith.constant 0 : i32
    return %c0_i32, %c0_i32_0 : i32, i32
  }
  func.func @transform_2(%arg0: i32, %arg1: i32) -> (i32, i32) {
    %c0_i32 = arith.constant 0 : i32
    %c0_i32_0 = arith.constant 0 : i32
    %c0_i32_1 = arith.constant 0 : i32
    return %c0_i32, %c0_i32_0 : i32, i32
  }
  func.func @transform_3(%arg0: i32, %arg1: i32) -> (i32, i32) {
    %c0_i32 = arith.constant 0 : i32
    %c0_i32_0 = arith.constant 0 : i32
    return %arg1, %c0_i32 : i32, i32
  }
  func.func @transform_4(%arg0: i32, %arg1: i32) -> (i32, i32) {
    %c0_i32 = arith.constant 0 : i32
    return %arg0, %arg1 : i32, i32
  }
  func.func @transform_5(%arg0: i32, %arg1: i32) -> (i32, i32) {
    %c0_i32 = arith.constant 0 : i32
    %c0_i32_0 = arith.constant 0 : i32
    return %arg0, %c0_i32 : i32, i32
  }
}

</mosaic_0001>

<sc_bundles>
// kernel: kernel.4.cloned.1.call-start
scs
__scs_entry_jumppad:
0x0: {  	(pc) =	sbr.rel $0x88, $3  }
0x1: {  	(tag) =	ssettag $0x0;
	lr =	simm.s32 $0x1  }
0x2: {  	[smem:$0x3F9C] =	sst lr;
	_ =	strace $0xD0000000  }
0x3: {  	_ = 	snop  }
0x4: {  	_ = 	snop  }
0x5: {  	_ = 	snop  }
0x6: {  	_ = 	snop  }
0x7: {  	_ = 	snop  }
__scs_overlays_trampoline_lowered:
0x8: {  	[smem:$0x3FAB] =	sst s0  }
0x9: {  	[smem:$0x3FAC] =	sst s1  }
0xa: {  	[smem:$0x3FAD] =	sst s2  }
0xb: {  	[smem:$0x3FAE] =	sst s3  }
0xc: {  	[smem:$0x3FAF] =	sst s4  }
0xd: {  	[smem:$0x3FB0] =	sst s5  }
0xe: {  	[smem:$0x3FB1] =	sst s6  }
0xf: {  	[smem:$0x3FB2] =	sst s7  }
0x10: {  	[smem:$0x3FB3] =	sst s8  }
0x11: {  	[smem:$0x3FB4] =	sst s9;
	s0 =	simm.s32 @!p0 $0x0  }
0x12: {  	s1 =	sld [smem:$0x3F9A];
	s0 =	simm.s32 @p0 $0x1  }
0x13: {  	[smem:$0x3FB5] =	sst s0;
	s0 =	simm.s32 @!p1 $0x0  }
0x14: {  	s2 =	sld [smem:$0x3F99];
	s0 =	simm.s32 @p1 $0x1  }
0x15: {  	[smem:$0x3FB6] =	sst s0;
	s0 =	simm.s32 @!p2 $0x0  }
0x16: {  	s3 =	sld [smem:$0x3FDB];
	s0 =	simm.s32 @p2 $0x1  }
0x17: {  	s4 =	simm.s32 $0x1BF5;
	[smem:$0x3FB8] =	sst s0  }
0x18: {  	s0 =	sld [smem:$0x3F9B];
	_ =	swait.ge [sflag:s4], $0x0  }
0x19: {  	s7 =	sld [smem:$0x3F9C]  }
0x1a: {  	s8 =	sadd.s32 $0xFFFFE003, lr  }
0x1b: {  	s9 =	sadd.s32 $0xFFFFFEF7, lr;
	s5 =	simm.s32 $0xFFFFFFFF;
	p2 =	slt.u32 s8, $0xFFFFF086  }
0x1c: {  	p1 =	slt.u32 s9, $0xF7A;
	s5 =	simm.s32 @!p2 $0x0  }
0x1d: {  	s5 =	simm.s32 @p1 $0x1;
	p0 =	seq.s32 s7, s2  }
0x1e: {  	s7 =	smul.u32 @!p0 $0xF7A, s2;
	p2 =	seq.s32 @!p0 s5, $0x0  }
0x1f: {  	s9 =	smul.u32 $0xF7A, s1;
	s8 =	simm.s32 @!p0 $0x1BF5;
	p2 =	por !p2, p0  }
0x20: {  	[sflag:s8] =	ssyncset.s32 @!p0 $0xFFFFF086;
	s6 =	sadd.s32 @!p0 s3, s7;
	s7 =	simm.s32 @!p0 $0x108  }
0x21: {  	s3 =	sadd.s32 s3, s9;
	s6 =	sadd.s32 @!p0 $0x88, s6;
	s7 =	simm.s32 @p2 $0x1082  }
0x22: {  	[simem:s7], [sflag:s8] =	dma.local @!p0 [hbm:s6], $0xF7A  }
0x23: {  	s9 =	sor.u32 $0xD0000000, s2;
	s6 =	simm.s32 $0x108;
	_ =	swait.ge @!p0 [sflag:s8], $0x0  }
0x24: {  	s3 =	sadd.s32 $0x88, s3;
	s6 =	simm.s32 @!p1 $0x1082;
	[sflag:s4] =	ssyncset.s32 $0xFFFFF086  }
0x25: {  	[simem:s6], [sflag:s4] =	dma.local [hbm:s3], $0xF7A  }
0x26: {  	[smem:$0x3F9C] =	sst s1;
	(tag) =	ssettag s2;
	_ =	strace s9  }
0x27: {  	s1 =	sld [smem:$0x3FAC]  }
0x28: {  	s2 =	sld [smem:$0x3FAD]  }
0x29: {  	s4 =	sld [smem:$0x3FAF]  }
0x2a: {  	p0 =	seq.s32 s5, $0x0;
	s5 =	sld [smem:$0x3FB0]  }
0x2b: {  	s6 =	sld [smem:$0x3FB1]  }
0x2c: {  	s7 =	sld [smem:$0x3FB2]  }
0x2d: {  	s3 =	simm.s32 $0x108;
	s8 =	sld [smem:$0x3FB3]  }
0x2e: {  	s3 =	simm.s32 @!p0 $0x1082;
	s9 =	sld [smem:$0x3FB4]  }
0x2f: {  	lr =	sadd.s32 s0, s3;
	s0 =	sld [smem:$0x3FAB]  }
0x30: {  	s3 =	sld [smem:$0x3FAE]  }
0x31: {  	[smem:$0x3FB7] =	sst s10  }
0x32: {  	s10 =	sld [smem:$0x3FB5];
	_ =	sdelay $0x3  }
0x33: {  	p0 =	seq.s32 s10, $0x1;
	s10 =	sld [smem:$0x3FB7];
	_ =	sdelay $0x3  }
0x34: {  	[smem:$0x3FB7] =	sst s10  }
0x35: {  	s10 =	sld [smem:$0x3FB6];
	_ =	sdelay $0x3  }
0x36: {  	p1 =	seq.s32 s10, $0x1;
	s10 =	sld [smem:$0x3FB7];
	_ =	sdelay $0x3  }
0x37: {  	[smem:$0x3FB7] =	sst s10  }
0x38: {  	s10 =	sld [smem:$0x3FB8]  }
0x39: {  	_ = 	snop;
	(pc) =	sbr.ind lr, $3  }
0x3a: {  	_ = 	snop  }
0x3b: {  	_ = 	snop  }
0x3c: {  	p2 =	seq.s32 s10, $0x1;
	s10 =	sld [smem:$0x3FB7]  }
0x3d: {  	_ =	shalt  }
0x3e: {  	_ =	shalt  }
0x3f: {  	_ =	shalt  }
0x40: {  	_ =	shalt  }
0x41: {  	_ =	shalt  }
0x42: {  	_ =	shalt  }
0x43: {  	_ =	shalt  }
0x44: {  	_ =	shalt  }
0x45: {  	_ =	shalt  }
0x46: {  	_ =	shalt  }
0x47: {  	_ =	shalt  }
0x48: {  	_ =	shalt  }
0x49: {  	_ =	shalt  }
0x4a: {  	_ =	shalt  }
0x4b: {  	_ =	shalt  }
0x4c: {  	_ =	shalt  }
0x4d: {  	_ =	shalt  }
0x4e: {  	_ =	shalt  }
0x4f: {  	_ =	shalt  }
0x50: {  	_ =	shalt  }
0x51: {  	_ =	shalt  }
0x52: {  	_ =	shalt  }
0x53: {  	_ =	shalt  }
0x54: {  	_ =	shalt  }
0x55: {  	_ =	shalt  }
0x56: {  	_ =	shalt  }
0x57: {  	_ =	shalt  }
0x58: {  	_ =	shalt  }
0x59: {  	_ =	shalt  }
0x5a: {  	_ =	shalt  }
0x5b: {  	_ =	shalt  }
0x5c: {  	_ =	shalt  }
0x5d: {  	_ =	shalt  }
0x5e: {  	_ =	shalt  }
0x5f: {  	_ =	shalt  }
0x60: {  	_ =	shalt  }
0x61: {  	_ =	shalt  }
0x62: {  	_ =	shalt  }
0x63: {  	_ =	shalt  }
0x64: {  	_ =	shalt  }
0x65: {  	_ =	shalt  }
0x66: {  	_ =	shalt  }
0x67: {  	_ =	shalt  }
0x68: {  	_ =	shalt  }
0x69: {  	_ =	shalt  }
0x6a: {  	_ =	shalt  }
0x6b: {  	_ =	shalt  }
0x6c: {  	_ =	shalt  }
0x6d: {  	_ =	shalt  }
0x6e: {  	_ =	shalt  }
0x6f: {  	_ =	shalt  }
0x70: {  	_ =	shalt  }
0x71: {  	_ =	shalt  }
0x72: {  	_ =	shalt  }
0x73: {  	_ =	shalt  }
0x74: {  	_ =	shalt  }
0x75: {  	_ =	shalt  }
0x76: {  	_ =	shalt  }
0x77: {  	_ =	shalt  }
0x78: {  	_ =	shalt  }
0x79: {  	_ =	shalt  }
0x7a: {  	_ =	shalt  }
0x7b: {  	_ =	shalt  }
0x7c: {  	_ =	shalt  }
0x7d: {  	_ =	shalt  }
0x7e: {  	_ =	shalt  }
0x7f: {  	_ =	shalt  }
0x80: {  	_ =	shalt  }
0x81: {  	_ =	shalt  }
0x82: {  	_ =	shalt  }
0x83: {  	_ =	shalt  }
0x84: {  	_ =	shalt  }
0x85: {  	_ =	shalt  }
0x86: {  	_ =	shalt  }
0x87: {  	_ =	shalt  }
.Lfunc_end0:
.L_simem_size_0:
called_computation.1_lowered:
.L_overlay_start_0:
0x88: {  	s2 =	sld [smem:$0x3FD9]  }
0x89: {  	s3 =	sld [smem:$0x3FFE];
	_ =	sdelay $0x1  }
0x8a: {  	s1 =	srdreg.scid  }
0x8b: {  	s0 =	sand.u32 $0x1, s1  }
0x8c: {  	s14 =	sshll.u32 s0, $0xA;
	s2 =	sadd.s32 s3, s2  }
0x8d: {  	s2 =	sadd.s32 s2, s14  }
0x8e: {  	[smem:$0x3FC3] =	sst s2  }
0x8f: {  	_ = 	snop  }
0x90: {  	s2 =	sld [smem:$0x3FD0];
	_ =	sdelay $0x2  }
0x91: {  	s4 =	simm.s32 $0xA;
	s5 =	simm.s32 $0x10;
	s15 =	sld [smem:$0x3FC7]  }
0x92: {  	[smem:s5], [sflag:s4] =	dma.local [hbm:s2], $0x1  }
0x93: {  	_ =	swait.eq [sflag:s4], $0x1  }
0x94: {  	[sflag:s4] =	ssyncset.done $0x0  }
0x95: {  	s16 =	sld [smem:$0x10];
	[sflag:s4] =	ssyncadd.s32 $0xFFFFFFFF  }
0x96: {  	s17 =	sld [smem:$0x11];
	(tm) =	ssettm $0x1  }
0x97: {  	s18 =	sld [smem:$0x3FFB];
	_ =	sdelay $0x3  }
0x98: {  	_ =	strace s18  }
0x99: {  	s5 =	sld [smem:$0x3FFC];
	_ =	sdelay $0x3  }
0x9a: {  	_ =	strace s5  }
0x9b: {  	s5 =	sld [smem:$0x3FFD];
	_ =	sdelay $0x3  }
0x9c: {  	_ =	strace s5  }
0x9d: {  	_ =	strace $0x8FFFFFFF  }
0x9e: {  	s19 =	sld [smem:$0x3FDB];
	_ =	sdelay $0x1  }
0x9f: {  	s6 =	simm.s32 $_scs_section_size  }
0xa0: {  	s7 =	simm.s32 $_size__tile_overlayer_lowered;
	s8 =	simm.s32 $_tile_overlayer_lowered  }
0xa1: {  	s22 =	simm.s32 $0x1BFF;
	s21 =	sshll.u32 s8, $0x1;
	s5 =	sadd.s32 s6, s19  }
0xa2: {  	s9 =	simm.s32 $0x0;
	s20 =	sshll.u32 s7, $0x1;
	s7 =	sadd.s32 s21, s5  }
0xa3: {  	[timem:s9], [sflag:s22] =	dma.local [hbm:s7], s20  }
0xa4: {  	_ =	swait.ge [sflag:s22], s20  }
0xa5: {  	s6 =	ssub.s32 $0x0, s20;
	[sflag:s22] =	ssyncset.done $0x0  }
0xa6: {  	[sflag:s22] =	ssyncadd.s32 s6;
	_ =	sdelay $0x1  }
0xa7: {  	s23 =	simm.s32 $0x1B8B  }
0xa8: {  	_ =	swait.ge [sflag:s23], $0x1  }
0xa9: {  	[sflag:s23] =	ssyncset.done $0x0  }
0xaa: {  	s25 =	simm.s32 $0x1B8E;
	s24 =	sld [smem:$0x3FFE];
	[sflag:s23] =	ssyncadd.s32 $0xFFFFFFFF  }
0xab: {  	s26 =	simm.s32 $execute0_lowered;
	[smem:$0x3FD2] =	sst s25  }
0xac: {  	s7 =	sshll.u32 s26, $0x1;
	_ =	strace $0x80000049;
	[dreg:$0x1] =	wrdreg $0xFFFFFFFF  }
0xad: {  	s28 =	simm.s32 $_size_execute0_lowered;
	s5 =	sadd.s32 s5, s7;
	[dreg:$0x0] =	wrdreg $0x0  }
0xae: {  	s7 =	sshll.u32 s28, $0x1;
	[dreg:$0x2] =	wrdreg s5  }
0xaf: {  	[dreg:$0x3] =	wrdreg s7  }
0xb0: {  	[dreg:$0x4] =	wrdreg $0xC0  }
0xb1: {  	_ =	task [dreg:s9], $0x5FFFF  }
0xb2: {  	[dreg:$0x1] =	wrdreg $0xFFFFFFFF  }
0xb3: {  	[dreg:$0x0] =	wrdreg $0x60  }
0xb4: {  	[dreg:$0x2] =	wrdreg s24  }
0xb5: {  	[dreg:$0x3] =	wrdreg s15  }
0xb6: {  	[dreg:$0x4] =	wrdreg s16  }
0xb7: {  	[dreg:$0x5] =	wrdreg s17  }
0xb8: {  	[dreg:$0x6] =	wrdreg $0x9  }
0xb9: {  	_ =	task.clear_ibuf [dreg:s9], $0x7FFFF;
	_ =	strace $0x90000049  }
0xba: {  	s29 =	simm.s32 $0x9;
	_ =	strace $0x8000004B  }
0xbb: {  	_ =	swait.ge [sflag:s29], $0x1  }
0xbc: {  	[sflag:s29] =	ssyncadd.s32 $0xFFFFFFFF  }
0xbd: {  	_ =	strace $0x9000004B  }
0xbe: {  	_ =	sfence  }
0xbf: {  	s30 =	sld [smem:$0x0];
	_ =	sdelay $0x2  }
0xc0: {  	s31 =	sshll.u32 s1, $0xD;
	s1 =	sshrl.u32 s1, $0x2  }
0xc1: {  	s3 =	sand.u32 $0x4000, s31;
	s1 =	sadd.s32 s1, s30  }
0xc2: {  	s0 =	sor.u32 s3, s0;
	s1 =	sshll.u32 s1, $0x11  }
0xc3: {  	s0 =	sor.u32 s1, s0  }
0xc4: {  	s0 =	sadd.s32 $0x8F2B, s0  }
0xc5: {  	[sflag:s0] =	ssyncadd.remote.s32 $0x1  }
0xc6: {  	_ =	sfence.sel $0xFFFF  }
0xc7: {  	[dreg:$0x0] =	wrdreg $0xFFFFFFFF;
	(pc) =	sbr.abs _section_cstart, $3  }
0xc8: {  	[dreg:$0x1] =	wrdreg $0xFFFFFFFF  }
0xc9: {  	_ =	task.clear_ibuf [dreg:s9], $0x2FFFF;
	_ =	strace $0x9FFFFFFF  }
0xca: {  	(tm) =	ssettm $0x7FFFFFFF  }
0xcb: {  	_ =	shalt  }
tec
execute0_lowered:
.L_overlay_start_1:
0x0: {  	(tag) =	ssettag $0x1  }
0x1: {  	s0 =	rddreg [dreg:$0x0]  }
0x2: {  	s1 =	rddreg [dreg:$0x1]  }
0x3: {  	s3 =	rddreg [dreg:$0x2]  }
0x4: {  	s2 =	rddreg [dreg:$0x3]  }
0x5: {  	s5 =	srdreg.scid;
	s6 =	stileid.u32;
	s4 =	simm.s32 $0x0  }
0x6: {  	s5 =	sand.u32 $0x1, s5;
	s6 =	sshll.u32 s6, $0x1;
	[smem:$0x7FF] =	sst s4  }
0x7: {  	s6 =	sor.u32 s5, s6;
	s7 =	ssub.s32 $0x2, s5;
	s5 =	sadd.s32 $0x11200, s0  }
0x8: {  	s8 =	smul.u32 $0x28000, s6;
	s9 =	sshll.u32 s6, $0x4;
	s10 =	sshrl.u32 s7, $0x1  }
0x9: {  	s22 =	sshll.u32 s6, $0x12;
	s0 =	sadd.s32 s9, s0;
	s26 =	ssub.s32 s7, s10  }
0xa: {  	s7 =	sshll.u32 s6, $0x7;
	s6 =	sshll.u32 s6, $0x9;
	s0 =	sadd.s32 $0x511200, s0  }
0xb: {  	_ =	strace $0x8000004A;
	s2 =	sadd.s32 s2, s6;
	[dreg:$0x6] =	wrdreg s0  }
0xc: {  	s25 =	smax.u32 s26, $0x1;
	[dreg:$0x14] =	wrdreg s2  }
0xd: {  	s8 =	sadd.s32 s5, s8;
	[dreg:$0x17] =	wrdreg s25  }
0xe: {  	s10 =	sadd.s32 $0x50, s8;
	[dreg:$0x5] =	wrdreg s8  }
0xf: {  	s11 =	sadd.s32 $0xA0, s8;
	[dreg:$0x7] =	wrdreg s10  }
0x10: {  	s12 =	sadd.s32 $0xF0, s8;
	[dreg:$0x8] =	wrdreg s11  }
0x11: {  	s13 =	sadd.s32 $0x140, s8;
	[dreg:$0x9] =	wrdreg s12  }
0x12: {  	s29 =	simm.s32 $0xE580;
	s14 =	sadd.s32 $0x190, s8;
	[dreg:$0xa] =	wrdreg s13  }
0x13: {  	s31 =	simm.s32 $0x1;
	s15 =	sadd.s32 $0x1E0, s8;
	[dreg:$0xb] =	wrdreg s14  }
0x14: {  	s30 =	simm.s32 $0x8580;
	s16 =	sadd.s32 $0x230, s8;
	[dreg:$0xc] =	wrdreg s15  }
0x15: {  	s28 =	sadd.s32 $0x100, s1;
	s17 =	sadd.s32 $0x280, s8;
	[dreg:$0xd] =	wrdreg s16  }
0x16: {  	s9 =	simm.s32 $0x9580;
	s18 =	sadd.s32 $0x2D0, s8;
	[dreg:$0xe] =	wrdreg s17  }
0x17: {  	s6 =	simm.s32 $0x7D80;
	s19 =	sadd.s32 $0x320, s8;
	[dreg:$0xf] =	wrdreg s18  }
0x18: {  	s20 =	sadd.s32 $0x370, s8;
	s21 =	sadd.s32 $0x3C0, s8;
	[dreg:$0x10] =	wrdreg s19  }
0x19: {  	s23 =	sadd.s32 $0x410, s8;
	s0 =	sadd.s32 s22, s3;
	[dreg:$0x11] =	wrdreg s20  }
0x1a: {  	s24 =	sadd.s32 $0x460, s8;
	s26 =	sadd.s32 $0x4B0, s8;
	[dreg:$0x12] =	wrdreg s21  }
0x1b: {  	s22 =	simm.s32 $0x5580;
	s2 =	simm.s32 $0x8D80;
	[dreg:$0x13] =	wrdreg s23  }
0x1c: {  	s8 =	simm.s32 $0x2;
	[dreg:$0x15] =	wrdreg s24;
	s0 =	sadd.s32 $0x3F800, s0  }
.Ltmp0:
0x1d: {  	v0 =	vlaneseq.u32;
	[dreg:$0x18] =	wrdreg s26;
	s19 =	simm.s32 $0x7;
	(pc) =	sbr.rel .LBB2_1-.Ltmp0, $4  }
0x1e: {  	vm0 =	vmmov $0xffff;
	v3 =	vmul.u32 $0xFFFFFFFF, v0;
	v1 =	vmul.u32 $0x288, v0;
	s26 =	simm.s32 $0x7580;
	s10 =	simm.s32 $0x9D80;
	s11 =	simm.s32 $0xA580  }
0x1f: {  	v2 =	vmul.u32 $0x280, v0;
	v4 =	vor.u32 $0x10, v0;
	v5 =	vor.u32 $0x20, v0;
	s12 =	simm.s32 $0xAD80;
	s13 =	simm.s32 $0xB580;
	s14 =	simm.s32 $0xBD80  }
0x20: {  	v6 =	vor.u32 $0x30, v0;
	v7 =	vand.u32 $0x7, v0;
	v8 =	vshrl.u32 v0, $0x3;
	s15 =	simm.s32 $0xC580;
	s16 =	simm.s32 $0xCD80;
	s17 =	simm.s32 $0x3  }
0x21: {  	v9 =	vor.u32 $0x8, v0;
	v8 =	vmul.u32 $0x8, v8;
	v3 =	vadd.s32 $0xF, v3;
	s20 =	simm.s32 $0x0;
	[dreg:$0x16] =	wrdreg s0;
	s0 =	simm.s32 $0x2880  }
.LBB2_21:
0x22: {  	s18 =	simm.s32 $0x4  }
0x23: {  	_ =	swait.ge [sflag:s18], $0x4000  }
0x24: {  	[sflag:s18] =	ssyncset.done $0x0  }
0x25: {  	s21 =	simm.s32 $0x5;
	s20 =	rddreg [dreg:$0x16];
	[sflag:s18] =	ssyncadd.s32 $0xFFFFC000  }
0x26: {  	[hbm4b:s20+s4] =	stream.linear.scatter [tilespmem:s9], [sflag:$0x6], $0x4000, $0x38;
	[tilespmem:$0xE600] =	vst v63  }
0x27: {  	_ =	swait.ge [sflag:s21], $0x4000  }
0x28: {  	[sflag:s21] =	ssyncset.done $0x0  }
0x29: {  	s23 =	simm.s32 $0x6;
	[sflag:s21] =	ssyncadd.s32 $0xFFFFC000  }
0x2a: {  	_ =	swait.ge [sflag:s23], $0x4000  }
0x2b: {  	[sflag:s23] =	ssyncset.done $0x0  }
0x2c: {  	s19 =	simm.s32 $0xD580;
	s24 =	rddreg [dreg:$0x14];
	[sflag:s23] =	ssyncadd.s32 $0xFFFFC000  }
0x2d: {  	[hbm4b:s24+s4] =	stream.linear.scatter [tilespmem:s19], [sflag:$0x7], $0x1000, $0x38;
	[tilespmem:$0xE600] =	vst v63  }
0x2e: {  	s19 =	simm.s32 $0x7  }
0x2f: {  	_ =	swait.ge [sflag:s19], $0x1000  }
0x30: {  	s20 =	rddreg [dreg:$0x19]  }
0x31: {  	s25 =	rddreg [dreg:$0x17];
	s20 =	sadd.s32 $0x1, s20  }
0x32: {  	p0 =	sne.s32 s20, s25  }
.Ltmp1:
0x33: {  	_ = 	snop;
	(pc) =	sbr.rel @!p0 .LBB2_22-.Ltmp1, $3  }
0x34: {  	_ =	sdelay $0x1  }
0x35: {  	[sflag:s19] =	ssyncset.done $0x0  }
0x36: {  	[sflag:s19] =	ssyncadd.s32 $0xFFFFF000  }
.LBB2_1:
0x37: {  	[dreg:$0x19] =	wrdreg s20  }
0x38: {  	s18 =	rddreg [dreg:$0x6]  }
0x39: {  	[tilespmem:s29], [sflag:$0x7] =	stream.linear.gather [hbm4b:s18+s4], $0x80, $0x38;
	[tilespmem:$0xE600] =	vst v63  }
0x3a: {  	_ =	swait.ge [sflag:s19], $0x80  }
0x3b: {  	[sflag:s19] =	ssyncset.done $0x0  }
0x3c: {  	s25 =	rddreg [dreg:$0x5];
	[sflag:s19] =	ssyncadd.s32 $0xFFFFFF80  }
0x3d: {  	[tilespmem:s4], [sflag:$0x1] =	stream.linear.gather [hbm4b:s25+s4], $0x280, $0x38;
	[tilespmem:$0xE600] =	vst v63  }
0x3e: {  	s20 =	simm.s32 $0x288;
	s19 =	rddreg [dreg:$0x7]  }
0x3f: {  	[tilespmem:s20], [sflag:$0x1] =	stream.linear.gather [hbm4b:s19+s4], $0x280, $0x38;
	[tilespmem:$0xE600] =	vst v63  }
0x40: {  	s23 =	simm.s32 $0x510;
	s21 =	rddreg [dreg:$0x8]  }
0x41: {  	[tilespmem:s23], [sflag:$0x1] =	stream.linear.gather [hbm4b:s21+s4], $0x280, $0x38;
	[tilespmem:$0xE600] =	vst v63  }
0x42: {  	s24 =	rddreg [dreg:$0x9];
	s25 =	simm.s32 $0x798  }
0x43: {  	[tilespmem:s25], [sflag:$0x1] =	stream.linear.gather [hbm4b:s24+s4], $0x280, $0x38;
	[tilespmem:$0xE600] =	vst v63  }
0x44: {  	s19 =	rddreg [dreg:$0xa];
	s20 =	simm.s32 $0xA20  }
0x45: {  	[tilespmem:s20], [sflag:$0x1] =	stream.linear.gather [hbm4b:s19+s4], $0x280, $0x38;
	[tilespmem:$0xE600] =	vst v63  }
0x46: {  	s21 =	rddreg [dreg:$0xb];
	s23 =	simm.s32 $0xCA8  }
0x47: {  	[tilespmem:s23], [sflag:$0x1] =	stream.linear.gather [hbm4b:s21+s4], $0x280, $0x38;
	[tilespmem:$0xE600] =	vst v63  }
0x48: {  	s24 =	rddreg [dreg:$0xc];
	s25 =	simm.s32 $0xF30  }
0x49: {  	[tilespmem:s25], [sflag:$0x1] =	stream.linear.gather [hbm4b:s24+s4], $0x280, $0x38;
	[tilespmem:$0xE600] =	vst v63  }
0x4a: {  	s19 =	rddreg [dreg:$0xd];
	s20 =	simm.s32 $0x11B8  }
0x4b: {  	[tilespmem:s20], [sflag:$0x1] =	stream.linear.gather [hbm4b:s19+s4], $0x280, $0x38;
	[tilespmem:$0xE600] =	vst v63  }
0x4c: {  	s21 =	rddreg [dreg:$0xe];
	s23 =	simm.s32 $0x1440  }
0x4d: {  	[tilespmem:s23], [sflag:$0x1] =	stream.linear.gather [hbm4b:s21+s4], $0x280, $0x38;
	[tilespmem:$0xE600] =	vst v63  }
0x4e: {  	s24 =	rddreg [dreg:$0xf];
	s25 =	simm.s32 $0x16C8  }
0x4f: {  	[tilespmem:s25], [sflag:$0x1] =	stream.linear.gather [hbm4b:s24+s4], $0x280, $0x38;
	[tilespmem:$0xE600] =	vst v63  }
0x50: {  	s19 =	rddreg [dreg:$0x10];
	s20 =	simm.s32 $0x1950  }
0x51: {  	[tilespmem:s20], [sflag:$0x1] =	stream.linear.gather [hbm4b:s19+s4], $0x280, $0x38;
	[tilespmem:$0xE600] =	vst v63  }
0x52: {  	s21 =	rddreg [dreg:$0x11];
	s23 =	simm.s32 $0x1BD8  }
0x53: {  	[tilespmem:s23], [sflag:$0x1] =	stream.linear.gather [hbm4b:s21+s4], $0x280, $0x38;
	[tilespmem:$0xE600] =	vst v63  }
0x54: {  	s24 =	rddreg [dreg:$0x12];
	s25 =	simm.s32 $0x1E60  }
0x55: {  	[tilespmem:s25], [sflag:$0x1] =	stream.linear.gather [hbm4b:s24+s4], $0x280, $0x38;
	[tilespmem:$0xE600] =	vst v63  }
0x56: {  	s19 =	rddreg [dreg:$0x13];
	s20 =	simm.s32 $0x20E8  }
0x57: {  	[tilespmem:s20], [sflag:$0x1] =	stream.linear.gather [hbm4b:s19+s4], $0x280, $0x38;
	[tilespmem:$0xE600] =	vst v63  }
.Ltmp2:
0x58: {  	_ = 	snop;
	(pc) =	sbr.rel .LBB2_2-.Ltmp2, $4  }
0x59: {  	s21 =	rddreg [dreg:$0x15];
	s23 =	simm.s32 $0x2370  }
0x5a: {  	[tilespmem:s23], [sflag:$0x1] =	stream.linear.gather [hbm4b:s21+s4], $0x280, $0x38;
	[tilespmem:$0xE600] =	vst v63  }
0x5b: {  	s18 =	simm.s32 $0x0;
	s24 =	rddreg [dreg:$0x18];
	s25 =	simm.s32 $0x25F8  }
0x5c: {  	[tilespmem:s25], [sflag:$0x1] =	stream.linear.gather [hbm4b:s24+s4], $0x280, $0x38;
	[tilespmem:$0xE600] =	vst v63  }
.LBB2_20:
0x5d: {  	v10 =	vld [tilespmem:$0x5380]  }
0x5e: {  	v11 =	vld [tilespmem:$0x5400];
	_ =	sdelay $0x1  }
0x5f: {  	v12 =	vmov s21  }
0x60: {  	vm1 =	vgt.s32 v12, v0  }
0x61: {  	v10 =	vnsel vm1, $0xF149F2CA, v10  }
0x62: {  	(xrf1) =	vsort.ascd.msk.f32 $0xffff, v10, v11;
	_ =	sdelay $0xd  }
0x63: {  	v10, v11, _ =	vpop (xrf1)  }
0x64: {  	v10 =	vperm.xlane v10, v3  }
0x65: {  	v11 =	vperm.xlane v11, v3  }
0x66: {  	vm1 =	vge.f32 v16, v10  }
0x67: {  	v17 =	vsel vm1, v16, v10;
	v18 =	vsel vm1, v15, v11  }
0x68: {  	v10 =	vsel vm1, v10, v16;
	v11 =	vsel vm1, v11, v15;
	(xrf1) =	vsort.ascd.msk.f32 $0xffff, v17, v18  }
0x69: {  	(xrf1) =	vsort.ascd.msk.f32 $0xffff, v10, v11;
	_ =	sdelay $0xc  }
0x6a: {  	v10, v11, _ =	vpop (xrf1)  }
0x6b: {  	v29 =	vld [tilespmem:$0x5390];
	v28, v27, _ =	vpop (xrf1)  }
0x6c: {  	v30 =	vld [tilespmem:$0x5410];
	v15 =	vperm.xlane v28, v3  }
0x6d: {  	v16 =	vperm.xlane v27, v3  }
0x6e: {  	vm1 =	vge.f32 v14, v15  }
0x6f: {  	v14 =	vsel vm1, v14, v15;
	v13 =	vsel vm1, v13, v16;
	vm1 =	vgt.s32 v12, v4  }
0x70: {  	(xrf1) =	vsort.ascd.msk.f32 $0xffff, v14, v13;
	v31 =	vnsel vm1, $0xF149F2CA, v29  }
0x71: {  	(xrf1) =	vsort.ascd.msk.f32 $0xffff, v31, v30;
	_ =	sdelay $0xc  }
0x72: {  	v32, v14, _ =	vpop (xrf1)  }
0x73: {  	v33, v34, _ =	vpop (xrf1)  }
0x74: {  	v15 =	vperm.xlane v33, v3  }
0x75: {  	v16 =	vperm.xlane v34, v3  }
0x76: {  	vm1 =	vge.f32 v10, v15  }
0x77: {  	v35 =	vsel vm1, v10, v15;
	v36 =	vsel vm1, v11, v16  }
0x78: {  	v10 =	vsel vm1, v15, v10;
	v11 =	vsel vm1, v16, v11;
	(xrf1) =	vsort.ascd.msk.f32 $0xffff, v35, v36  }
0x79: {  	(xrf1) =	vsort.ascd.msk.f32 $0xffff, v10, v11;
	_ =	sdelay $0xc  }
0x7a: {  	v10, v11, _ =	vpop (xrf1)  }
0x7b: {  	v39 =	vld [tilespmem:$0x53A0];
	v37, v38, _ =	vpop (xrf1)  }
0x7c: {  	v40 =	vld [tilespmem:$0x5420];
	v15 =	vperm.xlane v37, v3  }
0x7d: {  	v16 =	vperm.xlane v38, v3  }
0x7e: {  	vm1 =	vge.f32 v32, v15  }
0x7f: {  	v13 =	vsel vm1, v32, v15;
	v14 =	vsel vm1, v14, v16;
	vm1 =	vgt.s32 v12, v5  }
0x80: {  	(xrf1) =	vsort.ascd.msk.f32 $0xffff, v13, v14;
	v41 =	vnsel vm1, $0xF149F2CA, v39  }
0x81: {  	(xrf1) =	vsort.ascd.msk.f32 $0xffff, v41, v40;
	_ =	sdelay $0xc  }
0x82: {  	v42, v14, _ =	vpop (xrf1)  }
0x83: {  	v43, v44, _ =	vpop (xrf1)  }
0x84: {  	v15 =	vperm.xlane v43, v3  }
0x85: {  	v16 =	vperm.xlane v44, v3  }
0x86: {  	vm1 =	vge.f32 v10, v15  }
0x87: {  	v45 =	vsel vm1, v10, v15;
	v46 =	vsel vm1, v11, v16  }
0x88: {  	v10 =	vsel vm1, v15, v10;
	v11 =	vsel vm1, v16, v11;
	(xrf1) =	vsort.ascd.msk.f32 $0xffff, v45, v46  }
0x89: {  	(xrf1) =	vsort.ascd.msk.f32 $0xffff, v10, v11;
	_ =	sdelay $0xc  }
0x8a: {  	v10, v11, _ =	vpop (xrf1)  }
0x8b: {  	v49 =	vld [tilespmem:$0x53B0];
	v47, v48, _ =	vpop (xrf1)  }
0x8c: {  	v50 =	vld [tilespmem:$0x5430];
	v15 =	vperm.xlane v47, v3  }
0x8d: {  	v16 =	vperm.xlane v48, v3  }
0x8e: {  	vm1 =	vge.f32 v42, v15  }
0x8f: {  	v13 =	vsel vm1, v42, v15;
	v14 =	vsel vm1, v14, v16;
	vm1 =	vgt.s32 v12, v6  }
0x90: {  	(xrf1) =	vsort.ascd.msk.f32 $0xffff, v13, v14;
	v12 =	vnsel vm1, $0xF149F2CA, v49  }
0x91: {  	(xrf1) =	vsort.ascd.msk.f32 $0xffff, v12, v50;
	_ =	sdelay $0xc  }
0x92: {  	v51, v13, _ =	vpop (xrf1)  }
0x93: {  	v53, v52, _ =	vpop (xrf1)  }
0x94: {  	v14 =	vperm.xlane v53, v3  }
0x95: {  	v15 =	vperm.xlane v52, v3  }
0x96: {  	vm1 =	vge.f32 v10, v14  }
0x97: {  	v54 =	vsel vm1, v10, v14;
	v55 =	vsel vm1, v11, v15  }
0x98: {  	v10 =	vsel vm1, v14, v10;
	v11 =	vsel vm1, v15, v11;
	(xrf1) =	vsort.ascd.msk.f32 $0xffff, v54, v55  }
0x99: {  	(xrf1) =	vsort.ascd.msk.f32 $0xffff, v10, v11;
	_ =	sdelay $0xc  }
0x9a: {  	v10, v11, _ =	vpop (xrf1)  }
0x9b: {  	v56, v57, _ =	vpop (xrf1)  }
0x9c: {  	v14 =	vperm.xlane v56, v3  }
0x9d: {  	v15 =	vperm.xlane v57, v3  }
0x9e: {  	vm1 =	vge.f32 v51, v14  }
0x9f: {  	v12 =	vsel vm1, v51, v14;
	v13 =	vsel vm1, v13, v15  }
0xa0: {  	(xrf1) =	vsort.ascd.msk.f32 $0xffff, v12, v13;
	_ =	sdelay $0x5  }
0xa1: {  	v58 =	vmov s20;
	_ =	sdelay $0x4  }
0xa2: {  	v12 =	vld.idx.msk [tilespmem:v58+s29+$0x0], $0xffff;
	_ =	sdelay $0x2  }
0xa3: {  	v10 =	vperm.xlane v10, v3;
	v13, v59, _ =	vpop (xrf1)  }
0xa4: {  	v13 =	vperm.xlane v13, v3  }
0xa5: {  	v10 =	vsub.f32 v10, v12  }
0xa6: {  	v12 =	vsub.f32 v13, v12  }
0xa7: {  	v10 =	vmul.f32 $1.442695020e+00, v10  }
0xa8: {  	v12 =	vmul.f32 $1.442695020e+00, v12  }
0xa9: {  	(erf) = vpow2.f32 v10  }
0xaa: {  	(erf) = vpow2.f32 v12;
	_ =	sdelay $0x3  }
0xab: {  	v10 =	vperm.xlane v11, v3;
	_ =	sdelay $0x1  }
0xac: {  	v11 =	vshll.u32 v10, $0x2  }
0xad: {  	s25 =	sshll.u32 s20, $0x5;
	v60 =	vand.u32 $0x7, v10;
	v11 =	vand.u32 $0xFFFFFFE0, v11  }
0xae: {  	s20 =	sand.u32 $0x3FFFFFE0, s25;
	v11 =	vor.u32 v60, v11;
	v61 =	vpop (erf)  }
0xaf: {  	v63 =	vperm.xlane v11, v7;
	[tilespmem:s20+$0xD580] =	vst v61;
	v62 =	vpop (erf)  }
0xb0: {  	v14 =	vperm.xlane v59, v3;
	[tilespmem:s20+$0xD590] =	vst v62  }
0xb1: {  	[tilespmem:$0x5500] =	vst v10;
	v10 =	vadd.s32 v8, v63  }
0xb2: {  	s20 =	simm.s32 @!p0 $0x6;
	[tilespmem:$0x5510] =	vst v14  }
0xb3: {  	v11 =	vperm.xlane v11, v9;
	_ =	swait.ge @!p0 [sflag:s20], $0x4000  }
0xb4: {  	[sflag:s20] =	ssyncset.done @!p0 $0x0  }
0xb5: {  	v11 =	vadd.s32 v8, v11;
	[sflag:s20] =	ssyncadd.s32 @!p0 $0xFFFFC000  }
0xb6: {  	[tilespmem:s9], [sflag:$0x4] =	stream.indirect_vreg.gather [hbm4b:s1+s4], $0x80, v10, vm0, $0xb8;
	[tilespmem:$0xE600] =	vst v63  }
0xb7: {  	_ = 	snop  }
0xb8: {  	[tilespmem:s10], [sflag:$0x4] =	stream.indirect_vreg.gather [hbm4b:s28+s4], $0x80, v10, vm0, $0xb8;
	[tilespmem:$0xE600] =	vst v63  }
0xb9: {  	_ = 	snop  }
0xba: {  	[tilespmem:s11], [sflag:$0x4] =	stream.indirect_vreg.gather [hbm4b:s1+s4], $0x80, v11, vm0, $0xb8;
	[tilespmem:$0xE600] =	vst v63  }
0xbb: {  	_ = 	snop  }
0xbc: {  	[tilespmem:s12], [sflag:$0x4] =	stream.indirect_vreg.gather [hbm4b:s28+s4], $0x80, v11, vm0, $0xb8;
	[tilespmem:$0xE600] =	vst v63  }
0xbd: {  	v10 =	vld [tilespmem:$0x5510];
	_ =	sdelay $0x4  }
0xbe: {  	v11 =	vshll.u32 v10, $0x2  }
0xbf: {  	v10 =	vand.u32 $0x7, v10;
	v11 =	vand.u32 $0xFFFFFFE0, v11  }
0xc0: {  	v10 =	vor.u32 v10, v11  }
0xc1: {  	v11 =	vperm.xlane v10, v7;
	_ =	sdelay $0x1  }
0xc2: {  	v11 =	vadd.s32 v8, v11;
	_ =	sdelay $0x1  }
0xc3: {  	v10 =	vperm.xlane v10, v9;
	_ =	sdelay $0x1  }
0xc4: {  	v10 =	vadd.s32 v8, v10  }
0xc5: {  	[tilespmem:s13], [sflag:$0x4] =	stream.indirect_vreg.gather [hbm4b:s1+s4], $0x80, v11, vm0, $0xb8;
	[tilespmem:$0xE600] =	vst v63  }
0xc6: {  	_ = 	snop  }
0xc7: {  	[tilespmem:s14], [sflag:$0x4] =	stream.indirect_vreg.gather [hbm4b:s28+s4], $0x80, v11, vm0, $0xb8;
	[tilespmem:$0xE600] =	vst v63  }
0xc8: {  	s18 =	sadd.s32 $0x1, s18  }
0xc9: {  	[tilespmem:s15], [sflag:$0x4] =	stream.indirect_vreg.gather [hbm4b:s1+s4], $0x80, v10, vm0, $0xb8;
	[tilespmem:$0xE600] =	vst v63  }
0xca: {  	p0 =	sne.s32 s18, $0x40  }
0xcb: {  	[tilespmem:s16], [sflag:$0x4] =	stream.indirect_vreg.gather [hbm4b:s28+s4], $0x80, v10, vm0, $0xb8;
	[tilespmem:$0xE600] =	vst v63  }
.Ltmp3:
0xcc: {  	s19 =	sshll.u32 s19, $0xE;
	(pc) =	sbr.rel @!p0 .LBB2_21-.Ltmp3, $4  }
0xcd: {  	s19 =	sadd.s32 $0xFFFFC000, s19;
	_ =	swait.ge [sflag:s17], $0x4000  }
0xce: {  	s19 =	sshrl.u32 s19, $0x3;
	[sflag:s17] =	ssyncset.done $0x0  }
0xcf: {  	s19 =	sadd.s32 s3, s19;
	[sflag:s17] =	ssyncadd.s32 $0xFFFFC000  }
0xd0: {  	[hbm4b:s19+s4] =	stream.linear.scatter [tilespmem:s22], [sflag:$0x5], $0x4000, $0x38;
	[tilespmem:$0xE600] =	vst v63  }
.LBB2_2:
0xd1: {  	s19 =	sshll.u32 s18, $0x1  }
0xd2: {  	s20 =	sor.u32 s7, s19  }
0xd3: {  	s21 =	smul.u32 $0x2800, s20;
	_ =	sdelay $0x1  }
0xd4: {  	_ =	swait.ge [sflag:s31], $0x2800;
	s21 =	sshrl.u32 s21, $0x3  }
0xd5: {  	[sflag:s31] =	ssyncset.done $0x0;
	s23 =	sadd.s32 s5, s21  }
0xd6: {  	[sflag:s31] =	ssyncadd.s32 $0xFFFFD800;
	s21 =	simm.s32 $0x0;
	s24 =	sadd.s32 $0x500, s23  }
0xd7: {  	[tilespmem:s0], [sflag:$0x2] =	stream.linear.gather [hbm4b:s24+s21], $0x280, $0x38;
	[tilespmem:$0xE600] =	vst v63  }
0xd8: {  	s25 =	simm.s32 $0x2B08;
	s24 =	sadd.s32 $0x550, s23  }
0xd9: {  	[tilespmem:s25], [sflag:$0x2] =	stream.linear.gather [hbm4b:s24+s21], $0x280, $0x38;
	[tilespmem:$0xE600] =	vst v63  }
0xda: {  	s24 =	sadd.s32 $0x5A0, s23;
	s25 =	simm.s32 $0x2D90  }
0xdb: {  	[tilespmem:s25], [sflag:$0x2] =	stream.linear.gather [hbm4b:s24+s21], $0x280, $0x38;
	[tilespmem:$0xE600] =	vst v63  }
0xdc: {  	s24 =	sadd.s32 $0x5F0, s23;
	s25 =	simm.s32 $0x3018  }
0xdd: {  	[tilespmem:s25], [sflag:$0x2] =	stream.linear.gather [hbm4b:s24+s21], $0x280, $0x38;
	[tilespmem:$0xE600] =	vst v63  }
0xde: {  	s24 =	sadd.s32 $0x640, s23;
	s25 =	simm.s32 $0x32A0  }
0xdf: {  	[tilespmem:s25], [sflag:$0x2] =	stream.linear.gather [hbm4b:s24+s21], $0x280, $0x38;
	[tilespmem:$0xE600] =	vst v63  }
0xe0: {  	s24 =	sadd.s32 $0x690, s23;
	s25 =	simm.s32 $0x3528  }
0xe1: {  	[tilespmem:s25], [sflag:$0x2] =	stream.linear.gather [hbm4b:s24+s21], $0x280, $0x38;
	[tilespmem:$0xE600] =	vst v63  }
0xe2: {  	s24 =	sadd.s32 $0x6E0, s23;
	s25 =	simm.s32 $0x37B0  }
0xe3: {  	[tilespmem:s25], [sflag:$0x2] =	stream.linear.gather [hbm4b:s24+s21], $0x280, $0x38;
	[tilespmem:$0xE600] =	vst v63  }
0xe4: {  	s24 =	sadd.s32 $0x730, s23;
	s25 =	simm.s32 $0x3A38  }
0xe5: {  	[tilespmem:s25], [sflag:$0x2] =	stream.linear.gather [hbm4b:s24+s21], $0x280, $0x38;
	[tilespmem:$0xE600] =	vst v63  }
0xe6: {  	s24 =	sadd.s32 $0x780, s23;
	s25 =	simm.s32 $0x3CC0  }
0xe7: {  	[tilespmem:s25], [sflag:$0x2] =	stream.linear.gather [hbm4b:s24+s21], $0x280, $0x38;
	[tilespmem:$0xE600] =	vst v63  }
0xe8: {  	s24 =	sadd.s32 $0x7D0, s23;
	s25 =	simm.s32 $0x3F48  }
0xe9: {  	[tilespmem:s25], [sflag:$0x2] =	stream.linear.gather [hbm4b:s24+s21], $0x280, $0x38;
	[tilespmem:$0xE600] =	vst v63  }
0xea: {  	s24 =	sadd.s32 $0x820, s23;
	s25 =	simm.s32 $0x41D0  }
0xeb: {  	[tilespmem:s25], [sflag:$0x2] =	stream.linear.gather [hbm4b:s24+s21], $0x280, $0x38;
	[tilespmem:$0xE600] =	vst v63  }
0xec: {  	s24 =	sadd.s32 $0x870, s23;
	s25 =	simm.s32 $0x4458  }
0xed: {  	[tilespmem:s25], [sflag:$0x2] =	stream.linear.gather [hbm4b:s24+s21], $0x280, $0x38;
	[tilespmem:$0xE600] =	vst v63  }
0xee: {  	s24 =	sadd.s32 $0x8C0, s23;
	s25 =	simm.s32 $0x46E0  }
0xef: {  	[tilespmem:s25], [sflag:$0x2] =	stream.linear.gather [hbm4b:s24+s21], $0x280, $0x38;
	[tilespmem:$0xE600] =	vst v63  }
0xf0: {  	s24 =	sadd.s32 $0x910, s23;
	s25 =	simm.s32 $0x4968  }
0xf1: {  	[tilespmem:s25], [sflag:$0x2] =	stream.linear.gather [hbm4b:s24+s21], $0x280, $0x38;
	[tilespmem:$0xE600] =	vst v63  }
0xf2: {  	s24 =	sadd.s32 $0x960, s23;
	s25 =	simm.s32 $0x4BF0  }
0xf3: {  	[tilespmem:s25], [sflag:$0x2] =	stream.linear.gather [hbm4b:s24+s21], $0x280, $0x38;
	[tilespmem:$0xE600] =	vst v63  }
0xf4: {  	s23 =	sadd.s32 $0x9B0, s23;
	s25 =	simm.s32 $0x4E78  }
0xf5: {  	[tilespmem:s25], [sflag:$0x2] =	stream.linear.gather [hbm4b:s23+s21], $0x280, $0x38;
	[tilespmem:$0xE600] =	vst v63  }
0xf6: {  	s23 =	simm.s32 $0x0  }
0xf7: {  	v15 =	vld [tilespmem:s23+$0x0]  }
0xf8: {  	v17 =	vld [tilespmem:s23+$0x288]  }
0xf9: {  	v10 =	vld [tilespmem:s23+$0x510]  }
0xfa: {  	v11 =	vld [tilespmem:s23+$0x798]  }
0xfb: {  	v12 =	vld [tilespmem:s23+$0xA20]  }
0xfc: {  	v13 =	vld [tilespmem:s23+$0xCA8]  }
0xfd: {  	v14 =	vld [tilespmem:s23+$0xF30]  }
0xfe: {  	v16 =	vld [tilespmem:s23+$0x11B8]  }
0xff: {  	v18 =	vld [tilespmem:s23+$0x1440]  }
0x100: {  	v19 =	vld [tilespmem:s23+$0x16C8]  }
0x101: {  	v20 =	vld [tilespmem:s23+$0x1950]  }
0x102: {  	v22 =	vld [tilespmem:s23+$0x1BD8]  }
0x103: {  	v21 =	vld [tilespmem:s23+$0x1E60]  }
0x104: {  	v23 =	vld [tilespmem:s23+$0x20E8]  }
0x105: {  	s24 =	simm.s32 $0x40;
	v24 =	vld [tilespmem:s23+$0x2370]  }
.LBB2_3:
0x106: {  	s25 =	sshra.s32 s24, $0x2;
	p0 =	sne.s32 s24, $0x9C0;
	v25 =	vld [tilespmem:s23+$0x25F8]  }
0x107: {  	v26 =	vld [tilespmem:s25+$0x0]  }
0x108: {  	v27 =	vld [tilespmem:s25+$0x288]  }
0x109: {  	v15 =	vmax.f32 v15, v17;
	v17 =	vmax.f32 v10, v11;
	v28 =	vmax.f32 v12, v13;
	v10 =	vld [tilespmem:s25+$0x510]  }
0x10a: {  	v14 =	vmax.f32 v14, v16;
	v16 =	vmax.f32 v18, v19;
	v18 =	vmax.f32 v20, v22;
	v11 =	vld [tilespmem:s25+$0x798]  }
0x10b: {  	v22 =	vmax.f32 v15, v17;
	v19 =	vmax.f32 v21, v23;
	v12 =	vld [tilespmem:s25+$0xA20];
	v20 =	vmax.f32 v24, v25  }
0x10c: {  	v16 =	vmax.f32 v16, v18;
	v21 =	vmax.f32 v28, v14;
	v13 =	vld [tilespmem:s25+$0xCA8];
	v18 =	vmax.f32 v19, v20;
	v15 =	vmovc v26  }
0x10d: {  	v19 =	vmax.f32 v22, v21;
	v14 =	vld [tilespmem:s25+$0xF30];
	v18 =	vmax.f32 v16, v18;
	v17 =	vmov v27  }
0x10e: {  	v16 =	vld [tilespmem:s25+$0x11B8];
	v19 =	vmax.f32 v19, v18  }
0x10f: {  	v18 =	vld [tilespmem:s25+$0x1440];
	[tilespmem:s23+$0x5100] =	vst v19;
	s23 =	smov.u32 s25  }
0x110: {  	v19 =	vld [tilespmem:s23+$0x16C8]  }
.Ltmp4:
0x111: {  	v20 =	vld [tilespmem:s23+$0x1950];
	(pc) =	sbr.rel @p0 .LBB2_3-.Ltmp4, $4  }
0x112: {  	v22 =	vld [tilespmem:s23+$0x1BD8]  }
0x113: {  	v21 =	vld [tilespmem:s23+$0x1E60]  }
0x114: {  	v23 =	vld [tilespmem:s23+$0x20E8]  }
0x115: {  	s24 =	sadd.s32 $0x40, s24;
	v24 =	vld [tilespmem:s23+$0x2370]  }
0x116: {  	v25 =	vld [tilespmem:s23+$0x25F8];
	_ =	sdelay $0x2  }
0x117: {  	v15 =	vmax.f32 v15, v17;
	v10 =	vmax.f32 v10, v11;
	v11 =	vmax.f32 v12, v13  }
0x118: {  	v12 =	vmax.f32 v14, v16;
	v13 =	vmax.f32 v18, v19;
	v14 =	vmax.f32 v20, v22  }
.Ltmp5:
0x119: {  	v10 =	vmax.f32 v15, v10;
	v16 =	vmax.f32 v21, v23;
	v17 =	vmax.f32 v24, v25;
	(pc) =	sbr.rel .LBB2_5-.Ltmp5, $4  }
0x11a: {  	v11 =	vmax.f32 v11, v12;
	v12 =	vmax.f32 v13, v14;
	v13 =	vmax.f32 v16, v17  }
0x11b: {  	v10 =	vmax.f32 v10, v11;
	v11 =	vmax.f32 v12, v13  }
0x11c: {  	v15 =	vimm.s32 $0x0;
	v14 =	vimm.f32 $-1.000000020e+30;
	v10 =	vmax.f32 v10, v11  }
0x11d: {  	v16 =	vimm.f32 $-1.000000020e+30;
	v17 =	vimm.f32 $-1.000000020e+30;
	v13 =	vimm.s32 $0x0;
	[tilespmem:s23+$0x5100] =	vst v10;
	s23 =	simm.s32 $0x0  }
.LBB2_10:
0x11e: {  	s23 =	sadd.s32 $0x1, s23  }
0x11f: {  	p0 =	sne.s32 s23, $0x28  }
.Ltmp6:
0x120: {  	_ = 	snop;
	(pc) =	sbr.rel @!p0 .LBB2_11-.Ltmp6, $1  }
0x121: {  	_ =	sdelay $0x3  }
.LBB2_5:
0x122: {  	s25 =	sshll.u32 s23, $0x4  }
0x123: {  	v10 =	vld [tilespmem:s25+$0x5100];
	_ =	sdelay $0x4  }
0x124: {  	vm1 =	vgt.f32 v10, v17  }
0x125: {  	v10 =	vmpcnt.ones.xlane vm1;
	_ =	sdelay $0x1  }
0x126: {  	(v2sf) =	vpush v10, $0x0;
	_ =	sdelay $0xe  }
0x127: {  	s24 =	spop (v2sf)  }
0x128: {  	p0 =	slt.s32 s24, $0x1  }
.Ltmp7:
0x129: {  	_ = 	snop;
	(pc) =	sbr.rel @p0 .LBB2_10-.Ltmp7, $1  }
0x12a: {  	_ =	sdelay $0x3  }
.Ltmp8:
0x12b: {  	(pc) =	sbr.rel .LBB2_7-.Ltmp8, $2  }
0x12c: {  	_ =	sdelay $0x2  }
0x12d: {  	v10 =	vadd.s32 s25, v1;
	v11 =	vadd.s32 s25, v2  }
.LBB2_9:
0x12e: {  	s24 =	sadd.s32 $0xFFFFFFFF, s24  }
0x12f: {  	p1 =	sne.s32 s24, $0x0  }
.Ltmp9:
0x130: {  	_ = 	snop;
	(pc) =	sbr.rel @!p1 .LBB2_10-.Ltmp9, $3  }
0x131: {  	_ =	sdelay $0x1  }
0x132: {  	vm2 =	vne.s32 v12, v0;
	p0 =	sgt.s32 s21, $0x2F  }
0x133: {  	vm1 =	vmand vm1, vm2;
	s21 =	simm.s32 @p0 $0x0  }
.LBB2_7:
0x134: {  	v12 =	vmctz.xlane vm1;
	_ =	sdelay $0x1  }
0x135: {  	v18 =	vadd.s32 v10, v12;
	_ =	sdelay $0x4  }
0x136: {  	v18 =	vld.idx.msk [tilespmem:v18+s4+$0x0], $0xffff;
	_ =	sdelay $0x4  }
0x137: {  	vm2 =	vgt.f32 v18, v17  }
0x138: {  	v19 =	vmpcnt.ones.xlane vm2;
	_ =	sdelay $0x1  }
0x139: {  	(v2sf) =	vpush v19, $0x0;
	_ =	sdelay $0xe  }
0x13a: {  	[tilespmem:s21+$0x5380] =	vst.msk vm2, v18;
	v18 =	vadd.s32 v11, v12;
	s25 =	spop (v2sf)  }
0x13b: {  	[tilespmem:s21+$0x5400] =	vst.msk vm2, v18;
	s21 =	sadd.s32 s21, s25  }
0x13c: {  	p0 =	slt.s32 s21, $0x30  }
.Ltmp10:
0x13d: {  	_ = 	snop;
	(pc) =	sbr.rel @p0 .LBB2_9-.Ltmp10, $1  }
0x13e: {  	_ =	sdelay $0x3  }
0x13f: {  	v17 =	vld [tilespmem:$0x5380]  }
0x140: {  	v18 =	vld [tilespmem:$0x5400];
	_ =	sdelay $0x1  }
0x141: {  	v19 =	vmov s21  }
0x142: {  	vm2 =	vgt.s32 v19, v0  }
0x143: {  	v17 =	vnsel vm2, $0xF149F2CA, v17  }
0x144: {  	(xrf1) =	vsort.ascd.msk.f32 $0xffff, v17, v18;
	_ =	sdelay $0xd  }
0x145: {  	v17, v18, _ =	vpop (xrf1)  }
0x146: {  	v17 =	vperm.xlane v17, v3  }
0x147: {  	v18 =	vperm.xlane v18, v3  }
0x148: {  	vm2 =	vge.f32 v16, v17  }
0x149: {  	v20 =	vsel vm2, v16, v17;
	v21 =	vsel vm2, v15, v18  }
0x14a: {  	v16 =	vsel vm2, v17, v16;
	v15 =	vsel vm2, v18, v15;
	(xrf1) =	vsort.ascd.msk.f32 $0xffff, v20, v21  }
0x14b: {  	(xrf1) =	vsort.ascd.msk.f32 $0xffff, v16, v15;
	_ =	sdelay $0xc  }
0x14c: {  	v15, v16, _ =	vpop (xrf1)  }
0x14d: {  	v53 =	vld [tilespmem:$0x5390];
	v17, v18, _ =	vpop (xrf1)  }
0x14e: {  	v54 =	vld [tilespmem:$0x5410];
	v17 =	vperm.xlane v17, v3  }
0x14f: {  	v18 =	vperm.xlane v18, v3  }
0x150: {  	vm2 =	vge.f32 v14, v17  }
0x151: {  	v14 =	vsel vm2, v14, v17;
	v13 =	vsel vm2, v13, v18;
	vm2 =	vgt.s32 v19, v4  }
0x152: {  	(xrf1) =	vsort.ascd.msk.f32 $0xffff, v14, v13;
	v13 =	vnsel vm2, $0xF149F2CA, v53  }
0x153: {  	(xrf1) =	vsort.ascd.msk.f32 $0xffff, v13, v54;
	_ =	sdelay $0xc  }
0x154: {  	v13, v14, _ =	vpop (xrf1)  }
0x155: {  	v17, v18, _ =	vpop (xrf1)  }
0x156: {  	v17 =	vperm.xlane v17, v3  }
0x157: {  	v18 =	vperm.xlane v18, v3  }
0x158: {  	vm2 =	vge.f32 v15, v17  }
0x159: {  	v55 =	vsel vm2, v15, v17;
	v56 =	vsel vm2, v16, v18  }
0x15a: {  	v15 =	vsel vm2, v17, v15;
	v16 =	vsel vm2, v18, v16;
	(xrf1) =	vsort.ascd.msk.f32 $0xffff, v55, v56  }
0x15b: {  	(xrf1) =	vsort.ascd.msk.f32 $0xffff, v15, v16;
	_ =	sdelay $0xc  }
0x15c: {  	v15, v16, _ =	vpop (xrf1)  }
0x15d: {  	v57 =	vld [tilespmem:$0x53A0];
	v17, v18, _ =	vpop (xrf1)  }
0x15e: {  	v58 =	vld [tilespmem:$0x5420];
	v17 =	vperm.xlane v17, v3  }
0x15f: {  	v18 =	vperm.xlane v18, v3  }
0x160: {  	vm2 =	vge.f32 v13, v17  }
0x161: {  	v13 =	vsel vm2, v13, v17;
	v14 =	vsel vm2, v14, v18;
	vm2 =	vgt.s32 v19, v5  }
0x162: {  	(xrf1) =	vsort.ascd.msk.f32 $0xffff, v13, v14;
	v13 =	vnsel vm2, $0xF149F2CA, v57  }
0x163: {  	(xrf1) =	vsort.ascd.msk.f32 $0xffff, v13, v58;
	_ =	sdelay $0xc  }
0x164: {  	v13, v14, _ =	vpop (xrf1)  }
0x165: {  	v17, v18, _ =	vpop (xrf1)  }
0x166: {  	v17 =	vperm.xlane v17, v3  }
0x167: {  	v18 =	vperm.xlane v18, v3  }
0x168: {  	vm2 =	vge.f32 v15, v17  }
0x169: {  	v59 =	vsel vm2, v15, v17;
	v60 =	vsel vm2, v16, v18  }
0x16a: {  	v15 =	vsel vm2, v17, v15;
	v16 =	vsel vm2, v18, v16;
	(xrf1) =	vsort.ascd.msk.f32 $0xffff, v59, v60  }
0x16b: {  	(xrf1) =	vsort.ascd.msk.f32 $0xffff, v15, v16;
	_ =	sdelay $0xc  }
0x16c: {  	v15, v16, _ =	vpop (xrf1)  }
0x16d: {  	v61 =	vld [tilespmem:$0x53B0];
	v17, v18, _ =	vpop (xrf1)  }
0x16e: {  	v62 =	vld [tilespmem:$0x5430];
	v17 =	vperm.xlane v17, v3  }
0x16f: {  	v18 =	vperm.xlane v18, v3  }
0x170: {  	vm2 =	vge.f32 v13, v17  }
0x171: {  	v13 =	vsel vm2, v13, v17;
	v14 =	vsel vm2, v14, v18;
	vm2 =	vgt.s32 v19, v6  }
0x172: {  	(xrf1) =	vsort.ascd.msk.f32 $0xffff, v13, v14;
	v13 =	vnsel vm2, $0xF149F2CA, v61  }
0x173: {  	(xrf1) =	vsort.ascd.msk.f32 $0xffff, v13, v62;
	_ =	sdelay $0xc  }
0x174: {  	v13, v14, _ =	vpop (xrf1)  }
0x175: {  	v17, v18, _ =	vpop (xrf1)  }
0x176: {  	v17 =	vperm.xlane v17, v3  }
0x177: {  	v18 =	vperm.xlane v18, v3  }
0x178: {  	vm2 =	vge.f32 v15, v17  }
0x179: {  	v19 =	vsel vm2, v15, v17;
	v63 =	vsel vm2, v16, v18  }
0x17a: {  	v15 =	vsel vm2, v17, v15;
	v16 =	vsel vm2, v18, v16;
	(xrf1) =	vsort.ascd.msk.f32 $0xffff, v19, v63  }
0x17b: {  	(xrf1) =	vsort.ascd.msk.f32 $0xffff, v15, v16;
	_ =	sdelay $0xc  }
0x17c: {  	v16, v15, _ =	vpop (xrf1)  }
0x17d: {  	v17, v18, _ =	vpop (xrf1)  }
0x17e: {  	v17 =	vperm.xlane v17, v3  }
0x17f: {  	v18 =	vperm.xlane v18, v3  }
0x180: {  	vm2 =	vge.f32 v13, v17  }
0x181: {  	v13 =	vsel vm2, v13, v17;
	v14 =	vsel vm2, v14, v18  }
0x182: {  	(xrf1) =	vsort.ascd.msk.f32 $0xffff, v13, v14;
	_ =	sdelay $0xa  }
.Ltmp11:
0x183: {  	_ = 	snop;
	(pc) =	sbr.rel .LBB2_9-.Ltmp11, $3  }
0x184: {  	_ =	sdelay $0x1  }
0x185: {  	v14, v13, _ =	vpop (xrf1)  }
0x186: {  	v17 =	vbroadcast v14, $0x0  }
.LBB2_11:
0x187: {  	v10 =	vld [tilespmem:$0x5380]  }
0x188: {  	v11 =	vld [tilespmem:$0x5400];
	_ =	sdelay $0x1  }
0x189: {  	v12 =	vmov s21  }
0x18a: {  	vm1 =	vgt.s32 v12, v0  }
0x18b: {  	v10 =	vnsel vm1, $0xF149F2CA, v10  }
0x18c: {  	(xrf1) =	vsort.ascd.msk.f32 $0xffff, v10, v11;
	_ =	sdelay $0xd  }
0x18d: {  	v10, v11, _ =	vpop (xrf1)  }
0x18e: {  	v10 =	vperm.xlane v10, v3  }
0x18f: {  	v11 =	vperm.xlane v11, v3  }
0x190: {  	vm1 =	vge.f32 v16, v10  }
0x191: {  	v17 =	vsel vm1, v16, v10;
	v18 =	vsel vm1, v15, v11  }
0x192: {  	v10 =	vsel vm1, v10, v16;
	v11 =	vsel vm1, v11, v15;
	(xrf1) =	vsort.ascd.msk.f32 $0xffff, v17, v18  }
0x193: {  	(xrf1) =	vsort.ascd.msk.f32 $0xffff, v10, v11;
	_ =	sdelay $0xc  }
0x194: {  	v10, v11, _ =	vpop (xrf1)  }
0x195: {  	v17 =	vld [tilespmem:$0x5390];
	v15, v16, _ =	vpop (xrf1)  }
0x196: {  	v18 =	vld [tilespmem:$0x5410];
	v15 =	vperm.xlane v15, v3  }
0x197: {  	v16 =	vperm.xlane v16, v3  }
0x198: {  	vm1 =	vge.f32 v14, v15  }
0x199: {  	v14 =	vsel vm1, v14, v15;
	v13 =	vsel vm1, v13, v16;
	vm1 =	vgt.s32 v12, v4  }
0x19a: {  	(xrf1) =	vsort.ascd.msk.f32 $0xffff, v14, v13;
	v13 =	vnsel vm1, $0xF149F2CA, v17  }
0x19b: {  	(xrf1) =	vsort.ascd.msk.f32 $0xffff, v13, v18;
	_ =	sdelay $0xc  }
0x19c: {  	v13, v14, _ =	vpop (xrf1)  }
0x19d: {  	v15, v16, _ =	vpop (xrf1)  }
0x19e: {  	v15 =	vperm.xlane v15, v3  }
0x19f: {  	v16 =	vperm.xlane v16, v3  }
0x1a0: {  	vm1 =	vge.f32 v10, v15  }
0x1a1: {  	v17 =	vsel vm1, v10, v15;
	v18 =	vsel vm1, v11, v16  }
0x1a2: {  	v10 =	vsel vm1, v15, v10;
	v11 =	vsel vm1, v16, v11;
	(xrf1) =	vsort.ascd.msk.f32 $0xffff, v17, v18  }
0x1a3: {  	(xrf1) =	vsort.ascd.msk.f32 $0xffff, v10, v11;
	_ =	sdelay $0xc  }
0x1a4: {  	v10, v11, _ =	vpop (xrf1)  }
0x1a5: {  	v17 =	vld [tilespmem:$0x53A0];
	v15, v16, _ =	vpop (xrf1)  }
0x1a6: {  	v18 =	vld [tilespmem:$0x5420];
	v15 =	vperm.xlane v15, v3  }
0x1a7: {  	v16 =	vperm.xlane v16, v3  }
0x1a8: {  	vm1 =	vge.f32 v13, v15  }
0x1a9: {  	v13 =	vsel vm1, v13, v15;
	v14 =	vsel vm1, v14, v16;
	vm1 =	vgt.s32 v12, v5  }
0x1aa: {  	(xrf1) =	vsort.ascd.msk.f32 $0xffff, v13, v14;
	v13 =	vnsel vm1, $0xF149F2CA, v17  }
0x1ab: {  	(xrf1) =	vsort.ascd.msk.f32 $0xffff, v13, v18;
	_ =	sdelay $0xc  }
0x1ac: {  	v13, v14, _ =	vpop (xrf1)  }
0x1ad: {  	v15, v16, _ =	vpop (xrf1)  }
0x1ae: {  	v15 =	vperm.xlane v15, v3  }
0x1af: {  	v16 =	vperm.xlane v16, v3  }
0x1b0: {  	vm1 =	vge.f32 v10, v15  }
0x1b1: {  	v17 =	vsel vm1, v10, v15;
	v18 =	vsel vm1, v11, v16  }
0x1b2: {  	v10 =	vsel vm1, v15, v10;
	v11 =	vsel vm1, v16, v11;
	(xrf1) =	vsort.ascd.msk.f32 $0xffff, v17, v18  }
0x1b3: {  	(xrf1) =	vsort.ascd.msk.f32 $0xffff, v10, v11;
	_ =	sdelay $0xc  }
0x1b4: {  	v10, v11, _ =	vpop (xrf1)  }
0x1b5: {  	v17 =	vld [tilespmem:$0x53B0];
	v15, v16, _ =	vpop (xrf1)  }
0x1b6: {  	v18 =	vld [tilespmem:$0x5430];
	v15 =	vperm.xlane v15, v3  }
0x1b7: {  	v16 =	vperm.xlane v16, v3  }
0x1b8: {  	vm1 =	vge.f32 v13, v15  }
0x1b9: {  	v13 =	vsel vm1, v13, v15;
	v14 =	vsel vm1, v14, v16;
	vm1 =	vgt.s32 v12, v6  }
0x1ba: {  	(xrf1) =	vsort.ascd.msk.f32 $0xffff, v13, v14;
	v12 =	vnsel vm1, $0xF149F2CA, v17  }
0x1bb: {  	(xrf1) =	vsort.ascd.msk.f32 $0xffff, v12, v18;
	_ =	sdelay $0xc  }
0x1bc: {  	v12, v13, _ =	vpop (xrf1)  }
0x1bd: {  	v14, v15, _ =	vpop (xrf1)  }
0x1be: {  	v14 =	vperm.xlane v14, v3  }
0x1bf: {  	v15 =	vperm.xlane v15, v3  }
0x1c0: {  	vm1 =	vge.f32 v10, v14  }
0x1c1: {  	v16 =	vsel vm1, v10, v14;
	v17 =	vsel vm1, v11, v15  }
0x1c2: {  	v10 =	vsel vm1, v14, v10;
	v11 =	vsel vm1, v15, v11;
	(xrf1) =	vsort.ascd.msk.f32 $0xffff, v16, v17  }
0x1c3: {  	(xrf1) =	vsort.ascd.msk.f32 $0xffff, v10, v11;
	_ =	sdelay $0xc  }
0x1c4: {  	v10, v11, _ =	vpop (xrf1)  }
0x1c5: {  	v14, v15, _ =	vpop (xrf1)  }
0x1c6: {  	v14 =	vperm.xlane v14, v3  }
0x1c7: {  	v15 =	vperm.xlane v15, v3  }
0x1c8: {  	vm1 =	vge.f32 v12, v14  }
0x1c9: {  	v12 =	vsel vm1, v12, v14;
	v13 =	vsel vm1, v13, v15  }
0x1ca: {  	(xrf1) =	vsort.ascd.msk.f32 $0xffff, v12, v13;
	_ =	sdelay $0x2  }
0x1cb: {  	v12 =	vmov s19  }
0x1cc: {  	v12 =	vand.u32 $0xFFFFFFFE, v12  }
0x1cd: {  	v12 =	vbroadcast v12, $0x0;
	_ =	sdelay $0x5  }
0x1ce: {  	v12 =	vld.idx.msk [tilespmem:v12+s29+$0x0], $0xffff;
	_ =	sdelay $0x2  }
0x1cf: {  	v10 =	vperm.xlane v10, v3;
	v13, v14, _ =	vpop (xrf1)  }
0x1d0: {  	v13 =	vperm.xlane v13, v3  }
0x1d1: {  	v10 =	vsub.f32 v10, v12  }
0x1d2: {  	v12 =	vsub.f32 v13, v12  }
0x1d3: {  	v10 =	vmul.f32 $1.442695020e+00, v10  }
0x1d4: {  	v12 =	vmul.f32 $1.442695020e+00, v12  }
0x1d5: {  	(erf) = vpow2.f32 v10  }
0x1d6: {  	(erf) = vpow2.f32 v12;
	_ =	sdelay $0x3  }
0x1d7: {  	v10 =	vperm.xlane v11, v3;
	_ =	sdelay $0x1  }
0x1d8: {  	v11 =	vshll.u32 v10, $0x2;
	v12 =	vand.u32 $0x7, v10  }
0x1d9: {  	s25 =	sshll.u32 s18, $0x6;
	v11 =	vand.u32 $0xFFFFFFE0, v11  }
0x1da: {  	s21 =	sand.u32 $0x3FFFFFC0, s25;
	v11 =	vor.u32 v12, v11;
	v13 =	vpop (erf)  }
0x1db: {  	[tilespmem:s21+$0xD580] =	vst v13;
	v13 =	vperm.xlane v11, v7;
	v12 =	vpop (erf)  }
0x1dc: {  	v14 =	vperm.xlane v14, v3;
	[tilespmem:s21+$0xD590] =	vst v12  }
0x1dd: {  	p0 =	seq.s32 s18, $0x0;
	[tilespmem:$0x5480] =	vst v10;
	v10 =	vadd.s32 v8, v13  }
0x1de: {  	s21 =	simm.s32 @!p0 $0x5;
	[tilespmem:$0x5490] =	vst v14  }
0x1df: {  	v11 =	vperm.xlane v11, v9;
	_ =	swait.ge @!p0 [sflag:s21], $0x4000  }
0x1e0: {  	[sflag:s21] =	ssyncset.done @!p0 $0x0  }
0x1e1: {  	v11 =	vadd.s32 v8, v11;
	[sflag:s21] =	ssyncadd.s32 @!p0 $0xFFFFC000  }
0x1e2: {  	[tilespmem:s22], [sflag:$0x3] =	stream.indirect_vreg.gather [hbm4b:s1+s4], $0x80, v10, vm0, $0xb8;
	[tilespmem:$0xE600] =	vst v63  }
0x1e3: {  	s23 =	simm.s32 $0x5D80  }
0x1e4: {  	[tilespmem:s23], [sflag:$0x3] =	stream.indirect_vreg.gather [hbm4b:s28+s4], $0x80, v10, vm0, $0xb8;
	[tilespmem:$0xE600] =	vst v63  }
0x1e5: {  	s24 =	simm.s32 $0x6580  }
0x1e6: {  	[tilespmem:s24], [sflag:$0x3] =	stream.indirect_vreg.gather [hbm4b:s1+s4], $0x80, v11, vm0, $0xb8;
	[tilespmem:$0xE600] =	vst v63  }
0x1e7: {  	s25 =	simm.s32 $0x6D80  }
0x1e8: {  	[tilespmem:s25], [sflag:$0x3] =	stream.indirect_vreg.gather [hbm4b:s28+s4], $0x80, v11, vm0, $0xb8;
	[tilespmem:$0xE600] =	vst v63  }
0x1e9: {  	v10 =	vld [tilespmem:$0x5490];
	_ =	sdelay $0x4  }
0x1ea: {  	v11 =	vshll.u32 v10, $0x2  }
0x1eb: {  	v10 =	vand.u32 $0x7, v10;
	v11 =	vand.u32 $0xFFFFFFE0, v11  }
0x1ec: {  	v10 =	vor.u32 v10, v11  }
0x1ed: {  	v11 =	vperm.xlane v10, v7;
	_ =	sdelay $0x1  }
0x1ee: {  	v11 =	vadd.s32 v8, v11;
	_ =	sdelay $0x1  }
0x1ef: {  	v10 =	vperm.xlane v10, v9;
	_ =	sdelay $0x1  }
0x1f0: {  	v10 =	vadd.s32 v8, v10  }
0x1f1: {  	[tilespmem:s26], [sflag:$0x3] =	stream.indirect_vreg.gather [hbm4b:s1+s4], $0x80, v11, vm0, $0xb8;
	[tilespmem:$0xE600] =	vst v63  }
0x1f2: {  	_ = 	snop  }
0x1f3: {  	[tilespmem:s6], [sflag:$0x3] =	stream.indirect_vreg.gather [hbm4b:s28+s4], $0x80, v11, vm0, $0xb8;
	[tilespmem:$0xE600] =	vst v63  }
0x1f4: {  	_ = 	snop  }
0x1f5: {  	[tilespmem:s30], [sflag:$0x3] =	stream.indirect_vreg.gather [hbm4b:s1+s4], $0x80, v10, vm0, $0xb8;
	[tilespmem:$0xE600] =	vst v63  }
0x1f6: {  	s20 =	sshll.u32 @!p0 s20, $0xE;
	s21 =	simm.s32 @!p0 $0x4  }
0x1f7: {  	[tilespmem:s2], [sflag:$0x3] =	stream.indirect_vreg.gather [hbm4b:s28+s4], $0x80, v10, vm0, $0xb8;
	[tilespmem:$0xE600] =	vst v63  }
0x1f8: {  	p1 =	seq.s32 s18, $0x3F;
	s23 =	sadd.s32 @!p0 $0xFFFFC000, s20;
	_ =	swait.ge @!p0 [sflag:s21], $0x4000  }
0x1f9: {  	s20 =	sor.u32 $0x1, s19;
	s19 =	sshrl.u32 @!p0 s23, $0x3;
	[sflag:s21] =	ssyncset.done @!p0 $0x0  }
0x1fa: {  	[sflag:s21] =	ssyncadd.s32 @!p0 $0xFFFFC000;
	s21 =	sadd.s32 @!p0 s3, s19;
	s19 =	sor.u32 s7, s20  }
0x1fb: {  	s23 =	simm.s32 @!p0 $0x0;
	s24 =	simm.s32 @!p0 $0x9580;
	s25 =	smul.u32 @!p1 $0x2800, s19  }
0x1fc: {  	[hbm4b:s21+s23] =	stream.linear.scatter @!p0 [tilespmem:s24], [sflag:$0x6], $0x4000, $0x38;
	[tilespmem:$0xE600] =	vst v63  }
0x1fd: {  	_ =	swait.ge [sflag:s8], $0x2800;
	s21 =	sshrl.u32 @!p1 s25, $0x3  }
0x1fe: {  	[sflag:s8] =	ssyncset.done $0x0;
	s21 =	sadd.s32 @!p1 s5, s21  }
0x1ff: {  	s24 =	simm.s32 @!p1 $0x0;
	[sflag:s8] =	ssyncadd.s32 $0xFFFFD800;
	s23 =	sadd.s32 @!p1 $0x500, s21  }
0x200: {  	[tilespmem:s24], [sflag:$0x1] =	stream.linear.gather @!p1 [hbm4b:s23+s24], $0x280, $0x38;
	[tilespmem:$0xE600] =	vst v63  }
0x201: {  	s25 =	simm.s32 @!p1 $0x288;
	s23 =	sadd.s32 @!p1 $0x550, s21  }
0x202: {  	[tilespmem:s25], [sflag:$0x1] =	stream.linear.gather @!p1 [hbm4b:s23+s24], $0x280, $0x38;
	[tilespmem:$0xE600] =	vst v63  }
0x203: {  	s23 =	sadd.s32 @!p1 $0x5A0, s21;
	s25 =	simm.s32 @!p1 $0x510  }
0x204: {  	[tilespmem:s25], [sflag:$0x1] =	stream.linear.gather @!p1 [hbm4b:s23+s24], $0x280, $0x38;
	[tilespmem:$0xE600] =	vst v63  }
0x205: {  	s23 =	sadd.s32 @!p1 $0x5F0, s21;
	s25 =	simm.s32 @!p1 $0x798  }
0x206: {  	[tilespmem:s25], [sflag:$0x1] =	stream.linear.gather @!p1 [hbm4b:s23+s24], $0x280, $0x38;
	[tilespmem:$0xE600] =	vst v63  }
0x207: {  	s23 =	sadd.s32 @!p1 $0x640, s21;
	s25 =	simm.s32 @!p1 $0xA20  }
0x208: {  	[tilespmem:s25], [sflag:$0x1] =	stream.linear.gather @!p1 [hbm4b:s23+s24], $0x280, $0x38;
	[tilespmem:$0xE600] =	vst v63  }
0x209: {  	s23 =	sadd.s32 @!p1 $0x690, s21;
	s25 =	simm.s32 @!p1 $0xCA8  }
0x20a: {  	[tilespmem:s25], [sflag:$0x1] =	stream.linear.gather @!p1 [hbm4b:s23+s24], $0x280, $0x38;
	[tilespmem:$0xE600] =	vst v63  }
0x20b: {  	s23 =	sadd.s32 @!p1 $0x6E0, s21;
	s25 =	simm.s32 @!p1 $0xF30  }
0x20c: {  	[tilespmem:s25], [sflag:$0x1] =	stream.linear.gather @!p1 [hbm4b:s23+s24], $0x280, $0x38;
	[tilespmem:$0xE600] =	vst v63  }
0x20d: {  	s23 =	sadd.s32 @!p1 $0x730, s21;
	s25 =	simm.s32 @!p1 $0x11B8  }
0x20e: {  	[tilespmem:s25], [sflag:$0x1] =	stream.linear.gather @!p1 [hbm4b:s23+s24], $0x280, $0x38;
	[tilespmem:$0xE600] =	vst v63  }
0x20f: {  	s23 =	sadd.s32 @!p1 $0x780, s21;
	s25 =	simm.s32 @!p1 $0x1440  }
0x210: {  	[tilespmem:s25], [sflag:$0x1] =	stream.linear.gather @!p1 [hbm4b:s23+s24], $0x280, $0x38;
	[tilespmem:$0xE600] =	vst v63  }
0x211: {  	s23 =	sadd.s32 @!p1 $0x7D0, s21;
	s25 =	simm.s32 @!p1 $0x16C8  }
0x212: {  	[tilespmem:s25], [sflag:$0x1] =	stream.linear.gather @!p1 [hbm4b:s23+s24], $0x280, $0x38;
	[tilespmem:$0xE600] =	vst v63  }
0x213: {  	s23 =	sadd.s32 @!p1 $0x820, s21;
	s25 =	simm.s32 @!p1 $0x1950  }
0x214: {  	[tilespmem:s25], [sflag:$0x1] =	stream.linear.gather @!p1 [hbm4b:s23+s24], $0x280, $0x38;
	[tilespmem:$0xE600] =	vst v63  }
0x215: {  	s23 =	sadd.s32 @!p1 $0x870, s21;
	s25 =	simm.s32 @!p1 $0x1BD8  }
0x216: {  	[tilespmem:s25], [sflag:$0x1] =	stream.linear.gather @!p1 [hbm4b:s23+s24], $0x280, $0x38;
	[tilespmem:$0xE600] =	vst v63  }
0x217: {  	s23 =	sadd.s32 @!p1 $0x8C0, s21;
	s25 =	simm.s32 @!p1 $0x1E60  }
0x218: {  	[tilespmem:s25], [sflag:$0x1] =	stream.linear.gather @!p1 [hbm4b:s23+s24], $0x280, $0x38;
	[tilespmem:$0xE600] =	vst v63  }
0x219: {  	s23 =	sadd.s32 @!p1 $0x910, s21;
	s25 =	simm.s32 @!p1 $0x20E8  }
0x21a: {  	[tilespmem:s25], [sflag:$0x1] =	stream.linear.gather @!p1 [hbm4b:s23+s24], $0x280, $0x38;
	[tilespmem:$0xE600] =	vst v63  }
0x21b: {  	s23 =	sadd.s32 @!p1 $0x960, s21;
	s25 =	simm.s32 @!p1 $0x2370  }
0x21c: {  	[tilespmem:s25], [sflag:$0x1] =	stream.linear.gather @!p1 [hbm4b:s23+s24], $0x280, $0x38;
	[tilespmem:$0xE600] =	vst v63  }
0x21d: {  	s21 =	sadd.s32 @!p1 $0x9B0, s21;
	s23 =	simm.s32 @!p1 $0x25F8  }
0x21e: {  	[tilespmem:s23], [sflag:$0x1] =	stream.linear.gather @!p1 [hbm4b:s21+s24], $0x280, $0x38;
	[tilespmem:$0xE600] =	vst v63  }
0x21f: {  	s23 =	simm.s32 $0x0  }
0x220: {  	v15 =	vld [tilespmem:s23+$0x2880]  }
0x221: {  	v17 =	vld [tilespmem:s23+$0x2B08]  }
0x222: {  	v10 =	vld [tilespmem:s23+$0x2D90]  }
0x223: {  	v11 =	vld [tilespmem:s23+$0x3018]  }
0x224: {  	v12 =	vld [tilespmem:s23+$0x32A0]  }
0x225: {  	v13 =	vld [tilespmem:s23+$0x3528]  }
0x226: {  	v14 =	vld [tilespmem:s23+$0x37B0]  }
0x227: {  	v16 =	vld [tilespmem:s23+$0x3A38]  }
0x228: {  	v18 =	vld [tilespmem:s23+$0x3CC0]  }
0x229: {  	v19 =	vld [tilespmem:s23+$0x3F48]  }
0x22a: {  	v20 =	vld [tilespmem:s23+$0x41D0]  }
0x22b: {  	v22 =	vld [tilespmem:s23+$0x4458]  }
0x22c: {  	v21 =	vld [tilespmem:s23+$0x46E0]  }
0x22d: {  	v23 =	vld [tilespmem:s23+$0x4968]  }
0x22e: {  	s21 =	simm.s32 $0x0;
	s24 =	simm.s32 $0x40;
	v24 =	vld [tilespmem:s23+$0x4BF0]  }
.LBB2_12:
0x22f: {  	s25 =	sshra.s32 s24, $0x2;
	p1 =	sne.s32 s24, $0x9C0;
	v25 =	vld [tilespmem:s23+$0x4E78]  }
0x230: {  	v26 =	vld [tilespmem:s25+$0x2880]  }
0x231: {  	v27 =	vld [tilespmem:s25+$0x2B08]  }
0x232: {  	v15 =	vmax.f32 v15, v17;
	v17 =	vmax.f32 v10, v11;
	v28 =	vmax.f32 v12, v13;
	v10 =	vld [tilespmem:s25+$0x2D90]  }
0x233: {  	v14 =	vmax.f32 v14, v16;
	v16 =	vmax.f32 v18, v19;
	v18 =	vmax.f32 v20, v22;
	v11 =	vld [tilespmem:s25+$0x3018]  }
0x234: {  	v22 =	vmax.f32 v15, v17;
	v19 =	vmax.f32 v21, v23;
	v12 =	vld [tilespmem:s25+$0x32A0];
	v20 =	vmax.f32 v24, v25  }
0x235: {  	v16 =	vmax.f32 v16, v18;
	v21 =	vmax.f32 v28, v14;
	v13 =	vld [tilespmem:s25+$0x3528];
	v18 =	vmax.f32 v19, v20;
	v15 =	vmovc v26  }
0x236: {  	v19 =	vmax.f32 v22, v21;
	v14 =	vld [tilespmem:s25+$0x37B0];
	v18 =	vmax.f32 v16, v18;
	v17 =	vmov v27  }
0x237: {  	v16 =	vld [tilespmem:s25+$0x3A38];
	v19 =	vmax.f32 v19, v18  }
0x238: {  	v18 =	vld [tilespmem:s25+$0x3CC0];
	[tilespmem:s23+$0x5100] =	vst v19;
	s23 =	smov.u32 s25  }
0x239: {  	v19 =	vld [tilespmem:s23+$0x3F48]  }
.Ltmp12:
0x23a: {  	v20 =	vld [tilespmem:s23+$0x41D0];
	(pc) =	sbr.rel @p1 .LBB2_12-.Ltmp12, $4  }
0x23b: {  	v22 =	vld [tilespmem:s23+$0x4458]  }
0x23c: {  	v21 =	vld [tilespmem:s23+$0x46E0]  }
0x23d: {  	v23 =	vld [tilespmem:s23+$0x4968]  }
0x23e: {  	s24 =	sadd.s32 $0x40, s24;
	v24 =	vld [tilespmem:s23+$0x4BF0]  }
0x23f: {  	v25 =	vld [tilespmem:s23+$0x4E78];
	_ =	sdelay $0x2  }
0x240: {  	v15 =	vmax.f32 v15, v17;
	v10 =	vmax.f32 v10, v11;
	v11 =	vmax.f32 v12, v13  }
0x241: {  	v12 =	vmax.f32 v14, v16;
	v13 =	vmax.f32 v18, v19;
	v14 =	vmax.f32 v20, v22  }
.Ltmp13:
0x242: {  	v10 =	vmax.f32 v15, v10;
	v16 =	vmax.f32 v21, v23;
	v17 =	vmax.f32 v24, v25;
	(pc) =	sbr.rel .LBB2_14-.Ltmp13, $4  }
0x243: {  	v11 =	vmax.f32 v11, v12;
	v12 =	vmax.f32 v13, v14;
	v13 =	vmax.f32 v16, v17  }
0x244: {  	v10 =	vmax.f32 v10, v11;
	v11 =	vmax.f32 v12, v13  }
0x245: {  	v15 =	vimm.s32 $0x0;
	v14 =	vimm.f32 $-1.000000020e+30;
	v10 =	vmax.f32 v10, v11  }
0x246: {  	v16 =	vimm.f32 $-1.000000020e+30;
	v17 =	vimm.f32 $-1.000000020e+30;
	v13 =	vimm.s32 $0x0;
	[tilespmem:s23+$0x5100] =	vst v10;
	s23 =	simm.s32 $0x0  }
.LBB2_19:
0x247: {  	s23 =	sadd.s32 $0x1, s23  }
0x248: {  	p1 =	sne.s32 s23, $0x28  }
.Ltmp14:
0x249: {  	_ = 	snop;
	(pc) =	sbr.rel @!p1 .LBB2_20-.Ltmp14, $1  }
0x24a: {  	_ =	sdelay $0x3  }
.LBB2_14:
0x24b: {  	s25 =	sshll.u32 s23, $0x4  }
0x24c: {  	v10 =	vld [tilespmem:s25+$0x5100];
	_ =	sdelay $0x4  }
0x24d: {  	vm1 =	vgt.f32 v10, v17  }
0x24e: {  	v10 =	vmpcnt.ones.xlane vm1;
	_ =	sdelay $0x1  }
0x24f: {  	(v2sf) =	vpush v10, $0x0;
	_ =	sdelay $0xe  }
0x250: {  	s24 =	spop (v2sf)  }
0x251: {  	p1 =	slt.s32 s24, $0x1  }
.Ltmp15:
0x252: {  	_ = 	snop;
	(pc) =	sbr.rel @p1 .LBB2_19-.Ltmp15, $1  }
0x253: {  	_ =	sdelay $0x3  }
.Ltmp16:
0x254: {  	(pc) =	sbr.rel .LBB2_16-.Ltmp16, $2  }
0x255: {  	_ =	sdelay $0x2  }
0x256: {  	v10 =	vadd.s32 s25, v1;
	v11 =	vadd.s32 s25, v2  }
.LBB2_18:
0x257: {  	s24 =	sadd.s32 $0xFFFFFFFF, s24  }
0x258: {  	p2 =	sne.s32 s24, $0x0  }
.Ltmp17:
0x259: {  	_ = 	snop;
	(pc) =	sbr.rel @!p2 .LBB2_19-.Ltmp17, $3  }
0x25a: {  	_ =	sdelay $0x1  }
0x25b: {  	vm2 =	vne.s32 v12, v0;
	p1 =	sgt.s32 s21, $0x2F  }
0x25c: {  	vm1 =	vmand vm1, vm2;
	s21 =	simm.s32 @p1 $0x0  }
.LBB2_16:
0x25d: {  	v12 =	vmctz.xlane vm1;
	_ =	sdelay $0x1  }
0x25e: {  	v18 =	vadd.s32 v10, v12;
	_ =	sdelay $0x4  }
0x25f: {  	v18 =	vld.idx.msk [tilespmem:v18+s0+$0x0], $0xffff;
	_ =	sdelay $0x4  }
0x260: {  	vm2 =	vgt.f32 v18, v17  }
0x261: {  	v19 =	vmpcnt.ones.xlane vm2;
	_ =	sdelay $0x1  }
0x262: {  	(v2sf) =	vpush v19, $0x0;
	_ =	sdelay $0xe  }
0x263: {  	[tilespmem:s21+$0x5380] =	vst.msk vm2, v18;
	v18 =	vadd.s32 v11, v12;
	s25 =	spop (v2sf)  }
0x264: {  	[tilespmem:s21+$0x5400] =	vst.msk vm2, v18;
	s21 =	sadd.s32 s21, s25  }
0x265: {  	p1 =	slt.s32 s21, $0x30  }
.Ltmp18:
0x266: {  	_ = 	snop;
	(pc) =	sbr.rel @p1 .LBB2_18-.Ltmp18, $1  }
0x267: {  	_ =	sdelay $0x3  }
0x268: {  	v17 =	vld [tilespmem:$0x5380]  }
0x269: {  	v18 =	vld [tilespmem:$0x5400];
	_ =	sdelay $0x1  }
0x26a: {  	v19 =	vmov s21  }
0x26b: {  	vm2 =	vgt.s32 v19, v0  }
0x26c: {  	v17 =	vnsel vm2, $0xF149F2CA, v17  }
0x26d: {  	(xrf1) =	vsort.ascd.msk.f32 $0xffff, v17, v18;
	_ =	sdelay $0xd  }
0x26e: {  	v17, v18, _ =	vpop (xrf1)  }
0x26f: {  	v17 =	vperm.xlane v17, v3  }
0x270: {  	v18 =	vperm.xlane v18, v3  }
0x271: {  	vm2 =	vge.f32 v16, v17  }
0x272: {  	v20 =	vsel vm2, v16, v17;
	v21 =	vsel vm2, v15, v18  }
0x273: {  	v16 =	vsel vm2, v17, v16;
	v15 =	vsel vm2, v18, v15;
	(xrf1) =	vsort.ascd.msk.f32 $0xffff, v20, v21  }
0x274: {  	(xrf1) =	vsort.ascd.msk.f32 $0xffff, v16, v15;
	_ =	sdelay $0xc  }
0x275: {  	v15, v16, _ =	vpop (xrf1)  }
0x276: {  	v53 =	vld [tilespmem:$0x5390];
	v17, v18, _ =	vpop (xrf1)  }
0x277: {  	v54 =	vld [tilespmem:$0x5410];
	v17 =	vperm.xlane v17, v3  }
0x278: {  	v18 =	vperm.xlane v18, v3  }
0x279: {  	vm2 =	vge.f32 v14, v17  }
0x27a: {  	v14 =	vsel vm2, v14, v17;
	v13 =	vsel vm2, v13, v18;
	vm2 =	vgt.s32 v19, v4  }
0x27b: {  	(xrf1) =	vsort.ascd.msk.f32 $0xffff, v14, v13;
	v13 =	vnsel vm2, $0xF149F2CA, v53  }
0x27c: {  	(xrf1) =	vsort.ascd.msk.f32 $0xffff, v13, v54;
	_ =	sdelay $0xc  }
0x27d: {  	v13, v14, _ =	vpop (xrf1)  }
0x27e: {  	v17, v18, _ =	vpop (xrf1)  }
0x27f: {  	v17 =	vperm.xlane v17, v3  }
0x280: {  	v18 =	vperm.xlane v18, v3  }
0x281: {  	vm2 =	vge.f32 v15, v17  }
0x282: {  	v55 =	vsel vm2, v15, v17;
	v56 =	vsel vm2, v16, v18  }
0x283: {  	v15 =	vsel vm2, v17, v15;
	v16 =	vsel vm2, v18, v16;
	(xrf1) =	vsort.ascd.msk.f32 $0xffff, v55, v56  }
0x284: {  	(xrf1) =	vsort.ascd.msk.f32 $0xffff, v15, v16;
	_ =	sdelay $0xc  }
0x285: {  	v15, v16, _ =	vpop (xrf1)  }
0x286: {  	v57 =	vld [tilespmem:$0x53A0];
	v17, v18, _ =	vpop (xrf1)  }
0x287: {  	v58 =	vld [tilespmem:$0x5420];
	v17 =	vperm.xlane v17, v3  }
0x288: {  	v18 =	vperm.xlane v18, v3  }
0x289: {  	vm2 =	vge.f32 v13, v17  }
0x28a: {  	v13 =	vsel vm2, v13, v17;
	v14 =	vsel vm2, v14, v18;
	vm2 =	vgt.s32 v19, v5  }
0x28b: {  	(xrf1) =	vsort.ascd.msk.f32 $0xffff, v13, v14;
	v13 =	vnsel vm2, $0xF149F2CA, v57  }
0x28c: {  	(xrf1) =	vsort.ascd.msk.f32 $0xffff, v13, v58;
	_ =	sdelay $0xc  }
0x28d: {  	v13, v14, _ =	vpop (xrf1)  }
0x28e: {  	v17, v18, _ =	vpop (xrf1)  }
0x28f: {  	v17 =	vperm.xlane v17, v3  }
0x290: {  	v18 =	vperm.xlane v18, v3  }
0x291: {  	vm2 =	vge.f32 v15, v17  }
0x292: {  	v59 =	vsel vm2, v15, v17;
	v60 =	vsel vm2, v16, v18  }
0x293: {  	v15 =	vsel vm2, v17, v15;
	v16 =	vsel vm2, v18, v16;
	(xrf1) =	vsort.ascd.msk.f32 $0xffff, v59, v60  }
0x294: {  	(xrf1) =	vsort.ascd.msk.f32 $0xffff, v15, v16;
	_ =	sdelay $0xc  }
0x295: {  	v15, v16, _ =	vpop (xrf1)  }
0x296: {  	v61 =	vld [tilespmem:$0x53B0];
	v17, v18, _ =	vpop (xrf1)  }
0x297: {  	v62 =	vld [tilespmem:$0x5430];
	v17 =	vperm.xlane v17, v3  }
0x298: {  	v18 =	vperm.xlane v18, v3  }
0x299: {  	vm2 =	vge.f32 v13, v17  }
0x29a: {  	v13 =	vsel vm2, v13, v17;
	v14 =	vsel vm2, v14, v18;
	vm2 =	vgt.s32 v19, v6  }
0x29b: {  	(xrf1) =	vsort.ascd.msk.f32 $0xffff, v13, v14;
	v13 =	vnsel vm2, $0xF149F2CA, v61  }
0x29c: {  	(xrf1) =	vsort.ascd.msk.f32 $0xffff, v13, v62;
	_ =	sdelay $0xc  }
0x29d: {  	v13, v14, _ =	vpop (xrf1)  }
0x29e: {  	v17, v18, _ =	vpop (xrf1)  }
0x29f: {  	v17 =	vperm.xlane v17, v3  }
0x2a0: {  	v18 =	vperm.xlane v18, v3  }
0x2a1: {  	vm2 =	vge.f32 v15, v17  }
0x2a2: {  	v19 =	vsel vm2, v15, v17;
	v63 =	vsel vm2, v16, v18  }
0x2a3: {  	v15 =	vsel vm2, v17, v15;
	v16 =	vsel vm2, v18, v16;
	(xrf1) =	vsort.ascd.msk.f32 $0xffff, v19, v63  }
0x2a4: {  	(xrf1) =	vsort.ascd.msk.f32 $0xffff, v15, v16;
	_ =	sdelay $0xc  }
0x2a5: {  	v16, v15, _ =	vpop (xrf1)  }
0x2a6: {  	v17, v18, _ =	vpop (xrf1)  }
0x2a7: {  	v17 =	vperm.xlane v17, v3  }
0x2a8: {  	v18 =	vperm.xlane v18, v3  }
0x2a9: {  	vm2 =	vge.f32 v13, v17  }
0x2aa: {  	v13 =	vsel vm2, v13, v17;
	v14 =	vsel vm2, v14, v18  }
0x2ab: {  	(xrf1) =	vsort.ascd.msk.f32 $0xffff, v13, v14;
	_ =	sdelay $0xa  }
.Ltmp19:
0x2ac: {  	_ = 	snop;
	(pc) =	sbr.rel .LBB2_18-.Ltmp19, $3  }
0x2ad: {  	_ =	sdelay $0x1  }
0x2ae: {  	v14, v13, _ =	vpop (xrf1)  }
0x2af: {  	v17 =	vbroadcast v14, $0x0  }
.LBB2_22:
0x2b0: {  	_ =	sfence.sel $0x180000  }
0x2b1: {  	[bflag:$0x0] =	sbarrier.arrive $0xFFFF  }
0x2b2: {  	_ =	strace $0x9000004A  }
0x2b3: {  	s0 =	stileid.u32;
	[bflag:$0x2] =	sbarrier.arrive $0xFFFF  }
0x2b4: {  	p0 =	sne.s32 s0, $0x0;
	s0 =	rddreg [dreg:$0x4]  }
0x2b5: {  	s0 =	sadd.s32 @!p0 $0x100000, s0  }
0x2b6: {  	[sflag:s0] =	ssyncadd.tile.s32 @!p0 $0x1;
	_ =	shalt  }
.Lfunc_end2:
_tile_overlayer_lowered:
.L_overlay_start_2:
0x2b7: {  	(tag) =	ssettag $0x2  }
0x2b8: {  	s0 =	rddreg [dreg:$0x0];
	s2 =	stileid.u32  }
0x2b9: {  	s1 =	rddreg [dreg:$0x1];
	p0 =	sne.s32 s2, $0x0  }
0x2ba: {  	s3 =	rddreg [dreg:$0x2];
	[bflag:$0x3] =	sbarrier.arrive $0xFFFF;
	s2 =	simm.s32 @!p0 $0x1C07  }
0x2bb: {  	[timem:s3], [sflag:s2] =	dma.local @!p0 [hbm:s0], s1  }
0x2bc: {  	s0 =	simm.s32 @!p0 $0x7  }
0x2bd: {  	_ =	swait.ge @!p0 [sflag:s0], s1  }
0x2be: {  	s1 =	ssub.s32 @!p0 $0x0, s1;
	[sflag:s0] =	ssyncset.done @!p0 $0x0  }
0x2bf: {  	[sflag:s0] =	ssyncadd.s32 @!p0 s1  }
0x2c0: {  	[bflag:$0x3] =	sbarrier.arrive $0xFFFF  }
0x2c1: {  	_ =	shalt  }

// kernel: sparse-core-data-format-call.cloned.1.call-start
scs
called_computation_lowered:
.L_overlay_start_0:
0x0: {  	s2 =	sld [smem:$0x3FD9]  }
0x1: {  	s3 =	sld [smem:$0x3FFE];
	_ =	sdelay $0x1  }
0x2: {  	s1 =	srdreg.scid  }
0x3: {  	s0 =	sand.u32 $0x1, s1  }
0x4: {  	s15 =	sshll.u32 s0, $0xA;
	s2 =	sadd.s32 s3, s2  }
0x5: {  	s2 =	sadd.s32 s2, s15  }
0x6: {  	[smem:$0x3FC3] =	sst s2  }
0x7: {  	_ = 	snop  }
0x8: {  	s2 =	sld [smem:$0x3FD0];
	_ =	sdelay $0x2  }
0x9: {  	s16 =	simm.s32 $0xA;
	s4 =	simm.s32 $0x10  }
0xa: {  	[smem:s4], [sflag:s16] =	dma.local [hbm:s2], $0x1  }
0xb: {  	_ =	swait.eq [sflag:s16], $0x1  }
0xc: {  	[sflag:s16] =	ssyncset.done $0x0  }
0xd: {  	[sflag:s16] =	ssyncadd.s32 $0xFFFFFFFF  }
0xe: {  	s17 =	sld [smem:$0x10];
	(tm) =	ssettm $0x1  }
0xf: {  	s18 =	sld [smem:$0x3FFB];
	_ =	sdelay $0x3  }
0x10: {  	_ =	strace s18  }
0x11: {  	s3 =	sld [smem:$0x3FFC];
	_ =	sdelay $0x3  }
0x12: {  	_ =	strace s3  }
0x13: {  	s3 =	sld [smem:$0x3FFD];
	_ =	sdelay $0x3  }
0x14: {  	_ =	strace s3  }
0x15: {  	_ =	strace $0x8FFFFFFF  }
0x16: {  	s19 =	sld [smem:$0x3FDB];
	_ =	sdelay $0x1  }
0x17: {  	s20 =	simm.s32 $_scs_section_size  }
0x18: {  	s5 =	simm.s32 $_size__tile_overlayer_lowered;
	s6 =	simm.s32 $_tile_overlayer_lowered  }
0x19: {  	s23 =	simm.s32 $0x1BFF;
	s22 =	sshll.u32 s6, $0x1;
	s3 =	sadd.s32 s20, s19  }
0x1a: {  	s7 =	simm.s32 $0x0;
	s21 =	sshll.u32 s5, $0x1;
	s5 =	sadd.s32 s22, s3  }
0x1b: {  	[timem:s7], [sflag:s23] =	dma.local [hbm:s5], s21  }
0x1c: {  	_ =	swait.ge [sflag:s23], s21  }
0x1d: {  	s4 =	ssub.s32 $0x0, s21;
	[sflag:s23] =	ssyncset.done $0x0  }
0x1e: {  	[sflag:s23] =	ssyncadd.s32 s4;
	_ =	sdelay $0x1  }
0x1f: {  	s24 =	simm.s32 $0x1B8B  }
0x20: {  	_ =	swait.ge [sflag:s24], $0x1  }
0x21: {  	[sflag:s24] =	ssyncset.done $0x0  }
0x22: {  	s26 =	simm.s32 $0x1B8E;
	s25 =	sld [smem:$0x3FFE];
	[sflag:s24] =	ssyncadd.s32 $0xFFFFFFFF  }
0x23: {  	s27 =	simm.s32 $execute0_lowered;
	[smem:$0x3FD2] =	sst s26  }
0x24: {  	s5 =	sshll.u32 s27, $0x1;
	_ =	strace $0x80000046;
	[dreg:$0x1] =	wrdreg $0xFFFFFFFF  }
0x25: {  	s28 =	simm.s32 $_size_execute0_lowered;
	s3 =	sadd.s32 s3, s5;
	[dreg:$0x0] =	wrdreg $0x0  }
0x26: {  	s5 =	sshll.u32 s28, $0x1;
	[dreg:$0x2] =	wrdreg s3  }
0x27: {  	[dreg:$0x3] =	wrdreg s5  }
0x28: {  	[dreg:$0x4] =	wrdreg $0xC0  }
0x29: {  	_ =	task [dreg:s7], $0x5FFFF  }
0x2a: {  	[dreg:$0x1] =	wrdreg $0xFFFFFFFF  }
0x2b: {  	[dreg:$0x0] =	wrdreg $0x60  }
0x2c: {  	[dreg:$0x2] =	wrdreg s17  }
0x2d: {  	[dreg:$0x3] =	wrdreg s25  }
0x2e: {  	[dreg:$0x4] =	wrdreg $0x9  }
0x2f: {  	_ =	task.clear_ibuf [dreg:s7], $0x5FFFF;
	_ =	strace $0x90000046  }
0x30: {  	s29 =	simm.s32 $0x9;
	_ =	strace $0x80000048  }
0x31: {  	_ =	swait.ge [sflag:s29], $0x1  }
0x32: {  	[sflag:s29] =	ssyncadd.s32 $0xFFFFFFFF  }
0x33: {  	_ =	strace $0x90000048  }
0x34: {  	_ =	sfence  }
0x35: {  	s30 =	sld [smem:$0x0];
	_ =	sdelay $0x2  }
0x36: {  	s31 =	sshll.u32 s1, $0xD;
	s1 =	sshrl.u32 s1, $0x2  }
0x37: {  	s3 =	sand.u32 $0x4000, s31;
	s1 =	sadd.s32 s1, s30  }
0x38: {  	s0 =	sor.u32 s3, s0;
	s1 =	sshll.u32 s1, $0x11  }
0x39: {  	s0 =	sor.u32 s1, s0  }
0x3a: {  	s0 =	sadd.s32 $0x8F2B, s0  }
0x3b: {  	[sflag:s0] =	ssyncadd.remote.s32 $0x1  }
0x3c: {  	_ =	sfence.sel $0xFFFF  }
0x3d: {  	[dreg:$0x0] =	wrdreg $0xFFFFFFFF;
	(pc) =	sbr.abs _section_cstart, $3  }
0x3e: {  	[dreg:$0x1] =	wrdreg $0xFFFFFFFF  }
0x3f: {  	_ =	task.clear_ibuf [dreg:s7], $0x2FFFF;
	_ =	strace $0x9FFFFFFF  }
0x40: {  	(tm) =	ssettm $0x7FFFFFFF  }
0x41: {  	_ =	shalt  }
tec
execute0_lowered:
.L_overlay_start_1:
0x0: {  	(tag) =	ssettag $0x1  }
0x1: {  	s2 =	rddreg [dreg:$0x0]  }
0x2: {  	s1 =	rddreg [dreg:$0x1]  }
0x3: {  	s0 =	rddreg [dreg:$0x2];
	_ =	strace $0x80000047;
	s4 =	srdreg.scid  }
0x4: {  	s6 =	simm.s32 $0x2;
	s11 =	simm.s32 $0x0;
	p0 =	por $0x0, $0x0  }
.Ltmp0:
0x5: {  	s7 =	simm.s32 $0x2800;
	s12 =	simm.s32 $0x0;
	(pc) =	sbr.rel .LBB1_1-.Ltmp0, $4  }
0x6: {  	s9 =	simm.s32 $0x0;
	s3 =	sadd.s32 $0x11200, s1;
	s5 =	sshll.u32 s4, $0x4  }
0x7: {  	s1 =	stileid.u32;
	s4 =	simm.s32 $0x1;
	s5 =	sand.u32 $0x10, s5  }
0x8: {  	s8 =	simm.s32 $0x0;
	[sflag:s4] =	ssyncpa.u1 $0x0;
	s5 =	sor.u32 s1, s5  }
0x9: {  	[sflag:s6] =	ssyncpa.u1 $0x0;
	s6 =	simm.s32 $0x800;
	s10 =	smov.u32 s5  }
.LBB1_7:
0xa: {  	s13 =	sadd.s32 $0x10, s9  }
0xb: {  	s11 =	sadd.s32 $0x20, s10;
	s15 =	smov.u32 s10;
	p2 =	sgt.s32 s13, $0x4F  }
0xc: {  	p1 =	slt.u32 s8, $0x2;
	s15 =	smov.u32 @p2 s11  }
0xd: {  	s8 =	sadd.s32 $0x1, s8;
	s13 =	simm.s32 @p2 $0x0;
	p2 =	sgt.s32 s15, $0x1FF  }
0xe: {  	s15 =	smov.u32 @p2 s5;
	p2 =	sne.s32 s8, $0x52  }
.Ltmp1:
0xf: {  	_ = 	snop;
	(pc) =	sbr.rel @!p2 .LBB1_8-.Ltmp1, $4  }
0x10: {  	s14 =	simm.s32 @!p1 $0x2  }
0x11: {  	s12 =	smov.u32 s10;
	_ =	swait.ge @!p1 [sflag:s14], $0x4000  }
0x12: {  	p0 =	por !p0, !p0;
	s11 =	smov.u32 s9;
	[sflag:s14] =	ssyncset.done @!p1 $0x0  }
0x13: {  	s9 =	smov.u32 s13;
	[sflag:s14] =	ssyncadd.s32 @!p1 $0xFFFFC000;
	s10 =	smov.u32 s15  }
.LBB1_1:
0x14: {  	p1 =	sgt.u32 s8, $0x4F  }
0x15: {  	s13 =	smul.u32 @!p1 $0x2800, s10  }
0x16: {  	s14 =	sxor.u32 @!p1 $0xFFFFFFFF, s8  }
0x17: {  	s15 =	sshll.u32 @!p1 s9, $0x7;
	s14 =	sshll.u32 @!p1 s14, $0xE;
	s13 =	sadd.s32 @!p1 s2, s13  }
0x18: {  	s14 =	sand.u32 @!p1 $0x4000, s14;
	s13 =	sadd.s32 @!p1 s15, s13;
	s15 =	simm.s32 @!p1 $0x0  }
0x19: {  	[tilespmem:s14], [sflag:$0x1] =	stream.linear.gather @!p1 [hbm4b:s13+s15], $0x4000, $0x38;
	[tilespmem:$0x10000] =	vst v63  }
0x1a: {  	p1 =	seq.s32 s8, $0x0  }
0x1b: {  	p2 =	seq.s32 @!p1 s8, $0x51  }
0x1c: {  	p1 =	por p1, p2  }
.Ltmp2:
0x1d: {  	_ = 	snop;
	(pc) =	sbr.rel @p1 .LBB1_7-.Ltmp2, $1  }
0x1e: {  	_ =	sdelay $0x3  }
0x1f: {  	s13 =	simm.s32 $0x1;
	_ =	swait.ge [sflag:s4], $0x4000;
	s16 =	sshll.u32 s8, $0xE  }
0x20: {  	s13 =	simm.s32 @!p0 $0x0;
	[sflag:s4] =	ssyncset.done $0x0;
	s31 =	sand.u32 $0x4000, s16  }
0x21: {  	s16 =	simm.s32 $0x0;
	s13 =	sshll.u32 s13, $0xE;
	[sflag:s4] =	ssyncadd.s32 $0xFFFFC000  }
0x22: {  	s14 =	sor.u32 $0x8040, s13;
	s15 =	sor.u32 $0x40, s13;
	s13 =	sor.u32 $0x8000, s31  }
.LBB1_3:
0x23: {  	v0 =	vmov s15;
	_ =	sdelay $0x3  }
0x24: {  	s18 =	simm.s32 $0x0  }
0x25: {  	v6 =	vld.idx.msk [tilespmem:v0+s18+$0x30 ss:$0x1], $0xffff  }
0x26: {  	v7 =	vld.idx.msk [tilespmem:v0+s18+$0xFFFFFFC0 ss:$0x1], $0xffff  }
0x27: {  	v5 =	vld.idx.msk [tilespmem:v0+s18+$0xFFFFFFD0 ss:$0x1], $0xffff  }
0x28: {  	v4 =	vld.idx.msk [tilespmem:v0+s18+$0xFFFFFFE0 ss:$0x1], $0xffff  }
0x29: {  	v3 =	vld.idx.msk [tilespmem:v0+s18+$0xFFFFFFF0 ss:$0x1], $0xffff  }
0x2a: {  	v1 =	vld.idx.msk [tilespmem:v0+s18+$0x0 ss:$0x1], $0xffff  }
0x2b: {  	v2 =	vld.idx.msk [tilespmem:v0+s18+$0x10 ss:$0x1], $0xffff;
	[tilespmem:s14+$0x30] =	vst v6  }
0x2c: {  	s17 =	simm.s32 $0x80;
	s19 =	simm.s32 $0x400;
	[tilespmem:s14+$0xFFFFFFC0] =	vst v7;
	v6 =	vld.idx.msk [tilespmem:v0+s18+$0x20 ss:$0x1], $0xffff;
	s18 =	smov.u32 s14  }
.LBB1_4:
0x2d: {  	p1 =	sne.s32 s19, $0xE00;
	v7 =	vld.idx.msk [tilespmem:v0+s17+$0x30 ss:$0x1], $0xffff;
	[tilespmem:s18+$0xFFFFFFD0] =	vst v5  }
0x2e: {  	v8 =	vld.idx.msk [tilespmem:v0+s17+$0xFFFFFFC0 ss:$0x1], $0xffff;
	[tilespmem:s18+$0xFFFFFFE0] =	vst v4  }
0x2f: {  	v5 =	vld.idx.msk [tilespmem:v0+s17+$0xFFFFFFD0 ss:$0x1], $0xffff;
	[tilespmem:s18+$0xFFFFFFF0] =	vst v3  }
.Ltmp3:
0x30: {  	v4 =	vld.idx.msk [tilespmem:v0+s17+$0xFFFFFFE0 ss:$0x1], $0xffff;
	[tilespmem:s18+$0x0] =	vst v1;
	(pc) =	sbr.rel @p1 .LBB1_4-.Ltmp3, $4  }
0x31: {  	v3 =	vld.idx.msk [tilespmem:v0+s17+$0xFFFFFFF0 ss:$0x1], $0xffff;
	[tilespmem:s18+$0x10] =	vst v2  }
0x32: {  	v1 =	vld.idx.msk [tilespmem:v0+s17+$0x0 ss:$0x1], $0xffff;
	[tilespmem:s18+$0x20] =	vst v6;
	s18 =	sadd.s32 $0x800, s18  }
0x33: {  	v2 =	vld.idx.msk [tilespmem:v0+s17+$0x10 ss:$0x1], $0xffff;
	[tilespmem:s18+$0x30] =	vst v7  }
0x34: {  	[tilespmem:s18+$0xFFFFFFC0] =	vst v8;
	v6 =	vld.idx.msk [tilespmem:v0+s17+$0x20 ss:$0x1], $0xffff;
	s17 =	sshra.s32 s19, $0x2;
	s19 =	sadd.s32 $0x200, s19  }
0x35: {  	_ =	sdelay $0x2  }
0x36: {  	[tilespmem:s18+$0xFFFFFFD0] =	vst v5  }
0x37: {  	v56 =	vld.idx.msk [tilespmem:v0+s17+$0x30 ss:$0x1], $0xffff;
	[tilespmem:s18+$0xFFFFFFE0] =	vst v4  }
0x38: {  	v57 =	vld.idx.msk [tilespmem:v0+s17+$0xFFFFFFC0 ss:$0x1], $0xffff;
	[tilespmem:s18+$0xFFFFFFF0] =	vst v3  }
0x39: {  	v58 =	vld.idx.msk [tilespmem:v0+s17+$0xFFFFFFD0 ss:$0x1], $0xffff;
	[tilespmem:s18+$0x0] =	vst v1  }
0x3a: {  	v59 =	vld.idx.msk [tilespmem:v0+s17+$0xFFFFFFE0 ss:$0x1], $0xffff;
	[tilespmem:s18+$0x10] =	vst v2  }
0x3b: {  	v60 =	vld.idx.msk [tilespmem:v0+s17+$0xFFFFFFF0 ss:$0x1], $0xffff;
	s31 =	sadd.s32 $0x800, s18;
	[tilespmem:s18+$0x20] =	vst v6  }
0x3c: {  	v61 =	vld.idx.msk [tilespmem:v0+s17+$0x0 ss:$0x1], $0xffff;
	[tilespmem:s31+$0x30] =	vst v56  }
0x3d: {  	v62 =	vld.idx.msk [tilespmem:v0+s17+$0x10 ss:$0x1], $0xffff;
	s16 =	sadd.s32 $0x1, s16;
	[tilespmem:s31+$0xFFFFFFC0] =	vst v57  }
0x3e: {  	v63 =	vld.idx.msk [tilespmem:v0+s17+$0x20 ss:$0x1], $0xffff;
	p1 =	sne.s32 s16, $0x10;
	[tilespmem:s31+$0xFFFFFFD0] =	vst v58  }
.Ltmp4:
0x3f: {  	[tilespmem:s31+$0xFFFFFFE0] =	vst v59;
	(pc) =	sbr.rel @p1 .LBB1_3-.Ltmp4, $4  }
0x40: {  	[tilespmem:s31+$0xFFFFFFF0] =	vst v60  }
0x41: {  	[tilespmem:s31+$0x0] =	vst v61  }
0x42: {  	[tilespmem:s31+$0x10] =	vst v62  }
0x43: {  	s14 =	sadd.s32 $0x80, s14;
	s15 =	sadd.s32 $0x400, s15;
	[tilespmem:s31+$0x20] =	vst v63  }
0x44: {  	s11 =	sand.u32 $0x1FFFFFF, s11  }
0x45: {  	s14 =	smulhi.u32 $0x3333334, s11  }
0x46: {  	s12 =	smul.u32 $0x2800, s12  }
0x47: {  	s14 =	smul.u32 $0x50, s14  }
.Ltmp5:
0x48: {  	_ = 	snop;
	(pc) =	sbr.rel .LBB1_7-.Ltmp5, $4  }
0x49: {  	s11 =	ssub.s32 s11, s14  }
0x4a: {  	s12 =	sadd.s32 s3, s12;
	s11 =	sshll.u32 s11, $0x4  }
0x4b: {  	s11 =	sadd.s32 s11, s12  }
0x4c: {  	[hbm4b:s11+s6] =	stream.strided.scatter [tilespmem:s13], [sflag:$0x2], $0x4000, s7, s6, $0x38;
	[tilespmem:$0x10000] =	vst v63  }
.LBB1_8:
0x4d: {  	_ =	sfence.sel $0x180000  }
0x4e: {  	s2 =	simm.s32 $0x1;
	[bflag:$0x0] =	sbarrier.arrive $0xFFFF  }
0x4f: {  	s31 =	simm.s32 $0x2;
	[sflag:s2] =	ssyncpa.u1 $0x1  }
0x50: {  	[sflag:s31] =	ssyncpa.u1 $0x1  }
0x51: {  	p0 =	sne.s32 s1, $0x0;
	_ =	strace $0x90000047  }
0x52: {  	s0 =	sadd.s32 @!p0 $0x100000, s0;
	[bflag:$0x2] =	sbarrier.arrive $0xFFFF  }
0x53: {  	[sflag:s0] =	ssyncadd.tile.s32 @!p0 $0x1;
	_ =	shalt  }
.Lfunc_end1:
_tile_overlayer_lowered:
.L_overlay_start_2:
0x54: {  	(tag) =	ssettag $0x2  }
0x55: {  	s0 =	rddreg [dreg:$0x0];
	s2 =	stileid.u32  }
0x56: {  	s1 =	rddreg [dreg:$0x1];
	p0 =	sne.s32 s2, $0x0  }
0x57: {  	s3 =	rddreg [dreg:$0x2];
	[bflag:$0x3] =	sbarrier.arrive $0xFFFF;
	s2 =	simm.s32 @!p0 $0x1C01  }
0x58: {  	[timem:s3], [sflag:s2] =	dma.local @!p0 [hbm:s0], s1  }
0x59: {  	s0 =	simm.s32 @!p0 $0x1  }
0x5a: {  	_ =	swait.ge @!p0 [sflag:s0], s1  }
0x5b: {  	s1 =	ssub.s32 @!p0 $0x0, s1;
	[sflag:s0] =	ssyncset.done @!p0 $0x0  }
0x5c: {  	[sflag:s0] =	ssyncadd.s32 @!p0 s1  }
0x5d: {  	[bflag:$0x3] =	sbarrier.arrive $0xFFFF  }
0x5e: {  	_ =	shalt  }

</sc_bundles>
